<compile_context>
chip_gen: v7x
topology: tpu7x:2x2x1
jax: 0.10.2.dev20260603
libtpu: 0.0.44.dev20260713+nightly
codegen_flags: <defaults>
</compile_context>

<pallas_src>
import functools

import jax
import jax.numpy as jnp
from jax import lax
from jax.experimental import pallas as pl
from jax.experimental.pallas import tpu as pltpu
from jax.experimental.pallas import tpu_sc as plsc

NUM_CODES = 512
CODE_DIM = 32
BETA = 0.25

_NC = 2
_NS = 16
_NW = _NC * _NS
_LANES = 16

_M = 8192


def _vq_body(x_ref, e_ref, et_ref, zq_ref, idx_ref, loss_ref):
    i = pl.program_id(0)
    nb = x_ref.shape[1]
    m = nb * x_ref.shape[2]
    xb = x_ref[...].reshape(CODE_DIM, m)
    emb = e_ref[...]
    embt = et_ref[...]

    dot2 = jnp.dot(emb + emb, xb, preferred_element_type=jnp.float32)
    z2 = jnp.sum(xb * xb, axis=0, keepdims=True)
    e2 = jnp.sum(emb * emb, axis=1, keepdims=True)
    dist = (z2 + e2) - dot2

    idx = jnp.argmin(dist, axis=0)
    idx_ref[0, 0, :] = idx

    iota_col = jax.lax.broadcasted_iota(jnp.int32, (NUM_CODES, 1), 0)
    onehot = (iota_col == idx[None, :]).astype(jnp.float32)
    zq = jnp.dot(embt, onehot, preferred_element_type=jnp.float32)
    zq_ref[...] = zq.reshape(zq_ref.shape)

    part_loss = jnp.sum((xb - zq) ** 2).reshape(1, 1)

    @pl.when(i == 0)
    def _init():
        loss_ref[...] = part_loss

    @pl.when(i > 0)
    def _acc():
        loss_ref[...] += part_loss


def _hist_body(idx_hbm, out_hbm, idx_v, bins_v, out_v, chunk):
    wid = lax.axis_index("s") * _NC + lax.axis_index("c")
    base = wid * chunk
    pltpu.sync_copy(idx_hbm.at[pl.ds(base, chunk)], idx_v)

    zeros = jnp.zeros((_LANES,), jnp.float32)
    for i in range((_LANES * NUM_CODES) // _LANES):
        bins_v[pl.ds(i * _LANES, _LANES)] = zeros

    lane_off = lax.iota(jnp.int32, _LANES) * NUM_CODES
    ones = jnp.ones((_LANES,), jnp.float32)
    for i in range(chunk // _LANES):
        v = idx_v[pl.ds(i * _LANES, _LANES)]
        plsc.addupdate_scatter(bins_v, [lane_off + v], ones)

    for cg in range(NUM_CODES // _LANES):
        acc = bins_v[pl.ds(cg * _LANES, _LANES)]
        for r in range(1, _LANES):
            acc = acc + bins_v[pl.ds(r * NUM_CODES + cg * _LANES, _LANES)]
        out_v[pl.ds(cg * _LANES, _LANES)] = acc
    pltpu.sync_copy(out_v, out_hbm.at[wid])


def _epilogue_body(part_ref, loss_ref, avg_ref, perp_ref, usage_ref,
                   vql_ref, *, n_points, n_elems):
    counts = jnp.sum(part_ref[...], axis=0, keepdims=True)
    avg = counts * (1.0 / n_points)
    avg_ref[...] = avg
    ent = -jnp.sum(avg * jnp.log(avg + 1e-12))
    perp_ref[...] = jnp.exp(ent).reshape(1, 1)
    usage_ref[...] = jnp.mean((avg > 0).astype(jnp.float32)).reshape(1, 1)
    vql_ref[...] = BETA * loss_ref[...] / n_elems


@jax.jit
def kernel(z_e, embedding):
    B, D, H, T = z_e.shape
    K = embedding.shape[0]
    N = H * T
    n_points = B * N
    x3 = z_e.reshape(B, D, N).transpose(1, 2, 0)
    embt = embedding.T

    nb = _M // B
    n_steps = n_points // _M
    zq3, idx3, loss_sum = pl.pallas_call(
        _vq_body,
        grid=(n_steps,),
        in_specs=[
            pl.BlockSpec((D, nb, B), lambda i: (0, i, 0)),
            pl.BlockSpec((K, D), lambda i: (0, 0)),
            pl.BlockSpec((D, K), lambda i: (0, 0)),
        ],
        out_specs=(
            pl.BlockSpec((D, nb, B), lambda i: (0, i, 0)),
            pl.BlockSpec((1, 1, _M), lambda i: (i, 0, 0)),
            pl.BlockSpec((1, 1), lambda i: (0, 0)),
        ),
        out_shape=(
            jax.ShapeDtypeStruct((D, N, B), jnp.float32),
            jax.ShapeDtypeStruct((n_steps, 1, _M), jnp.int32),
            jax.ShapeDtypeStruct((1, 1), jnp.float32),
        ),
        compiler_params=pltpu.CompilerParams(
            vmem_limit_bytes=120 * 1024 * 1024),
    )(x3, embedding, embt)

    idx_flat = idx3.reshape(n_points)

    chunk = n_points // _NW
    hist_kernel = pl.kernel(
        functools.partial(_hist_body, chunk=chunk),
        out_type=jax.ShapeDtypeStruct((_NW, K), jnp.float32),
        mesh=plsc.VectorSubcoreMesh(core_axis_name="c", subcore_axis_name="s",
                                    num_cores=_NC, num_subcores=_NS),
        scratch_types=[
            pltpu.VMEM((chunk,), jnp.int32),
            pltpu.VMEM((_LANES * K,), jnp.float32),
            pltpu.VMEM((K,), jnp.float32),
        ],
        compiler_params=pltpu.CompilerParams(needs_layout_passes=False),
    )
    hist_part = hist_kernel(idx_flat)

    avg_probs, perp, usage, vq_loss = pl.pallas_call(
        functools.partial(_epilogue_body, n_points=n_points,
                          n_elems=n_points * D),
        in_specs=[
            pl.BlockSpec((_NW, K), lambda: (0, 0)),
            pl.BlockSpec((1, 1), lambda: (0, 0)),
        ],
        out_specs=(
            pl.BlockSpec((1, K), lambda: (0, 0)),
            pl.BlockSpec((1, 1), lambda: (0, 0)),
            pl.BlockSpec((1, 1), lambda: (0, 0)),
            pl.BlockSpec((1, 1), lambda: (0, 0)),
        ),
        out_shape=(
            jax.ShapeDtypeStruct((1, K), jnp.float32),
            jax.ShapeDtypeStruct((1, 1), jnp.float32),
            jax.ShapeDtypeStruct((1, 1), jnp.float32),
            jax.ShapeDtypeStruct((1, 1), jnp.float32),
        ),
    )(hist_part, loss_sum)

    z_q_st = zq3.transpose(2, 0, 1).reshape(B, D, H, T)
    indices = idx_flat.reshape(N, B).T.reshape(B, H, T)
    return (z_q_st, vq_loss.reshape(()), indices, perp.reshape(()),
            usage.reshape(()), avg_probs.reshape(K))

# --- scband reference (transcript-rebuilt; emitter-appended) ---
"""Pipeline reference for scband-vector-quantizer-ema2-d-54820962566231 (READ-ONLY COPY).

The authoritative reference and input builder live on the scoring server;
editing this copy changes nothing except your own understanding.
"""

import jax, jax.numpy as jnp
import numpy as np

NUM_CODES = 512
CODE_DIM = 32
BETA = 0.25
INIT_SCALE = 1.0


def setup_inputs(seed: int = 0) -> dict:
    key = jax.random.key(seed)
    k1, k2 = jax.random.split(key)
    z_e = jax.random.normal(k1, (64, CODE_DIM, 32, 32), dtype=jnp.float32)
    embed = jax.random.normal(k2, (NUM_CODES, CODE_DIM), dtype=jnp.float32)
    embed = embed / jnp.linalg.norm(embed, axis=1, keepdims=True) * INIT_SCALE
    return {"z_e": z_e, "embedding": embed}


def reference(z_e, embedding):
    # z_e: (B, D, H, T); embedding: (K, D). Eval-mode forward (no EMA buffer updates).
    B, D, H, T = z_e.shape
    K = embedding.shape[0]
    z_perm = jnp.transpose(z_e, (0, 2, 3, 1))
    flat_z_e = z_perm.reshape(-1, D)
    # nearest-code assignment (non-differentiable)
    z_squared = jnp.sum(flat_z_e ** 2, axis=1, keepdims=True)
    e_squared = jnp.sum(embedding ** 2, axis=1)[None, :]
    dot_product = flat_z_e @ embedding.T
    distances = z_squared + e_squared - 2.0 * dot_product
    indices = jnp.argmin(distances, axis=1)
    onehot = jax.nn.one_hot(indices, K, dtype=flat_z_e.dtype)
    z_q_flat = onehot @ embedding
    z_q = jnp.transpose(z_q_flat.reshape(B, H, T, D), (0, 3, 1, 2))
    # straight-through estimator
    z_q_st = z_e + jax.lax.stop_gradient(z_q - z_e)
    commitment_loss = BETA * jnp.mean((jax.lax.stop_gradient(z_e) - z_q) ** 2)
    codebook_loss = jnp.zeros((), dtype=jnp.float32)
    vq_loss = commitment_loss + codebook_loss
    avg_probs = jnp.mean(onehot.astype(jnp.float32), axis=0)
    eps = 1e-12
    entropy = -jnp.sum(avg_probs * jnp.log(avg_probs + eps))
    perplexity = jnp.exp(entropy)
    usage = jnp.mean((avg_probs > 0).astype(jnp.float32))
    return (z_q_st, vq_loss, indices.reshape(B, H, T), perplexity, usage, avg_probs)

if __name__ == "__main__":
    import jax
    _d = setup_inputs()
    print(jax.jit(kernel)(*tuple(_d.values())))

</pallas_src>

<mosaic_0001>
#map = affine_map<(d0, d1) -> (0)>
#map1 = affine_map<(d0, d1) -> (0, 0)>
module attributes {stable_mosaic.version = 14 : i64} {
  func.func @_hist_body(%arg0: i32, %arg1: i32, %arg2: memref<65536xi32, #tpu.memory_space<hbm>>, %arg3: memref<32x512xf32, #tpu.memory_space<hbm>>, %arg4: memref<2048xi32, #tpu.memory_space<vmem>>, %arg5: memref<8192xf32, #tpu.memory_space<vmem>>, %arg6: memref<512xf32, #tpu.memory_space<vmem>>) attributes {dimension_semantics = [#tpu.dimension_semantics<core_parallel>, #tpu.dimension_semantics<subcore_parallel>], iteration_bounds = array<i64: 2, 16>, scalar_prefetch = 0 : i64, scratch_operands = 3 : i64, tpu.core_type = #tpu.core_type<sc_vector_subcore>, window_params = [{transform_indices = #map}, {transform_indices = #map1}]} {
    %mul3A = arith.constant 2 : i32
    %mul3A_0 = arith.muli %arg1, %mul3A : i32
    %add3A = arith.addi %mul3A_0, %arg0 : i32
    %mul3A_1 = arith.constant 2048 : i32
    %mul3A_2 = arith.muli %add3A, %mul3A_1 : i32
    "tpu.region"() ({
      %run_scoped3A = tpu.sem_alloc : memref<!tpu.dma_semaphore, #tpu.memory_space<semaphore_mem>>
      %dma_start3A = tpu.memref_slice %arg2[%mul3A_2] : memref<65536xi32, #tpu.memory_space<hbm>> -> memref<2048xi32, #tpu.memory_space<hbm>>
      %dma_start3A_2983 = tpu.memref_slice %arg2[%mul3A_2] : memref<65536xi32, #tpu.memory_space<hbm>> -> memref<2048xi32, #tpu.memory_space<hbm>>
      tpu.enqueue_dma source(%dma_start3A_2983 : memref<2048xi32, #tpu.memory_space<hbm>>) target(%arg4 : memref<2048xi32, #tpu.memory_space<vmem>>) target_semaphore(%run_scoped3A : memref<!tpu.dma_semaphore, #tpu.memory_space<semaphore_mem>>)
      %dma_wait3A = tpu.memref_slice %arg2[%mul3A_2] : memref<65536xi32, #tpu.memory_space<hbm>> -> memref<2048xi32, #tpu.memory_space<hbm>>
      %dma_wait3A_2984 = tpu.memref_slice %arg2[%mul3A_2] : memref<65536xi32, #tpu.memory_space<hbm>> -> memref<2048xi32, #tpu.memory_space<hbm>>
      tpu.wait_dma2 semaphore(%run_scoped3A : memref<!tpu.dma_semaphore, #tpu.memory_space<semaphore_mem>>) src(%dma_wait3A_2984 : memref<2048xi32, #tpu.memory_space<hbm>>) dst(%arg4 : memref<2048xi32, #tpu.memory_space<vmem>>)
      tpu.yield
    }) : () -> ()
    %broadcast_in_dim3A = arith.constant 0.000000e+00 : f32
    %broadcast_in_dim3A_3 = vector.broadcast %broadcast_in_dim3A : f32 to vector<16xf32>
    %swap3A = arith.constant 0 : index
    %swap3A_4 = tpu.vector_load %arg5[%swap3A] {strides = array<i32>} : memref<8192xf32, #tpu.memory_space<vmem>>, vector<16xf32>,
    tpu.vector_store %arg5[%swap3A], %broadcast_in_dim3A_3 {strides = array<i32>} : memref<8192xf32, #tpu.memory_space<vmem>>, vector<16xf32>,
    %swap3A_5 = arith.constant 16 : index
    %swap3A_6 = tpu.vector_load %arg5[%swap3A_5] {strides = array<i32>} : memref<8192xf32, #tpu.memory_space<vmem>>, vector<16xf32>,
    tpu.vector_store %arg5[%swap3A_5], %broadcast_in_dim3A_3 {strides = array<i32>} : memref<8192xf32, #tpu.memory_space<vmem>>, vector<16xf32>,
    %swap3A_7 = arith.constant 32 : index
    %swap3A_8 = tpu.vector_load %arg5[%swap3A_7] {strides = array<i32>} : memref<8192xf32, #tpu.memory_space<vmem>>, vector<16xf32>,
    tpu.vector_store %arg5[%swap3A_7], %broadcast_in_dim3A_3 {strides = array<i32>} : memref<8192xf32, #tpu.memory_space<vmem>>, vector<16xf32>,
    %swap3A_9 = arith.constant 48 : index
    %swap3A_10 = tpu.vector_load %arg5[%swap3A_9] {strides = array<i32>} : memref<8192xf32, #tpu.memory_space<vmem>>, vector<16xf32>,
    tpu.vector_store %arg5[%swap3A_9], %broadcast_in_dim3A_3 {strides = array<i32>} : memref<8192xf32, #tpu.memory_space<vmem>>, vector<16xf32>,
    %swap3A_11 = arith.constant 64 : index
    %swap3A_12 = tpu.vector_load %arg5[%swap3A_11] {strides = array<i32>} : memref<8192xf32, #tpu.memory_space<vmem>>, vector<16xf32>,
    tpu.vector_store %arg5[%swap3A_11], %broadcast_in_dim3A_3 {strides = array<i32>} : memref<8192xf32, #tpu.memory_space<vmem>>, vector<16xf32>,
    %swap3A_13 = arith.constant 80 : index
    %swap3A_14 = tpu.vector_load %arg5[%swap3A_13] {strides = array<i32>} : memref<8192xf32, #tpu.memory_space<vmem>>, vector<16xf32>,
    tpu.vector_store %arg5[%swap3A_13], %broadcast_in_dim3A_3 {strides = array<i32>} : memref<8192xf32, #tpu.memory_space<vmem>>, vector<16xf32>,
    %swap3A_15 = arith.constant 96 : index
    %swap3A_16 = tpu.vector_load %arg5[%swap3A_15] {strides = array<i32>} : memref<8192xf32, #tpu.memory_space<vmem>>, vector<16xf32>,
    tpu.vector_store %arg5[%swap3A_15], %broadcast_in_dim3A_3 {strides = array<i32>} : memref<8192xf32, #tpu.memory_space<vmem>>, vector<16xf32>,
    %swap3A_17 = arith.constant 112 : index
    %swap3A_18 = tpu.vector_load %arg5[%swap3A_17] {strides = array<i32>} : memref<8192xf32, #tpu.memory_space<vmem>>, vector<16xf32>,
    tpu.vector_store %arg5[%swap3A_17], %broadcast_in_dim3A_3 {strides = array<i32>} : memref<8192xf32, #tpu.memory_space<vmem>>, vector<16xf32>,
    %swap3A_19 = arith.constant 128 : index
    %swap3A_20 = tpu.vector_load %arg5[%swap3A_19] {strides = array<i32>} : memref<8192xf32, #tpu.memory_space<vmem>>, vector<16xf32>,
    tpu.vector_store %arg5[%swap3A_19], %broadcast_in_dim3A_3 {strides = array<i32>} : memref<8192xf32, #tpu.memory_space<vmem>>, vector<16xf32>,
    %swap3A_21 = arith.constant 144 : index
    %swap3A_22 = tpu.vector_load %arg5[%swap3A_21] {strides = array<i32>} : memref<8192xf32, #tpu.memory_space<vmem>>, vector<16xf32>,
    tpu.vector_store %arg5[%swap3A_21], %broadcast_in_dim3A_3 {strides = array<i32>} : memref<8192xf32, #tpu.memory_space<vmem>>, vector<16xf32>,
    %swap3A_23 = arith.constant 160 : index
    %swap3A_24 = tpu.vector_load %arg5[%swap3A_23] {strides = array<i32>} : memref<8192xf32, #tpu.memory_space<vmem>>, vector<16xf32>,
    tpu.vector_store %arg5[%swap3A_23], %broadcast_in_dim3A_3 {strides = array<i32>} : memref<8192xf32, #tpu.memory_space<vmem>>, vector<16xf32>,
    %swap3A_25 = arith.constant 176 : index
    %swap3A_26 = tpu.vector_load %arg5[%swap3A_25] {strides = array<i32>} : memref<8192xf32, #tpu.memory_space<vmem>>, vector<16xf32>,
    tpu.vector_store %arg5[%swap3A_25], %broadcast_in_dim3A_3 {strides = array<i32>} : memref<8192xf32, #tpu.memory_space<vmem>>, vector<16xf32>,
    %swap3A_27 = arith.constant 192 : index
    %swap3A_28 = tpu.vector_load %arg5[%swap3A_27] {strides = array<i32>} : memref<8192xf32, #tpu.memory_space<vmem>>, vector<16xf32>,
    tpu.vector_store %arg5[%swap3A_27], %broadcast_in_dim3A_3 {strides = array<i32>} : memref<8192xf32, #tpu.memory_space<vmem>>, vector<16xf32>,
    %swap3A_29 = arith.constant 208 : index
    %swap3A_30 = tpu.vector_load %arg5[%swap3A_29] {strides = array<i32>} : memref<8192xf32, #tpu.memory_space<vmem>>, vector<16xf32>,
    tpu.vector_store %arg5[%swap3A_29], %broadcast_in_dim3A_3 {strides = array<i32>} : memref<8192xf32, #tpu.memory_space<vmem>>, vector<16xf32>,
    %swap3A_31 = arith.constant 224 : index
    %swap3A_32 = tpu.vector_load %arg5[%swap3A_31] {strides = array<i32>} : memref<8192xf32, #tpu.memory_space<vmem>>, vector<16xf32>,
    tpu.vector_store %arg5[%swap3A_31], %broadcast_in_dim3A_3 {strides = array<i32>} : memref<8192xf32, #tpu.memory_space<vmem>>, vector<16xf32>,
    %swap3A_33 = arith.constant 240 : index
    %swap3A_34 = tpu.vector_load %arg5[%swap3A_33] {strides = array<i32>} : memref<8192xf32, #tpu.memory_space<vmem>>, vector<16xf32>,
    tpu.vector_store %arg5[%swap3A_33], %broadcast_in_dim3A_3 {strides = array<i32>} : memref<8192xf32, #tpu.memory_space<vmem>>, vector<16xf32>,
    %swap3A_35 = arith.constant 256 : index
    %swap3A_36 = tpu.vector_load %arg5[%swap3A_35] {strides = array<i32>} : memref<8192xf32, #tpu.memory_space<vmem>>, vector<16xf32>,
    tpu.vector_store %arg5[%swap3A_35], %broadcast_in_dim3A_3 {strides = array<i32>} : memref<8192xf32, #tpu.memory_space<vmem>>, vector<16xf32>,
    %swap3A_37 = arith.constant 272 : index
    %swap3A_38 = tpu.vector_load %arg5[%swap3A_37] {strides = array<i32>} : memref<8192xf32, #tpu.memory_space<vmem>>, vector<16xf32>,
    tpu.vector_store %arg5[%swap3A_37], %broadcast_in_dim3A_3 {strides = array<i32>} : memref<8192xf32, #tpu.memory_space<vmem>>, vector<16xf32>,
    %swap3A_39 = arith.constant 288 : index
    %swap3A_40 = tpu.vector_load %arg5[%swap3A_39] {strides = array<i32>} : memref<8192xf32, #tpu.memory_space<vmem>>, vector<16xf32>,
    tpu.vector_store %arg5[%swap3A_39], %broadcast_in_dim3A_3 {strides = array<i32>} : memref<8192xf32, #tpu.memory_space<vmem>>, vector<16xf32>,
    %swap3A_41 = arith.constant 304 : index
    %swap3A_42 = tpu.vector_load %arg5[%swap3A_41] {strides = array<i32>} : memref<8192xf32, #tpu.memory_space<vmem>>, vector<16xf32>,
    tpu.vector_store %arg5[%swap3A_41], %broadcast_in_dim3A_3 {strides = array<i32>} : memref<8192xf32, #tpu.memory_space<vmem>>, vector<16xf32>,
    %swap3A_43 = arith.constant 320 : index
    %swap3A_44 = tpu.vector_load %arg5[%swap3A_43] {strides = array<i32>} : memref<8192xf32, #tpu.memory_space<vmem>>, vector<16xf32>,
    tpu.vector_store %arg5[%swap3A_43], %broadcast_in_dim3A_3 {strides = array<i32>} : memref<8192xf32, #tpu.memory_space<vmem>>, vector<16xf32>,
    %swap3A_45 = arith.constant 336 : index
    %swap3A_46 = tpu.vector_load %arg5[%swap3A_45] {strides = array<i32>} : memref<8192xf32, #tpu.memory_space<vmem>>, vector<16xf32>,
    tpu.vector_store %arg5[%swap3A_45], %broadcast_in_dim3A_3 {strides = array<i32>} : memref<8192xf32, #tpu.memory_space<vmem>>, vector<16xf32>,
    %swap3A_47 = arith.constant 352 : index
    %swap3A_48 = tpu.vector_load %arg5[%swap3A_47] {strides = array<i32>} : memref<8192xf32, #tpu.memory_space<vmem>>, vector<16xf32>,
    tpu.vector_store %arg5[%swap3A_47], %broadcast_in_dim3A_3 {strides = array<i32>} : memref<8192xf32, #tpu.memory_space<vmem>>, vector<16xf32>,
    %swap3A_49 = arith.constant 368 : index
    %swap3A_50 = tpu.vector_load %arg5[%swap3A_49] {strides = array<i32>} : memref<8192xf32, #tpu.memory_space<vmem>>, vector<16xf32>,
    tpu.vector_store %arg5[%swap3A_49], %broadcast_in_dim3A_3 {strides = array<i32>} : memref<8192xf32, #tpu.memory_space<vmem>>, vector<16xf32>,
    %swap3A_51 = arith.constant 384 : index
    %swap3A_52 = tpu.vector_load %arg5[%swap3A_51] {strides = array<i32>} : memref<8192xf32, #tpu.memory_space<vmem>>, vector<16xf32>,
    tpu.vector_store %arg5[%swap3A_51], %broadcast_in_dim3A_3 {strides = array<i32>} : memref<8192xf32, #tpu.memory_space<vmem>>, vector<16xf32>,
    %swap3A_53 = arith.constant 400 : index
    %swap3A_54 = tpu.vector_load %arg5[%swap3A_53] {strides = array<i32>} : memref<8192xf32, #tpu.memory_space<vmem>>, vector<16xf32>,
    tpu.vector_store %arg5[%swap3A_53], %broadcast_in_dim3A_3 {strides = array<i32>} : memref<8192xf32, #tpu.memory_space<vmem>>, vector<16xf32>,
    %swap3A_55 = arith.constant 416 : index
    %swap3A_56 = tpu.vector_load %arg5[%swap3A_55] {strides = array<i32>} : memref<8192xf32, #tpu.memory_space<vmem>>, vector<16xf32>,
    tpu.vector_store %arg5[%swap3A_55], %broadcast_in_dim3A_3 {strides = array<i32>} : memref<8192xf32, #tpu.memory_space<vmem>>, vector<16xf32>,
    %swap3A_57 = arith.constant 432 : index
    %swap3A_58 = tpu.vector_load %arg5[%swap3A_57] {strides = array<i32>} : memref<8192xf32, #tpu.memory_space<vmem>>, vector<16xf32>,
    tpu.vector_store %arg5[%swap3A_57], %broadcast_in_dim3A_3 {strides = array<i32>} : memref<8192xf32, #tpu.memory_space<vmem>>, vector<16xf32>,
    %swap3A_59 = arith.constant 448 : index
    %swap3A_60 = tpu.vector_load %arg5[%swap3A_59] {strides = array<i32>} : memref<8192xf32, #tpu.memory_space<vmem>>, vector<16xf32>,
    tpu.vector_store %arg5[%swap3A_59], %broadcast_in_dim3A_3 {strides = array<i32>} : memref<8192xf32, #tpu.memory_space<vmem>>, vector<16xf32>,
    %swap3A_61 = arith.constant 464 : index
    %swap3A_62 = tpu.vector_load %arg5[%swap3A_61] {strides = array<i32>} : memref<8192xf32, #tpu.memory_space<vmem>>, vector<16xf32>,
    tpu.vector_store %arg5[%swap3A_61], %broadcast_in_dim3A_3 {strides = array<i32>} : memref<8192xf32, #tpu.memory_space<vmem>>, vector<16xf32>,
    %swap3A_63 = arith.constant 480 : index
    %swap3A_64 = tpu.vector_load %arg5[%swap3A_63] {strides = array<i32>} : memref<8192xf32, #tpu.memory_space<vmem>>, vector<16xf32>,
    tpu.vector_store %arg5[%swap3A_63], %broadcast_in_dim3A_3 {strides = array<i32>} : memref<8192xf32, #tpu.memory_space<vmem>>, vector<16xf32>,
    %swap3A_65 = arith.constant 496 : index
    %swap3A_66 = tpu.vector_load %arg5[%swap3A_65] {strides = array<i32>} : memref<8192xf32, #tpu.memory_space<vmem>>, vector<16xf32>,
    tpu.vector_store %arg5[%swap3A_65], %broadcast_in_dim3A_3 {strides = array<i32>} : memref<8192xf32, #tpu.memory_space<vmem>>, vector<16xf32>,
    %swap3A_67 = arith.constant 512 : index
    %swap3A_68 = tpu.vector_load %arg5[%swap3A_67] {strides = array<i32>} : memref<8192xf32, #tpu.memory_space<vmem>>, vector<16xf32>,
    tpu.vector_store %arg5[%swap3A_67], %broadcast_in_dim3A_3 {strides = array<i32>} : memref<8192xf32, #tpu.memory_space<vmem>>, vector<16xf32>,
    %swap3A_69 = arith.constant 528 : index
    %swap3A_70 = tpu.vector_load %arg5[%swap3A_69] {strides = array<i32>} : memref<8192xf32, #tpu.memory_space<vmem>>, vector<16xf32>,
    tpu.vector_store %arg5[%swap3A_69], %broadcast_in_dim3A_3 {strides = array<i32>} : memref<8192xf32, #tpu.memory_space<vmem>>, vector<16xf32>,
    %swap3A_71 = arith.constant 544 : index
    %swap3A_72 = tpu.vector_load %arg5[%swap3A_71] {strides = array<i32>} : memref<8192xf32, #tpu.memory_space<vmem>>, vector<16xf32>,
    tpu.vector_store %arg5[%swap3A_71], %broadcast_in_dim3A_3 {strides = array<i32>} : memref<8192xf32, #tpu.memory_space<vmem>>, vector<16xf32>,
    %swap3A_73 = arith.constant 560 : index
    %swap3A_74 = tpu.vector_load %arg5[%swap3A_73] {strides = array<i32>} : memref<8192xf32, #tpu.memory_space<vmem>>, vector<16xf32>,
    tpu.vector_store %arg5[%swap3A_73], %broadcast_in_dim3A_3 {strides = array<i32>} : memref<8192xf32, #tpu.memory_space<vmem>>, vector<16xf32>,
    %swap3A_75 = arith.constant 576 : index
    %swap3A_76 = tpu.vector_load %arg5[%swap3A_75] {strides = array<i32>} : memref<8192xf32, #tpu.memory_space<vmem>>, vector<16xf32>,
    tpu.vector_store %arg5[%swap3A_75], %broadcast_in_dim3A_3 {strides = array<i32>} : memref<8192xf32, #tpu.memory_space<vmem>>, vector<16xf32>,
    %swap3A_77 = arith.constant 592 : index
    %swap3A_78 = tpu.vector_load %arg5[%swap3A_77] {strides = array<i32>} : memref<8192xf32, #tpu.memory_space<vmem>>, vector<16xf32>,
    tpu.vector_store %arg5[%swap3A_77], %broadcast_in_dim3A_3 {strides = array<i32>} : memref<8192xf32, #tpu.memory_space<vmem>>, vector<16xf32>,
    %swap3A_79 = arith.constant 608 : index
    %swap3A_80 = tpu.vector_load %arg5[%swap3A_79] {strides = array<i32>} : memref<8192xf32, #tpu.memory_space<vmem>>, vector<16xf32>,
    tpu.vector_store %arg5[%swap3A_79], %broadcast_in_dim3A_3 {strides = array<i32>} : memref<8192xf32, #tpu.memory_space<vmem>>, vector<16xf32>,
    %swap3A_81 = arith.constant 624 : index
    %swap3A_82 = tpu.vector_load %arg5[%swap3A_81] {strides = array<i32>} : memref<8192xf32, #tpu.memory_space<vmem>>, vector<16xf32>,
    tpu.vector_store %arg5[%swap3A_81], %broadcast_in_dim3A_3 {strides = array<i32>} : memref<8192xf32, #tpu.memory_space<vmem>>, vector<16xf32>,
    %swap3A_83 = arith.constant 640 : index
    %swap3A_84 = tpu.vector_load %arg5[%swap3A_83] {strides = array<i32>} : memref<8192xf32, #tpu.memory_space<vmem>>, vector<16xf32>,
    tpu.vector_store %arg5[%swap3A_83], %broadcast_in_dim3A_3 {strides = array<i32>} : memref<8192xf32, #tpu.memory_space<vmem>>, vector<16xf32>,
    %swap3A_85 = arith.constant 656 : index
    %swap3A_86 = tpu.vector_load %arg5[%swap3A_85] {strides = array<i32>} : memref<8192xf32, #tpu.memory_space<vmem>>, vector<16xf32>,
    tpu.vector_store %arg5[%swap3A_85], %broadcast_in_dim3A_3 {strides = array<i32>} : memref<8192xf32, #tpu.memory_space<vmem>>, vector<16xf32>,
    %swap3A_87 = arith.constant 672 : index
    %swap3A_88 = tpu.vector_load %arg5[%swap3A_87] {strides = array<i32>} : memref<8192xf32, #tpu.memory_space<vmem>>, vector<16xf32>,
    tpu.vector_store %arg5[%swap3A_87], %broadcast_in_dim3A_3 {strides = array<i32>} : memref<8192xf32, #tpu.memory_space<vmem>>, vector<16xf32>,
    %swap3A_89 = arith.constant 688 : index
    %swap3A_90 = tpu.vector_load %arg5[%swap3A_89] {strides = array<i32>} : memref<8192xf32, #tpu.memory_space<vmem>>, vector<16xf32>,
    tpu.vector_store %arg5[%swap3A_89], %broadcast_in_dim3A_3 {strides = array<i32>} : memref<8192xf32, #tpu.memory_space<vmem>>, vector<16xf32>,
    %swap3A_91 = arith.constant 704 : index
    %swap3A_92 = tpu.vector_load %arg5[%swap3A_91] {strides = array<i32>} : memref<8192xf32, #tpu.memory_space<vmem>>, vector<16xf32>,
    tpu.vector_store %arg5[%swap3A_91], %broadcast_in_dim3A_3 {strides = array<i32>} : memref<8192xf32, #tpu.memory_space<vmem>>, vector<16xf32>,
    %swap3A_93 = arith.constant 720 : index
    %swap3A_94 = tpu.vector_load %arg5[%swap3A_93] {strides = array<i32>} : memref<8192xf32, #tpu.memory_space<vmem>>, vector<16xf32>,
    tpu.vector_store %arg5[%swap3A_93], %broadcast_in_dim3A_3 {strides = array<i32>} : memref<8192xf32, #tpu.memory_space<vmem>>, vector<16xf32>,
    %swap3A_95 = arith.constant 736 : index
    %swap3A_96 = tpu.vector_load %arg5[%swap3A_95] {strides = array<i32>} : memref<8192xf32, #tpu.memory_space<vmem>>, vector<16xf32>,
    tpu.vector_store %arg5[%swap3A_95], %broadcast_in_dim3A_3 {strides = array<i32>} : memref<8192xf32, #tpu.memory_space<vmem>>, vector<16xf32>,
    %swap3A_97 = arith.constant 752 : index
    %swap3A_98 = tpu.vector_load %arg5[%swap3A_97] {strides = array<i32>} : memref<8192xf32, #tpu.memory_space<vmem>>, vector<16xf32>,
    tpu.vector_store %arg5[%swap3A_97], %broadcast_in_dim3A_3 {strides = array<i32>} : memref<8192xf32, #tpu.memory_space<vmem>>, vector<16xf32>,
    %swap3A_99 = arith.constant 768 : index
    %swap3A_100 = tpu.vector_load %arg5[%swap3A_99] {strides = array<i32>} : memref<8192xf32, #tpu.memory_space<vmem>>, vector<16xf32>,
    tpu.vector_store %arg5[%swap3A_99], %broadcast_in_dim3A_3 {strides = array<i32>} : memref<8192xf32, #tpu.memory_space<vmem>>, vector<16xf32>,
    %swap3A_101 = arith.constant 784 : index
    %swap3A_102 = tpu.vector_load %arg5[%swap3A_101] {strides = array<i32>} : memref<8192xf32, #tpu.memory_space<vmem>>, vector<16xf32>,
    tpu.vector_store %arg5[%swap3A_101], %broadcast_in_dim3A_3 {strides = array<i32>} : memref<8192xf32, #tpu.memory_space<vmem>>, vector<16xf32>,
    %swap3A_103 = arith.constant 800 : index
    %swap3A_104 = tpu.vector_load %arg5[%swap3A_103] {strides = array<i32>} : memref<8192xf32, #tpu.memory_space<vmem>>, vector<16xf32>,
    tpu.vector_store %arg5[%swap3A_103], %broadcast_in_dim3A_3 {strides = array<i32>} : memref<8192xf32, #tpu.memory_space<vmem>>, vector<16xf32>,
    %swap3A_105 = arith.constant 816 : index
    %swap3A_106 = tpu.vector_load %arg5[%swap3A_105] {strides = array<i32>} : memref<8192xf32, #tpu.memory_space<vmem>>, vector<16xf32>,
    tpu.vector_store %arg5[%swap3A_105], %broadcast_in_dim3A_3 {strides = array<i32>} : memref<8192xf32, #tpu.memory_space<vmem>>, vector<16xf32>,
    %swap3A_107 = arith.constant 832 : index
    %swap3A_108 = tpu.vector_load %arg5[%swap3A_107] {strides = array<i32>} : memref<8192xf32, #tpu.memory_space<vmem>>, vector<16xf32>,
    tpu.vector_store %arg5[%swap3A_107], %broadcast_in_dim3A_3 {strides = array<i32>} : memref<8192xf32, #tpu.memory_space<vmem>>, vector<16xf32>,
    %swap3A_109 = arith.constant 848 : index
    %swap3A_110 = tpu.vector_load %arg5[%swap3A_109] {strides = array<i32>} : memref<8192xf32, #tpu.memory_space<vmem>>, vector<16xf32>,
    tpu.vector_store %arg5[%swap3A_109], %broadcast_in_dim3A_3 {strides = array<i32>} : memref<8192xf32, #tpu.memory_space<vmem>>, vector<16xf32>,
    %swap3A_111 = arith.constant 864 : index
    %swap3A_112 = tpu.vector_load %arg5[%swap3A_111] {strides = array<i32>} : memref<8192xf32, #tpu.memory_space<vmem>>, vector<16xf32>,
    tpu.vector_store %arg5[%swap3A_111], %broadcast_in_dim3A_3 {strides = array<i32>} : memref<8192xf32, #tpu.memory_space<vmem>>, vector<16xf32>,
    %swap3A_113 = arith.constant 880 : index
    %swap3A_114 = tpu.vector_load %arg5[%swap3A_113] {strides = array<i32>} : memref<8192xf32, #tpu.memory_space<vmem>>, vector<16xf32>,
    tpu.vector_store %arg5[%swap3A_113], %broadcast_in_dim3A_3 {strides = array<i32>} : memref<8192xf32, #tpu.memory_space<vmem>>, vector<16xf32>,
    %swap3A_115 = arith.constant 896 : index
    %swap3A_116 = tpu.vector_load %arg5[%swap3A_115] {strides = array<i32>} : memref<8192xf32, #tpu.memory_space<vmem>>, vector<16xf32>,
    tpu.vector_store %arg5[%swap3A_115], %broadcast_in_dim3A_3 {strides = array<i32>} : memref<8192xf32, #tpu.memory_space<vmem>>, vector<16xf32>,
    %swap3A_117 = arith.constant 912 : index
    %swap3A_118 = tpu.vector_load %arg5[%swap3A_117] {strides = array<i32>} : memref<8192xf32, #tpu.memory_space<vmem>>, vector<16xf32>,
    tpu.vector_store %arg5[%swap3A_117], %broadcast_in_dim3A_3 {strides = array<i32>} : memref<8192xf32, #tpu.memory_space<vmem>>, vector<16xf32>,
    %swap3A_119 = arith.constant 928 : index
    %swap3A_120 = tpu.vector_load %arg5[%swap3A_119] {strides = array<i32>} : memref<8192xf32, #tpu.memory_space<vmem>>, vector<16xf32>,
    tpu.vector_store %arg5[%swap3A_119], %broadcast_in_dim3A_3 {strides = array<i32>} : memref<8192xf32, #tpu.memory_space<vmem>>, vector<16xf32>,
    %swap3A_121 = arith.constant 944 : index
    %swap3A_122 = tpu.vector_load %arg5[%swap3A_121] {strides = array<i32>} : memref<8192xf32, #tpu.memory_space<vmem>>, vector<16xf32>,
    tpu.vector_store %arg5[%swap3A_121], %broadcast_in_dim3A_3 {strides = array<i32>} : memref<8192xf32, #tpu.memory_space<vmem>>, vector<16xf32>,
    %swap3A_123 = arith.constant 960 : index
    %swap3A_124 = tpu.vector_load %arg5[%swap3A_123] {strides = array<i32>} : memref<8192xf32, #tpu.memory_space<vmem>>, vector<16xf32>,
    tpu.vector_store %arg5[%swap3A_123], %broadcast_in_dim3A_3 {strides = array<i32>} : memref<8192xf32, #tpu.memory_space<vmem>>, vector<16xf32>,
    %swap3A_125 = arith.constant 976 : index
    %swap3A_126 = tpu.vector_load %arg5[%swap3A_125] {strides = array<i32>} : memref<8192xf32, #tpu.memory_space<vmem>>, vector<16xf32>,
    tpu.vector_store %arg5[%swap3A_125], %broadcast_in_dim3A_3 {strides = array<i32>} : memref<8192xf32, #tpu.memory_space<vmem>>, vector<16xf32>,
    %swap3A_127 = arith.constant 992 : index
    %swap3A_128 = tpu.vector_load %arg5[%swap3A_127] {strides = array<i32>} : memref<8192xf32, #tpu.memory_space<vmem>>, vector<16xf32>,
    tpu.vector_store %arg5[%swap3A_127], %broadcast_in_dim3A_3 {strides = array<i32>} : memref<8192xf32, #tpu.memory_space<vmem>>, vector<16xf32>,
    %swap3A_129 = arith.constant 1008 : index
    %swap3A_130 = tpu.vector_load %arg5[%swap3A_129] {strides = array<i32>} : memref<8192xf32, #tpu.memory_space<vmem>>, vector<16xf32>,
    tpu.vector_store %arg5[%swap3A_129], %broadcast_in_dim3A_3 {strides = array<i32>} : memref<8192xf32, #tpu.memory_space<vmem>>, vector<16xf32>,
    %swap3A_131 = arith.constant 1024 : index
    %swap3A_132 = tpu.vector_load %arg5[%swap3A_131] {strides = array<i32>} : memref<8192xf32, #tpu.memory_space<vmem>>, vector<16xf32>,
    tpu.vector_store %arg5[%swap3A_131], %broadcast_in_dim3A_3 {strides = array<i32>} : memref<8192xf32, #tpu.memory_space<vmem>>, vector<16xf32>,
    %swap3A_133 = arith.constant 1040 : index
    %swap3A_134 = tpu.vector_load %arg5[%swap3A_133] {strides = array<i32>} : memref<8192xf32, #tpu.memory_space<vmem>>, vector<16xf32>,
    tpu.vector_store %arg5[%swap3A_133], %broadcast_in_dim3A_3 {strides = array<i32>} : memref<8192xf32, #tpu.memory_space<vmem>>, vector<16xf32>,
    %swap3A_135 = arith.constant 1056 : index
    %swap3A_136 = tpu.vector_load %arg5[%swap3A_135] {strides = array<i32>} : memref<8192xf32, #tpu.memory_space<vmem>>, vector<16xf32>,
    tpu.vector_store %arg5[%swap3A_135], %broadcast_in_dim3A_3 {strides = array<i32>} : memref<8192xf32, #tpu.memory_space<vmem>>, vector<16xf32>,
    %swap3A_137 = arith.constant 1072 : index
    %swap3A_138 = tpu.vector_load %arg5[%swap3A_137] {strides = array<i32>} : memref<8192xf32, #tpu.memory_space<vmem>>, vector<16xf32>,
    tpu.vector_store %arg5[%swap3A_137], %broadcast_in_dim3A_3 {strides = array<i32>} : memref<8192xf32, #tpu.memory_space<vmem>>, vector<16xf32>,
    %swap3A_139 = arith.constant 1088 : index
    %swap3A_140 = tpu.vector_load %arg5[%swap3A_139] {strides = array<i32>} : memref<8192xf32, #tpu.memory_space<vmem>>, vector<16xf32>,
    tpu.vector_store %arg5[%swap3A_139], %broadcast_in_dim3A_3 {strides = array<i32>} : memref<8192xf32, #tpu.memory_space<vmem>>, vector<16xf32>,
    %swap3A_141 = arith.constant 1104 : index
    %swap3A_142 = tpu.vector_load %arg5[%swap3A_141] {strides = array<i32>} : memref<8192xf32, #tpu.memory_space<vmem>>, vector<16xf32>,
    tpu.vector_store %arg5[%swap3A_141], %broadcast_in_dim3A_3 {strides = array<i32>} : memref<8192xf32, #tpu.memory_space<vmem>>, vector<16xf32>,
    %swap3A_143 = arith.constant 1120 : index
    %swap3A_144 = tpu.vector_load %arg5[%swap3A_143] {strides = array<i32>} : memref<8192xf32, #tpu.memory_space<vmem>>, vector<16xf32>,
    tpu.vector_store %arg5[%swap3A_143], %broadcast_in_dim3A_3 {strides = array<i32>} : memref<8192xf32, #tpu.memory_space<vmem>>, vector<16xf32>,
    %swap3A_145 = arith.constant 1136 : index
    %swap3A_146 = tpu.vector_load %arg5[%swap3A_145] {strides = array<i32>} : memref<8192xf32, #tpu.memory_space<vmem>>, vector<16xf32>,
    tpu.vector_store %arg5[%swap3A_145], %broadcast_in_dim3A_3 {strides = array<i32>} : memref<8192xf32, #tpu.memory_space<vmem>>, vector<16xf32>,
    %swap3A_147 = arith.constant 1152 : index
    %swap3A_148 = tpu.vector_load %arg5[%swap3A_147] {strides = array<i32>} : memref<8192xf32, #tpu.memory_space<vmem>>, vector<16xf32>,
    tpu.vector_store %arg5[%swap3A_147], %broadcast_in_dim3A_3 {strides = array<i32>} : memref<8192xf32, #tpu.memory_space<vmem>>, vector<16xf32>,
    %swap3A_149 = arith.constant 1168 : index
    %swap3A_150 = tpu.vector_load %arg5[%swap3A_149] {strides = array<i32>} : memref<8192xf32, #tpu.memory_space<vmem>>, vector<16xf32>,
    tpu.vector_store %arg5[%swap3A_149], %broadcast_in_dim3A_3 {strides = array<i32>} : memref<8192xf32, #tpu.memory_space<vmem>>, vector<16xf32>,
    %swap3A_151 = arith.constant 1184 : index
    %swap3A_152 = tpu.vector_load %arg5[%swap3A_151] {strides = array<i32>} : memref<8192xf32, #tpu.memory_space<vmem>>, vector<16xf32>,
    tpu.vector_store %arg5[%swap3A_151], %broadcast_in_dim3A_3 {strides = array<i32>} : memref<8192xf32, #tpu.memory_space<vmem>>, vector<16xf32>,
    %swap3A_153 = arith.constant 1200 : index
    %swap3A_154 = tpu.vector_load %arg5[%swap3A_153] {strides = array<i32>} : memref<8192xf32, #tpu.memory_space<vmem>>, vector<16xf32>,
    tpu.vector_store %arg5[%swap3A_153], %broadcast_in_dim3A_3 {strides = array<i32>} : memref<8192xf32, #tpu.memory_space<vmem>>, vector<16xf32>,
    %swap3A_155 = arith.constant 1216 : index
    %swap3A_156 = tpu.vector_load %arg5[%swap3A_155] {strides = array<i32>} : memref<8192xf32, #tpu.memory_space<vmem>>, vector<16xf32>,
    tpu.vector_store %arg5[%swap3A_155], %broadcast_in_dim3A_3 {strides = array<i32>} : memref<8192xf32, #tpu.memory_space<vmem>>, vector<16xf32>,
    %swap3A_157 = arith.constant 1232 : index
    %swap3A_158 = tpu.vector_load %arg5[%swap3A_157] {strides = array<i32>} : memref<8192xf32, #tpu.memory_space<vmem>>, vector<16xf32>,
    tpu.vector_store %arg5[%swap3A_157], %broadcast_in_dim3A_3 {strides = array<i32>} : memref<8192xf32, #tpu.memory_space<vmem>>, vector<16xf32>,
    %swap3A_159 = arith.constant 1248 : index
    %swap3A_160 = tpu.vector_load %arg5[%swap3A_159] {strides = array<i32>} : memref<8192xf32, #tpu.memory_space<vmem>>, vector<16xf32>,
    tpu.vector_store %arg5[%swap3A_159], %broadcast_in_dim3A_3 {strides = array<i32>} : memref<8192xf32, #tpu.memory_space<vmem>>, vector<16xf32>,
    %swap3A_161 = arith.constant 1264 : index
    %swap3A_162 = tpu.vector_load %arg5[%swap3A_161] {strides = array<i32>} : memref<8192xf32, #tpu.memory_space<vmem>>, vector<16xf32>,
    tpu.vector_store %arg5[%swap3A_161], %broadcast_in_dim3A_3 {strides = array<i32>} : memref<8192xf32, #tpu.memory_space<vmem>>, vector<16xf32>,
    %swap3A_163 = arith.constant 1280 : index
    %swap3A_164 = tpu.vector_load %arg5[%swap3A_163] {strides = array<i32>} : memref<8192xf32, #tpu.memory_space<vmem>>, vector<16xf32>,
    tpu.vector_store %arg5[%swap3A_163], %broadcast_in_dim3A_3 {strides = array<i32>} : memref<8192xf32, #tpu.memory_space<vmem>>, vector<16xf32>,
    %swap3A_165 = arith.constant 1296 : index
    %swap3A_166 = tpu.vector_load %arg5[%swap3A_165] {strides = array<i32>} : memref<8192xf32, #tpu.memory_space<vmem>>, vector<16xf32>,
    tpu.vector_store %arg5[%swap3A_165], %broadcast_in_dim3A_3 {strides = array<i32>} : memref<8192xf32, #tpu.memory_space<vmem>>, vector<16xf32>,
    %swap3A_167 = arith.constant 1312 : index
    %swap3A_168 = tpu.vector_load %arg5[%swap3A_167] {strides = array<i32>} : memref<8192xf32, #tpu.memory_space<vmem>>, vector<16xf32>,
    tpu.vector_store %arg5[%swap3A_167], %broadcast_in_dim3A_3 {strides = array<i32>} : memref<8192xf32, #tpu.memory_space<vmem>>, vector<16xf32>,
    %swap3A_169 = arith.constant 1328 : index
    %swap3A_170 = tpu.vector_load %arg5[%swap3A_169] {strides = array<i32>} : memref<8192xf32, #tpu.memory_space<vmem>>, vector<16xf32>,
    tpu.vector_store %arg5[%swap3A_169], %broadcast_in_dim3A_3 {strides = array<i32>} : memref<8192xf32, #tpu.memory_space<vmem>>, vector<16xf32>,
    %swap3A_171 = arith.constant 1344 : index
    %swap3A_172 = tpu.vector_load %arg5[%swap3A_171] {strides = array<i32>} : memref<8192xf32, #tpu.memory_space<vmem>>, vector<16xf32>,
    tpu.vector_store %arg5[%swap3A_171], %broadcast_in_dim3A_3 {strides = array<i32>} : memref<8192xf32, #tpu.memory_space<vmem>>, vector<16xf32>,
    %swap3A_173 = arith.constant 1360 : index
    %swap3A_174 = tpu.vector_load %arg5[%swap3A_173] {strides = array<i32>} : memref<8192xf32, #tpu.memory_space<vmem>>, vector<16xf32>,
    tpu.vector_store %arg5[%swap3A_173], %broadcast_in_dim3A_3 {strides = array<i32>} : memref<8192xf32, #tpu.memory_space<vmem>>, vector<16xf32>,
    %swap3A_175 = arith.constant 1376 : index
    %swap3A_176 = tpu.vector_load %arg5[%swap3A_175] {strides = array<i32>} : memref<8192xf32, #tpu.memory_space<vmem>>, vector<16xf32>,
    tpu.vector_store %arg5[%swap3A_175], %broadcast_in_dim3A_3 {strides = array<i32>} : memref<8192xf32, #tpu.memory_space<vmem>>, vector<16xf32>,
    %swap3A_177 = arith.constant 1392 : index
    %swap3A_178 = tpu.vector_load %arg5[%swap3A_177] {strides = array<i32>} : memref<8192xf32, #tpu.memory_space<vmem>>, vector<16xf32>,
    tpu.vector_store %arg5[%swap3A_177], %broadcast_in_dim3A_3 {strides = array<i32>} : memref<8192xf32, #tpu.memory_space<vmem>>, vector<16xf32>,
    %swap3A_179 = arith.constant 1408 : index
    %swap3A_180 = tpu.vector_load %arg5[%swap3A_179] {strides = array<i32>} : memref<8192xf32, #tpu.memory_space<vmem>>, vector<16xf32>,
    tpu.vector_store %arg5[%swap3A_179], %broadcast_in_dim3A_3 {strides = array<i32>} : memref<8192xf32, #tpu.memory_space<vmem>>, vector<16xf32>,
    %swap3A_181 = arith.constant 1424 : index
    %swap3A_182 = tpu.vector_load %arg5[%swap3A_181] {strides = array<i32>} : memref<8192xf32, #tpu.memory_space<vmem>>, vector<16xf32>,
    tpu.vector_store %arg5[%swap3A_181], %broadcast_in_dim3A_3 {strides = array<i32>} : memref<8192xf32, #tpu.memory_space<vmem>>, vector<16xf32>,
    %swap3A_183 = arith.constant 1440 : index
    %swap3A_184 = tpu.vector_load %arg5[%swap3A_183] {strides = array<i32>} : memref<8192xf32, #tpu.memory_space<vmem>>, vector<16xf32>,
    tpu.vector_store %arg5[%swap3A_183], %broadcast_in_dim3A_3 {strides = array<i32>} : memref<8192xf32, #tpu.memory_space<vmem>>, vector<16xf32>,
    %swap3A_185 = arith.constant 1456 : index
    %swap3A_186 = tpu.vector_load %arg5[%swap3A_185] {strides = array<i32>} : memref<8192xf32, #tpu.memory_space<vmem>>, vector<16xf32>,
    tpu.vector_store %arg5[%swap3A_185], %broadcast_in_dim3A_3 {strides = array<i32>} : memref<8192xf32, #tpu.memory_space<vmem>>, vector<16xf32>,
    %swap3A_187 = arith.constant 1472 : index
    %swap3A_188 = tpu.vector_load %arg5[%swap3A_187] {strides = array<i32>} : memref<8192xf32, #tpu.memory_space<vmem>>, vector<16xf32>,
    tpu.vector_store %arg5[%swap3A_187], %broadcast_in_dim3A_3 {strides = array<i32>} : memref<8192xf32, #tpu.memory_space<vmem>>, vector<16xf32>,
    %swap3A_189 = arith.constant 1488 : index
    %swap3A_190 = tpu.vector_load %arg5[%swap3A_189] {strides = array<i32>} : memref<8192xf32, #tpu.memory_space<vmem>>, vector<16xf32>,
    tpu.vector_store %arg5[%swap3A_189], %broadcast_in_dim3A_3 {strides = array<i32>} : memref<8192xf32, #tpu.memory_space<vmem>>, vector<16xf32>,
    %swap3A_191 = arith.constant 1504 : index
    %swap3A_192 = tpu.vector_load %arg5[%swap3A_191] {strides = array<i32>} : memref<8192xf32, #tpu.memory_space<vmem>>, vector<16xf32>,
    tpu.vector_store %arg5[%swap3A_191], %broadcast_in_dim3A_3 {strides = array<i32>} : memref<8192xf32, #tpu.memory_space<vmem>>, vector<16xf32>,
    %swap3A_193 = arith.constant 1520 : index
    %swap3A_194 = tpu.vector_load %arg5[%swap3A_193] {strides = array<i32>} : memref<8192xf32, #tpu.memory_space<vmem>>, vector<16xf32>,
    tpu.vector_store %arg5[%swap3A_193], %broadcast_in_dim3A_3 {strides = array<i32>} : memref<8192xf32, #tpu.memory_space<vmem>>, vector<16xf32>,
    %swap3A_195 = arith.constant 1536 : index
    %swap3A_196 = tpu.vector_load %arg5[%swap3A_195] {strides = array<i32>} : memref<8192xf32, #tpu.memory_space<vmem>>, vector<16xf32>,
    tpu.vector_store %arg5[%swap3A_195], %broadcast_in_dim3A_3 {strides = array<i32>} : memref<8192xf32, #tpu.memory_space<vmem>>, vector<16xf32>,
    %swap3A_197 = arith.constant 1552 : index
    %swap3A_198 = tpu.vector_load %arg5[%swap3A_197] {strides = array<i32>} : memref<8192xf32, #tpu.memory_space<vmem>>, vector<16xf32>,
    tpu.vector_store %arg5[%swap3A_197], %broadcast_in_dim3A_3 {strides = array<i32>} : memref<8192xf32, #tpu.memory_space<vmem>>, vector<16xf32>,
    %swap3A_199 = arith.constant 1568 : index
    %swap3A_200 = tpu.vector_load %arg5[%swap3A_199] {strides = array<i32>} : memref<8192xf32, #tpu.memory_space<vmem>>, vector<16xf32>,
    tpu.vector_store %arg5[%swap3A_199], %broadcast_in_dim3A_3 {strides = array<i32>} : memref<8192xf32, #tpu.memory_space<vmem>>, vector<16xf32>,
    %swap3A_201 = arith.constant 1584 : index
    %swap3A_202 = tpu.vector_load %arg5[%swap3A_201] {strides = array<i32>} : memref<8192xf32, #tpu.memory_space<vmem>>, vector<16xf32>,
    tpu.vector_store %arg5[%swap3A_201], %broadcast_in_dim3A_3 {strides = array<i32>} : memref<8192xf32, #tpu.memory_space<vmem>>, vector<16xf32>,
    %swap3A_203 = arith.constant 1600 : index
    %swap3A_204 = tpu.vector_load %arg5[%swap3A_203] {strides = array<i32>} : memref<8192xf32, #tpu.memory_space<vmem>>, vector<16xf32>,
    tpu.vector_store %arg5[%swap3A_203], %broadcast_in_dim3A_3 {strides = array<i32>} : memref<8192xf32, #tpu.memory_space<vmem>>, vector<16xf32>,
    %swap3A_205 = arith.constant 1616 : index
    %swap3A_206 = tpu.vector_load %arg5[%swap3A_205] {strides = array<i32>} : memref<8192xf32, #tpu.memory_space<vmem>>, vector<16xf32>,
    tpu.vector_store %arg5[%swap3A_205], %broadcast_in_dim3A_3 {strides = array<i32>} : memref<8192xf32, #tpu.memory_space<vmem>>, vector<16xf32>,
    %swap3A_207 = arith.constant 1632 : index
    %swap3A_208 = tpu.vector_load %arg5[%swap3A_207] {strides = array<i32>} : memref<8192xf32, #tpu.memory_space<vmem>>, vector<16xf32>,
    tpu.vector_store %arg5[%swap3A_207], %broadcast_in_dim3A_3 {strides = array<i32>} : memref<8192xf32, #tpu.memory_space<vmem>>, vector<16xf32>,
    %swap3A_209 = arith.constant 1648 : index
    %swap3A_210 = tpu.vector_load %arg5[%swap3A_209] {strides = array<i32>} : memref<8192xf32, #tpu.memory_space<vmem>>, vector<16xf32>,
    tpu.vector_store %arg5[%swap3A_209], %broadcast_in_dim3A_3 {strides = array<i32>} : memref<8192xf32, #tpu.memory_space<vmem>>, vector<16xf32>,
    %swap3A_211 = arith.constant 1664 : index
    %swap3A_212 = tpu.vector_load %arg5[%swap3A_211] {strides = array<i32>} : memref<8192xf32, #tpu.memory_space<vmem>>, vector<16xf32>,
    tpu.vector_store %arg5[%swap3A_211], %broadcast_in_dim3A_3 {strides = array<i32>} : memref<8192xf32, #tpu.memory_space<vmem>>, vector<16xf32>,
    %swap3A_213 = arith.constant 1680 : index
    %swap3A_214 = tpu.vector_load %arg5[%swap3A_213] {strides = array<i32>} : memref<8192xf32, #tpu.memory_space<vmem>>, vector<16xf32>,
    tpu.vector_store %arg5[%swap3A_213], %broadcast_in_dim3A_3 {strides = array<i32>} : memref<8192xf32, #tpu.memory_space<vmem>>, vector<16xf32>,
    %swap3A_215 = arith.constant 1696 : index
    %swap3A_216 = tpu.vector_load %arg5[%swap3A_215] {strides = array<i32>} : memref<8192xf32, #tpu.memory_space<vmem>>, vector<16xf32>,
    tpu.vector_store %arg5[%swap3A_215], %broadcast_in_dim3A_3 {strides = array<i32>} : memref<8192xf32, #tpu.memory_space<vmem>>, vector<16xf32>,
    %swap3A_217 = arith.constant 1712 : index
    %swap3A_218 = tpu.vector_load %arg5[%swap3A_217] {strides = array<i32>} : memref<8192xf32, #tpu.memory_space<vmem>>, vector<16xf32>,
    tpu.vector_store %arg5[%swap3A_217], %broadcast_in_dim3A_3 {strides = array<i32>} : memref<8192xf32, #tpu.memory_space<vmem>>, vector<16xf32>,
    %swap3A_219 = arith.constant 1728 : index
    %swap3A_220 = tpu.vector_load %arg5[%swap3A_219] {strides = array<i32>} : memref<8192xf32, #tpu.memory_space<vmem>>, vector<16xf32>,
    tpu.vector_store %arg5[%swap3A_219], %broadcast_in_dim3A_3 {strides = array<i32>} : memref<8192xf32, #tpu.memory_space<vmem>>, vector<16xf32>,
    %swap3A_221 = arith.constant 1744 : index
    %swap3A_222 = tpu.vector_load %arg5[%swap3A_221] {strides = array<i32>} : memref<8192xf32, #tpu.memory_space<vmem>>, vector<16xf32>,
    tpu.vector_store %arg5[%swap3A_221], %broadcast_in_dim3A_3 {strides = array<i32>} : memref<8192xf32, #tpu.memory_space<vmem>>, vector<16xf32>,
    %swap3A_223 = arith.constant 1760 : index
    %swap3A_224 = tpu.vector_load %arg5[%swap3A_223] {strides = array<i32>} : memref<8192xf32, #tpu.memory_space<vmem>>, vector<16xf32>,
    tpu.vector_store %arg5[%swap3A_223], %broadcast_in_dim3A_3 {strides = array<i32>} : memref<8192xf32, #tpu.memory_space<vmem>>, vector<16xf32>,
    %swap3A_225 = arith.constant 1776 : index
    %swap3A_226 = tpu.vector_load %arg5[%swap3A_225] {strides = array<i32>} : memref<8192xf32, #tpu.memory_space<vmem>>, vector<16xf32>,
    tpu.vector_store %arg5[%swap3A_225], %broadcast_in_dim3A_3 {strides = array<i32>} : memref<8192xf32, #tpu.memory_space<vmem>>, vector<16xf32>,
    %swap3A_227 = arith.constant 1792 : index
    %swap3A_228 = tpu.vector_load %arg5[%swap3A_227] {strides = array<i32>} : memref<8192xf32, #tpu.memory_space<vmem>>, vector<16xf32>,
    tpu.vector_store %arg5[%swap3A_227], %broadcast_in_dim3A_3 {strides = array<i32>} : memref<8192xf32, #tpu.memory_space<vmem>>, vector<16xf32>,
    %swap3A_229 = arith.constant 1808 : index
    %swap3A_230 = tpu.vector_load %arg5[%swap3A_229] {strides = array<i32>} : memref<8192xf32, #tpu.memory_space<vmem>>, vector<16xf32>,
    tpu.vector_store %arg5[%swap3A_229], %broadcast_in_dim3A_3 {strides = array<i32>} : memref<8192xf32, #tpu.memory_space<vmem>>, vector<16xf32>,
    %swap3A_231 = arith.constant 1824 : index
    %swap3A_232 = tpu.vector_load %arg5[%swap3A_231] {strides = array<i32>} : memref<8192xf32, #tpu.memory_space<vmem>>, vector<16xf32>,
    tpu.vector_store %arg5[%swap3A_231], %broadcast_in_dim3A_3 {strides = array<i32>} : memref<8192xf32, #tpu.memory_space<vmem>>, vector<16xf32>,
    %swap3A_233 = arith.constant 1840 : index
    %swap3A_234 = tpu.vector_load %arg5[%swap3A_233] {strides = array<i32>} : memref<8192xf32, #tpu.memory_space<vmem>>, vector<16xf32>,
    tpu.vector_store %arg5[%swap3A_233], %broadcast_in_dim3A_3 {strides = array<i32>} : memref<8192xf32, #tpu.memory_space<vmem>>, vector<16xf32>,
    %swap3A_235 = arith.constant 1856 : index
    %swap3A_236 = tpu.vector_load %arg5[%swap3A_235] {strides = array<i32>} : memref<8192xf32, #tpu.memory_space<vmem>>, vector<16xf32>,
    tpu.vector_store %arg5[%swap3A_235], %broadcast_in_dim3A_3 {strides = array<i32>} : memref<8192xf32, #tpu.memory_space<vmem>>, vector<16xf32>,
    %swap3A_237 = arith.constant 1872 : index
    %swap3A_238 = tpu.vector_load %arg5[%swap3A_237] {strides = array<i32>} : memref<8192xf32, #tpu.memory_space<vmem>>, vector<16xf32>,
    tpu.vector_store %arg5[%swap3A_237], %broadcast_in_dim3A_3 {strides = array<i32>} : memref<8192xf32, #tpu.memory_space<vmem>>, vector<16xf32>,
    %swap3A_239 = arith.constant 1888 : index
    %swap3A_240 = tpu.vector_load %arg5[%swap3A_239] {strides = array<i32>} : memref<8192xf32, #tpu.memory_space<vmem>>, vector<16xf32>,
    tpu.vector_store %arg5[%swap3A_239], %broadcast_in_dim3A_3 {strides = array<i32>} : memref<8192xf32, #tpu.memory_space<vmem>>, vector<16xf32>,
    %swap3A_241 = arith.constant 1904 : index
    %swap3A_242 = tpu.vector_load %arg5[%swap3A_241] {strides = array<i32>} : memref<8192xf32, #tpu.memory_space<vmem>>, vector<16xf32>,
    tpu.vector_store %arg5[%swap3A_241], %broadcast_in_dim3A_3 {strides = array<i32>} : memref<8192xf32, #tpu.memory_space<vmem>>, vector<16xf32>,
    %swap3A_243 = arith.constant 1920 : index
    %swap3A_244 = tpu.vector_load %arg5[%swap3A_243] {strides = array<i32>} : memref<8192xf32, #tpu.memory_space<vmem>>, vector<16xf32>,
    tpu.vector_store %arg5[%swap3A_243], %broadcast_in_dim3A_3 {strides = array<i32>} : memref<8192xf32, #tpu.memory_space<vmem>>, vector<16xf32>,
    %swap3A_245 = arith.constant 1936 : index
    %swap3A_246 = tpu.vector_load %arg5[%swap3A_245] {strides = array<i32>} : memref<8192xf32, #tpu.memory_space<vmem>>, vector<16xf32>,
    tpu.vector_store %arg5[%swap3A_245], %broadcast_in_dim3A_3 {strides = array<i32>} : memref<8192xf32, #tpu.memory_space<vmem>>, vector<16xf32>,
    %swap3A_247 = arith.constant 1952 : index
    %swap3A_248 = tpu.vector_load %arg5[%swap3A_247] {strides = array<i32>} : memref<8192xf32, #tpu.memory_space<vmem>>, vector<16xf32>,
    tpu.vector_store %arg5[%swap3A_247], %broadcast_in_dim3A_3 {strides = array<i32>} : memref<8192xf32, #tpu.memory_space<vmem>>, vector<16xf32>,
    %swap3A_249 = arith.constant 1968 : index
    %swap3A_250 = tpu.vector_load %arg5[%swap3A_249] {strides = array<i32>} : memref<8192xf32, #tpu.memory_space<vmem>>, vector<16xf32>,
    tpu.vector_store %arg5[%swap3A_249], %broadcast_in_dim3A_3 {strides = array<i32>} : memref<8192xf32, #tpu.memory_space<vmem>>, vector<16xf32>,
    %swap3A_251 = arith.constant 1984 : index
    %swap3A_252 = tpu.vector_load %arg5[%swap3A_251] {strides = array<i32>} : memref<8192xf32, #tpu.memory_space<vmem>>, vector<16xf32>,
    tpu.vector_store %arg5[%swap3A_251], %broadcast_in_dim3A_3 {strides = array<i32>} : memref<8192xf32, #tpu.memory_space<vmem>>, vector<16xf32>,
    %swap3A_253 = arith.constant 2000 : index
    %swap3A_254 = tpu.vector_load %arg5[%swap3A_253] {strides = array<i32>} : memref<8192xf32, #tpu.memory_space<vmem>>, vector<16xf32>,
    tpu.vector_store %arg5[%swap3A_253], %broadcast_in_dim3A_3 {strides = array<i32>} : memref<8192xf32, #tpu.memory_space<vmem>>, vector<16xf32>,
    %swap3A_255 = arith.constant 2016 : index
    %swap3A_256 = tpu.vector_load %arg5[%swap3A_255] {strides = array<i32>} : memref<8192xf32, #tpu.memory_space<vmem>>, vector<16xf32>,
    tpu.vector_store %arg5[%swap3A_255], %broadcast_in_dim3A_3 {strides = array<i32>} : memref<8192xf32, #tpu.memory_space<vmem>>, vector<16xf32>,
    %swap3A_257 = arith.constant 2032 : index
    %swap3A_258 = tpu.vector_load %arg5[%swap3A_257] {strides = array<i32>} : memref<8192xf32, #tpu.memory_space<vmem>>, vector<16xf32>,
    tpu.vector_store %arg5[%swap3A_257], %broadcast_in_dim3A_3 {strides = array<i32>} : memref<8192xf32, #tpu.memory_space<vmem>>, vector<16xf32>,
    %swap3A_259 = arith.constant 2048 : index
    %swap3A_260 = tpu.vector_load %arg5[%swap3A_259] {strides = array<i32>} : memref<8192xf32, #tpu.memory_space<vmem>>, vector<16xf32>,
    tpu.vector_store %arg5[%swap3A_259], %broadcast_in_dim3A_3 {strides = array<i32>} : memref<8192xf32, #tpu.memory_space<vmem>>, vector<16xf32>,
    %swap3A_261 = arith.constant 2064 : index
    %swap3A_262 = tpu.vector_load %arg5[%swap3A_261] {strides = array<i32>} : memref<8192xf32, #tpu.memory_space<vmem>>, vector<16xf32>,
    tpu.vector_store %arg5[%swap3A_261], %broadcast_in_dim3A_3 {strides = array<i32>} : memref<8192xf32, #tpu.memory_space<vmem>>, vector<16xf32>,
    %swap3A_263 = arith.constant 2080 : index
    %swap3A_264 = tpu.vector_load %arg5[%swap3A_263] {strides = array<i32>} : memref<8192xf32, #tpu.memory_space<vmem>>, vector<16xf32>,
    tpu.vector_store %arg5[%swap3A_263], %broadcast_in_dim3A_3 {strides = array<i32>} : memref<8192xf32, #tpu.memory_space<vmem>>, vector<16xf32>,
    %swap3A_265 = arith.constant 2096 : index
    %swap3A_266 = tpu.vector_load %arg5[%swap3A_265] {strides = array<i32>} : memref<8192xf32, #tpu.memory_space<vmem>>, vector<16xf32>,
    tpu.vector_store %arg5[%swap3A_265], %broadcast_in_dim3A_3 {strides = array<i32>} : memref<8192xf32, #tpu.memory_space<vmem>>, vector<16xf32>,
    %swap3A_267 = arith.constant 2112 : index
    %swap3A_268 = tpu.vector_load %arg5[%swap3A_267] {strides = array<i32>} : memref<8192xf32, #tpu.memory_space<vmem>>, vector<16xf32>,
    tpu.vector_store %arg5[%swap3A_267], %broadcast_in_dim3A_3 {strides = array<i32>} : memref<8192xf32, #tpu.memory_space<vmem>>, vector<16xf32>,
    %swap3A_269 = arith.constant 2128 : index
    %swap3A_270 = tpu.vector_load %arg5[%swap3A_269] {strides = array<i32>} : memref<8192xf32, #tpu.memory_space<vmem>>, vector<16xf32>,
    tpu.vector_store %arg5[%swap3A_269], %broadcast_in_dim3A_3 {strides = array<i32>} : memref<8192xf32, #tpu.memory_space<vmem>>, vector<16xf32>,
    %swap3A_271 = arith.constant 2144 : index
    %swap3A_272 = tpu.vector_load %arg5[%swap3A_271] {strides = array<i32>} : memref<8192xf32, #tpu.memory_space<vmem>>, vector<16xf32>,
    tpu.vector_store %arg5[%swap3A_271], %broadcast_in_dim3A_3 {strides = array<i32>} : memref<8192xf32, #tpu.memory_space<vmem>>, vector<16xf32>,
    %swap3A_273 = arith.constant 2160 : index
    %swap3A_274 = tpu.vector_load %arg5[%swap3A_273] {strides = array<i32>} : memref<8192xf32, #tpu.memory_space<vmem>>, vector<16xf32>,
    tpu.vector_store %arg5[%swap3A_273], %broadcast_in_dim3A_3 {strides = array<i32>} : memref<8192xf32, #tpu.memory_space<vmem>>, vector<16xf32>,
    %swap3A_275 = arith.constant 2176 : index
    %swap3A_276 = tpu.vector_load %arg5[%swap3A_275] {strides = array<i32>} : memref<8192xf32, #tpu.memory_space<vmem>>, vector<16xf32>,
    tpu.vector_store %arg5[%swap3A_275], %broadcast_in_dim3A_3 {strides = array<i32>} : memref<8192xf32, #tpu.memory_space<vmem>>, vector<16xf32>,
    %swap3A_277 = arith.constant 2192 : index
    %swap3A_278 = tpu.vector_load %arg5[%swap3A_277] {strides = array<i32>} : memref<8192xf32, #tpu.memory_space<vmem>>, vector<16xf32>,
    tpu.vector_store %arg5[%swap3A_277], %broadcast_in_dim3A_3 {strides = array<i32>} : memref<8192xf32, #tpu.memory_space<vmem>>, vector<16xf32>,
    %swap3A_279 = arith.constant 2208 : index
    %swap3A_280 = tpu.vector_load %arg5[%swap3A_279] {strides = array<i32>} : memref<8192xf32, #tpu.memory_space<vmem>>, vector<16xf32>,
    tpu.vector_store %arg5[%swap3A_279], %broadcast_in_dim3A_3 {strides = array<i32>} : memref<8192xf32, #tpu.memory_space<vmem>>, vector<16xf32>,
    %swap3A_281 = arith.constant 2224 : index
    %swap3A_282 = tpu.vector_load %arg5[%swap3A_281] {strides = array<i32>} : memref<8192xf32, #tpu.memory_space<vmem>>, vector<16xf32>,
    tpu.vector_store %arg5[%swap3A_281], %broadcast_in_dim3A_3 {strides = array<i32>} : memref<8192xf32, #tpu.memory_space<vmem>>, vector<16xf32>,
    %swap3A_283 = arith.constant 2240 : index
    %swap3A_284 = tpu.vector_load %arg5[%swap3A_283] {strides = array<i32>} : memref<8192xf32, #tpu.memory_space<vmem>>, vector<16xf32>,
    tpu.vector_store %arg5[%swap3A_283], %broadcast_in_dim3A_3 {strides = array<i32>} : memref<8192xf32, #tpu.memory_space<vmem>>, vector<16xf32>,
    %swap3A_285 = arith.constant 2256 : index
    %swap3A_286 = tpu.vector_load %arg5[%swap3A_285] {strides = array<i32>} : memref<8192xf32, #tpu.memory_space<vmem>>, vector<16xf32>,
    tpu.vector_store %arg5[%swap3A_285], %broadcast_in_dim3A_3 {strides = array<i32>} : memref<8192xf32, #tpu.memory_space<vmem>>, vector<16xf32>,
    %swap3A_287 = arith.constant 2272 : index
    %swap3A_288 = tpu.vector_load %arg5[%swap3A_287] {strides = array<i32>} : memref<8192xf32, #tpu.memory_space<vmem>>, vector<16xf32>,
    tpu.vector_store %arg5[%swap3A_287], %broadcast_in_dim3A_3 {strides = array<i32>} : memref<8192xf32, #tpu.memory_space<vmem>>, vector<16xf32>,
    %swap3A_289 = arith.constant 2288 : index
    %swap3A_290 = tpu.vector_load %arg5[%swap3A_289] {strides = array<i32>} : memref<8192xf32, #tpu.memory_space<vmem>>, vector<16xf32>,
    tpu.vector_store %arg5[%swap3A_289], %broadcast_in_dim3A_3 {strides = array<i32>} : memref<8192xf32, #tpu.memory_space<vmem>>, vector<16xf32>,
    %swap3A_291 = arith.constant 2304 : index
    %swap3A_292 = tpu.vector_load %arg5[%swap3A_291] {strides = array<i32>} : memref<8192xf32, #tpu.memory_space<vmem>>, vector<16xf32>,
    tpu.vector_store %arg5[%swap3A_291], %broadcast_in_dim3A_3 {strides = array<i32>} : memref<8192xf32, #tpu.memory_space<vmem>>, vector<16xf32>,
    %swap3A_293 = arith.constant 2320 : index
    %swap3A_294 = tpu.vector_load %arg5[%swap3A_293] {strides = array<i32>} : memref<8192xf32, #tpu.memory_space<vmem>>, vector<16xf32>,
    tpu.vector_store %arg5[%swap3A_293], %broadcast_in_dim3A_3 {strides = array<i32>} : memref<8192xf32, #tpu.memory_space<vmem>>, vector<16xf32>,
    %swap3A_295 = arith.constant 2336 : index
    %swap3A_296 = tpu.vector_load %arg5[%swap3A_295] {strides = array<i32>} : memref<8192xf32, #tpu.memory_space<vmem>>, vector<16xf32>,
    tpu.vector_store %arg5[%swap3A_295], %broadcast_in_dim3A_3 {strides = array<i32>} : memref<8192xf32, #tpu.memory_space<vmem>>, vector<16xf32>,
    %swap3A_297 = arith.constant 2352 : index
    %swap3A_298 = tpu.vector_load %arg5[%swap3A_297] {strides = array<i32>} : memref<8192xf32, #tpu.memory_space<vmem>>, vector<16xf32>,
    tpu.vector_store %arg5[%swap3A_297], %broadcast_in_dim3A_3 {strides = array<i32>} : memref<8192xf32, #tpu.memory_space<vmem>>, vector<16xf32>,
    %swap3A_299 = arith.constant 2368 : index
    %swap3A_300 = tpu.vector_load %arg5[%swap3A_299] {strides = array<i32>} : memref<8192xf32, #tpu.memory_space<vmem>>, vector<16xf32>,
    tpu.vector_store %arg5[%swap3A_299], %broadcast_in_dim3A_3 {strides = array<i32>} : memref<8192xf32, #tpu.memory_space<vmem>>, vector<16xf32>,
    %swap3A_301 = arith.constant 2384 : index
    %swap3A_302 = tpu.vector_load %arg5[%swap3A_301] {strides = array<i32>} : memref<8192xf32, #tpu.memory_space<vmem>>, vector<16xf32>,
    tpu.vector_store %arg5[%swap3A_301], %broadcast_in_dim3A_3 {strides = array<i32>} : memref<8192xf32, #tpu.memory_space<vmem>>, vector<16xf32>,
    %swap3A_303 = arith.constant 2400 : index
    %swap3A_304 = tpu.vector_load %arg5[%swap3A_303] {strides = array<i32>} : memref<8192xf32, #tpu.memory_space<vmem>>, vector<16xf32>,
    tpu.vector_store %arg5[%swap3A_303], %broadcast_in_dim3A_3 {strides = array<i32>} : memref<8192xf32, #tpu.memory_space<vmem>>, vector<16xf32>,
    %swap3A_305 = arith.constant 2416 : index
    %swap3A_306 = tpu.vector_load %arg5[%swap3A_305] {strides = array<i32>} : memref<8192xf32, #tpu.memory_space<vmem>>, vector<16xf32>,
    tpu.vector_store %arg5[%swap3A_305], %broadcast_in_dim3A_3 {strides = array<i32>} : memref<8192xf32, #tpu.memory_space<vmem>>, vector<16xf32>,
    %swap3A_307 = arith.constant 2432 : index
    %swap3A_308 = tpu.vector_load %arg5[%swap3A_307] {strides = array<i32>} : memref<8192xf32, #tpu.memory_space<vmem>>, vector<16xf32>,
    tpu.vector_store %arg5[%swap3A_307], %broadcast_in_dim3A_3 {strides = array<i32>} : memref<8192xf32, #tpu.memory_space<vmem>>, vector<16xf32>,
    %swap3A_309 = arith.constant 2448 : index
    %swap3A_310 = tpu.vector_load %arg5[%swap3A_309] {strides = array<i32>} : memref<8192xf32, #tpu.memory_space<vmem>>, vector<16xf32>,
    tpu.vector_store %arg5[%swap3A_309], %broadcast_in_dim3A_3 {strides = array<i32>} : memref<8192xf32, #tpu.memory_space<vmem>>, vector<16xf32>,
    %swap3A_311 = arith.constant 2464 : index
    %swap3A_312 = tpu.vector_load %arg5[%swap3A_311] {strides = array<i32>} : memref<8192xf32, #tpu.memory_space<vmem>>, vector<16xf32>,
    tpu.vector_store %arg5[%swap3A_311], %broadcast_in_dim3A_3 {strides = array<i32>} : memref<8192xf32, #tpu.memory_space<vmem>>, vector<16xf32>,
    %swap3A_313 = arith.constant 2480 : index
    %swap3A_314 = tpu.vector_load %arg5[%swap3A_313] {strides = array<i32>} : memref<8192xf32, #tpu.memory_space<vmem>>, vector<16xf32>,
    tpu.vector_store %arg5[%swap3A_313], %broadcast_in_dim3A_3 {strides = array<i32>} : memref<8192xf32, #tpu.memory_space<vmem>>, vector<16xf32>,
    %swap3A_315 = arith.constant 2496 : index
    %swap3A_316 = tpu.vector_load %arg5[%swap3A_315] {strides = array<i32>} : memref<8192xf32, #tpu.memory_space<vmem>>, vector<16xf32>,
    tpu.vector_store %arg5[%swap3A_315], %broadcast_in_dim3A_3 {strides = array<i32>} : memref<8192xf32, #tpu.memory_space<vmem>>, vector<16xf32>,
    %swap3A_317 = arith.constant 2512 : index
    %swap3A_318 = tpu.vector_load %arg5[%swap3A_317] {strides = array<i32>} : memref<8192xf32, #tpu.memory_space<vmem>>, vector<16xf32>,
    tpu.vector_store %arg5[%swap3A_317], %broadcast_in_dim3A_3 {strides = array<i32>} : memref<8192xf32, #tpu.memory_space<vmem>>, vector<16xf32>,
    %swap3A_319 = arith.constant 2528 : index
    %swap3A_320 = tpu.vector_load %arg5[%swap3A_319] {strides = array<i32>} : memref<8192xf32, #tpu.memory_space<vmem>>, vector<16xf32>,
    tpu.vector_store %arg5[%swap3A_319], %broadcast_in_dim3A_3 {strides = array<i32>} : memref<8192xf32, #tpu.memory_space<vmem>>, vector<16xf32>,
    %swap3A_321 = arith.constant 2544 : index
    %swap3A_322 = tpu.vector_load %arg5[%swap3A_321] {strides = array<i32>} : memref<8192xf32, #tpu.memory_space<vmem>>, vector<16xf32>,
    tpu.vector_store %arg5[%swap3A_321], %broadcast_in_dim3A_3 {strides = array<i32>} : memref<8192xf32, #tpu.memory_space<vmem>>, vector<16xf32>,
    %swap3A_323 = arith.constant 2560 : index
    %swap3A_324 = tpu.vector_load %arg5[%swap3A_323] {strides = array<i32>} : memref<8192xf32, #tpu.memory_space<vmem>>, vector<16xf32>,
    tpu.vector_store %arg5[%swap3A_323], %broadcast_in_dim3A_3 {strides = array<i32>} : memref<8192xf32, #tpu.memory_space<vmem>>, vector<16xf32>,
    %swap3A_325 = arith.constant 2576 : index
    %swap3A_326 = tpu.vector_load %arg5[%swap3A_325] {strides = array<i32>} : memref<8192xf32, #tpu.memory_space<vmem>>, vector<16xf32>,
    tpu.vector_store %arg5[%swap3A_325], %broadcast_in_dim3A_3 {strides = array<i32>} : memref<8192xf32, #tpu.memory_space<vmem>>, vector<16xf32>,
    %swap3A_327 = arith.constant 2592 : index
    %swap3A_328 = tpu.vector_load %arg5[%swap3A_327] {strides = array<i32>} : memref<8192xf32, #tpu.memory_space<vmem>>, vector<16xf32>,
    tpu.vector_store %arg5[%swap3A_327], %broadcast_in_dim3A_3 {strides = array<i32>} : memref<8192xf32, #tpu.memory_space<vmem>>, vector<16xf32>,
    %swap3A_329 = arith.constant 2608 : index
    %swap3A_330 = tpu.vector_load %arg5[%swap3A_329] {strides = array<i32>} : memref<8192xf32, #tpu.memory_space<vmem>>, vector<16xf32>,
    tpu.vector_store %arg5[%swap3A_329], %broadcast_in_dim3A_3 {strides = array<i32>} : memref<8192xf32, #tpu.memory_space<vmem>>, vector<16xf32>,
    %swap3A_331 = arith.constant 2624 : index
    %swap3A_332 = tpu.vector_load %arg5[%swap3A_331] {strides = array<i32>} : memref<8192xf32, #tpu.memory_space<vmem>>, vector<16xf32>,
    tpu.vector_store %arg5[%swap3A_331], %broadcast_in_dim3A_3 {strides = array<i32>} : memref<8192xf32, #tpu.memory_space<vmem>>, vector<16xf32>,
    %swap3A_333 = arith.constant 2640 : index
    %swap3A_334 = tpu.vector_load %arg5[%swap3A_333] {strides = array<i32>} : memref<8192xf32, #tpu.memory_space<vmem>>, vector<16xf32>,
    tpu.vector_store %arg5[%swap3A_333], %broadcast_in_dim3A_3 {strides = array<i32>} : memref<8192xf32, #tpu.memory_space<vmem>>, vector<16xf32>,
    %swap3A_335 = arith.constant 2656 : index
    %swap3A_336 = tpu.vector_load %arg5[%swap3A_335] {strides = array<i32>} : memref<8192xf32, #tpu.memory_space<vmem>>, vector<16xf32>,
    tpu.vector_store %arg5[%swap3A_335], %broadcast_in_dim3A_3 {strides = array<i32>} : memref<8192xf32, #tpu.memory_space<vmem>>, vector<16xf32>,
    %swap3A_337 = arith.constant 2672 : index
    %swap3A_338 = tpu.vector_load %arg5[%swap3A_337] {strides = array<i32>} : memref<8192xf32, #tpu.memory_space<vmem>>, vector<16xf32>,
    tpu.vector_store %arg5[%swap3A_337], %broadcast_in_dim3A_3 {strides = array<i32>} : memref<8192xf32, #tpu.memory_space<vmem>>, vector<16xf32>,
    %swap3A_339 = arith.constant 2688 : index
    %swap3A_340 = tpu.vector_load %arg5[%swap3A_339] {strides = array<i32>} : memref<8192xf32, #tpu.memory_space<vmem>>, vector<16xf32>,
    tpu.vector_store %arg5[%swap3A_339], %broadcast_in_dim3A_3 {strides = array<i32>} : memref<8192xf32, #tpu.memory_space<vmem>>, vector<16xf32>,
    %swap3A_341 = arith.constant 2704 : index
    %swap3A_342 = tpu.vector_load %arg5[%swap3A_341] {strides = array<i32>} : memref<8192xf32, #tpu.memory_space<vmem>>, vector<16xf32>,
    tpu.vector_store %arg5[%swap3A_341], %broadcast_in_dim3A_3 {strides = array<i32>} : memref<8192xf32, #tpu.memory_space<vmem>>, vector<16xf32>,
    %swap3A_343 = arith.constant 2720 : index
    %swap3A_344 = tpu.vector_load %arg5[%swap3A_343] {strides = array<i32>} : memref<8192xf32, #tpu.memory_space<vmem>>, vector<16xf32>,
    tpu.vector_store %arg5[%swap3A_343], %broadcast_in_dim3A_3 {strides = array<i32>} : memref<8192xf32, #tpu.memory_space<vmem>>, vector<16xf32>,
    %swap3A_345 = arith.constant 2736 : index
    %swap3A_346 = tpu.vector_load %arg5[%swap3A_345] {strides = array<i32>} : memref<8192xf32, #tpu.memory_space<vmem>>, vector<16xf32>,
    tpu.vector_store %arg5[%swap3A_345], %broadcast_in_dim3A_3 {strides = array<i32>} : memref<8192xf32, #tpu.memory_space<vmem>>, vector<16xf32>,
    %swap3A_347 = arith.constant 2752 : index
    %swap3A_348 = tpu.vector_load %arg5[%swap3A_347] {strides = array<i32>} : memref<8192xf32, #tpu.memory_space<vmem>>, vector<16xf32>,
    tpu.vector_store %arg5[%swap3A_347], %broadcast_in_dim3A_3 {strides = array<i32>} : memref<8192xf32, #tpu.memory_space<vmem>>, vector<16xf32>,
    %swap3A_349 = arith.constant 2768 : index
    %swap3A_350 = tpu.vector_load %arg5[%swap3A_349] {strides = array<i32>} : memref<8192xf32, #tpu.memory_space<vmem>>, vector<16xf32>,
    tpu.vector_store %arg5[%swap3A_349], %broadcast_in_dim3A_3 {strides = array<i32>} : memref<8192xf32, #tpu.memory_space<vmem>>, vector<16xf32>,
    %swap3A_351 = arith.constant 2784 : index
    %swap3A_352 = tpu.vector_load %arg5[%swap3A_351] {strides = array<i32>} : memref<8192xf32, #tpu.memory_space<vmem>>, vector<16xf32>,
    tpu.vector_store %arg5[%swap3A_351], %broadcast_in_dim3A_3 {strides = array<i32>} : memref<8192xf32, #tpu.memory_space<vmem>>, vector<16xf32>,
    %swap3A_353 = arith.constant 2800 : index
    %swap3A_354 = tpu.vector_load %arg5[%swap3A_353] {strides = array<i32>} : memref<8192xf32, #tpu.memory_space<vmem>>, vector<16xf32>,
    tpu.vector_store %arg5[%swap3A_353], %broadcast_in_dim3A_3 {strides = array<i32>} : memref<8192xf32, #tpu.memory_space<vmem>>, vector<16xf32>,
    %swap3A_355 = arith.constant 2816 : index
    %swap3A_356 = tpu.vector_load %arg5[%swap3A_355] {strides = array<i32>} : memref<8192xf32, #tpu.memory_space<vmem>>, vector<16xf32>,
    tpu.vector_store %arg5[%swap3A_355], %broadcast_in_dim3A_3 {strides = array<i32>} : memref<8192xf32, #tpu.memory_space<vmem>>, vector<16xf32>,
    %swap3A_357 = arith.constant 2832 : index
    %swap3A_358 = tpu.vector_load %arg5[%swap3A_357] {strides = array<i32>} : memref<8192xf32, #tpu.memory_space<vmem>>, vector<16xf32>,
    tpu.vector_store %arg5[%swap3A_357], %broadcast_in_dim3A_3 {strides = array<i32>} : memref<8192xf32, #tpu.memory_space<vmem>>, vector<16xf32>,
    %swap3A_359 = arith.constant 2848 : index
    %swap3A_360 = tpu.vector_load %arg5[%swap3A_359] {strides = array<i32>} : memref<8192xf32, #tpu.memory_space<vmem>>, vector<16xf32>,
    tpu.vector_store %arg5[%swap3A_359], %broadcast_in_dim3A_3 {strides = array<i32>} : memref<8192xf32, #tpu.memory_space<vmem>>, vector<16xf32>,
    %swap3A_361 = arith.constant 2864 : index
    %swap3A_362 = tpu.vector_load %arg5[%swap3A_361] {strides = array<i32>} : memref<8192xf32, #tpu.memory_space<vmem>>, vector<16xf32>,
    tpu.vector_store %arg5[%swap3A_361], %broadcast_in_dim3A_3 {strides = array<i32>} : memref<8192xf32, #tpu.memory_space<vmem>>, vector<16xf32>,
    %swap3A_363 = arith.constant 2880 : index
    %swap3A_364 = tpu.vector_load %arg5[%swap3A_363] {strides = array<i32>} : memref<8192xf32, #tpu.memory_space<vmem>>, vector<16xf32>,
    tpu.vector_store %arg5[%swap3A_363], %broadcast_in_dim3A_3 {strides = array<i32>} : memref<8192xf32, #tpu.memory_space<vmem>>, vector<16xf32>,
    %swap3A_365 = arith.constant 2896 : index
    %swap3A_366 = tpu.vector_load %arg5[%swap3A_365] {strides = array<i32>} : memref<8192xf32, #tpu.memory_space<vmem>>, vector<16xf32>,
    tpu.vector_store %arg5[%swap3A_365], %broadcast_in_dim3A_3 {strides = array<i32>} : memref<8192xf32, #tpu.memory_space<vmem>>, vector<16xf32>,
    %swap3A_367 = arith.constant 2912 : index
    %swap3A_368 = tpu.vector_load %arg5[%swap3A_367] {strides = array<i32>} : memref<8192xf32, #tpu.memory_space<vmem>>, vector<16xf32>,
    tpu.vector_store %arg5[%swap3A_367], %broadcast_in_dim3A_3 {strides = array<i32>} : memref<8192xf32, #tpu.memory_space<vmem>>, vector<16xf32>,
    %swap3A_369 = arith.constant 2928 : index
    %swap3A_370 = tpu.vector_load %arg5[%swap3A_369] {strides = array<i32>} : memref<8192xf32, #tpu.memory_space<vmem>>, vector<16xf32>,
    tpu.vector_store %arg5[%swap3A_369], %broadcast_in_dim3A_3 {strides = array<i32>} : memref<8192xf32, #tpu.memory_space<vmem>>, vector<16xf32>,
    %swap3A_371 = arith.constant 2944 : index
    %swap3A_372 = tpu.vector_load %arg5[%swap3A_371] {strides = array<i32>} : memref<8192xf32, #tpu.memory_space<vmem>>, vector<16xf32>,
    tpu.vector_store %arg5[%swap3A_371], %broadcast_in_dim3A_3 {strides = array<i32>} : memref<8192xf32, #tpu.memory_space<vmem>>, vector<16xf32>,
    %swap3A_373 = arith.constant 2960 : index
    %swap3A_374 = tpu.vector_load %arg5[%swap3A_373] {strides = array<i32>} : memref<8192xf32, #tpu.memory_space<vmem>>, vector<16xf32>,
    tpu.vector_store %arg5[%swap3A_373], %broadcast_in_dim3A_3 {strides = array<i32>} : memref<8192xf32, #tpu.memory_space<vmem>>, vector<16xf32>,
    %swap3A_375 = arith.constant 2976 : index
    %swap3A_376 = tpu.vector_load %arg5[%swap3A_375] {strides = array<i32>} : memref<8192xf32, #tpu.memory_space<vmem>>, vector<16xf32>,
    tpu.vector_store %arg5[%swap3A_375], %broadcast_in_dim3A_3 {strides = array<i32>} : memref<8192xf32, #tpu.memory_space<vmem>>, vector<16xf32>,
    %swap3A_377 = arith.constant 2992 : index
    %swap3A_378 = tpu.vector_load %arg5[%swap3A_377] {strides = array<i32>} : memref<8192xf32, #tpu.memory_space<vmem>>, vector<16xf32>,
    tpu.vector_store %arg5[%swap3A_377], %broadcast_in_dim3A_3 {strides = array<i32>} : memref<8192xf32, #tpu.memory_space<vmem>>, vector<16xf32>,
    %swap3A_379 = arith.constant 3008 : index
    %swap3A_380 = tpu.vector_load %arg5[%swap3A_379] {strides = array<i32>} : memref<8192xf32, #tpu.memory_space<vmem>>, vector<16xf32>,
    tpu.vector_store %arg5[%swap3A_379], %broadcast_in_dim3A_3 {strides = array<i32>} : memref<8192xf32, #tpu.memory_space<vmem>>, vector<16xf32>,
    %swap3A_381 = arith.constant 3024 : index
    %swap3A_382 = tpu.vector_load %arg5[%swap3A_381] {strides = array<i32>} : memref<8192xf32, #tpu.memory_space<vmem>>, vector<16xf32>,
    tpu.vector_store %arg5[%swap3A_381], %broadcast_in_dim3A_3 {strides = array<i32>} : memref<8192xf32, #tpu.memory_space<vmem>>, vector<16xf32>,
    %swap3A_383 = arith.constant 3040 : index
    %swap3A_384 = tpu.vector_load %arg5[%swap3A_383] {strides = array<i32>} : memref<8192xf32, #tpu.memory_space<vmem>>, vector<16xf32>,
    tpu.vector_store %arg5[%swap3A_383], %broadcast_in_dim3A_3 {strides = array<i32>} : memref<8192xf32, #tpu.memory_space<vmem>>, vector<16xf32>,
    %swap3A_385 = arith.constant 3056 : index
    %swap3A_386 = tpu.vector_load %arg5[%swap3A_385] {strides = array<i32>} : memref<8192xf32, #tpu.memory_space<vmem>>, vector<16xf32>,
    tpu.vector_store %arg5[%swap3A_385], %broadcast_in_dim3A_3 {strides = array<i32>} : memref<8192xf32, #tpu.memory_space<vmem>>, vector<16xf32>,
    %swap3A_387 = arith.constant 3072 : index
    %swap3A_388 = tpu.vector_load %arg5[%swap3A_387] {strides = array<i32>} : memref<8192xf32, #tpu.memory_space<vmem>>, vector<16xf32>,
    tpu.vector_store %arg5[%swap3A_387], %broadcast_in_dim3A_3 {strides = array<i32>} : memref<8192xf32, #tpu.memory_space<vmem>>, vector<16xf32>,
    %swap3A_389 = arith.constant 3088 : index
    %swap3A_390 = tpu.vector_load %arg5[%swap3A_389] {strides = array<i32>} : memref<8192xf32, #tpu.memory_space<vmem>>, vector<16xf32>,
    tpu.vector_store %arg5[%swap3A_389], %broadcast_in_dim3A_3 {strides = array<i32>} : memref<8192xf32, #tpu.memory_space<vmem>>, vector<16xf32>,
    %swap3A_391 = arith.constant 3104 : index
    %swap3A_392 = tpu.vector_load %arg5[%swap3A_391] {strides = array<i32>} : memref<8192xf32, #tpu.memory_space<vmem>>, vector<16xf32>,
    tpu.vector_store %arg5[%swap3A_391], %broadcast_in_dim3A_3 {strides = array<i32>} : memref<8192xf32, #tpu.memory_space<vmem>>, vector<16xf32>,
    %swap3A_393 = arith.constant 3120 : index
    %swap3A_394 = tpu.vector_load %arg5[%swap3A_393] {strides = array<i32>} : memref<8192xf32, #tpu.memory_space<vmem>>, vector<16xf32>,
    tpu.vector_store %arg5[%swap3A_393], %broadcast_in_dim3A_3 {strides = array<i32>} : memref<8192xf32, #tpu.memory_space<vmem>>, vector<16xf32>,
    %swap3A_395 = arith.constant 3136 : index
    %swap3A_396 = tpu.vector_load %arg5[%swap3A_395] {strides = array<i32>} : memref<8192xf32, #tpu.memory_space<vmem>>, vector<16xf32>,
    tpu.vector_store %arg5[%swap3A_395], %broadcast_in_dim3A_3 {strides = array<i32>} : memref<8192xf32, #tpu.memory_space<vmem>>, vector<16xf32>,
    %swap3A_397 = arith.constant 3152 : index
    %swap3A_398 = tpu.vector_load %arg5[%swap3A_397] {strides = array<i32>} : memref<8192xf32, #tpu.memory_space<vmem>>, vector<16xf32>,
    tpu.vector_store %arg5[%swap3A_397], %broadcast_in_dim3A_3 {strides = array<i32>} : memref<8192xf32, #tpu.memory_space<vmem>>, vector<16xf32>,
    %swap3A_399 = arith.constant 3168 : index
    %swap3A_400 = tpu.vector_load %arg5[%swap3A_399] {strides = array<i32>} : memref<8192xf32, #tpu.memory_space<vmem>>, vector<16xf32>,
    tpu.vector_store %arg5[%swap3A_399], %broadcast_in_dim3A_3 {strides = array<i32>} : memref<8192xf32, #tpu.memory_space<vmem>>, vector<16xf32>,
    %swap3A_401 = arith.constant 3184 : index
    %swap3A_402 = tpu.vector_load %arg5[%swap3A_401] {strides = array<i32>} : memref<8192xf32, #tpu.memory_space<vmem>>, vector<16xf32>,
    tpu.vector_store %arg5[%swap3A_401], %broadcast_in_dim3A_3 {strides = array<i32>} : memref<8192xf32, #tpu.memory_space<vmem>>, vector<16xf32>,
    %swap3A_403 = arith.constant 3200 : index
    %swap3A_404 = tpu.vector_load %arg5[%swap3A_403] {strides = array<i32>} : memref<8192xf32, #tpu.memory_space<vmem>>, vector<16xf32>,
    tpu.vector_store %arg5[%swap3A_403], %broadcast_in_dim3A_3 {strides = array<i32>} : memref<8192xf32, #tpu.memory_space<vmem>>, vector<16xf32>,
    %swap3A_405 = arith.constant 3216 : index
    %swap3A_406 = tpu.vector_load %arg5[%swap3A_405] {strides = array<i32>} : memref<8192xf32, #tpu.memory_space<vmem>>, vector<16xf32>,
    tpu.vector_store %arg5[%swap3A_405], %broadcast_in_dim3A_3 {strides = array<i32>} : memref<8192xf32, #tpu.memory_space<vmem>>, vector<16xf32>,
    %swap3A_407 = arith.constant 3232 : index
    %swap3A_408 = tpu.vector_load %arg5[%swap3A_407] {strides = array<i32>} : memref<8192xf32, #tpu.memory_space<vmem>>, vector<16xf32>,
    tpu.vector_store %arg5[%swap3A_407], %broadcast_in_dim3A_3 {strides = array<i32>} : memref<8192xf32, #tpu.memory_space<vmem>>, vector<16xf32>,
    %swap3A_409 = arith.constant 3248 : index
    %swap3A_410 = tpu.vector_load %arg5[%swap3A_409] {strides = array<i32>} : memref<8192xf32, #tpu.memory_space<vmem>>, vector<16xf32>,
    tpu.vector_store %arg5[%swap3A_409], %broadcast_in_dim3A_3 {strides = array<i32>} : memref<8192xf32, #tpu.memory_space<vmem>>, vector<16xf32>,
    %swap3A_411 = arith.constant 3264 : index
    %swap3A_412 = tpu.vector_load %arg5[%swap3A_411] {strides = array<i32>} : memref<8192xf32, #tpu.memory_space<vmem>>, vector<16xf32>,
    tpu.vector_store %arg5[%swap3A_411], %broadcast_in_dim3A_3 {strides = array<i32>} : memref<8192xf32, #tpu.memory_space<vmem>>, vector<16xf32>,
    %swap3A_413 = arith.constant 3280 : index
    %swap3A_414 = tpu.vector_load %arg5[%swap3A_413] {strides = array<i32>} : memref<8192xf32, #tpu.memory_space<vmem>>, vector<16xf32>,
    tpu.vector_store %arg5[%swap3A_413], %broadcast_in_dim3A_3 {strides = array<i32>} : memref<8192xf32, #tpu.memory_space<vmem>>, vector<16xf32>,
    %swap3A_415 = arith.constant 3296 : index
    %swap3A_416 = tpu.vector_load %arg5[%swap3A_415] {strides = array<i32>} : memref<8192xf32, #tpu.memory_space<vmem>>, vector<16xf32>,
    tpu.vector_store %arg5[%swap3A_415], %broadcast_in_dim3A_3 {strides = array<i32>} : memref<8192xf32, #tpu.memory_space<vmem>>, vector<16xf32>,
    %swap3A_417 = arith.constant 3312 : index
    %swap3A_418 = tpu.vector_load %arg5[%swap3A_417] {strides = array<i32>} : memref<8192xf32, #tpu.memory_space<vmem>>, vector<16xf32>,
    tpu.vector_store %arg5[%swap3A_417], %broadcast_in_dim3A_3 {strides = array<i32>} : memref<8192xf32, #tpu.memory_space<vmem>>, vector<16xf32>,
    %swap3A_419 = arith.constant 3328 : index
    %swap3A_420 = tpu.vector_load %arg5[%swap3A_419] {strides = array<i32>} : memref<8192xf32, #tpu.memory_space<vmem>>, vector<16xf32>,
    tpu.vector_store %arg5[%swap3A_419], %broadcast_in_dim3A_3 {strides = array<i32>} : memref<8192xf32, #tpu.memory_space<vmem>>, vector<16xf32>,
    %swap3A_421 = arith.constant 3344 : index
    %swap3A_422 = tpu.vector_load %arg5[%swap3A_421] {strides = array<i32>} : memref<8192xf32, #tpu.memory_space<vmem>>, vector<16xf32>,
    tpu.vector_store %arg5[%swap3A_421], %broadcast_in_dim3A_3 {strides = array<i32>} : memref<8192xf32, #tpu.memory_space<vmem>>, vector<16xf32>,
    %swap3A_423 = arith.constant 3360 : index
    %swap3A_424 = tpu.vector_load %arg5[%swap3A_423] {strides = array<i32>} : memref<8192xf32, #tpu.memory_space<vmem>>, vector<16xf32>,
    tpu.vector_store %arg5[%swap3A_423], %broadcast_in_dim3A_3 {strides = array<i32>} : memref<8192xf32, #tpu.memory_space<vmem>>, vector<16xf32>,
    %swap3A_425 = arith.constant 3376 : index
    %swap3A_426 = tpu.vector_load %arg5[%swap3A_425] {strides = array<i32>} : memref<8192xf32, #tpu.memory_space<vmem>>, vector<16xf32>,
    tpu.vector_store %arg5[%swap3A_425], %broadcast_in_dim3A_3 {strides = array<i32>} : memref<8192xf32, #tpu.memory_space<vmem>>, vector<16xf32>,
    %swap3A_427 = arith.constant 3392 : index
    %swap3A_428 = tpu.vector_load %arg5[%swap3A_427] {strides = array<i32>} : memref<8192xf32, #tpu.memory_space<vmem>>, vector<16xf32>,
    tpu.vector_store %arg5[%swap3A_427], %broadcast_in_dim3A_3 {strides = array<i32>} : memref<8192xf32, #tpu.memory_space<vmem>>, vector<16xf32>,
    %swap3A_429 = arith.constant 3408 : index
    %swap3A_430 = tpu.vector_load %arg5[%swap3A_429] {strides = array<i32>} : memref<8192xf32, #tpu.memory_space<vmem>>, vector<16xf32>,
    tpu.vector_store %arg5[%swap3A_429], %broadcast_in_dim3A_3 {strides = array<i32>} : memref<8192xf32, #tpu.memory_space<vmem>>, vector<16xf32>,
    %swap3A_431 = arith.constant 3424 : index
    %swap3A_432 = tpu.vector_load %arg5[%swap3A_431] {strides = array<i32>} : memref<8192xf32, #tpu.memory_space<vmem>>, vector<16xf32>,
    tpu.vector_store %arg5[%swap3A_431], %broadcast_in_dim3A_3 {strides = array<i32>} : memref<8192xf32, #tpu.memory_space<vmem>>, vector<16xf32>,
    %swap3A_433 = arith.constant 3440 : index
    %swap3A_434 = tpu.vector_load %arg5[%swap3A_433] {strides = array<i32>} : memref<8192xf32, #tpu.memory_space<vmem>>, vector<16xf32>,
    tpu.vector_store %arg5[%swap3A_433], %broadcast_in_dim3A_3 {strides = array<i32>} : memref<8192xf32, #tpu.memory_space<vmem>>, vector<16xf32>,
    %swap3A_435 = arith.constant 3456 : index
    %swap3A_436 = tpu.vector_load %arg5[%swap3A_435] {strides = array<i32>} : memref<8192xf32, #tpu.memory_space<vmem>>, vector<16xf32>,
    tpu.vector_store %arg5[%swap3A_435], %broadcast_in_dim3A_3 {strides = array<i32>} : memref<8192xf32, #tpu.memory_space<vmem>>, vector<16xf32>,
    %swap3A_437 = arith.constant 3472 : index
    %swap3A_438 = tpu.vector_load %arg5[%swap3A_437] {strides = array<i32>} : memref<8192xf32, #tpu.memory_space<vmem>>, vector<16xf32>,
    tpu.vector_store %arg5[%swap3A_437], %broadcast_in_dim3A_3 {strides = array<i32>} : memref<8192xf32, #tpu.memory_space<vmem>>, vector<16xf32>,
    %swap3A_439 = arith.constant 3488 : index
    %swap3A_440 = tpu.vector_load %arg5[%swap3A_439] {strides = array<i32>} : memref<8192xf32, #tpu.memory_space<vmem>>, vector<16xf32>,
    tpu.vector_store %arg5[%swap3A_439], %broadcast_in_dim3A_3 {strides = array<i32>} : memref<8192xf32, #tpu.memory_space<vmem>>, vector<16xf32>,
    %swap3A_441 = arith.constant 3504 : index
    %swap3A_442 = tpu.vector_load %arg5[%swap3A_441] {strides = array<i32>} : memref<8192xf32, #tpu.memory_space<vmem>>, vector<16xf32>,
    tpu.vector_store %arg5[%swap3A_441], %broadcast_in_dim3A_3 {strides = array<i32>} : memref<8192xf32, #tpu.memory_space<vmem>>, vector<16xf32>,
    %swap3A_443 = arith.constant 3520 : index
    %swap3A_444 = tpu.vector_load %arg5[%swap3A_443] {strides = array<i32>} : memref<8192xf32, #tpu.memory_space<vmem>>, vector<16xf32>,
    tpu.vector_store %arg5[%swap3A_443], %broadcast_in_dim3A_3 {strides = array<i32>} : memref<8192xf32, #tpu.memory_space<vmem>>, vector<16xf32>,
    %swap3A_445 = arith.constant 3536 : index
    %swap3A_446 = tpu.vector_load %arg5[%swap3A_445] {strides = array<i32>} : memref<8192xf32, #tpu.memory_space<vmem>>, vector<16xf32>,
    tpu.vector_store %arg5[%swap3A_445], %broadcast_in_dim3A_3 {strides = array<i32>} : memref<8192xf32, #tpu.memory_space<vmem>>, vector<16xf32>,
    %swap3A_447 = arith.constant 3552 : index
    %swap3A_448 = tpu.vector_load %arg5[%swap3A_447] {strides = array<i32>} : memref<8192xf32, #tpu.memory_space<vmem>>, vector<16xf32>,
    tpu.vector_store %arg5[%swap3A_447], %broadcast_in_dim3A_3 {strides = array<i32>} : memref<8192xf32, #tpu.memory_space<vmem>>, vector<16xf32>,
    %swap3A_449 = arith.constant 3568 : index
    %swap3A_450 = tpu.vector_load %arg5[%swap3A_449] {strides = array<i32>} : memref<8192xf32, #tpu.memory_space<vmem>>, vector<16xf32>,
    tpu.vector_store %arg5[%swap3A_449], %broadcast_in_dim3A_3 {strides = array<i32>} : memref<8192xf32, #tpu.memory_space<vmem>>, vector<16xf32>,
    %swap3A_451 = arith.constant 3584 : index
    %swap3A_452 = tpu.vector_load %arg5[%swap3A_451] {strides = array<i32>} : memref<8192xf32, #tpu.memory_space<vmem>>, vector<16xf32>,
    tpu.vector_store %arg5[%swap3A_451], %broadcast_in_dim3A_3 {strides = array<i32>} : memref<8192xf32, #tpu.memory_space<vmem>>, vector<16xf32>,
    %swap3A_453 = arith.constant 3600 : index
    %swap3A_454 = tpu.vector_load %arg5[%swap3A_453] {strides = array<i32>} : memref<8192xf32, #tpu.memory_space<vmem>>, vector<16xf32>,
    tpu.vector_store %arg5[%swap3A_453], %broadcast_in_dim3A_3 {strides = array<i32>} : memref<8192xf32, #tpu.memory_space<vmem>>, vector<16xf32>,
    %swap3A_455 = arith.constant 3616 : index
    %swap3A_456 = tpu.vector_load %arg5[%swap3A_455] {strides = array<i32>} : memref<8192xf32, #tpu.memory_space<vmem>>, vector<16xf32>,
    tpu.vector_store %arg5[%swap3A_455], %broadcast_in_dim3A_3 {strides = array<i32>} : memref<8192xf32, #tpu.memory_space<vmem>>, vector<16xf32>,
    %swap3A_457 = arith.constant 3632 : index
    %swap3A_458 = tpu.vector_load %arg5[%swap3A_457] {strides = array<i32>} : memref<8192xf32, #tpu.memory_space<vmem>>, vector<16xf32>,
    tpu.vector_store %arg5[%swap3A_457], %broadcast_in_dim3A_3 {strides = array<i32>} : memref<8192xf32, #tpu.memory_space<vmem>>, vector<16xf32>,
    %swap3A_459 = arith.constant 3648 : index
    %swap3A_460 = tpu.vector_load %arg5[%swap3A_459] {strides = array<i32>} : memref<8192xf32, #tpu.memory_space<vmem>>, vector<16xf32>,
    tpu.vector_store %arg5[%swap3A_459], %broadcast_in_dim3A_3 {strides = array<i32>} : memref<8192xf32, #tpu.memory_space<vmem>>, vector<16xf32>,
    %swap3A_461 = arith.constant 3664 : index
    %swap3A_462 = tpu.vector_load %arg5[%swap3A_461] {strides = array<i32>} : memref<8192xf32, #tpu.memory_space<vmem>>, vector<16xf32>,
    tpu.vector_store %arg5[%swap3A_461], %broadcast_in_dim3A_3 {strides = array<i32>} : memref<8192xf32, #tpu.memory_space<vmem>>, vector<16xf32>,
    %swap3A_463 = arith.constant 3680 : index
    %swap3A_464 = tpu.vector_load %arg5[%swap3A_463] {strides = array<i32>} : memref<8192xf32, #tpu.memory_space<vmem>>, vector<16xf32>,
    tpu.vector_store %arg5[%swap3A_463], %broadcast_in_dim3A_3 {strides = array<i32>} : memref<8192xf32, #tpu.memory_space<vmem>>, vector<16xf32>,
    %swap3A_465 = arith.constant 3696 : index
    %swap3A_466 = tpu.vector_load %arg5[%swap3A_465] {strides = array<i32>} : memref<8192xf32, #tpu.memory_space<vmem>>, vector<16xf32>,
    tpu.vector_store %arg5[%swap3A_465], %broadcast_in_dim3A_3 {strides = array<i32>} : memref<8192xf32, #tpu.memory_space<vmem>>, vector<16xf32>,
    %swap3A_467 = arith.constant 3712 : index
    %swap3A_468 = tpu.vector_load %arg5[%swap3A_467] {strides = array<i32>} : memref<8192xf32, #tpu.memory_space<vmem>>, vector<16xf32>,
    tpu.vector_store %arg5[%swap3A_467], %broadcast_in_dim3A_3 {strides = array<i32>} : memref<8192xf32, #tpu.memory_space<vmem>>, vector<16xf32>,
    %swap3A_469 = arith.constant 3728 : index
    %swap3A_470 = tpu.vector_load %arg5[%swap3A_469] {strides = array<i32>} : memref<8192xf32, #tpu.memory_space<vmem>>, vector<16xf32>,
    tpu.vector_store %arg5[%swap3A_469], %broadcast_in_dim3A_3 {strides = array<i32>} : memref<8192xf32, #tpu.memory_space<vmem>>, vector<16xf32>,
    %swap3A_471 = arith.constant 3744 : index
    %swap3A_472 = tpu.vector_load %arg5[%swap3A_471] {strides = array<i32>} : memref<8192xf32, #tpu.memory_space<vmem>>, vector<16xf32>,
    tpu.vector_store %arg5[%swap3A_471], %broadcast_in_dim3A_3 {strides = array<i32>} : memref<8192xf32, #tpu.memory_space<vmem>>, vector<16xf32>,
    %swap3A_473 = arith.constant 3760 : index
    %swap3A_474 = tpu.vector_load %arg5[%swap3A_473] {strides = array<i32>} : memref<8192xf32, #tpu.memory_space<vmem>>, vector<16xf32>,
    tpu.vector_store %arg5[%swap3A_473], %broadcast_in_dim3A_3 {strides = array<i32>} : memref<8192xf32, #tpu.memory_space<vmem>>, vector<16xf32>,
    %swap3A_475 = arith.constant 3776 : index
    %swap3A_476 = tpu.vector_load %arg5[%swap3A_475] {strides = array<i32>} : memref<8192xf32, #tpu.memory_space<vmem>>, vector<16xf32>,
    tpu.vector_store %arg5[%swap3A_475], %broadcast_in_dim3A_3 {strides = array<i32>} : memref<8192xf32, #tpu.memory_space<vmem>>, vector<16xf32>,
    %swap3A_477 = arith.constant 3792 : index
    %swap3A_478 = tpu.vector_load %arg5[%swap3A_477] {strides = array<i32>} : memref<8192xf32, #tpu.memory_space<vmem>>, vector<16xf32>,
    tpu.vector_store %arg5[%swap3A_477], %broadcast_in_dim3A_3 {strides = array<i32>} : memref<8192xf32, #tpu.memory_space<vmem>>, vector<16xf32>,
    %swap3A_479 = arith.constant 3808 : index
    %swap3A_480 = tpu.vector_load %arg5[%swap3A_479] {strides = array<i32>} : memref<8192xf32, #tpu.memory_space<vmem>>, vector<16xf32>,
    tpu.vector_store %arg5[%swap3A_479], %broadcast_in_dim3A_3 {strides = array<i32>} : memref<8192xf32, #tpu.memory_space<vmem>>, vector<16xf32>,
    %swap3A_481 = arith.constant 3824 : index
    %swap3A_482 = tpu.vector_load %arg5[%swap3A_481] {strides = array<i32>} : memref<8192xf32, #tpu.memory_space<vmem>>, vector<16xf32>,
    tpu.vector_store %arg5[%swap3A_481], %broadcast_in_dim3A_3 {strides = array<i32>} : memref<8192xf32, #tpu.memory_space<vmem>>, vector<16xf32>,
    %swap3A_483 = arith.constant 3840 : index
    %swap3A_484 = tpu.vector_load %arg5[%swap3A_483] {strides = array<i32>} : memref<8192xf32, #tpu.memory_space<vmem>>, vector<16xf32>,
    tpu.vector_store %arg5[%swap3A_483], %broadcast_in_dim3A_3 {strides = array<i32>} : memref<8192xf32, #tpu.memory_space<vmem>>, vector<16xf32>,
    %swap3A_485 = arith.constant 3856 : index
    %swap3A_486 = tpu.vector_load %arg5[%swap3A_485] {strides = array<i32>} : memref<8192xf32, #tpu.memory_space<vmem>>, vector<16xf32>,
    tpu.vector_store %arg5[%swap3A_485], %broadcast_in_dim3A_3 {strides = array<i32>} : memref<8192xf32, #tpu.memory_space<vmem>>, vector<16xf32>,
    %swap3A_487 = arith.constant 3872 : index
    %swap3A_488 = tpu.vector_load %arg5[%swap3A_487] {strides = array<i32>} : memref<8192xf32, #tpu.memory_space<vmem>>, vector<16xf32>,
    tpu.vector_store %arg5[%swap3A_487], %broadcast_in_dim3A_3 {strides = array<i32>} : memref<8192xf32, #tpu.memory_space<vmem>>, vector<16xf32>,
    %swap3A_489 = arith.constant 3888 : index
    %swap3A_490 = tpu.vector_load %arg5[%swap3A_489] {strides = array<i32>} : memref<8192xf32, #tpu.memory_space<vmem>>, vector<16xf32>,
    tpu.vector_store %arg5[%swap3A_489], %broadcast_in_dim3A_3 {strides = array<i32>} : memref<8192xf32, #tpu.memory_space<vmem>>, vector<16xf32>,
    %swap3A_491 = arith.constant 3904 : index
    %swap3A_492 = tpu.vector_load %arg5[%swap3A_491] {strides = array<i32>} : memref<8192xf32, #tpu.memory_space<vmem>>, vector<16xf32>,
    tpu.vector_store %arg5[%swap3A_491], %broadcast_in_dim3A_3 {strides = array<i32>} : memref<8192xf32, #tpu.memory_space<vmem>>, vector<16xf32>,
    %swap3A_493 = arith.constant 3920 : index
    %swap3A_494 = tpu.vector_load %arg5[%swap3A_493] {strides = array<i32>} : memref<8192xf32, #tpu.memory_space<vmem>>, vector<16xf32>,
    tpu.vector_store %arg5[%swap3A_493], %broadcast_in_dim3A_3 {strides = array<i32>} : memref<8192xf32, #tpu.memory_space<vmem>>, vector<16xf32>,
    %swap3A_495 = arith.constant 3936 : index
    %swap3A_496 = tpu.vector_load %arg5[%swap3A_495] {strides = array<i32>} : memref<8192xf32, #tpu.memory_space<vmem>>, vector<16xf32>,
    tpu.vector_store %arg5[%swap3A_495], %broadcast_in_dim3A_3 {strides = array<i32>} : memref<8192xf32, #tpu.memory_space<vmem>>, vector<16xf32>,
    %swap3A_497 = arith.constant 3952 : index
    %swap3A_498 = tpu.vector_load %arg5[%swap3A_497] {strides = array<i32>} : memref<8192xf32, #tpu.memory_space<vmem>>, vector<16xf32>,
    tpu.vector_store %arg5[%swap3A_497], %broadcast_in_dim3A_3 {strides = array<i32>} : memref<8192xf32, #tpu.memory_space<vmem>>, vector<16xf32>,
    %swap3A_499 = arith.constant 3968 : index
    %swap3A_500 = tpu.vector_load %arg5[%swap3A_499] {strides = array<i32>} : memref<8192xf32, #tpu.memory_space<vmem>>, vector<16xf32>,
    tpu.vector_store %arg5[%swap3A_499], %broadcast_in_dim3A_3 {strides = array<i32>} : memref<8192xf32, #tpu.memory_space<vmem>>, vector<16xf32>,
    %swap3A_501 = arith.constant 3984 : index
    %swap3A_502 = tpu.vector_load %arg5[%swap3A_501] {strides = array<i32>} : memref<8192xf32, #tpu.memory_space<vmem>>, vector<16xf32>,
    tpu.vector_store %arg5[%swap3A_501], %broadcast_in_dim3A_3 {strides = array<i32>} : memref<8192xf32, #tpu.memory_space<vmem>>, vector<16xf32>,
    %swap3A_503 = arith.constant 4000 : index
    %swap3A_504 = tpu.vector_load %arg5[%swap3A_503] {strides = array<i32>} : memref<8192xf32, #tpu.memory_space<vmem>>, vector<16xf32>,
    tpu.vector_store %arg5[%swap3A_503], %broadcast_in_dim3A_3 {strides = array<i32>} : memref<8192xf32, #tpu.memory_space<vmem>>, vector<16xf32>,
    %swap3A_505 = arith.constant 4016 : index
    %swap3A_506 = tpu.vector_load %arg5[%swap3A_505] {strides = array<i32>} : memref<8192xf32, #tpu.memory_space<vmem>>, vector<16xf32>,
    tpu.vector_store %arg5[%swap3A_505], %broadcast_in_dim3A_3 {strides = array<i32>} : memref<8192xf32, #tpu.memory_space<vmem>>, vector<16xf32>,
    %swap3A_507 = arith.constant 4032 : index
    %swap3A_508 = tpu.vector_load %arg5[%swap3A_507] {strides = array<i32>} : memref<8192xf32, #tpu.memory_space<vmem>>, vector<16xf32>,
    tpu.vector_store %arg5[%swap3A_507], %broadcast_in_dim3A_3 {strides = array<i32>} : memref<8192xf32, #tpu.memory_space<vmem>>, vector<16xf32>,
    %swap3A_509 = arith.constant 4048 : index
    %swap3A_510 = tpu.vector_load %arg5[%swap3A_509] {strides = array<i32>} : memref<8192xf32, #tpu.memory_space<vmem>>, vector<16xf32>,
    tpu.vector_store %arg5[%swap3A_509], %broadcast_in_dim3A_3 {strides = array<i32>} : memref<8192xf32, #tpu.memory_space<vmem>>, vector<16xf32>,
    %swap3A_511 = arith.constant 4064 : index
    %swap3A_512 = tpu.vector_load %arg5[%swap3A_511] {strides = array<i32>} : memref<8192xf32, #tpu.memory_space<vmem>>, vector<16xf32>,
    tpu.vector_store %arg5[%swap3A_511], %broadcast_in_dim3A_3 {strides = array<i32>} : memref<8192xf32, #tpu.memory_space<vmem>>, vector<16xf32>,
    %swap3A_513 = arith.constant 4080 : index
    %swap3A_514 = tpu.vector_load %arg5[%swap3A_513] {strides = array<i32>} : memref<8192xf32, #tpu.memory_space<vmem>>, vector<16xf32>,
    tpu.vector_store %arg5[%swap3A_513], %broadcast_in_dim3A_3 {strides = array<i32>} : memref<8192xf32, #tpu.memory_space<vmem>>, vector<16xf32>,
    %swap3A_515 = arith.constant 4096 : index
    %swap3A_516 = tpu.vector_load %arg5[%swap3A_515] {strides = array<i32>} : memref<8192xf32, #tpu.memory_space<vmem>>, vector<16xf32>,
    tpu.vector_store %arg5[%swap3A_515], %broadcast_in_dim3A_3 {strides = array<i32>} : memref<8192xf32, #tpu.memory_space<vmem>>, vector<16xf32>,
    %swap3A_517 = arith.constant 4112 : index
    %swap3A_518 = tpu.vector_load %arg5[%swap3A_517] {strides = array<i32>} : memref<8192xf32, #tpu.memory_space<vmem>>, vector<16xf32>,
    tpu.vector_store %arg5[%swap3A_517], %broadcast_in_dim3A_3 {strides = array<i32>} : memref<8192xf32, #tpu.memory_space<vmem>>, vector<16xf32>,
    %swap3A_519 = arith.constant 4128 : index
    %swap3A_520 = tpu.vector_load %arg5[%swap3A_519] {strides = array<i32>} : memref<8192xf32, #tpu.memory_space<vmem>>, vector<16xf32>,
    tpu.vector_store %arg5[%swap3A_519], %broadcast_in_dim3A_3 {strides = array<i32>} : memref<8192xf32, #tpu.memory_space<vmem>>, vector<16xf32>,
    %swap3A_521 = arith.constant 4144 : index
    %swap3A_522 = tpu.vector_load %arg5[%swap3A_521] {strides = array<i32>} : memref<8192xf32, #tpu.memory_space<vmem>>, vector<16xf32>,
    tpu.vector_store %arg5[%swap3A_521], %broadcast_in_dim3A_3 {strides = array<i32>} : memref<8192xf32, #tpu.memory_space<vmem>>, vector<16xf32>,
    %swap3A_523 = arith.constant 4160 : index
    %swap3A_524 = tpu.vector_load %arg5[%swap3A_523] {strides = array<i32>} : memref<8192xf32, #tpu.memory_space<vmem>>, vector<16xf32>,
    tpu.vector_store %arg5[%swap3A_523], %broadcast_in_dim3A_3 {strides = array<i32>} : memref<8192xf32, #tpu.memory_space<vmem>>, vector<16xf32>,
    %swap3A_525 = arith.constant 4176 : index
    %swap3A_526 = tpu.vector_load %arg5[%swap3A_525] {strides = array<i32>} : memref<8192xf32, #tpu.memory_space<vmem>>, vector<16xf32>,
    tpu.vector_store %arg5[%swap3A_525], %broadcast_in_dim3A_3 {strides = array<i32>} : memref<8192xf32, #tpu.memory_space<vmem>>, vector<16xf32>,
    %swap3A_527 = arith.constant 4192 : index
    %swap3A_528 = tpu.vector_load %arg5[%swap3A_527] {strides = array<i32>} : memref<8192xf32, #tpu.memory_space<vmem>>, vector<16xf32>,
    tpu.vector_store %arg5[%swap3A_527], %broadcast_in_dim3A_3 {strides = array<i32>} : memref<8192xf32, #tpu.memory_space<vmem>>, vector<16xf32>,
    %swap3A_529 = arith.constant 4208 : index
    %swap3A_530 = tpu.vector_load %arg5[%swap3A_529] {strides = array<i32>} : memref<8192xf32, #tpu.memory_space<vmem>>, vector<16xf32>,
    tpu.vector_store %arg5[%swap3A_529], %broadcast_in_dim3A_3 {strides = array<i32>} : memref<8192xf32, #tpu.memory_space<vmem>>, vector<16xf32>,
    %swap3A_531 = arith.constant 4224 : index
    %swap3A_532 = tpu.vector_load %arg5[%swap3A_531] {strides = array<i32>} : memref<8192xf32, #tpu.memory_space<vmem>>, vector<16xf32>,
    tpu.vector_store %arg5[%swap3A_531], %broadcast_in_dim3A_3 {strides = array<i32>} : memref<8192xf32, #tpu.memory_space<vmem>>, vector<16xf32>,
    %swap3A_533 = arith.constant 4240 : index
    %swap3A_534 = tpu.vector_load %arg5[%swap3A_533] {strides = array<i32>} : memref<8192xf32, #tpu.memory_space<vmem>>, vector<16xf32>,
    tpu.vector_store %arg5[%swap3A_533], %broadcast_in_dim3A_3 {strides = array<i32>} : memref<8192xf32, #tpu.memory_space<vmem>>, vector<16xf32>,
    %swap3A_535 = arith.constant 4256 : index
    %swap3A_536 = tpu.vector_load %arg5[%swap3A_535] {strides = array<i32>} : memref<8192xf32, #tpu.memory_space<vmem>>, vector<16xf32>,
    tpu.vector_store %arg5[%swap3A_535], %broadcast_in_dim3A_3 {strides = array<i32>} : memref<8192xf32, #tpu.memory_space<vmem>>, vector<16xf32>,
    %swap3A_537 = arith.constant 4272 : index
    %swap3A_538 = tpu.vector_load %arg5[%swap3A_537] {strides = array<i32>} : memref<8192xf32, #tpu.memory_space<vmem>>, vector<16xf32>,
    tpu.vector_store %arg5[%swap3A_537], %broadcast_in_dim3A_3 {strides = array<i32>} : memref<8192xf32, #tpu.memory_space<vmem>>, vector<16xf32>,
    %swap3A_539 = arith.constant 4288 : index
    %swap3A_540 = tpu.vector_load %arg5[%swap3A_539] {strides = array<i32>} : memref<8192xf32, #tpu.memory_space<vmem>>, vector<16xf32>,
    tpu.vector_store %arg5[%swap3A_539], %broadcast_in_dim3A_3 {strides = array<i32>} : memref<8192xf32, #tpu.memory_space<vmem>>, vector<16xf32>,
    %swap3A_541 = arith.constant 4304 : index
    %swap3A_542 = tpu.vector_load %arg5[%swap3A_541] {strides = array<i32>} : memref<8192xf32, #tpu.memory_space<vmem>>, vector<16xf32>,
    tpu.vector_store %arg5[%swap3A_541], %broadcast_in_dim3A_3 {strides = array<i32>} : memref<8192xf32, #tpu.memory_space<vmem>>, vector<16xf32>,
    %swap3A_543 = arith.constant 4320 : index
    %swap3A_544 = tpu.vector_load %arg5[%swap3A_543] {strides = array<i32>} : memref<8192xf32, #tpu.memory_space<vmem>>, vector<16xf32>,
    tpu.vector_store %arg5[%swap3A_543], %broadcast_in_dim3A_3 {strides = array<i32>} : memref<8192xf32, #tpu.memory_space<vmem>>, vector<16xf32>,
    %swap3A_545 = arith.constant 4336 : index
    %swap3A_546 = tpu.vector_load %arg5[%swap3A_545] {strides = array<i32>} : memref<8192xf32, #tpu.memory_space<vmem>>, vector<16xf32>,
    tpu.vector_store %arg5[%swap3A_545], %broadcast_in_dim3A_3 {strides = array<i32>} : memref<8192xf32, #tpu.memory_space<vmem>>, vector<16xf32>,
    %swap3A_547 = arith.constant 4352 : index
    %swap3A_548 = tpu.vector_load %arg5[%swap3A_547] {strides = array<i32>} : memref<8192xf32, #tpu.memory_space<vmem>>, vector<16xf32>,
    tpu.vector_store %arg5[%swap3A_547], %broadcast_in_dim3A_3 {strides = array<i32>} : memref<8192xf32, #tpu.memory_space<vmem>>, vector<16xf32>,
    %swap3A_549 = arith.constant 4368 : index
    %swap3A_550 = tpu.vector_load %arg5[%swap3A_549] {strides = array<i32>} : memref<8192xf32, #tpu.memory_space<vmem>>, vector<16xf32>,
    tpu.vector_store %arg5[%swap3A_549], %broadcast_in_dim3A_3 {strides = array<i32>} : memref<8192xf32, #tpu.memory_space<vmem>>, vector<16xf32>,
    %swap3A_551 = arith.constant 4384 : index
    %swap3A_552 = tpu.vector_load %arg5[%swap3A_551] {strides = array<i32>} : memref<8192xf32, #tpu.memory_space<vmem>>, vector<16xf32>,
    tpu.vector_store %arg5[%swap3A_551], %broadcast_in_dim3A_3 {strides = array<i32>} : memref<8192xf32, #tpu.memory_space<vmem>>, vector<16xf32>,
    %swap3A_553 = arith.constant 4400 : index
    %swap3A_554 = tpu.vector_load %arg5[%swap3A_553] {strides = array<i32>} : memref<8192xf32, #tpu.memory_space<vmem>>, vector<16xf32>,
    tpu.vector_store %arg5[%swap3A_553], %broadcast_in_dim3A_3 {strides = array<i32>} : memref<8192xf32, #tpu.memory_space<vmem>>, vector<16xf32>,
    %swap3A_555 = arith.constant 4416 : index
    %swap3A_556 = tpu.vector_load %arg5[%swap3A_555] {strides = array<i32>} : memref<8192xf32, #tpu.memory_space<vmem>>, vector<16xf32>,
    tpu.vector_store %arg5[%swap3A_555], %broadcast_in_dim3A_3 {strides = array<i32>} : memref<8192xf32, #tpu.memory_space<vmem>>, vector<16xf32>,
    %swap3A_557 = arith.constant 4432 : index
    %swap3A_558 = tpu.vector_load %arg5[%swap3A_557] {strides = array<i32>} : memref<8192xf32, #tpu.memory_space<vmem>>, vector<16xf32>,
    tpu.vector_store %arg5[%swap3A_557], %broadcast_in_dim3A_3 {strides = array<i32>} : memref<8192xf32, #tpu.memory_space<vmem>>, vector<16xf32>,
    %swap3A_559 = arith.constant 4448 : index
    %swap3A_560 = tpu.vector_load %arg5[%swap3A_559] {strides = array<i32>} : memref<8192xf32, #tpu.memory_space<vmem>>, vector<16xf32>,
    tpu.vector_store %arg5[%swap3A_559], %broadcast_in_dim3A_3 {strides = array<i32>} : memref<8192xf32, #tpu.memory_space<vmem>>, vector<16xf32>,
    %swap3A_561 = arith.constant 4464 : index
    %swap3A_562 = tpu.vector_load %arg5[%swap3A_561] {strides = array<i32>} : memref<8192xf32, #tpu.memory_space<vmem>>, vector<16xf32>,
    tpu.vector_store %arg5[%swap3A_561], %broadcast_in_dim3A_3 {strides = array<i32>} : memref<8192xf32, #tpu.memory_space<vmem>>, vector<16xf32>,
    %swap3A_563 = arith.constant 4480 : index
    %swap3A_564 = tpu.vector_load %arg5[%swap3A_563] {strides = array<i32>} : memref<8192xf32, #tpu.memory_space<vmem>>, vector<16xf32>,
    tpu.vector_store %arg5[%swap3A_563], %broadcast_in_dim3A_3 {strides = array<i32>} : memref<8192xf32, #tpu.memory_space<vmem>>, vector<16xf32>,
    %swap3A_565 = arith.constant 4496 : index
    %swap3A_566 = tpu.vector_load %arg5[%swap3A_565] {strides = array<i32>} : memref<8192xf32, #tpu.memory_space<vmem>>, vector<16xf32>,
    tpu.vector_store %arg5[%swap3A_565], %broadcast_in_dim3A_3 {strides = array<i32>} : memref<8192xf32, #tpu.memory_space<vmem>>, vector<16xf32>,
    %swap3A_567 = arith.constant 4512 : index
    %swap3A_568 = tpu.vector_load %arg5[%swap3A_567] {strides = array<i32>} : memref<8192xf32, #tpu.memory_space<vmem>>, vector<16xf32>,
    tpu.vector_store %arg5[%swap3A_567], %broadcast_in_dim3A_3 {strides = array<i32>} : memref<8192xf32, #tpu.memory_space<vmem>>, vector<16xf32>,
    %swap3A_569 = arith.constant 4528 : index
    %swap3A_570 = tpu.vector_load %arg5[%swap3A_569] {strides = array<i32>} : memref<8192xf32, #tpu.memory_space<vmem>>, vector<16xf32>,
    tpu.vector_store %arg5[%swap3A_569], %broadcast_in_dim3A_3 {strides = array<i32>} : memref<8192xf32, #tpu.memory_space<vmem>>, vector<16xf32>,
    %swap3A_571 = arith.constant 4544 : index
    %swap3A_572 = tpu.vector_load %arg5[%swap3A_571] {strides = array<i32>} : memref<8192xf32, #tpu.memory_space<vmem>>, vector<16xf32>,
    tpu.vector_store %arg5[%swap3A_571], %broadcast_in_dim3A_3 {strides = array<i32>} : memref<8192xf32, #tpu.memory_space<vmem>>, vector<16xf32>,
    %swap3A_573 = arith.constant 4560 : index
    %swap3A_574 = tpu.vector_load %arg5[%swap3A_573] {strides = array<i32>} : memref<8192xf32, #tpu.memory_space<vmem>>, vector<16xf32>,
    tpu.vector_store %arg5[%swap3A_573], %broadcast_in_dim3A_3 {strides = array<i32>} : memref<8192xf32, #tpu.memory_space<vmem>>, vector<16xf32>,
    %swap3A_575 = arith.constant 4576 : index
    %swap3A_576 = tpu.vector_load %arg5[%swap3A_575] {strides = array<i32>} : memref<8192xf32, #tpu.memory_space<vmem>>, vector<16xf32>,
    tpu.vector_store %arg5[%swap3A_575], %broadcast_in_dim3A_3 {strides = array<i32>} : memref<8192xf32, #tpu.memory_space<vmem>>, vector<16xf32>,
    %swap3A_577 = arith.constant 4592 : index
    %swap3A_578 = tpu.vector_load %arg5[%swap3A_577] {strides = array<i32>} : memref<8192xf32, #tpu.memory_space<vmem>>, vector<16xf32>,
    tpu.vector_store %arg5[%swap3A_577], %broadcast_in_dim3A_3 {strides = array<i32>} : memref<8192xf32, #tpu.memory_space<vmem>>, vector<16xf32>,
    %swap3A_579 = arith.constant 4608 : index
    %swap3A_580 = tpu.vector_load %arg5[%swap3A_579] {strides = array<i32>} : memref<8192xf32, #tpu.memory_space<vmem>>, vector<16xf32>,
    tpu.vector_store %arg5[%swap3A_579], %broadcast_in_dim3A_3 {strides = array<i32>} : memref<8192xf32, #tpu.memory_space<vmem>>, vector<16xf32>,
    %swap3A_581 = arith.constant 4624 : index
    %swap3A_582 = tpu.vector_load %arg5[%swap3A_581] {strides = array<i32>} : memref<8192xf32, #tpu.memory_space<vmem>>, vector<16xf32>,
    tpu.vector_store %arg5[%swap3A_581], %broadcast_in_dim3A_3 {strides = array<i32>} : memref<8192xf32, #tpu.memory_space<vmem>>, vector<16xf32>,
    %swap3A_583 = arith.constant 4640 : index
    %swap3A_584 = tpu.vector_load %arg5[%swap3A_583] {strides = array<i32>} : memref<8192xf32, #tpu.memory_space<vmem>>, vector<16xf32>,
    tpu.vector_store %arg5[%swap3A_583], %broadcast_in_dim3A_3 {strides = array<i32>} : memref<8192xf32, #tpu.memory_space<vmem>>, vector<16xf32>,
    %swap3A_585 = arith.constant 4656 : index
    %swap3A_586 = tpu.vector_load %arg5[%swap3A_585] {strides = array<i32>} : memref<8192xf32, #tpu.memory_space<vmem>>, vector<16xf32>,
    tpu.vector_store %arg5[%swap3A_585], %broadcast_in_dim3A_3 {strides = array<i32>} : memref<8192xf32, #tpu.memory_space<vmem>>, vector<16xf32>,
    %swap3A_587 = arith.constant 4672 : index
    %swap3A_588 = tpu.vector_load %arg5[%swap3A_587] {strides = array<i32>} : memref<8192xf32, #tpu.memory_space<vmem>>, vector<16xf32>,
    tpu.vector_store %arg5[%swap3A_587], %broadcast_in_dim3A_3 {strides = array<i32>} : memref<8192xf32, #tpu.memory_space<vmem>>, vector<16xf32>,
    %swap3A_589 = arith.constant 4688 : index
    %swap3A_590 = tpu.vector_load %arg5[%swap3A_589] {strides = array<i32>} : memref<8192xf32, #tpu.memory_space<vmem>>, vector<16xf32>,
    tpu.vector_store %arg5[%swap3A_589], %broadcast_in_dim3A_3 {strides = array<i32>} : memref<8192xf32, #tpu.memory_space<vmem>>, vector<16xf32>,
    %swap3A_591 = arith.constant 4704 : index
    %swap3A_592 = tpu.vector_load %arg5[%swap3A_591] {strides = array<i32>} : memref<8192xf32, #tpu.memory_space<vmem>>, vector<16xf32>,
    tpu.vector_store %arg5[%swap3A_591], %broadcast_in_dim3A_3 {strides = array<i32>} : memref<8192xf32, #tpu.memory_space<vmem>>, vector<16xf32>,
    %swap3A_593 = arith.constant 4720 : index
    %swap3A_594 = tpu.vector_load %arg5[%swap3A_593] {strides = array<i32>} : memref<8192xf32, #tpu.memory_space<vmem>>, vector<16xf32>,
    tpu.vector_store %arg5[%swap3A_593], %broadcast_in_dim3A_3 {strides = array<i32>} : memref<8192xf32, #tpu.memory_space<vmem>>, vector<16xf32>,
    %swap3A_595 = arith.constant 4736 : index
    %swap3A_596 = tpu.vector_load %arg5[%swap3A_595] {strides = array<i32>} : memref<8192xf32, #tpu.memory_space<vmem>>, vector<16xf32>,
    tpu.vector_store %arg5[%swap3A_595], %broadcast_in_dim3A_3 {strides = array<i32>} : memref<8192xf32, #tpu.memory_space<vmem>>, vector<16xf32>,
    %swap3A_597 = arith.constant 4752 : index
    %swap3A_598 = tpu.vector_load %arg5[%swap3A_597] {strides = array<i32>} : memref<8192xf32, #tpu.memory_space<vmem>>, vector<16xf32>,
    tpu.vector_store %arg5[%swap3A_597], %broadcast_in_dim3A_3 {strides = array<i32>} : memref<8192xf32, #tpu.memory_space<vmem>>, vector<16xf32>,
    %swap3A_599 = arith.constant 4768 : index
    %swap3A_600 = tpu.vector_load %arg5[%swap3A_599] {strides = array<i32>} : memref<8192xf32, #tpu.memory_space<vmem>>, vector<16xf32>,
    tpu.vector_store %arg5[%swap3A_599], %broadcast_in_dim3A_3 {strides = array<i32>} : memref<8192xf32, #tpu.memory_space<vmem>>, vector<16xf32>,
    %swap3A_601 = arith.constant 4784 : index
    %swap3A_602 = tpu.vector_load %arg5[%swap3A_601] {strides = array<i32>} : memref<8192xf32, #tpu.memory_space<vmem>>, vector<16xf32>,
    tpu.vector_store %arg5[%swap3A_601], %broadcast_in_dim3A_3 {strides = array<i32>} : memref<8192xf32, #tpu.memory_space<vmem>>, vector<16xf32>,
    %swap3A_603 = arith.constant 4800 : index
    %swap3A_604 = tpu.vector_load %arg5[%swap3A_603] {strides = array<i32>} : memref<8192xf32, #tpu.memory_space<vmem>>, vector<16xf32>,
    tpu.vector_store %arg5[%swap3A_603], %broadcast_in_dim3A_3 {strides = array<i32>} : memref<8192xf32, #tpu.memory_space<vmem>>, vector<16xf32>,
    %swap3A_605 = arith.constant 4816 : index
    %swap3A_606 = tpu.vector_load %arg5[%swap3A_605] {strides = array<i32>} : memref<8192xf32, #tpu.memory_space<vmem>>, vector<16xf32>,
    tpu.vector_store %arg5[%swap3A_605], %broadcast_in_dim3A_3 {strides = array<i32>} : memref<8192xf32, #tpu.memory_space<vmem>>, vector<16xf32>,
    %swap3A_607 = arith.constant 4832 : index
    %swap3A_608 = tpu.vector_load %arg5[%swap3A_607] {strides = array<i32>} : memref<8192xf32, #tpu.memory_space<vmem>>, vector<16xf32>,
    tpu.vector_store %arg5[%swap3A_607], %broadcast_in_dim3A_3 {strides = array<i32>} : memref<8192xf32, #tpu.memory_space<vmem>>, vector<16xf32>,
    %swap3A_609 = arith.constant 4848 : index
    %swap3A_610 = tpu.vector_load %arg5[%swap3A_609] {strides = array<i32>} : memref<8192xf32, #tpu.memory_space<vmem>>, vector<16xf32>,
    tpu.vector_store %arg5[%swap3A_609], %broadcast_in_dim3A_3 {strides = array<i32>} : memref<8192xf32, #tpu.memory_space<vmem>>, vector<16xf32>,
    %swap3A_611 = arith.constant 4864 : index
    %swap3A_612 = tpu.vector_load %arg5[%swap3A_611] {strides = array<i32>} : memref<8192xf32, #tpu.memory_space<vmem>>, vector<16xf32>,
    tpu.vector_store %arg5[%swap3A_611], %broadcast_in_dim3A_3 {strides = array<i32>} : memref<8192xf32, #tpu.memory_space<vmem>>, vector<16xf32>,
    %swap3A_613 = arith.constant 4880 : index
    %swap3A_614 = tpu.vector_load %arg5[%swap3A_613] {strides = array<i32>} : memref<8192xf32, #tpu.memory_space<vmem>>, vector<16xf32>,
    tpu.vector_store %arg5[%swap3A_613], %broadcast_in_dim3A_3 {strides = array<i32>} : memref<8192xf32, #tpu.memory_space<vmem>>, vector<16xf32>,
    %swap3A_615 = arith.constant 4896 : index
    %swap3A_616 = tpu.vector_load %arg5[%swap3A_615] {strides = array<i32>} : memref<8192xf32, #tpu.memory_space<vmem>>, vector<16xf32>,
    tpu.vector_store %arg5[%swap3A_615], %broadcast_in_dim3A_3 {strides = array<i32>} : memref<8192xf32, #tpu.memory_space<vmem>>, vector<16xf32>,
    %swap3A_617 = arith.constant 4912 : index
    %swap3A_618 = tpu.vector_load %arg5[%swap3A_617] {strides = array<i32>} : memref<8192xf32, #tpu.memory_space<vmem>>, vector<16xf32>,
    tpu.vector_store %arg5[%swap3A_617], %broadcast_in_dim3A_3 {strides = array<i32>} : memref<8192xf32, #tpu.memory_space<vmem>>, vector<16xf32>,
    %swap3A_619 = arith.constant 4928 : index
    %swap3A_620 = tpu.vector_load %arg5[%swap3A_619] {strides = array<i32>} : memref<8192xf32, #tpu.memory_space<vmem>>, vector<16xf32>,
    tpu.vector_store %arg5[%swap3A_619], %broadcast_in_dim3A_3 {strides = array<i32>} : memref<8192xf32, #tpu.memory_space<vmem>>, vector<16xf32>,
    %swap3A_621 = arith.constant 4944 : index
    %swap3A_622 = tpu.vector_load %arg5[%swap3A_621] {strides = array<i32>} : memref<8192xf32, #tpu.memory_space<vmem>>, vector<16xf32>,
    tpu.vector_store %arg5[%swap3A_621], %broadcast_in_dim3A_3 {strides = array<i32>} : memref<8192xf32, #tpu.memory_space<vmem>>, vector<16xf32>,
    %swap3A_623 = arith.constant 4960 : index
    %swap3A_624 = tpu.vector_load %arg5[%swap3A_623] {strides = array<i32>} : memref<8192xf32, #tpu.memory_space<vmem>>, vector<16xf32>,
    tpu.vector_store %arg5[%swap3A_623], %broadcast_in_dim3A_3 {strides = array<i32>} : memref<8192xf32, #tpu.memory_space<vmem>>, vector<16xf32>,
    %swap3A_625 = arith.constant 4976 : index
    %swap3A_626 = tpu.vector_load %arg5[%swap3A_625] {strides = array<i32>} : memref<8192xf32, #tpu.memory_space<vmem>>, vector<16xf32>,
    tpu.vector_store %arg5[%swap3A_625], %broadcast_in_dim3A_3 {strides = array<i32>} : memref<8192xf32, #tpu.memory_space<vmem>>, vector<16xf32>,
    %swap3A_627 = arith.constant 4992 : index
    %swap3A_628 = tpu.vector_load %arg5[%swap3A_627] {strides = array<i32>} : memref<8192xf32, #tpu.memory_space<vmem>>, vector<16xf32>,
    tpu.vector_store %arg5[%swap3A_627], %broadcast_in_dim3A_3 {strides = array<i32>} : memref<8192xf32, #tpu.memory_space<vmem>>, vector<16xf32>,
    %swap3A_629 = arith.constant 5008 : index
    %swap3A_630 = tpu.vector_load %arg5[%swap3A_629] {strides = array<i32>} : memref<8192xf32, #tpu.memory_space<vmem>>, vector<16xf32>,
    tpu.vector_store %arg5[%swap3A_629], %broadcast_in_dim3A_3 {strides = array<i32>} : memref<8192xf32, #tpu.memory_space<vmem>>, vector<16xf32>,
    %swap3A_631 = arith.constant 5024 : index
    %swap3A_632 = tpu.vector_load %arg5[%swap3A_631] {strides = array<i32>} : memref<8192xf32, #tpu.memory_space<vmem>>, vector<16xf32>,
    tpu.vector_store %arg5[%swap3A_631], %broadcast_in_dim3A_3 {strides = array<i32>} : memref<8192xf32, #tpu.memory_space<vmem>>, vector<16xf32>,
    %swap3A_633 = arith.constant 5040 : index
    %swap3A_634 = tpu.vector_load %arg5[%swap3A_633] {strides = array<i32>} : memref<8192xf32, #tpu.memory_space<vmem>>, vector<16xf32>,
    tpu.vector_store %arg5[%swap3A_633], %broadcast_in_dim3A_3 {strides = array<i32>} : memref<8192xf32, #tpu.memory_space<vmem>>, vector<16xf32>,
    %swap3A_635 = arith.constant 5056 : index
    %swap3A_636 = tpu.vector_load %arg5[%swap3A_635] {strides = array<i32>} : memref<8192xf32, #tpu.memory_space<vmem>>, vector<16xf32>,
    tpu.vector_store %arg5[%swap3A_635], %broadcast_in_dim3A_3 {strides = array<i32>} : memref<8192xf32, #tpu.memory_space<vmem>>, vector<16xf32>,
    %swap3A_637 = arith.constant 5072 : index
    %swap3A_638 = tpu.vector_load %arg5[%swap3A_637] {strides = array<i32>} : memref<8192xf32, #tpu.memory_space<vmem>>, vector<16xf32>,
    tpu.vector_store %arg5[%swap3A_637], %broadcast_in_dim3A_3 {strides = array<i32>} : memref<8192xf32, #tpu.memory_space<vmem>>, vector<16xf32>,
    %swap3A_639 = arith.constant 5088 : index
    %swap3A_640 = tpu.vector_load %arg5[%swap3A_639] {strides = array<i32>} : memref<8192xf32, #tpu.memory_space<vmem>>, vector<16xf32>,
    tpu.vector_store %arg5[%swap3A_639], %broadcast_in_dim3A_3 {strides = array<i32>} : memref<8192xf32, #tpu.memory_space<vmem>>, vector<16xf32>,
    %swap3A_641 = arith.constant 5104 : index
    %swap3A_642 = tpu.vector_load %arg5[%swap3A_641] {strides = array<i32>} : memref<8192xf32, #tpu.memory_space<vmem>>, vector<16xf32>,
    tpu.vector_store %arg5[%swap3A_641], %broadcast_in_dim3A_3 {strides = array<i32>} : memref<8192xf32, #tpu.memory_space<vmem>>, vector<16xf32>,
    %swap3A_643 = arith.constant 5120 : index
    %swap3A_644 = tpu.vector_load %arg5[%swap3A_643] {strides = array<i32>} : memref<8192xf32, #tpu.memory_space<vmem>>, vector<16xf32>,
    tpu.vector_store %arg5[%swap3A_643], %broadcast_in_dim3A_3 {strides = array<i32>} : memref<8192xf32, #tpu.memory_space<vmem>>, vector<16xf32>,
    %swap3A_645 = arith.constant 5136 : index
    %swap3A_646 = tpu.vector_load %arg5[%swap3A_645] {strides = array<i32>} : memref<8192xf32, #tpu.memory_space<vmem>>, vector<16xf32>,
    tpu.vector_store %arg5[%swap3A_645], %broadcast_in_dim3A_3 {strides = array<i32>} : memref<8192xf32, #tpu.memory_space<vmem>>, vector<16xf32>,
    %swap3A_647 = arith.constant 5152 : index
    %swap3A_648 = tpu.vector_load %arg5[%swap3A_647] {strides = array<i32>} : memref<8192xf32, #tpu.memory_space<vmem>>, vector<16xf32>,
    tpu.vector_store %arg5[%swap3A_647], %broadcast_in_dim3A_3 {strides = array<i32>} : memref<8192xf32, #tpu.memory_space<vmem>>, vector<16xf32>,
    %swap3A_649 = arith.constant 5168 : index
    %swap3A_650 = tpu.vector_load %arg5[%swap3A_649] {strides = array<i32>} : memref<8192xf32, #tpu.memory_space<vmem>>, vector<16xf32>,
    tpu.vector_store %arg5[%swap3A_649], %broadcast_in_dim3A_3 {strides = array<i32>} : memref<8192xf32, #tpu.memory_space<vmem>>, vector<16xf32>,
    %swap3A_651 = arith.constant 5184 : index
    %swap3A_652 = tpu.vector_load %arg5[%swap3A_651] {strides = array<i32>} : memref<8192xf32, #tpu.memory_space<vmem>>, vector<16xf32>,
    tpu.vector_store %arg5[%swap3A_651], %broadcast_in_dim3A_3 {strides = array<i32>} : memref<8192xf32, #tpu.memory_space<vmem>>, vector<16xf32>,
    %swap3A_653 = arith.constant 5200 : index
    %swap3A_654 = tpu.vector_load %arg5[%swap3A_653] {strides = array<i32>} : memref<8192xf32, #tpu.memory_space<vmem>>, vector<16xf32>,
    tpu.vector_store %arg5[%swap3A_653], %broadcast_in_dim3A_3 {strides = array<i32>} : memref<8192xf32, #tpu.memory_space<vmem>>, vector<16xf32>,
    %swap3A_655 = arith.constant 5216 : index
    %swap3A_656 = tpu.vector_load %arg5[%swap3A_655] {strides = array<i32>} : memref<8192xf32, #tpu.memory_space<vmem>>, vector<16xf32>,
    tpu.vector_store %arg5[%swap3A_655], %broadcast_in_dim3A_3 {strides = array<i32>} : memref<8192xf32, #tpu.memory_space<vmem>>, vector<16xf32>,
    %swap3A_657 = arith.constant 5232 : index
    %swap3A_658 = tpu.vector_load %arg5[%swap3A_657] {strides = array<i32>} : memref<8192xf32, #tpu.memory_space<vmem>>, vector<16xf32>,
    tpu.vector_store %arg5[%swap3A_657], %broadcast_in_dim3A_3 {strides = array<i32>} : memref<8192xf32, #tpu.memory_space<vmem>>, vector<16xf32>,
    %swap3A_659 = arith.constant 5248 : index
    %swap3A_660 = tpu.vector_load %arg5[%swap3A_659] {strides = array<i32>} : memref<8192xf32, #tpu.memory_space<vmem>>, vector<16xf32>,
    tpu.vector_store %arg5[%swap3A_659], %broadcast_in_dim3A_3 {strides = array<i32>} : memref<8192xf32, #tpu.memory_space<vmem>>, vector<16xf32>,
    %swap3A_661 = arith.constant 5264 : index
    %swap3A_662 = tpu.vector_load %arg5[%swap3A_661] {strides = array<i32>} : memref<8192xf32, #tpu.memory_space<vmem>>, vector<16xf32>,
    tpu.vector_store %arg5[%swap3A_661], %broadcast_in_dim3A_3 {strides = array<i32>} : memref<8192xf32, #tpu.memory_space<vmem>>, vector<16xf32>,
    %swap3A_663 = arith.constant 5280 : index
    %swap3A_664 = tpu.vector_load %arg5[%swap3A_663] {strides = array<i32>} : memref<8192xf32, #tpu.memory_space<vmem>>, vector<16xf32>,
    tpu.vector_store %arg5[%swap3A_663], %broadcast_in_dim3A_3 {strides = array<i32>} : memref<8192xf32, #tpu.memory_space<vmem>>, vector<16xf32>,
    %swap3A_665 = arith.constant 5296 : index
    %swap3A_666 = tpu.vector_load %arg5[%swap3A_665] {strides = array<i32>} : memref<8192xf32, #tpu.memory_space<vmem>>, vector<16xf32>,
    tpu.vector_store %arg5[%swap3A_665], %broadcast_in_dim3A_3 {strides = array<i32>} : memref<8192xf32, #tpu.memory_space<vmem>>, vector<16xf32>,
    %swap3A_667 = arith.constant 5312 : index
    %swap3A_668 = tpu.vector_load %arg5[%swap3A_667] {strides = array<i32>} : memref<8192xf32, #tpu.memory_space<vmem>>, vector<16xf32>,
    tpu.vector_store %arg5[%swap3A_667], %broadcast_in_dim3A_3 {strides = array<i32>} : memref<8192xf32, #tpu.memory_space<vmem>>, vector<16xf32>,
    %swap3A_669 = arith.constant 5328 : index
    %swap3A_670 = tpu.vector_load %arg5[%swap3A_669] {strides = array<i32>} : memref<8192xf32, #tpu.memory_space<vmem>>, vector<16xf32>,
    tpu.vector_store %arg5[%swap3A_669], %broadcast_in_dim3A_3 {strides = array<i32>} : memref<8192xf32, #tpu.memory_space<vmem>>, vector<16xf32>,
    %swap3A_671 = arith.constant 5344 : index
    %swap3A_672 = tpu.vector_load %arg5[%swap3A_671] {strides = array<i32>} : memref<8192xf32, #tpu.memory_space<vmem>>, vector<16xf32>,
    tpu.vector_store %arg5[%swap3A_671], %broadcast_in_dim3A_3 {strides = array<i32>} : memref<8192xf32, #tpu.memory_space<vmem>>, vector<16xf32>,
    %swap3A_673 = arith.constant 5360 : index
    %swap3A_674 = tpu.vector_load %arg5[%swap3A_673] {strides = array<i32>} : memref<8192xf32, #tpu.memory_space<vmem>>, vector<16xf32>,
    tpu.vector_store %arg5[%swap3A_673], %broadcast_in_dim3A_3 {strides = array<i32>} : memref<8192xf32, #tpu.memory_space<vmem>>, vector<16xf32>,
    %swap3A_675 = arith.constant 5376 : index
    %swap3A_676 = tpu.vector_load %arg5[%swap3A_675] {strides = array<i32>} : memref<8192xf32, #tpu.memory_space<vmem>>, vector<16xf32>,
    tpu.vector_store %arg5[%swap3A_675], %broadcast_in_dim3A_3 {strides = array<i32>} : memref<8192xf32, #tpu.memory_space<vmem>>, vector<16xf32>,
    %swap3A_677 = arith.constant 5392 : index
    %swap3A_678 = tpu.vector_load %arg5[%swap3A_677] {strides = array<i32>} : memref<8192xf32, #tpu.memory_space<vmem>>, vector<16xf32>,
    tpu.vector_store %arg5[%swap3A_677], %broadcast_in_dim3A_3 {strides = array<i32>} : memref<8192xf32, #tpu.memory_space<vmem>>, vector<16xf32>,
    %swap3A_679 = arith.constant 5408 : index
    %swap3A_680 = tpu.vector_load %arg5[%swap3A_679] {strides = array<i32>} : memref<8192xf32, #tpu.memory_space<vmem>>, vector<16xf32>,
    tpu.vector_store %arg5[%swap3A_679], %broadcast_in_dim3A_3 {strides = array<i32>} : memref<8192xf32, #tpu.memory_space<vmem>>, vector<16xf32>,
    %swap3A_681 = arith.constant 5424 : index
    %swap3A_682 = tpu.vector_load %arg5[%swap3A_681] {strides = array<i32>} : memref<8192xf32, #tpu.memory_space<vmem>>, vector<16xf32>,
    tpu.vector_store %arg5[%swap3A_681], %broadcast_in_dim3A_3 {strides = array<i32>} : memref<8192xf32, #tpu.memory_space<vmem>>, vector<16xf32>,
    %swap3A_683 = arith.constant 5440 : index
    %swap3A_684 = tpu.vector_load %arg5[%swap3A_683] {strides = array<i32>} : memref<8192xf32, #tpu.memory_space<vmem>>, vector<16xf32>,
    tpu.vector_store %arg5[%swap3A_683], %broadcast_in_dim3A_3 {strides = array<i32>} : memref<8192xf32, #tpu.memory_space<vmem>>, vector<16xf32>,
    %swap3A_685 = arith.constant 5456 : index
    %swap3A_686 = tpu.vector_load %arg5[%swap3A_685] {strides = array<i32>} : memref<8192xf32, #tpu.memory_space<vmem>>, vector<16xf32>,
    tpu.vector_store %arg5[%swap3A_685], %broadcast_in_dim3A_3 {strides = array<i32>} : memref<8192xf32, #tpu.memory_space<vmem>>, vector<16xf32>,
    %swap3A_687 = arith.constant 5472 : index
    %swap3A_688 = tpu.vector_load %arg5[%swap3A_687] {strides = array<i32>} : memref<8192xf32, #tpu.memory_space<vmem>>, vector<16xf32>,
    tpu.vector_store %arg5[%swap3A_687], %broadcast_in_dim3A_3 {strides = array<i32>} : memref<8192xf32, #tpu.memory_space<vmem>>, vector<16xf32>,
    %swap3A_689 = arith.constant 5488 : index
    %swap3A_690 = tpu.vector_load %arg5[%swap3A_689] {strides = array<i32>} : memref<8192xf32, #tpu.memory_space<vmem>>, vector<16xf32>,
    tpu.vector_store %arg5[%swap3A_689], %broadcast_in_dim3A_3 {strides = array<i32>} : memref<8192xf32, #tpu.memory_space<vmem>>, vector<16xf32>,
    %swap3A_691 = arith.constant 5504 : index
    %swap3A_692 = tpu.vector_load %arg5[%swap3A_691] {strides = array<i32>} : memref<8192xf32, #tpu.memory_space<vmem>>, vector<16xf32>,
    tpu.vector_store %arg5[%swap3A_691], %broadcast_in_dim3A_3 {strides = array<i32>} : memref<8192xf32, #tpu.memory_space<vmem>>, vector<16xf32>,
    %swap3A_693 = arith.constant 5520 : index
    %swap3A_694 = tpu.vector_load %arg5[%swap3A_693] {strides = array<i32>} : memref<8192xf32, #tpu.memory_space<vmem>>, vector<16xf32>,
    tpu.vector_store %arg5[%swap3A_693], %broadcast_in_dim3A_3 {strides = array<i32>} : memref<8192xf32, #tpu.memory_space<vmem>>, vector<16xf32>,
    %swap3A_695 = arith.constant 5536 : index
    %swap3A_696 = tpu.vector_load %arg5[%swap3A_695] {strides = array<i32>} : memref<8192xf32, #tpu.memory_space<vmem>>, vector<16xf32>,
    tpu.vector_store %arg5[%swap3A_695], %broadcast_in_dim3A_3 {strides = array<i32>} : memref<8192xf32, #tpu.memory_space<vmem>>, vector<16xf32>,
    %swap3A_697 = arith.constant 5552 : index
    %swap3A_698 = tpu.vector_load %arg5[%swap3A_697] {strides = array<i32>} : memref<8192xf32, #tpu.memory_space<vmem>>, vector<16xf32>,
    tpu.vector_store %arg5[%swap3A_697], %broadcast_in_dim3A_3 {strides = array<i32>} : memref<8192xf32, #tpu.memory_space<vmem>>, vector<16xf32>,
    %swap3A_699 = arith.constant 5568 : index
    %swap3A_700 = tpu.vector_load %arg5[%swap3A_699] {strides = array<i32>} : memref<8192xf32, #tpu.memory_space<vmem>>, vector<16xf32>,
    tpu.vector_store %arg5[%swap3A_699], %broadcast_in_dim3A_3 {strides = array<i32>} : memref<8192xf32, #tpu.memory_space<vmem>>, vector<16xf32>,
    %swap3A_701 = arith.constant 5584 : index
    %swap3A_702 = tpu.vector_load %arg5[%swap3A_701] {strides = array<i32>} : memref<8192xf32, #tpu.memory_space<vmem>>, vector<16xf32>,
    tpu.vector_store %arg5[%swap3A_701], %broadcast_in_dim3A_3 {strides = array<i32>} : memref<8192xf32, #tpu.memory_space<vmem>>, vector<16xf32>,
    %swap3A_703 = arith.constant 5600 : index
    %swap3A_704 = tpu.vector_load %arg5[%swap3A_703] {strides = array<i32>} : memref<8192xf32, #tpu.memory_space<vmem>>, vector<16xf32>,
    tpu.vector_store %arg5[%swap3A_703], %broadcast_in_dim3A_3 {strides = array<i32>} : memref<8192xf32, #tpu.memory_space<vmem>>, vector<16xf32>,
    %swap3A_705 = arith.constant 5616 : index
    %swap3A_706 = tpu.vector_load %arg5[%swap3A_705] {strides = array<i32>} : memref<8192xf32, #tpu.memory_space<vmem>>, vector<16xf32>,
    tpu.vector_store %arg5[%swap3A_705], %broadcast_in_dim3A_3 {strides = array<i32>} : memref<8192xf32, #tpu.memory_space<vmem>>, vector<16xf32>,
    %swap3A_707 = arith.constant 5632 : index
    %swap3A_708 = tpu.vector_load %arg5[%swap3A_707] {strides = array<i32>} : memref<8192xf32, #tpu.memory_space<vmem>>, vector<16xf32>,
    tpu.vector_store %arg5[%swap3A_707], %broadcast_in_dim3A_3 {strides = array<i32>} : memref<8192xf32, #tpu.memory_space<vmem>>, vector<16xf32>,
    %swap3A_709 = arith.constant 5648 : index
    %swap3A_710 = tpu.vector_load %arg5[%swap3A_709] {strides = array<i32>} : memref<8192xf32, #tpu.memory_space<vmem>>, vector<16xf32>,
    tpu.vector_store %arg5[%swap3A_709], %broadcast_in_dim3A_3 {strides = array<i32>} : memref<8192xf32, #tpu.memory_space<vmem>>, vector<16xf32>,
    %swap3A_711 = arith.constant 5664 : index
    %swap3A_712 = tpu.vector_load %arg5[%swap3A_711] {strides = array<i32>} : memref<8192xf32, #tpu.memory_space<vmem>>, vector<16xf32>,
    tpu.vector_store %arg5[%swap3A_711], %broadcast_in_dim3A_3 {strides = array<i32>} : memref<8192xf32, #tpu.memory_space<vmem>>, vector<16xf32>,
    %swap3A_713 = arith.constant 5680 : index
    %swap3A_714 = tpu.vector_load %arg5[%swap3A_713] {strides = array<i32>} : memref<8192xf32, #tpu.memory_space<vmem>>, vector<16xf32>,
    tpu.vector_store %arg5[%swap3A_713], %broadcast_in_dim3A_3 {strides = array<i32>} : memref<8192xf32, #tpu.memory_space<vmem>>, vector<16xf32>,
    %swap3A_715 = arith.constant 5696 : index
    %swap3A_716 = tpu.vector_load %arg5[%swap3A_715] {strides = array<i32>} : memref<8192xf32, #tpu.memory_space<vmem>>, vector<16xf32>,
    tpu.vector_store %arg5[%swap3A_715], %broadcast_in_dim3A_3 {strides = array<i32>} : memref<8192xf32, #tpu.memory_space<vmem>>, vector<16xf32>,
    %swap3A_717 = arith.constant 5712 : index
    %swap3A_718 = tpu.vector_load %arg5[%swap3A_717] {strides = array<i32>} : memref<8192xf32, #tpu.memory_space<vmem>>, vector<16xf32>,
    tpu.vector_store %arg5[%swap3A_717], %broadcast_in_dim3A_3 {strides = array<i32>} : memref<8192xf32, #tpu.memory_space<vmem>>, vector<16xf32>,
    %swap3A_719 = arith.constant 5728 : index
    %swap3A_720 = tpu.vector_load %arg5[%swap3A_719] {strides = array<i32>} : memref<8192xf32, #tpu.memory_space<vmem>>, vector<16xf32>,
    tpu.vector_store %arg5[%swap3A_719], %broadcast_in_dim3A_3 {strides = array<i32>} : memref<8192xf32, #tpu.memory_space<vmem>>, vector<16xf32>,
    %swap3A_721 = arith.constant 5744 : index
    %swap3A_722 = tpu.vector_load %arg5[%swap3A_721] {strides = array<i32>} : memref<8192xf32, #tpu.memory_space<vmem>>, vector<16xf32>,
    tpu.vector_store %arg5[%swap3A_721], %broadcast_in_dim3A_3 {strides = array<i32>} : memref<8192xf32, #tpu.memory_space<vmem>>, vector<16xf32>,
    %swap3A_723 = arith.constant 5760 : index
    %swap3A_724 = tpu.vector_load %arg5[%swap3A_723] {strides = array<i32>} : memref<8192xf32, #tpu.memory_space<vmem>>, vector<16xf32>,
    tpu.vector_store %arg5[%swap3A_723], %broadcast_in_dim3A_3 {strides = array<i32>} : memref<8192xf32, #tpu.memory_space<vmem>>, vector<16xf32>,
    %swap3A_725 = arith.constant 5776 : index
    %swap3A_726 = tpu.vector_load %arg5[%swap3A_725] {strides = array<i32>} : memref<8192xf32, #tpu.memory_space<vmem>>, vector<16xf32>,
    tpu.vector_store %arg5[%swap3A_725], %broadcast_in_dim3A_3 {strides = array<i32>} : memref<8192xf32, #tpu.memory_space<vmem>>, vector<16xf32>,
    %swap3A_727 = arith.constant 5792 : index
    %swap3A_728 = tpu.vector_load %arg5[%swap3A_727] {strides = array<i32>} : memref<8192xf32, #tpu.memory_space<vmem>>, vector<16xf32>,
    tpu.vector_store %arg5[%swap3A_727], %broadcast_in_dim3A_3 {strides = array<i32>} : memref<8192xf32, #tpu.memory_space<vmem>>, vector<16xf32>,
    %swap3A_729 = arith.constant 5808 : index
    %swap3A_730 = tpu.vector_load %arg5[%swap3A_729] {strides = array<i32>} : memref<8192xf32, #tpu.memory_space<vmem>>, vector<16xf32>,
    tpu.vector_store %arg5[%swap3A_729], %broadcast_in_dim3A_3 {strides = array<i32>} : memref<8192xf32, #tpu.memory_space<vmem>>, vector<16xf32>,
    %swap3A_731 = arith.constant 5824 : index
    %swap3A_732 = tpu.vector_load %arg5[%swap3A_731] {strides = array<i32>} : memref<8192xf32, #tpu.memory_space<vmem>>, vector<16xf32>,
    tpu.vector_store %arg5[%swap3A_731], %broadcast_in_dim3A_3 {strides = array<i32>} : memref<8192xf32, #tpu.memory_space<vmem>>, vector<16xf32>,
    %swap3A_733 = arith.constant 5840 : index
    %swap3A_734 = tpu.vector_load %arg5[%swap3A_733] {strides = array<i32>} : memref<8192xf32, #tpu.memory_space<vmem>>, vector<16xf32>,
    tpu.vector_store %arg5[%swap3A_733], %broadcast_in_dim3A_3 {strides = array<i32>} : memref<8192xf32, #tpu.memory_space<vmem>>, vector<16xf32>,
    %swap3A_735 = arith.constant 5856 : index
    %swap3A_736 = tpu.vector_load %arg5[%swap3A_735] {strides = array<i32>} : memref<8192xf32, #tpu.memory_space<vmem>>, vector<16xf32>,
    tpu.vector_store %arg5[%swap3A_735], %broadcast_in_dim3A_3 {strides = array<i32>} : memref<8192xf32, #tpu.memory_space<vmem>>, vector<16xf32>,
    %swap3A_737 = arith.constant 5872 : index
    %swap3A_738 = tpu.vector_load %arg5[%swap3A_737] {strides = array<i32>} : memref<8192xf32, #tpu.memory_space<vmem>>, vector<16xf32>,
    tpu.vector_store %arg5[%swap3A_737], %broadcast_in_dim3A_3 {strides = array<i32>} : memref<8192xf32, #tpu.memory_space<vmem>>, vector<16xf32>,
    %swap3A_739 = arith.constant 5888 : index
    %swap3A_740 = tpu.vector_load %arg5[%swap3A_739] {strides = array<i32>} : memref<8192xf32, #tpu.memory_space<vmem>>, vector<16xf32>,
    tpu.vector_store %arg5[%swap3A_739], %broadcast_in_dim3A_3 {strides = array<i32>} : memref<8192xf32, #tpu.memory_space<vmem>>, vector<16xf32>,
    %swap3A_741 = arith.constant 5904 : index
    %swap3A_742 = tpu.vector_load %arg5[%swap3A_741] {strides = array<i32>} : memref<8192xf32, #tpu.memory_space<vmem>>, vector<16xf32>,
    tpu.vector_store %arg5[%swap3A_741], %broadcast_in_dim3A_3 {strides = array<i32>} : memref<8192xf32, #tpu.memory_space<vmem>>, vector<16xf32>,
    %swap3A_743 = arith.constant 5920 : index
    %swap3A_744 = tpu.vector_load %arg5[%swap3A_743] {strides = array<i32>} : memref<8192xf32, #tpu.memory_space<vmem>>, vector<16xf32>,
    tpu.vector_store %arg5[%swap3A_743], %broadcast_in_dim3A_3 {strides = array<i32>} : memref<8192xf32, #tpu.memory_space<vmem>>, vector<16xf32>,
    %swap3A_745 = arith.constant 5936 : index
    %swap3A_746 = tpu.vector_load %arg5[%swap3A_745] {strides = array<i32>} : memref<8192xf32, #tpu.memory_space<vmem>>, vector<16xf32>,
    tpu.vector_store %arg5[%swap3A_745], %broadcast_in_dim3A_3 {strides = array<i32>} : memref<8192xf32, #tpu.memory_space<vmem>>, vector<16xf32>,
    %swap3A_747 = arith.constant 5952 : index
    %swap3A_748 = tpu.vector_load %arg5[%swap3A_747] {strides = array<i32>} : memref<8192xf32, #tpu.memory_space<vmem>>, vector<16xf32>,
    tpu.vector_store %arg5[%swap3A_747], %broadcast_in_dim3A_3 {strides = array<i32>} : memref<8192xf32, #tpu.memory_space<vmem>>, vector<16xf32>,
    %swap3A_749 = arith.constant 5968 : index
    %swap3A_750 = tpu.vector_load %arg5[%swap3A_749] {strides = array<i32>} : memref<8192xf32, #tpu.memory_space<vmem>>, vector<16xf32>,
    tpu.vector_store %arg5[%swap3A_749], %broadcast_in_dim3A_3 {strides = array<i32>} : memref<8192xf32, #tpu.memory_space<vmem>>, vector<16xf32>,
    %swap3A_751 = arith.constant 5984 : index
    %swap3A_752 = tpu.vector_load %arg5[%swap3A_751] {strides = array<i32>} : memref<8192xf32, #tpu.memory_space<vmem>>, vector<16xf32>,
    tpu.vector_store %arg5[%swap3A_751], %broadcast_in_dim3A_3 {strides = array<i32>} : memref<8192xf32, #tpu.memory_space<vmem>>, vector<16xf32>,
    %swap3A_753 = arith.constant 6000 : index
    %swap3A_754 = tpu.vector_load %arg5[%swap3A_753] {strides = array<i32>} : memref<8192xf32, #tpu.memory_space<vmem>>, vector<16xf32>,
    tpu.vector_store %arg5[%swap3A_753], %broadcast_in_dim3A_3 {strides = array<i32>} : memref<8192xf32, #tpu.memory_space<vmem>>, vector<16xf32>,
    %swap3A_755 = arith.constant 6016 : index
    %swap3A_756 = tpu.vector_load %arg5[%swap3A_755] {strides = array<i32>} : memref<8192xf32, #tpu.memory_space<vmem>>, vector<16xf32>,
    tpu.vector_store %arg5[%swap3A_755], %broadcast_in_dim3A_3 {strides = array<i32>} : memref<8192xf32, #tpu.memory_space<vmem>>, vector<16xf32>,
    %swap3A_757 = arith.constant 6032 : index
    %swap3A_758 = tpu.vector_load %arg5[%swap3A_757] {strides = array<i32>} : memref<8192xf32, #tpu.memory_space<vmem>>, vector<16xf32>,
    tpu.vector_store %arg5[%swap3A_757], %broadcast_in_dim3A_3 {strides = array<i32>} : memref<8192xf32, #tpu.memory_space<vmem>>, vector<16xf32>,
    %swap3A_759 = arith.constant 6048 : index
    %swap3A_760 = tpu.vector_load %arg5[%swap3A_759] {strides = array<i32>} : memref<8192xf32, #tpu.memory_space<vmem>>, vector<16xf32>,
    tpu.vector_store %arg5[%swap3A_759], %broadcast_in_dim3A_3 {strides = array<i32>} : memref<8192xf32, #tpu.memory_space<vmem>>, vector<16xf32>,
    %swap3A_761 = arith.constant 6064 : index
    %swap3A_762 = tpu.vector_load %arg5[%swap3A_761] {strides = array<i32>} : memref<8192xf32, #tpu.memory_space<vmem>>, vector<16xf32>,
    tpu.vector_store %arg5[%swap3A_761], %broadcast_in_dim3A_3 {strides = array<i32>} : memref<8192xf32, #tpu.memory_space<vmem>>, vector<16xf32>,
    %swap3A_763 = arith.constant 6080 : index
    %swap3A_764 = tpu.vector_load %arg5[%swap3A_763] {strides = array<i32>} : memref<8192xf32, #tpu.memory_space<vmem>>, vector<16xf32>,
    tpu.vector_store %arg5[%swap3A_763], %broadcast_in_dim3A_3 {strides = array<i32>} : memref<8192xf32, #tpu.memory_space<vmem>>, vector<16xf32>,
    %swap3A_765 = arith.constant 6096 : index
    %swap3A_766 = tpu.vector_load %arg5[%swap3A_765] {strides = array<i32>} : memref<8192xf32, #tpu.memory_space<vmem>>, vector<16xf32>,
    tpu.vector_store %arg5[%swap3A_765], %broadcast_in_dim3A_3 {strides = array<i32>} : memref<8192xf32, #tpu.memory_space<vmem>>, vector<16xf32>,
    %swap3A_767 = arith.constant 6112 : index
    %swap3A_768 = tpu.vector_load %arg5[%swap3A_767] {strides = array<i32>} : memref<8192xf32, #tpu.memory_space<vmem>>, vector<16xf32>,
    tpu.vector_store %arg5[%swap3A_767], %broadcast_in_dim3A_3 {strides = array<i32>} : memref<8192xf32, #tpu.memory_space<vmem>>, vector<16xf32>,
    %swap3A_769 = arith.constant 6128 : index
    %swap3A_770 = tpu.vector_load %arg5[%swap3A_769] {strides = array<i32>} : memref<8192xf32, #tpu.memory_space<vmem>>, vector<16xf32>,
    tpu.vector_store %arg5[%swap3A_769], %broadcast_in_dim3A_3 {strides = array<i32>} : memref<8192xf32, #tpu.memory_space<vmem>>, vector<16xf32>,
    %swap3A_771 = arith.constant 6144 : index
    %swap3A_772 = tpu.vector_load %arg5[%swap3A_771] {strides = array<i32>} : memref<8192xf32, #tpu.memory_space<vmem>>, vector<16xf32>,
    tpu.vector_store %arg5[%swap3A_771], %broadcast_in_dim3A_3 {strides = array<i32>} : memref<8192xf32, #tpu.memory_space<vmem>>, vector<16xf32>,
    %swap3A_773 = arith.constant 6160 : index
    %swap3A_774 = tpu.vector_load %arg5[%swap3A_773] {strides = array<i32>} : memref<8192xf32, #tpu.memory_space<vmem>>, vector<16xf32>,
    tpu.vector_store %arg5[%swap3A_773], %broadcast_in_dim3A_3 {strides = array<i32>} : memref<8192xf32, #tpu.memory_space<vmem>>, vector<16xf32>,
    %swap3A_775 = arith.constant 6176 : index
    %swap3A_776 = tpu.vector_load %arg5[%swap3A_775] {strides = array<i32>} : memref<8192xf32, #tpu.memory_space<vmem>>, vector<16xf32>,
    tpu.vector_store %arg5[%swap3A_775], %broadcast_in_dim3A_3 {strides = array<i32>} : memref<8192xf32, #tpu.memory_space<vmem>>, vector<16xf32>,
    %swap3A_777 = arith.constant 6192 : index
    %swap3A_778 = tpu.vector_load %arg5[%swap3A_777] {strides = array<i32>} : memref<8192xf32, #tpu.memory_space<vmem>>, vector<16xf32>,
    tpu.vector_store %arg5[%swap3A_777], %broadcast_in_dim3A_3 {strides = array<i32>} : memref<8192xf32, #tpu.memory_space<vmem>>, vector<16xf32>,
    %swap3A_779 = arith.constant 6208 : index
    %swap3A_780 = tpu.vector_load %arg5[%swap3A_779] {strides = array<i32>} : memref<8192xf32, #tpu.memory_space<vmem>>, vector<16xf32>,
    tpu.vector_store %arg5[%swap3A_779], %broadcast_in_dim3A_3 {strides = array<i32>} : memref<8192xf32, #tpu.memory_space<vmem>>, vector<16xf32>,
    %swap3A_781 = arith.constant 6224 : index
    %swap3A_782 = tpu.vector_load %arg5[%swap3A_781] {strides = array<i32>} : memref<8192xf32, #tpu.memory_space<vmem>>, vector<16xf32>,
    tpu.vector_store %arg5[%swap3A_781], %broadcast_in_dim3A_3 {strides = array<i32>} : memref<8192xf32, #tpu.memory_space<vmem>>, vector<16xf32>,
    %swap3A_783 = arith.constant 6240 : index
    %swap3A_784 = tpu.vector_load %arg5[%swap3A_783] {strides = array<i32>} : memref<8192xf32, #tpu.memory_space<vmem>>, vector<16xf32>,
    tpu.vector_store %arg5[%swap3A_783], %broadcast_in_dim3A_3 {strides = array<i32>} : memref<8192xf32, #tpu.memory_space<vmem>>, vector<16xf32>,
    %swap3A_785 = arith.constant 6256 : index
    %swap3A_786 = tpu.vector_load %arg5[%swap3A_785] {strides = array<i32>} : memref<8192xf32, #tpu.memory_space<vmem>>, vector<16xf32>,
    tpu.vector_store %arg5[%swap3A_785], %broadcast_in_dim3A_3 {strides = array<i32>} : memref<8192xf32, #tpu.memory_space<vmem>>, vector<16xf32>,
    %swap3A_787 = arith.constant 6272 : index
    %swap3A_788 = tpu.vector_load %arg5[%swap3A_787] {strides = array<i32>} : memref<8192xf32, #tpu.memory_space<vmem>>, vector<16xf32>,
    tpu.vector_store %arg5[%swap3A_787], %broadcast_in_dim3A_3 {strides = array<i32>} : memref<8192xf32, #tpu.memory_space<vmem>>, vector<16xf32>,
    %swap3A_789 = arith.constant 6288 : index
    %swap3A_790 = tpu.vector_load %arg5[%swap3A_789] {strides = array<i32>} : memref<8192xf32, #tpu.memory_space<vmem>>, vector<16xf32>,
    tpu.vector_store %arg5[%swap3A_789], %broadcast_in_dim3A_3 {strides = array<i32>} : memref<8192xf32, #tpu.memory_space<vmem>>, vector<16xf32>,
    %swap3A_791 = arith.constant 6304 : index
    %swap3A_792 = tpu.vector_load %arg5[%swap3A_791] {strides = array<i32>} : memref<8192xf32, #tpu.memory_space<vmem>>, vector<16xf32>,
    tpu.vector_store %arg5[%swap3A_791], %broadcast_in_dim3A_3 {strides = array<i32>} : memref<8192xf32, #tpu.memory_space<vmem>>, vector<16xf32>,
    %swap3A_793 = arith.constant 6320 : index
    %swap3A_794 = tpu.vector_load %arg5[%swap3A_793] {strides = array<i32>} : memref<8192xf32, #tpu.memory_space<vmem>>, vector<16xf32>,
    tpu.vector_store %arg5[%swap3A_793], %broadcast_in_dim3A_3 {strides = array<i32>} : memref<8192xf32, #tpu.memory_space<vmem>>, vector<16xf32>,
    %swap3A_795 = arith.constant 6336 : index
    %swap3A_796 = tpu.vector_load %arg5[%swap3A_795] {strides = array<i32>} : memref<8192xf32, #tpu.memory_space<vmem>>, vector<16xf32>,
    tpu.vector_store %arg5[%swap3A_795], %broadcast_in_dim3A_3 {strides = array<i32>} : memref<8192xf32, #tpu.memory_space<vmem>>, vector<16xf32>,
    %swap3A_797 = arith.constant 6352 : index
    %swap3A_798 = tpu.vector_load %arg5[%swap3A_797] {strides = array<i32>} : memref<8192xf32, #tpu.memory_space<vmem>>, vector<16xf32>,
    tpu.vector_store %arg5[%swap3A_797], %broadcast_in_dim3A_3 {strides = array<i32>} : memref<8192xf32, #tpu.memory_space<vmem>>, vector<16xf32>,
    %swap3A_799 = arith.constant 6368 : index
    %swap3A_800 = tpu.vector_load %arg5[%swap3A_799] {strides = array<i32>} : memref<8192xf32, #tpu.memory_space<vmem>>, vector<16xf32>,
    tpu.vector_store %arg5[%swap3A_799], %broadcast_in_dim3A_3 {strides = array<i32>} : memref<8192xf32, #tpu.memory_space<vmem>>, vector<16xf32>,
    %swap3A_801 = arith.constant 6384 : index
    %swap3A_802 = tpu.vector_load %arg5[%swap3A_801] {strides = array<i32>} : memref<8192xf32, #tpu.memory_space<vmem>>, vector<16xf32>,
    tpu.vector_store %arg5[%swap3A_801], %broadcast_in_dim3A_3 {strides = array<i32>} : memref<8192xf32, #tpu.memory_space<vmem>>, vector<16xf32>,
    %swap3A_803 = arith.constant 6400 : index
    %swap3A_804 = tpu.vector_load %arg5[%swap3A_803] {strides = array<i32>} : memref<8192xf32, #tpu.memory_space<vmem>>, vector<16xf32>,
    tpu.vector_store %arg5[%swap3A_803], %broadcast_in_dim3A_3 {strides = array<i32>} : memref<8192xf32, #tpu.memory_space<vmem>>, vector<16xf32>,
    %swap3A_805 = arith.constant 6416 : index
    %swap3A_806 = tpu.vector_load %arg5[%swap3A_805] {strides = array<i32>} : memref<8192xf32, #tpu.memory_space<vmem>>, vector<16xf32>,
    tpu.vector_store %arg5[%swap3A_805], %broadcast_in_dim3A_3 {strides = array<i32>} : memref<8192xf32, #tpu.memory_space<vmem>>, vector<16xf32>,
    %swap3A_807 = arith.constant 6432 : index
    %swap3A_808 = tpu.vector_load %arg5[%swap3A_807] {strides = array<i32>} : memref<8192xf32, #tpu.memory_space<vmem>>, vector<16xf32>,
    tpu.vector_store %arg5[%swap3A_807], %broadcast_in_dim3A_3 {strides = array<i32>} : memref<8192xf32, #tpu.memory_space<vmem>>, vector<16xf32>,
    %swap3A_809 = arith.constant 6448 : index
    %swap3A_810 = tpu.vector_load %arg5[%swap3A_809] {strides = array<i32>} : memref<8192xf32, #tpu.memory_space<vmem>>, vector<16xf32>,
    tpu.vector_store %arg5[%swap3A_809], %broadcast_in_dim3A_3 {strides = array<i32>} : memref<8192xf32, #tpu.memory_space<vmem>>, vector<16xf32>,
    %swap3A_811 = arith.constant 6464 : index
    %swap3A_812 = tpu.vector_load %arg5[%swap3A_811] {strides = array<i32>} : memref<8192xf32, #tpu.memory_space<vmem>>, vector<16xf32>,
    tpu.vector_store %arg5[%swap3A_811], %broadcast_in_dim3A_3 {strides = array<i32>} : memref<8192xf32, #tpu.memory_space<vmem>>, vector<16xf32>,
    %swap3A_813 = arith.constant 6480 : index
    %swap3A_814 = tpu.vector_load %arg5[%swap3A_813] {strides = array<i32>} : memref<8192xf32, #tpu.memory_space<vmem>>, vector<16xf32>,
    tpu.vector_store %arg5[%swap3A_813], %broadcast_in_dim3A_3 {strides = array<i32>} : memref<8192xf32, #tpu.memory_space<vmem>>, vector<16xf32>,
    %swap3A_815 = arith.constant 6496 : index
    %swap3A_816 = tpu.vector_load %arg5[%swap3A_815] {strides = array<i32>} : memref<8192xf32, #tpu.memory_space<vmem>>, vector<16xf32>,
    tpu.vector_store %arg5[%swap3A_815], %broadcast_in_dim3A_3 {strides = array<i32>} : memref<8192xf32, #tpu.memory_space<vmem>>, vector<16xf32>,
    %swap3A_817 = arith.constant 6512 : index
    %swap3A_818 = tpu.vector_load %arg5[%swap3A_817] {strides = array<i32>} : memref<8192xf32, #tpu.memory_space<vmem>>, vector<16xf32>,
    tpu.vector_store %arg5[%swap3A_817], %broadcast_in_dim3A_3 {strides = array<i32>} : memref<8192xf32, #tpu.memory_space<vmem>>, vector<16xf32>,
    %swap3A_819 = arith.constant 6528 : index
    %swap3A_820 = tpu.vector_load %arg5[%swap3A_819] {strides = array<i32>} : memref<8192xf32, #tpu.memory_space<vmem>>, vector<16xf32>,
    tpu.vector_store %arg5[%swap3A_819], %broadcast_in_dim3A_3 {strides = array<i32>} : memref<8192xf32, #tpu.memory_space<vmem>>, vector<16xf32>,
    %swap3A_821 = arith.constant 6544 : index
    %swap3A_822 = tpu.vector_load %arg5[%swap3A_821] {strides = array<i32>} : memref<8192xf32, #tpu.memory_space<vmem>>, vector<16xf32>,
    tpu.vector_store %arg5[%swap3A_821], %broadcast_in_dim3A_3 {strides = array<i32>} : memref<8192xf32, #tpu.memory_space<vmem>>, vector<16xf32>,
    %swap3A_823 = arith.constant 6560 : index
    %swap3A_824 = tpu.vector_load %arg5[%swap3A_823] {strides = array<i32>} : memref<8192xf32, #tpu.memory_space<vmem>>, vector<16xf32>,
    tpu.vector_store %arg5[%swap3A_823], %broadcast_in_dim3A_3 {strides = array<i32>} : memref<8192xf32, #tpu.memory_space<vmem>>, vector<16xf32>,
    %swap3A_825 = arith.constant 6576 : index
    %swap3A_826 = tpu.vector_load %arg5[%swap3A_825] {strides = array<i32>} : memref<8192xf32, #tpu.memory_space<vmem>>, vector<16xf32>,
    tpu.vector_store %arg5[%swap3A_825], %broadcast_in_dim3A_3 {strides = array<i32>} : memref<8192xf32, #tpu.memory_space<vmem>>, vector<16xf32>,
    %swap3A_827 = arith.constant 6592 : index
    %swap3A_828 = tpu.vector_load %arg5[%swap3A_827] {strides = array<i32>} : memref<8192xf32, #tpu.memory_space<vmem>>, vector<16xf32>,
    tpu.vector_store %arg5[%swap3A_827], %broadcast_in_dim3A_3 {strides = array<i32>} : memref<8192xf32, #tpu.memory_space<vmem>>, vector<16xf32>,
    %swap3A_829 = arith.constant 6608 : index
    %swap3A_830 = tpu.vector_load %arg5[%swap3A_829] {strides = array<i32>} : memref<8192xf32, #tpu.memory_space<vmem>>, vector<16xf32>,
    tpu.vector_store %arg5[%swap3A_829], %broadcast_in_dim3A_3 {strides = array<i32>} : memref<8192xf32, #tpu.memory_space<vmem>>, vector<16xf32>,
    %swap3A_831 = arith.constant 6624 : index
    %swap3A_832 = tpu.vector_load %arg5[%swap3A_831] {strides = array<i32>} : memref<8192xf32, #tpu.memory_space<vmem>>, vector<16xf32>,
    tpu.vector_store %arg5[%swap3A_831], %broadcast_in_dim3A_3 {strides = array<i32>} : memref<8192xf32, #tpu.memory_space<vmem>>, vector<16xf32>,
    %swap3A_833 = arith.constant 6640 : index
    %swap3A_834 = tpu.vector_load %arg5[%swap3A_833] {strides = array<i32>} : memref<8192xf32, #tpu.memory_space<vmem>>, vector<16xf32>,
    tpu.vector_store %arg5[%swap3A_833], %broadcast_in_dim3A_3 {strides = array<i32>} : memref<8192xf32, #tpu.memory_space<vmem>>, vector<16xf32>,
    %swap3A_835 = arith.constant 6656 : index
    %swap3A_836 = tpu.vector_load %arg5[%swap3A_835] {strides = array<i32>} : memref<8192xf32, #tpu.memory_space<vmem>>, vector<16xf32>,
    tpu.vector_store %arg5[%swap3A_835], %broadcast_in_dim3A_3 {strides = array<i32>} : memref<8192xf32, #tpu.memory_space<vmem>>, vector<16xf32>,
    %swap3A_837 = arith.constant 6672 : index
    %swap3A_838 = tpu.vector_load %arg5[%swap3A_837] {strides = array<i32>} : memref<8192xf32, #tpu.memory_space<vmem>>, vector<16xf32>,
    tpu.vector_store %arg5[%swap3A_837], %broadcast_in_dim3A_3 {strides = array<i32>} : memref<8192xf32, #tpu.memory_space<vmem>>, vector<16xf32>,
    %swap3A_839 = arith.constant 6688 : index
    %swap3A_840 = tpu.vector_load %arg5[%swap3A_839] {strides = array<i32>} : memref<8192xf32, #tpu.memory_space<vmem>>, vector<16xf32>,
    tpu.vector_store %arg5[%swap3A_839], %broadcast_in_dim3A_3 {strides = array<i32>} : memref<8192xf32, #tpu.memory_space<vmem>>, vector<16xf32>,
    %swap3A_841 = arith.constant 6704 : index
    %swap3A_842 = tpu.vector_load %arg5[%swap3A_841] {strides = array<i32>} : memref<8192xf32, #tpu.memory_space<vmem>>, vector<16xf32>,
    tpu.vector_store %arg5[%swap3A_841], %broadcast_in_dim3A_3 {strides = array<i32>} : memref<8192xf32, #tpu.memory_space<vmem>>, vector<16xf32>,
    %swap3A_843 = arith.constant 6720 : index
    %swap3A_844 = tpu.vector_load %arg5[%swap3A_843] {strides = array<i32>} : memref<8192xf32, #tpu.memory_space<vmem>>, vector<16xf32>,
    tpu.vector_store %arg5[%swap3A_843], %broadcast_in_dim3A_3 {strides = array<i32>} : memref<8192xf32, #tpu.memory_space<vmem>>, vector<16xf32>,
    %swap3A_845 = arith.constant 6736 : index
    %swap3A_846 = tpu.vector_load %arg5[%swap3A_845] {strides = array<i32>} : memref<8192xf32, #tpu.memory_space<vmem>>, vector<16xf32>,
    tpu.vector_store %arg5[%swap3A_845], %broadcast_in_dim3A_3 {strides = array<i32>} : memref<8192xf32, #tpu.memory_space<vmem>>, vector<16xf32>,
    %swap3A_847 = arith.constant 6752 : index
    %swap3A_848 = tpu.vector_load %arg5[%swap3A_847] {strides = array<i32>} : memref<8192xf32, #tpu.memory_space<vmem>>, vector<16xf32>,
    tpu.vector_store %arg5[%swap3A_847], %broadcast_in_dim3A_3 {strides = array<i32>} : memref<8192xf32, #tpu.memory_space<vmem>>, vector<16xf32>,
    %swap3A_849 = arith.constant 6768 : index
    %swap3A_850 = tpu.vector_load %arg5[%swap3A_849] {strides = array<i32>} : memref<8192xf32, #tpu.memory_space<vmem>>, vector<16xf32>,
    tpu.vector_store %arg5[%swap3A_849], %broadcast_in_dim3A_3 {strides = array<i32>} : memref<8192xf32, #tpu.memory_space<vmem>>, vector<16xf32>,
    %swap3A_851 = arith.constant 6784 : index
    %swap3A_852 = tpu.vector_load %arg5[%swap3A_851] {strides = array<i32>} : memref<8192xf32, #tpu.memory_space<vmem>>, vector<16xf32>,
    tpu.vector_store %arg5[%swap3A_851], %broadcast_in_dim3A_3 {strides = array<i32>} : memref<8192xf32, #tpu.memory_space<vmem>>, vector<16xf32>,
    %swap3A_853 = arith.constant 6800 : index
    %swap3A_854 = tpu.vector_load %arg5[%swap3A_853] {strides = array<i32>} : memref<8192xf32, #tpu.memory_space<vmem>>, vector<16xf32>,
    tpu.vector_store %arg5[%swap3A_853], %broadcast_in_dim3A_3 {strides = array<i32>} : memref<8192xf32, #tpu.memory_space<vmem>>, vector<16xf32>,
    %swap3A_855 = arith.constant 6816 : index
    %swap3A_856 = tpu.vector_load %arg5[%swap3A_855] {strides = array<i32>} : memref<8192xf32, #tpu.memory_space<vmem>>, vector<16xf32>,
    tpu.vector_store %arg5[%swap3A_855], %broadcast_in_dim3A_3 {strides = array<i32>} : memref<8192xf32, #tpu.memory_space<vmem>>, vector<16xf32>,
    %swap3A_857 = arith.constant 6832 : index
    %swap3A_858 = tpu.vector_load %arg5[%swap3A_857] {strides = array<i32>} : memref<8192xf32, #tpu.memory_space<vmem>>, vector<16xf32>,
    tpu.vector_store %arg5[%swap3A_857], %broadcast_in_dim3A_3 {strides = array<i32>} : memref<8192xf32, #tpu.memory_space<vmem>>, vector<16xf32>,
    %swap3A_859 = arith.constant 6848 : index
    %swap3A_860 = tpu.vector_load %arg5[%swap3A_859] {strides = array<i32>} : memref<8192xf32, #tpu.memory_space<vmem>>, vector<16xf32>,
    tpu.vector_store %arg5[%swap3A_859], %broadcast_in_dim3A_3 {strides = array<i32>} : memref<8192xf32, #tpu.memory_space<vmem>>, vector<16xf32>,
    %swap3A_861 = arith.constant 6864 : index
    %swap3A_862 = tpu.vector_load %arg5[%swap3A_861] {strides = array<i32>} : memref<8192xf32, #tpu.memory_space<vmem>>, vector<16xf32>,
    tpu.vector_store %arg5[%swap3A_861], %broadcast_in_dim3A_3 {strides = array<i32>} : memref<8192xf32, #tpu.memory_space<vmem>>, vector<16xf32>,
    %swap3A_863 = arith.constant 6880 : index
    %swap3A_864 = tpu.vector_load %arg5[%swap3A_863] {strides = array<i32>} : memref<8192xf32, #tpu.memory_space<vmem>>, vector<16xf32>,
    tpu.vector_store %arg5[%swap3A_863], %broadcast_in_dim3A_3 {strides = array<i32>} : memref<8192xf32, #tpu.memory_space<vmem>>, vector<16xf32>,
    %swap3A_865 = arith.constant 6896 : index
    %swap3A_866 = tpu.vector_load %arg5[%swap3A_865] {strides = array<i32>} : memref<8192xf32, #tpu.memory_space<vmem>>, vector<16xf32>,
    tpu.vector_store %arg5[%swap3A_865], %broadcast_in_dim3A_3 {strides = array<i32>} : memref<8192xf32, #tpu.memory_space<vmem>>, vector<16xf32>,
    %swap3A_867 = arith.constant 6912 : index
    %swap3A_868 = tpu.vector_load %arg5[%swap3A_867] {strides = array<i32>} : memref<8192xf32, #tpu.memory_space<vmem>>, vector<16xf32>,
    tpu.vector_store %arg5[%swap3A_867], %broadcast_in_dim3A_3 {strides = array<i32>} : memref<8192xf32, #tpu.memory_space<vmem>>, vector<16xf32>,
    %swap3A_869 = arith.constant 6928 : index
    %swap3A_870 = tpu.vector_load %arg5[%swap3A_869] {strides = array<i32>} : memref<8192xf32, #tpu.memory_space<vmem>>, vector<16xf32>,
    tpu.vector_store %arg5[%swap3A_869], %broadcast_in_dim3A_3 {strides = array<i32>} : memref<8192xf32, #tpu.memory_space<vmem>>, vector<16xf32>,
    %swap3A_871 = arith.constant 6944 : index
    %swap3A_872 = tpu.vector_load %arg5[%swap3A_871] {strides = array<i32>} : memref<8192xf32, #tpu.memory_space<vmem>>, vector<16xf32>,
    tpu.vector_store %arg5[%swap3A_871], %broadcast_in_dim3A_3 {strides = array<i32>} : memref<8192xf32, #tpu.memory_space<vmem>>, vector<16xf32>,
    %swap3A_873 = arith.constant 6960 : index
    %swap3A_874 = tpu.vector_load %arg5[%swap3A_873] {strides = array<i32>} : memref<8192xf32, #tpu.memory_space<vmem>>, vector<16xf32>,
    tpu.vector_store %arg5[%swap3A_873], %broadcast_in_dim3A_3 {strides = array<i32>} : memref<8192xf32, #tpu.memory_space<vmem>>, vector<16xf32>,
    %swap3A_875 = arith.constant 6976 : index
    %swap3A_876 = tpu.vector_load %arg5[%swap3A_875] {strides = array<i32>} : memref<8192xf32, #tpu.memory_space<vmem>>, vector<16xf32>,
    tpu.vector_store %arg5[%swap3A_875], %broadcast_in_dim3A_3 {strides = array<i32>} : memref<8192xf32, #tpu.memory_space<vmem>>, vector<16xf32>,
    %swap3A_877 = arith.constant 6992 : index
    %swap3A_878 = tpu.vector_load %arg5[%swap3A_877] {strides = array<i32>} : memref<8192xf32, #tpu.memory_space<vmem>>, vector<16xf32>,
    tpu.vector_store %arg5[%swap3A_877], %broadcast_in_dim3A_3 {strides = array<i32>} : memref<8192xf32, #tpu.memory_space<vmem>>, vector<16xf32>,
    %swap3A_879 = arith.constant 7008 : index
    %swap3A_880 = tpu.vector_load %arg5[%swap3A_879] {strides = array<i32>} : memref<8192xf32, #tpu.memory_space<vmem>>, vector<16xf32>,
    tpu.vector_store %arg5[%swap3A_879], %broadcast_in_dim3A_3 {strides = array<i32>} : memref<8192xf32, #tpu.memory_space<vmem>>, vector<16xf32>,
    %swap3A_881 = arith.constant 7024 : index
    %swap3A_882 = tpu.vector_load %arg5[%swap3A_881] {strides = array<i32>} : memref<8192xf32, #tpu.memory_space<vmem>>, vector<16xf32>,
    tpu.vector_store %arg5[%swap3A_881], %broadcast_in_dim3A_3 {strides = array<i32>} : memref<8192xf32, #tpu.memory_space<vmem>>, vector<16xf32>,
    %swap3A_883 = arith.constant 7040 : index
    %swap3A_884 = tpu.vector_load %arg5[%swap3A_883] {strides = array<i32>} : memref<8192xf32, #tpu.memory_space<vmem>>, vector<16xf32>,
    tpu.vector_store %arg5[%swap3A_883], %broadcast_in_dim3A_3 {strides = array<i32>} : memref<8192xf32, #tpu.memory_space<vmem>>, vector<16xf32>,
    %swap3A_885 = arith.constant 7056 : index
    %swap3A_886 = tpu.vector_load %arg5[%swap3A_885] {strides = array<i32>} : memref<8192xf32, #tpu.memory_space<vmem>>, vector<16xf32>,
    tpu.vector_store %arg5[%swap3A_885], %broadcast_in_dim3A_3 {strides = array<i32>} : memref<8192xf32, #tpu.memory_space<vmem>>, vector<16xf32>,
    %swap3A_887 = arith.constant 7072 : index
    %swap3A_888 = tpu.vector_load %arg5[%swap3A_887] {strides = array<i32>} : memref<8192xf32, #tpu.memory_space<vmem>>, vector<16xf32>,
    tpu.vector_store %arg5[%swap3A_887], %broadcast_in_dim3A_3 {strides = array<i32>} : memref<8192xf32, #tpu.memory_space<vmem>>, vector<16xf32>,
    %swap3A_889 = arith.constant 7088 : index
    %swap3A_890 = tpu.vector_load %arg5[%swap3A_889] {strides = array<i32>} : memref<8192xf32, #tpu.memory_space<vmem>>, vector<16xf32>,
    tpu.vector_store %arg5[%swap3A_889], %broadcast_in_dim3A_3 {strides = array<i32>} : memref<8192xf32, #tpu.memory_space<vmem>>, vector<16xf32>,
    %swap3A_891 = arith.constant 7104 : index
    %swap3A_892 = tpu.vector_load %arg5[%swap3A_891] {strides = array<i32>} : memref<8192xf32, #tpu.memory_space<vmem>>, vector<16xf32>,
    tpu.vector_store %arg5[%swap3A_891], %broadcast_in_dim3A_3 {strides = array<i32>} : memref<8192xf32, #tpu.memory_space<vmem>>, vector<16xf32>,
    %swap3A_893 = arith.constant 7120 : index
    %swap3A_894 = tpu.vector_load %arg5[%swap3A_893] {strides = array<i32>} : memref<8192xf32, #tpu.memory_space<vmem>>, vector<16xf32>,
    tpu.vector_store %arg5[%swap3A_893], %broadcast_in_dim3A_3 {strides = array<i32>} : memref<8192xf32, #tpu.memory_space<vmem>>, vector<16xf32>,
    %swap3A_895 = arith.constant 7136 : index
    %swap3A_896 = tpu.vector_load %arg5[%swap3A_895] {strides = array<i32>} : memref<8192xf32, #tpu.memory_space<vmem>>, vector<16xf32>,
    tpu.vector_store %arg5[%swap3A_895], %broadcast_in_dim3A_3 {strides = array<i32>} : memref<8192xf32, #tpu.memory_space<vmem>>, vector<16xf32>,
    %swap3A_897 = arith.constant 7152 : index
    %swap3A_898 = tpu.vector_load %arg5[%swap3A_897] {strides = array<i32>} : memref<8192xf32, #tpu.memory_space<vmem>>, vector<16xf32>,
    tpu.vector_store %arg5[%swap3A_897], %broadcast_in_dim3A_3 {strides = array<i32>} : memref<8192xf32, #tpu.memory_space<vmem>>, vector<16xf32>,
    %swap3A_899 = arith.constant 7168 : index
    %swap3A_900 = tpu.vector_load %arg5[%swap3A_899] {strides = array<i32>} : memref<8192xf32, #tpu.memory_space<vmem>>, vector<16xf32>,
    tpu.vector_store %arg5[%swap3A_899], %broadcast_in_dim3A_3 {strides = array<i32>} : memref<8192xf32, #tpu.memory_space<vmem>>, vector<16xf32>,
    %swap3A_901 = arith.constant 7184 : index
    %swap3A_902 = tpu.vector_load %arg5[%swap3A_901] {strides = array<i32>} : memref<8192xf32, #tpu.memory_space<vmem>>, vector<16xf32>,
    tpu.vector_store %arg5[%swap3A_901], %broadcast_in_dim3A_3 {strides = array<i32>} : memref<8192xf32, #tpu.memory_space<vmem>>, vector<16xf32>,
    %swap3A_903 = arith.constant 7200 : index
    %swap3A_904 = tpu.vector_load %arg5[%swap3A_903] {strides = array<i32>} : memref<8192xf32, #tpu.memory_space<vmem>>, vector<16xf32>,
    tpu.vector_store %arg5[%swap3A_903], %broadcast_in_dim3A_3 {strides = array<i32>} : memref<8192xf32, #tpu.memory_space<vmem>>, vector<16xf32>,
    %swap3A_905 = arith.constant 7216 : index
    %swap3A_906 = tpu.vector_load %arg5[%swap3A_905] {strides = array<i32>} : memref<8192xf32, #tpu.memory_space<vmem>>, vector<16xf32>,
    tpu.vector_store %arg5[%swap3A_905], %broadcast_in_dim3A_3 {strides = array<i32>} : memref<8192xf32, #tpu.memory_space<vmem>>, vector<16xf32>,
    %swap3A_907 = arith.constant 7232 : index
    %swap3A_908 = tpu.vector_load %arg5[%swap3A_907] {strides = array<i32>} : memref<8192xf32, #tpu.memory_space<vmem>>, vector<16xf32>,
    tpu.vector_store %arg5[%swap3A_907], %broadcast_in_dim3A_3 {strides = array<i32>} : memref<8192xf32, #tpu.memory_space<vmem>>, vector<16xf32>,
    %swap3A_909 = arith.constant 7248 : index
    %swap3A_910 = tpu.vector_load %arg5[%swap3A_909] {strides = array<i32>} : memref<8192xf32, #tpu.memory_space<vmem>>, vector<16xf32>,
    tpu.vector_store %arg5[%swap3A_909], %broadcast_in_dim3A_3 {strides = array<i32>} : memref<8192xf32, #tpu.memory_space<vmem>>, vector<16xf32>,
    %swap3A_911 = arith.constant 7264 : index
    %swap3A_912 = tpu.vector_load %arg5[%swap3A_911] {strides = array<i32>} : memref<8192xf32, #tpu.memory_space<vmem>>, vector<16xf32>,
    tpu.vector_store %arg5[%swap3A_911], %broadcast_in_dim3A_3 {strides = array<i32>} : memref<8192xf32, #tpu.memory_space<vmem>>, vector<16xf32>,
    %swap3A_913 = arith.constant 7280 : index
    %swap3A_914 = tpu.vector_load %arg5[%swap3A_913] {strides = array<i32>} : memref<8192xf32, #tpu.memory_space<vmem>>, vector<16xf32>,
    tpu.vector_store %arg5[%swap3A_913], %broadcast_in_dim3A_3 {strides = array<i32>} : memref<8192xf32, #tpu.memory_space<vmem>>, vector<16xf32>,
    %swap3A_915 = arith.constant 7296 : index
    %swap3A_916 = tpu.vector_load %arg5[%swap3A_915] {strides = array<i32>} : memref<8192xf32, #tpu.memory_space<vmem>>, vector<16xf32>,
    tpu.vector_store %arg5[%swap3A_915], %broadcast_in_dim3A_3 {strides = array<i32>} : memref<8192xf32, #tpu.memory_space<vmem>>, vector<16xf32>,
    %swap3A_917 = arith.constant 7312 : index
    %swap3A_918 = tpu.vector_load %arg5[%swap3A_917] {strides = array<i32>} : memref<8192xf32, #tpu.memory_space<vmem>>, vector<16xf32>,
    tpu.vector_store %arg5[%swap3A_917], %broadcast_in_dim3A_3 {strides = array<i32>} : memref<8192xf32, #tpu.memory_space<vmem>>, vector<16xf32>,
    %swap3A_919 = arith.constant 7328 : index
    %swap3A_920 = tpu.vector_load %arg5[%swap3A_919] {strides = array<i32>} : memref<8192xf32, #tpu.memory_space<vmem>>, vector<16xf32>,
    tpu.vector_store %arg5[%swap3A_919], %broadcast_in_dim3A_3 {strides = array<i32>} : memref<8192xf32, #tpu.memory_space<vmem>>, vector<16xf32>,
    %swap3A_921 = arith.constant 7344 : index
    %swap3A_922 = tpu.vector_load %arg5[%swap3A_921] {strides = array<i32>} : memref<8192xf32, #tpu.memory_space<vmem>>, vector<16xf32>,
    tpu.vector_store %arg5[%swap3A_921], %broadcast_in_dim3A_3 {strides = array<i32>} : memref<8192xf32, #tpu.memory_space<vmem>>, vector<16xf32>,
    %swap3A_923 = arith.constant 7360 : index
    %swap3A_924 = tpu.vector_load %arg5[%swap3A_923] {strides = array<i32>} : memref<8192xf32, #tpu.memory_space<vmem>>, vector<16xf32>,
    tpu.vector_store %arg5[%swap3A_923], %broadcast_in_dim3A_3 {strides = array<i32>} : memref<8192xf32, #tpu.memory_space<vmem>>, vector<16xf32>,
    %swap3A_925 = arith.constant 7376 : index
    %swap3A_926 = tpu.vector_load %arg5[%swap3A_925] {strides = array<i32>} : memref<8192xf32, #tpu.memory_space<vmem>>, vector<16xf32>,
    tpu.vector_store %arg5[%swap3A_925], %broadcast_in_dim3A_3 {strides = array<i32>} : memref<8192xf32, #tpu.memory_space<vmem>>, vector<16xf32>,
    %swap3A_927 = arith.constant 7392 : index
    %swap3A_928 = tpu.vector_load %arg5[%swap3A_927] {strides = array<i32>} : memref<8192xf32, #tpu.memory_space<vmem>>, vector<16xf32>,
    tpu.vector_store %arg5[%swap3A_927], %broadcast_in_dim3A_3 {strides = array<i32>} : memref<8192xf32, #tpu.memory_space<vmem>>, vector<16xf32>,
    %swap3A_929 = arith.constant 7408 : index
    %swap3A_930 = tpu.vector_load %arg5[%swap3A_929] {strides = array<i32>} : memref<8192xf32, #tpu.memory_space<vmem>>, vector<16xf32>,
    tpu.vector_store %arg5[%swap3A_929], %broadcast_in_dim3A_3 {strides = array<i32>} : memref<8192xf32, #tpu.memory_space<vmem>>, vector<16xf32>,
    %swap3A_931 = arith.constant 7424 : index
    %swap3A_932 = tpu.vector_load %arg5[%swap3A_931] {strides = array<i32>} : memref<8192xf32, #tpu.memory_space<vmem>>, vector<16xf32>,
    tpu.vector_store %arg5[%swap3A_931], %broadcast_in_dim3A_3 {strides = array<i32>} : memref<8192xf32, #tpu.memory_space<vmem>>, vector<16xf32>,
    %swap3A_933 = arith.constant 7440 : index
    %swap3A_934 = tpu.vector_load %arg5[%swap3A_933] {strides = array<i32>} : memref<8192xf32, #tpu.memory_space<vmem>>, vector<16xf32>,
    tpu.vector_store %arg5[%swap3A_933], %broadcast_in_dim3A_3 {strides = array<i32>} : memref<8192xf32, #tpu.memory_space<vmem>>, vector<16xf32>,
    %swap3A_935 = arith.constant 7456 : index
    %swap3A_936 = tpu.vector_load %arg5[%swap3A_935] {strides = array<i32>} : memref<8192xf32, #tpu.memory_space<vmem>>, vector<16xf32>,
    tpu.vector_store %arg5[%swap3A_935], %broadcast_in_dim3A_3 {strides = array<i32>} : memref<8192xf32, #tpu.memory_space<vmem>>, vector<16xf32>,
    %swap3A_937 = arith.constant 7472 : index
    %swap3A_938 = tpu.vector_load %arg5[%swap3A_937] {strides = array<i32>} : memref<8192xf32, #tpu.memory_space<vmem>>, vector<16xf32>,
    tpu.vector_store %arg5[%swap3A_937], %broadcast_in_dim3A_3 {strides = array<i32>} : memref<8192xf32, #tpu.memory_space<vmem>>, vector<16xf32>,
    %swap3A_939 = arith.constant 7488 : index
    %swap3A_940 = tpu.vector_load %arg5[%swap3A_939] {strides = array<i32>} : memref<8192xf32, #tpu.memory_space<vmem>>, vector<16xf32>,
    tpu.vector_store %arg5[%swap3A_939], %broadcast_in_dim3A_3 {strides = array<i32>} : memref<8192xf32, #tpu.memory_space<vmem>>, vector<16xf32>,
    %swap3A_941 = arith.constant 7504 : index
    %swap3A_942 = tpu.vector_load %arg5[%swap3A_941] {strides = array<i32>} : memref<8192xf32, #tpu.memory_space<vmem>>, vector<16xf32>,
    tpu.vector_store %arg5[%swap3A_941], %broadcast_in_dim3A_3 {strides = array<i32>} : memref<8192xf32, #tpu.memory_space<vmem>>, vector<16xf32>,
    %swap3A_943 = arith.constant 7520 : index
    %swap3A_944 = tpu.vector_load %arg5[%swap3A_943] {strides = array<i32>} : memref<8192xf32, #tpu.memory_space<vmem>>, vector<16xf32>,
    tpu.vector_store %arg5[%swap3A_943], %broadcast_in_dim3A_3 {strides = array<i32>} : memref<8192xf32, #tpu.memory_space<vmem>>, vector<16xf32>,
    %swap3A_945 = arith.constant 7536 : index
    %swap3A_946 = tpu.vector_load %arg5[%swap3A_945] {strides = array<i32>} : memref<8192xf32, #tpu.memory_space<vmem>>, vector<16xf32>,
    tpu.vector_store %arg5[%swap3A_945], %broadcast_in_dim3A_3 {strides = array<i32>} : memref<8192xf32, #tpu.memory_space<vmem>>, vector<16xf32>,
    %swap3A_947 = arith.constant 7552 : index
    %swap3A_948 = tpu.vector_load %arg5[%swap3A_947] {strides = array<i32>} : memref<8192xf32, #tpu.memory_space<vmem>>, vector<16xf32>,
    tpu.vector_store %arg5[%swap3A_947], %broadcast_in_dim3A_3 {strides = array<i32>} : memref<8192xf32, #tpu.memory_space<vmem>>, vector<16xf32>,
    %swap3A_949 = arith.constant 7568 : index
    %swap3A_950 = tpu.vector_load %arg5[%swap3A_949] {strides = array<i32>} : memref<8192xf32, #tpu.memory_space<vmem>>, vector<16xf32>,
    tpu.vector_store %arg5[%swap3A_949], %broadcast_in_dim3A_3 {strides = array<i32>} : memref<8192xf32, #tpu.memory_space<vmem>>, vector<16xf32>,
    %swap3A_951 = arith.constant 7584 : index
    %swap3A_952 = tpu.vector_load %arg5[%swap3A_951] {strides = array<i32>} : memref<8192xf32, #tpu.memory_space<vmem>>, vector<16xf32>,
    tpu.vector_store %arg5[%swap3A_951], %broadcast_in_dim3A_3 {strides = array<i32>} : memref<8192xf32, #tpu.memory_space<vmem>>, vector<16xf32>,
    %swap3A_953 = arith.constant 7600 : index
    %swap3A_954 = tpu.vector_load %arg5[%swap3A_953] {strides = array<i32>} : memref<8192xf32, #tpu.memory_space<vmem>>, vector<16xf32>,
    tpu.vector_store %arg5[%swap3A_953], %broadcast_in_dim3A_3 {strides = array<i32>} : memref<8192xf32, #tpu.memory_space<vmem>>, vector<16xf32>,
    %swap3A_955 = arith.constant 7616 : index
    %swap3A_956 = tpu.vector_load %arg5[%swap3A_955] {strides = array<i32>} : memref<8192xf32, #tpu.memory_space<vmem>>, vector<16xf32>,
    tpu.vector_store %arg5[%swap3A_955], %broadcast_in_dim3A_3 {strides = array<i32>} : memref<8192xf32, #tpu.memory_space<vmem>>, vector<16xf32>,
    %swap3A_957 = arith.constant 7632 : index
    %swap3A_958 = tpu.vector_load %arg5[%swap3A_957] {strides = array<i32>} : memref<8192xf32, #tpu.memory_space<vmem>>, vector<16xf32>,
    tpu.vector_store %arg5[%swap3A_957], %broadcast_in_dim3A_3 {strides = array<i32>} : memref<8192xf32, #tpu.memory_space<vmem>>, vector<16xf32>,
    %swap3A_959 = arith.constant 7648 : index
    %swap3A_960 = tpu.vector_load %arg5[%swap3A_959] {strides = array<i32>} : memref<8192xf32, #tpu.memory_space<vmem>>, vector<16xf32>,
    tpu.vector_store %arg5[%swap3A_959], %broadcast_in_dim3A_3 {strides = array<i32>} : memref<8192xf32, #tpu.memory_space<vmem>>, vector<16xf32>,
    %swap3A_961 = arith.constant 7664 : index
    %swap3A_962 = tpu.vector_load %arg5[%swap3A_961] {strides = array<i32>} : memref<8192xf32, #tpu.memory_space<vmem>>, vector<16xf32>,
    tpu.vector_store %arg5[%swap3A_961], %broadcast_in_dim3A_3 {strides = array<i32>} : memref<8192xf32, #tpu.memory_space<vmem>>, vector<16xf32>,
    %swap3A_963 = arith.constant 7680 : index
    %swap3A_964 = tpu.vector_load %arg5[%swap3A_963] {strides = array<i32>} : memref<8192xf32, #tpu.memory_space<vmem>>, vector<16xf32>,
    tpu.vector_store %arg5[%swap3A_963], %broadcast_in_dim3A_3 {strides = array<i32>} : memref<8192xf32, #tpu.memory_space<vmem>>, vector<16xf32>,
    %swap3A_965 = arith.constant 7696 : index
    %swap3A_966 = tpu.vector_load %arg5[%swap3A_965] {strides = array<i32>} : memref<8192xf32, #tpu.memory_space<vmem>>, vector<16xf32>,
    tpu.vector_store %arg5[%swap3A_965], %broadcast_in_dim3A_3 {strides = array<i32>} : memref<8192xf32, #tpu.memory_space<vmem>>, vector<16xf32>,
    %swap3A_967 = arith.constant 7712 : index
    %swap3A_968 = tpu.vector_load %arg5[%swap3A_967] {strides = array<i32>} : memref<8192xf32, #tpu.memory_space<vmem>>, vector<16xf32>,
    tpu.vector_store %arg5[%swap3A_967], %broadcast_in_dim3A_3 {strides = array<i32>} : memref<8192xf32, #tpu.memory_space<vmem>>, vector<16xf32>,
    %swap3A_969 = arith.constant 7728 : index
    %swap3A_970 = tpu.vector_load %arg5[%swap3A_969] {strides = array<i32>} : memref<8192xf32, #tpu.memory_space<vmem>>, vector<16xf32>,
    tpu.vector_store %arg5[%swap3A_969], %broadcast_in_dim3A_3 {strides = array<i32>} : memref<8192xf32, #tpu.memory_space<vmem>>, vector<16xf32>,
    %swap3A_971 = arith.constant 7744 : index
    %swap3A_972 = tpu.vector_load %arg5[%swap3A_971] {strides = array<i32>} : memref<8192xf32, #tpu.memory_space<vmem>>, vector<16xf32>,
    tpu.vector_store %arg5[%swap3A_971], %broadcast_in_dim3A_3 {strides = array<i32>} : memref<8192xf32, #tpu.memory_space<vmem>>, vector<16xf32>,
    %swap3A_973 = arith.constant 7760 : index
    %swap3A_974 = tpu.vector_load %arg5[%swap3A_973] {strides = array<i32>} : memref<8192xf32, #tpu.memory_space<vmem>>, vector<16xf32>,
    tpu.vector_store %arg5[%swap3A_973], %broadcast_in_dim3A_3 {strides = array<i32>} : memref<8192xf32, #tpu.memory_space<vmem>>, vector<16xf32>,
    %swap3A_975 = arith.constant 7776 : index
    %swap3A_976 = tpu.vector_load %arg5[%swap3A_975] {strides = array<i32>} : memref<8192xf32, #tpu.memory_space<vmem>>, vector<16xf32>,
    tpu.vector_store %arg5[%swap3A_975], %broadcast_in_dim3A_3 {strides = array<i32>} : memref<8192xf32, #tpu.memory_space<vmem>>, vector<16xf32>,
    %swap3A_977 = arith.constant 7792 : index
    %swap3A_978 = tpu.vector_load %arg5[%swap3A_977] {strides = array<i32>} : memref<8192xf32, #tpu.memory_space<vmem>>, vector<16xf32>,
    tpu.vector_store %arg5[%swap3A_977], %broadcast_in_dim3A_3 {strides = array<i32>} : memref<8192xf32, #tpu.memory_space<vmem>>, vector<16xf32>,
    %swap3A_979 = arith.constant 7808 : index
    %swap3A_980 = tpu.vector_load %arg5[%swap3A_979] {strides = array<i32>} : memref<8192xf32, #tpu.memory_space<vmem>>, vector<16xf32>,
    tpu.vector_store %arg5[%swap3A_979], %broadcast_in_dim3A_3 {strides = array<i32>} : memref<8192xf32, #tpu.memory_space<vmem>>, vector<16xf32>,
    %swap3A_981 = arith.constant 7824 : index
    %swap3A_982 = tpu.vector_load %arg5[%swap3A_981] {strides = array<i32>} : memref<8192xf32, #tpu.memory_space<vmem>>, vector<16xf32>,
    tpu.vector_store %arg5[%swap3A_981], %broadcast_in_dim3A_3 {strides = array<i32>} : memref<8192xf32, #tpu.memory_space<vmem>>, vector<16xf32>,
    %swap3A_983 = arith.constant 7840 : index
    %swap3A_984 = tpu.vector_load %arg5[%swap3A_983] {strides = array<i32>} : memref<8192xf32, #tpu.memory_space<vmem>>, vector<16xf32>,
    tpu.vector_store %arg5[%swap3A_983], %broadcast_in_dim3A_3 {strides = array<i32>} : memref<8192xf32, #tpu.memory_space<vmem>>, vector<16xf32>,
    %swap3A_985 = arith.constant 7856 : index
    %swap3A_986 = tpu.vector_load %arg5[%swap3A_985] {strides = array<i32>} : memref<8192xf32, #tpu.memory_space<vmem>>, vector<16xf32>,
    tpu.vector_store %arg5[%swap3A_985], %broadcast_in_dim3A_3 {strides = array<i32>} : memref<8192xf32, #tpu.memory_space<vmem>>, vector<16xf32>,
    %swap3A_987 = arith.constant 7872 : index
    %swap3A_988 = tpu.vector_load %arg5[%swap3A_987] {strides = array<i32>} : memref<8192xf32, #tpu.memory_space<vmem>>, vector<16xf32>,
    tpu.vector_store %arg5[%swap3A_987], %broadcast_in_dim3A_3 {strides = array<i32>} : memref<8192xf32, #tpu.memory_space<vmem>>, vector<16xf32>,
    %swap3A_989 = arith.constant 7888 : index
    %swap3A_990 = tpu.vector_load %arg5[%swap3A_989] {strides = array<i32>} : memref<8192xf32, #tpu.memory_space<vmem>>, vector<16xf32>,
    tpu.vector_store %arg5[%swap3A_989], %broadcast_in_dim3A_3 {strides = array<i32>} : memref<8192xf32, #tpu.memory_space<vmem>>, vector<16xf32>,
    %swap3A_991 = arith.constant 7904 : index
    %swap3A_992 = tpu.vector_load %arg5[%swap3A_991] {strides = array<i32>} : memref<8192xf32, #tpu.memory_space<vmem>>, vector<16xf32>,
    tpu.vector_store %arg5[%swap3A_991], %broadcast_in_dim3A_3 {strides = array<i32>} : memref<8192xf32, #tpu.memory_space<vmem>>, vector<16xf32>,
    %swap3A_993 = arith.constant 7920 : index
    %swap3A_994 = tpu.vector_load %arg5[%swap3A_993] {strides = array<i32>} : memref<8192xf32, #tpu.memory_space<vmem>>, vector<16xf32>,
    tpu.vector_store %arg5[%swap3A_993], %broadcast_in_dim3A_3 {strides = array<i32>} : memref<8192xf32, #tpu.memory_space<vmem>>, vector<16xf32>,
    %swap3A_995 = arith.constant 7936 : index
    %swap3A_996 = tpu.vector_load %arg5[%swap3A_995] {strides = array<i32>} : memref<8192xf32, #tpu.memory_space<vmem>>, vector<16xf32>,
    tpu.vector_store %arg5[%swap3A_995], %broadcast_in_dim3A_3 {strides = array<i32>} : memref<8192xf32, #tpu.memory_space<vmem>>, vector<16xf32>,
    %swap3A_997 = arith.constant 7952 : index
    %swap3A_998 = tpu.vector_load %arg5[%swap3A_997] {strides = array<i32>} : memref<8192xf32, #tpu.memory_space<vmem>>, vector<16xf32>,
    tpu.vector_store %arg5[%swap3A_997], %broadcast_in_dim3A_3 {strides = array<i32>} : memref<8192xf32, #tpu.memory_space<vmem>>, vector<16xf32>,
    %swap3A_999 = arith.constant 7968 : index
    %swap3A_1000 = tpu.vector_load %arg5[%swap3A_999] {strides = array<i32>} : memref<8192xf32, #tpu.memory_space<vmem>>, vector<16xf32>,
    tpu.vector_store %arg5[%swap3A_999], %broadcast_in_dim3A_3 {strides = array<i32>} : memref<8192xf32, #tpu.memory_space<vmem>>, vector<16xf32>,
    %swap3A_1001 = arith.constant 7984 : index
    %swap3A_1002 = tpu.vector_load %arg5[%swap3A_1001] {strides = array<i32>} : memref<8192xf32, #tpu.memory_space<vmem>>, vector<16xf32>,
    tpu.vector_store %arg5[%swap3A_1001], %broadcast_in_dim3A_3 {strides = array<i32>} : memref<8192xf32, #tpu.memory_space<vmem>>, vector<16xf32>,
    %swap3A_1003 = arith.constant 8000 : index
    %swap3A_1004 = tpu.vector_load %arg5[%swap3A_1003] {strides = array<i32>} : memref<8192xf32, #tpu.memory_space<vmem>>, vector<16xf32>,
    tpu.vector_store %arg5[%swap3A_1003], %broadcast_in_dim3A_3 {strides = array<i32>} : memref<8192xf32, #tpu.memory_space<vmem>>, vector<16xf32>,
    %swap3A_1005 = arith.constant 8016 : index
    %swap3A_1006 = tpu.vector_load %arg5[%swap3A_1005] {strides = array<i32>} : memref<8192xf32, #tpu.memory_space<vmem>>, vector<16xf32>,
    tpu.vector_store %arg5[%swap3A_1005], %broadcast_in_dim3A_3 {strides = array<i32>} : memref<8192xf32, #tpu.memory_space<vmem>>, vector<16xf32>,
    %swap3A_1007 = arith.constant 8032 : index
    %swap3A_1008 = tpu.vector_load %arg5[%swap3A_1007] {strides = array<i32>} : memref<8192xf32, #tpu.memory_space<vmem>>, vector<16xf32>,
    tpu.vector_store %arg5[%swap3A_1007], %broadcast_in_dim3A_3 {strides = array<i32>} : memref<8192xf32, #tpu.memory_space<vmem>>, vector<16xf32>,
    %swap3A_1009 = arith.constant 8048 : index
    %swap3A_1010 = tpu.vector_load %arg5[%swap3A_1009] {strides = array<i32>} : memref<8192xf32, #tpu.memory_space<vmem>>, vector<16xf32>,
    tpu.vector_store %arg5[%swap3A_1009], %broadcast_in_dim3A_3 {strides = array<i32>} : memref<8192xf32, #tpu.memory_space<vmem>>, vector<16xf32>,
    %swap3A_1011 = arith.constant 8064 : index
    %swap3A_1012 = tpu.vector_load %arg5[%swap3A_1011] {strides = array<i32>} : memref<8192xf32, #tpu.memory_space<vmem>>, vector<16xf32>,
    tpu.vector_store %arg5[%swap3A_1011], %broadcast_in_dim3A_3 {strides = array<i32>} : memref<8192xf32, #tpu.memory_space<vmem>>, vector<16xf32>,
    %swap3A_1013 = arith.constant 8080 : index
    %swap3A_1014 = tpu.vector_load %arg5[%swap3A_1013] {strides = array<i32>} : memref<8192xf32, #tpu.memory_space<vmem>>, vector<16xf32>,
    tpu.vector_store %arg5[%swap3A_1013], %broadcast_in_dim3A_3 {strides = array<i32>} : memref<8192xf32, #tpu.memory_space<vmem>>, vector<16xf32>,
    %swap3A_1015 = arith.constant 8096 : index
    %swap3A_1016 = tpu.vector_load %arg5[%swap3A_1015] {strides = array<i32>} : memref<8192xf32, #tpu.memory_space<vmem>>, vector<16xf32>,
    tpu.vector_store %arg5[%swap3A_1015], %broadcast_in_dim3A_3 {strides = array<i32>} : memref<8192xf32, #tpu.memory_space<vmem>>, vector<16xf32>,
    %swap3A_1017 = arith.constant 8112 : index
    %swap3A_1018 = tpu.vector_load %arg5[%swap3A_1017] {strides = array<i32>} : memref<8192xf32, #tpu.memory_space<vmem>>, vector<16xf32>,
    tpu.vector_store %arg5[%swap3A_1017], %broadcast_in_dim3A_3 {strides = array<i32>} : memref<8192xf32, #tpu.memory_space<vmem>>, vector<16xf32>,
    %swap3A_1019 = arith.constant 8128 : index
    %swap3A_1020 = tpu.vector_load %arg5[%swap3A_1019] {strides = array<i32>} : memref<8192xf32, #tpu.memory_space<vmem>>, vector<16xf32>,
    tpu.vector_store %arg5[%swap3A_1019], %broadcast_in_dim3A_3 {strides = array<i32>} : memref<8192xf32, #tpu.memory_space<vmem>>, vector<16xf32>,
    %swap3A_1021 = arith.constant 8144 : index
    %swap3A_1022 = tpu.vector_load %arg5[%swap3A_1021] {strides = array<i32>} : memref<8192xf32, #tpu.memory_space<vmem>>, vector<16xf32>,
    tpu.vector_store %arg5[%swap3A_1021], %broadcast_in_dim3A_3 {strides = array<i32>} : memref<8192xf32, #tpu.memory_space<vmem>>, vector<16xf32>,
    %swap3A_1023 = arith.constant 8160 : index
    %swap3A_1024 = tpu.vector_load %arg5[%swap3A_1023] {strides = array<i32>} : memref<8192xf32, #tpu.memory_space<vmem>>, vector<16xf32>,
    tpu.vector_store %arg5[%swap3A_1023], %broadcast_in_dim3A_3 {strides = array<i32>} : memref<8192xf32, #tpu.memory_space<vmem>>, vector<16xf32>,
    %swap3A_1025 = arith.constant 8176 : index
    %swap3A_1026 = tpu.vector_load %arg5[%swap3A_1025] {strides = array<i32>} : memref<8192xf32, #tpu.memory_space<vmem>>, vector<16xf32>,
    tpu.vector_store %arg5[%swap3A_1025], %broadcast_in_dim3A_3 {strides = array<i32>} : memref<8192xf32, #tpu.memory_space<vmem>>, vector<16xf32>,
    %iota3A = tpu.iota {dimensions = array<i32: 0>} : vector<16xi32>
    %mul3A_1027 = arith.constant 512 : i32
    %mul3A_1028 = vector.broadcast %mul3A_1027 : i32 to vector<16xi32>
    %mul3A_1029 = arith.muli %iota3A, %mul3A_1028 : vector<16xi32>
    %broadcast_in_dim3A_1030 = arith.constant 1.000000e+00 : f32
    %broadcast_in_dim3A_1031 = vector.broadcast %broadcast_in_dim3A_1030 : f32 to vector<16xf32>
    %get3A = arith.constant 0 : index
    %get3A_1032 = tpu.vector_load %arg4[%get3A] {strides = array<i32>} : memref<2048xi32, #tpu.memory_space<vmem>>, vector<16xi32>,
    %add3A_1033 = arith.addi %mul3A_1029, %get3A_1032 : vector<16xi32>
    tpu.vector_store_idx %arg5[%add3A_1033], %broadcast_in_dim3A_1031 {add = true} : memref<8192xf32, #tpu.memory_space<vmem>>[vector<16xi32>], vector<16xf32>,
    %get3A_1034 = arith.constant 16 : index
    %get3A_1035 = tpu.vector_load %arg4[%get3A_1034] {strides = array<i32>} : memref<2048xi32, #tpu.memory_space<vmem>>, vector<16xi32>,
    %add3A_1036 = arith.addi %mul3A_1029, %get3A_1035 : vector<16xi32>
    tpu.vector_store_idx %arg5[%add3A_1036], %broadcast_in_dim3A_1031 {add = true} : memref<8192xf32, #tpu.memory_space<vmem>>[vector<16xi32>], vector<16xf32>,
    %get3A_1037 = arith.constant 32 : index
    %get3A_1038 = tpu.vector_load %arg4[%get3A_1037] {strides = array<i32>} : memref<2048xi32, #tpu.memory_space<vmem>>, vector<16xi32>,
    %add3A_1039 = arith.addi %mul3A_1029, %get3A_1038 : vector<16xi32>
    tpu.vector_store_idx %arg5[%add3A_1039], %broadcast_in_dim3A_1031 {add = true} : memref<8192xf32, #tpu.memory_space<vmem>>[vector<16xi32>], vector<16xf32>,
    %get3A_1040 = arith.constant 48 : index
    %get3A_1041 = tpu.vector_load %arg4[%get3A_1040] {strides = array<i32>} : memref<2048xi32, #tpu.memory_space<vmem>>, vector<16xi32>,
    %add3A_1042 = arith.addi %mul3A_1029, %get3A_1041 : vector<16xi32>
    tpu.vector_store_idx %arg5[%add3A_1042], %broadcast_in_dim3A_1031 {add = true} : memref<8192xf32, #tpu.memory_space<vmem>>[vector<16xi32>], vector<16xf32>,
    %get3A_1043 = arith.constant 64 : index
    %get3A_1044 = tpu.vector_load %arg4[%get3A_1043] {strides = array<i32>} : memref<2048xi32, #tpu.memory_space<vmem>>, vector<16xi32>,
    %add3A_1045 = arith.addi %mul3A_1029, %get3A_1044 : vector<16xi32>
    tpu.vector_store_idx %arg5[%add3A_1045], %broadcast_in_dim3A_1031 {add = true} : memref<8192xf32, #tpu.memory_space<vmem>>[vector<16xi32>], vector<16xf32>,
    %get3A_1046 = arith.constant 80 : index
    %get3A_1047 = tpu.vector_load %arg4[%get3A_1046] {strides = array<i32>} : memref<2048xi32, #tpu.memory_space<vmem>>, vector<16xi32>,
    %add3A_1048 = arith.addi %mul3A_1029, %get3A_1047 : vector<16xi32>
    tpu.vector_store_idx %arg5[%add3A_1048], %broadcast_in_dim3A_1031 {add = true} : memref<8192xf32, #tpu.memory_space<vmem>>[vector<16xi32>], vector<16xf32>,
    %get3A_1049 = arith.constant 96 : index
    %get3A_1050 = tpu.vector_load %arg4[%get3A_1049] {strides = array<i32>} : memref<2048xi32, #tpu.memory_space<vmem>>, vector<16xi32>,
    %add3A_1051 = arith.addi %mul3A_1029, %get3A_1050 : vector<16xi32>
    tpu.vector_store_idx %arg5[%add3A_1051], %broadcast_in_dim3A_1031 {add = true} : memref<8192xf32, #tpu.memory_space<vmem>>[vector<16xi32>], vector<16xf32>,
    %get3A_1052 = arith.constant 112 : index
    %get3A_1053 = tpu.vector_load %arg4[%get3A_1052] {strides = array<i32>} : memref<2048xi32, #tpu.memory_space<vmem>>, vector<16xi32>,
    %add3A_1054 = arith.addi %mul3A_1029, %get3A_1053 : vector<16xi32>
    tpu.vector_store_idx %arg5[%add3A_1054], %broadcast_in_dim3A_1031 {add = true} : memref<8192xf32, #tpu.memory_space<vmem>>[vector<16xi32>], vector<16xf32>,
    %get3A_1055 = arith.constant 128 : index
    %get3A_1056 = tpu.vector_load %arg4[%get3A_1055] {strides = array<i32>} : memref<2048xi32, #tpu.memory_space<vmem>>, vector<16xi32>,
    %add3A_1057 = arith.addi %mul3A_1029, %get3A_1056 : vector<16xi32>
    tpu.vector_store_idx %arg5[%add3A_1057], %broadcast_in_dim3A_1031 {add = true} : memref<8192xf32, #tpu.memory_space<vmem>>[vector<16xi32>], vector<16xf32>,
    %get3A_1058 = arith.constant 144 : index
    %get3A_1059 = tpu.vector_load %arg4[%get3A_1058] {strides = array<i32>} : memref<2048xi32, #tpu.memory_space<vmem>>, vector<16xi32>,
    %add3A_1060 = arith.addi %mul3A_1029, %get3A_1059 : vector<16xi32>
    tpu.vector_store_idx %arg5[%add3A_1060], %broadcast_in_dim3A_1031 {add = true} : memref<8192xf32, #tpu.memory_space<vmem>>[vector<16xi32>], vector<16xf32>,
    %get3A_1061 = arith.constant 160 : index
    %get3A_1062 = tpu.vector_load %arg4[%get3A_1061] {strides = array<i32>} : memref<2048xi32, #tpu.memory_space<vmem>>, vector<16xi32>,
    %add3A_1063 = arith.addi %mul3A_1029, %get3A_1062 : vector<16xi32>
    tpu.vector_store_idx %arg5[%add3A_1063], %broadcast_in_dim3A_1031 {add = true} : memref<8192xf32, #tpu.memory_space<vmem>>[vector<16xi32>], vector<16xf32>,
    %get3A_1064 = arith.constant 176 : index
    %get3A_1065 = tpu.vector_load %arg4[%get3A_1064] {strides = array<i32>} : memref<2048xi32, #tpu.memory_space<vmem>>, vector<16xi32>,
    %add3A_1066 = arith.addi %mul3A_1029, %get3A_1065 : vector<16xi32>
    tpu.vector_store_idx %arg5[%add3A_1066], %broadcast_in_dim3A_1031 {add = true} : memref<8192xf32, #tpu.memory_space<vmem>>[vector<16xi32>], vector<16xf32>,
    %get3A_1067 = arith.constant 192 : index
    %get3A_1068 = tpu.vector_load %arg4[%get3A_1067] {strides = array<i32>} : memref<2048xi32, #tpu.memory_space<vmem>>, vector<16xi32>,
    %add3A_1069 = arith.addi %mul3A_1029, %get3A_1068 : vector<16xi32>
    tpu.vector_store_idx %arg5[%add3A_1069], %broadcast_in_dim3A_1031 {add = true} : memref<8192xf32, #tpu.memory_space<vmem>>[vector<16xi32>], vector<16xf32>,
    %get3A_1070 = arith.constant 208 : index
    %get3A_1071 = tpu.vector_load %arg4[%get3A_1070] {strides = array<i32>} : memref<2048xi32, #tpu.memory_space<vmem>>, vector<16xi32>,
    %add3A_1072 = arith.addi %mul3A_1029, %get3A_1071 : vector<16xi32>
    tpu.vector_store_idx %arg5[%add3A_1072], %broadcast_in_dim3A_1031 {add = true} : memref<8192xf32, #tpu.memory_space<vmem>>[vector<16xi32>], vector<16xf32>,
    %get3A_1073 = arith.constant 224 : index
    %get3A_1074 = tpu.vector_load %arg4[%get3A_1073] {strides = array<i32>} : memref<2048xi32, #tpu.memory_space<vmem>>, vector<16xi32>,
    %add3A_1075 = arith.addi %mul3A_1029, %get3A_1074 : vector<16xi32>
    tpu.vector_store_idx %arg5[%add3A_1075], %broadcast_in_dim3A_1031 {add = true} : memref<8192xf32, #tpu.memory_space<vmem>>[vector<16xi32>], vector<16xf32>,
    %get3A_1076 = arith.constant 240 : index
    %get3A_1077 = tpu.vector_load %arg4[%get3A_1076] {strides = array<i32>} : memref<2048xi32, #tpu.memory_space<vmem>>, vector<16xi32>,
    %add3A_1078 = arith.addi %mul3A_1029, %get3A_1077 : vector<16xi32>
    tpu.vector_store_idx %arg5[%add3A_1078], %broadcast_in_dim3A_1031 {add = true} : memref<8192xf32, #tpu.memory_space<vmem>>[vector<16xi32>], vector<16xf32>,
    %get3A_1079 = arith.constant 256 : index
    %get3A_1080 = tpu.vector_load %arg4[%get3A_1079] {strides = array<i32>} : memref<2048xi32, #tpu.memory_space<vmem>>, vector<16xi32>,
    %add3A_1081 = arith.addi %mul3A_1029, %get3A_1080 : vector<16xi32>
    tpu.vector_store_idx %arg5[%add3A_1081], %broadcast_in_dim3A_1031 {add = true} : memref<8192xf32, #tpu.memory_space<vmem>>[vector<16xi32>], vector<16xf32>,
    %get3A_1082 = arith.constant 272 : index
    %get3A_1083 = tpu.vector_load %arg4[%get3A_1082] {strides = array<i32>} : memref<2048xi32, #tpu.memory_space<vmem>>, vector<16xi32>,
    %add3A_1084 = arith.addi %mul3A_1029, %get3A_1083 : vector<16xi32>
    tpu.vector_store_idx %arg5[%add3A_1084], %broadcast_in_dim3A_1031 {add = true} : memref<8192xf32, #tpu.memory_space<vmem>>[vector<16xi32>], vector<16xf32>,
    %get3A_1085 = arith.constant 288 : index
    %get3A_1086 = tpu.vector_load %arg4[%get3A_1085] {strides = array<i32>} : memref<2048xi32, #tpu.memory_space<vmem>>, vector<16xi32>,
    %add3A_1087 = arith.addi %mul3A_1029, %get3A_1086 : vector<16xi32>
    tpu.vector_store_idx %arg5[%add3A_1087], %broadcast_in_dim3A_1031 {add = true} : memref<8192xf32, #tpu.memory_space<vmem>>[vector<16xi32>], vector<16xf32>,
    %get3A_1088 = arith.constant 304 : index
    %get3A_1089 = tpu.vector_load %arg4[%get3A_1088] {strides = array<i32>} : memref<2048xi32, #tpu.memory_space<vmem>>, vector<16xi32>,
    %add3A_1090 = arith.addi %mul3A_1029, %get3A_1089 : vector<16xi32>
    tpu.vector_store_idx %arg5[%add3A_1090], %broadcast_in_dim3A_1031 {add = true} : memref<8192xf32, #tpu.memory_space<vmem>>[vector<16xi32>], vector<16xf32>,
    %get3A_1091 = arith.constant 320 : index
    %get3A_1092 = tpu.vector_load %arg4[%get3A_1091] {strides = array<i32>} : memref<2048xi32, #tpu.memory_space<vmem>>, vector<16xi32>,
    %add3A_1093 = arith.addi %mul3A_1029, %get3A_1092 : vector<16xi32>
    tpu.vector_store_idx %arg5[%add3A_1093], %broadcast_in_dim3A_1031 {add = true} : memref<8192xf32, #tpu.memory_space<vmem>>[vector<16xi32>], vector<16xf32>,
    %get3A_1094 = arith.constant 336 : index
    %get3A_1095 = tpu.vector_load %arg4[%get3A_1094] {strides = array<i32>} : memref<2048xi32, #tpu.memory_space<vmem>>, vector<16xi32>,
    %add3A_1096 = arith.addi %mul3A_1029, %get3A_1095 : vector<16xi32>
    tpu.vector_store_idx %arg5[%add3A_1096], %broadcast_in_dim3A_1031 {add = true} : memref<8192xf32, #tpu.memory_space<vmem>>[vector<16xi32>], vector<16xf32>,
    %get3A_1097 = arith.constant 352 : index
    %get3A_1098 = tpu.vector_load %arg4[%get3A_1097] {strides = array<i32>} : memref<2048xi32, #tpu.memory_space<vmem>>, vector<16xi32>,
    %add3A_1099 = arith.addi %mul3A_1029, %get3A_1098 : vector<16xi32>
    tpu.vector_store_idx %arg5[%add3A_1099], %broadcast_in_dim3A_1031 {add = true} : memref<8192xf32, #tpu.memory_space<vmem>>[vector<16xi32>], vector<16xf32>,
    %get3A_1100 = arith.constant 368 : index
    %get3A_1101 = tpu.vector_load %arg4[%get3A_1100] {strides = array<i32>} : memref<2048xi32, #tpu.memory_space<vmem>>, vector<16xi32>,
    %add3A_1102 = arith.addi %mul3A_1029, %get3A_1101 : vector<16xi32>
    tpu.vector_store_idx %arg5[%add3A_1102], %broadcast_in_dim3A_1031 {add = true} : memref<8192xf32, #tpu.memory_space<vmem>>[vector<16xi32>], vector<16xf32>,
    %get3A_1103 = arith.constant 384 : index
    %get3A_1104 = tpu.vector_load %arg4[%get3A_1103] {strides = array<i32>} : memref<2048xi32, #tpu.memory_space<vmem>>, vector<16xi32>,
    %add3A_1105 = arith.addi %mul3A_1029, %get3A_1104 : vector<16xi32>
    tpu.vector_store_idx %arg5[%add3A_1105], %broadcast_in_dim3A_1031 {add = true} : memref<8192xf32, #tpu.memory_space<vmem>>[vector<16xi32>], vector<16xf32>,
    %get3A_1106 = arith.constant 400 : index
    %get3A_1107 = tpu.vector_load %arg4[%get3A_1106] {strides = array<i32>} : memref<2048xi32, #tpu.memory_space<vmem>>, vector<16xi32>,
    %add3A_1108 = arith.addi %mul3A_1029, %get3A_1107 : vector<16xi32>
    tpu.vector_store_idx %arg5[%add3A_1108], %broadcast_in_dim3A_1031 {add = true} : memref<8192xf32, #tpu.memory_space<vmem>>[vector<16xi32>], vector<16xf32>,
    %get3A_1109 = arith.constant 416 : index
    %get3A_1110 = tpu.vector_load %arg4[%get3A_1109] {strides = array<i32>} : memref<2048xi32, #tpu.memory_space<vmem>>, vector<16xi32>,
    %add3A_1111 = arith.addi %mul3A_1029, %get3A_1110 : vector<16xi32>
    tpu.vector_store_idx %arg5[%add3A_1111], %broadcast_in_dim3A_1031 {add = true} : memref<8192xf32, #tpu.memory_space<vmem>>[vector<16xi32>], vector<16xf32>,
    %get3A_1112 = arith.constant 432 : index
    %get3A_1113 = tpu.vector_load %arg4[%get3A_1112] {strides = array<i32>} : memref<2048xi32, #tpu.memory_space<vmem>>, vector<16xi32>,
    %add3A_1114 = arith.addi %mul3A_1029, %get3A_1113 : vector<16xi32>
    tpu.vector_store_idx %arg5[%add3A_1114], %broadcast_in_dim3A_1031 {add = true} : memref<8192xf32, #tpu.memory_space<vmem>>[vector<16xi32>], vector<16xf32>,
    %get3A_1115 = arith.constant 448 : index
    %get3A_1116 = tpu.vector_load %arg4[%get3A_1115] {strides = array<i32>} : memref<2048xi32, #tpu.memory_space<vmem>>, vector<16xi32>,
    %add3A_1117 = arith.addi %mul3A_1029, %get3A_1116 : vector<16xi32>
    tpu.vector_store_idx %arg5[%add3A_1117], %broadcast_in_dim3A_1031 {add = true} : memref<8192xf32, #tpu.memory_space<vmem>>[vector<16xi32>], vector<16xf32>,
    %get3A_1118 = arith.constant 464 : index
    %get3A_1119 = tpu.vector_load %arg4[%get3A_1118] {strides = array<i32>} : memref<2048xi32, #tpu.memory_space<vmem>>, vector<16xi32>,
    %add3A_1120 = arith.addi %mul3A_1029, %get3A_1119 : vector<16xi32>
    tpu.vector_store_idx %arg5[%add3A_1120], %broadcast_in_dim3A_1031 {add = true} : memref<8192xf32, #tpu.memory_space<vmem>>[vector<16xi32>], vector<16xf32>,
    %get3A_1121 = arith.constant 480 : index
    %get3A_1122 = tpu.vector_load %arg4[%get3A_1121] {strides = array<i32>} : memref<2048xi32, #tpu.memory_space<vmem>>, vector<16xi32>,
    %add3A_1123 = arith.addi %mul3A_1029, %get3A_1122 : vector<16xi32>
    tpu.vector_store_idx %arg5[%add3A_1123], %broadcast_in_dim3A_1031 {add = true} : memref<8192xf32, #tpu.memory_space<vmem>>[vector<16xi32>], vector<16xf32>,
    %get3A_1124 = arith.constant 496 : index
    %get3A_1125 = tpu.vector_load %arg4[%get3A_1124] {strides = array<i32>} : memref<2048xi32, #tpu.memory_space<vmem>>, vector<16xi32>,
    %add3A_1126 = arith.addi %mul3A_1029, %get3A_1125 : vector<16xi32>
    tpu.vector_store_idx %arg5[%add3A_1126], %broadcast_in_dim3A_1031 {add = true} : memref<8192xf32, #tpu.memory_space<vmem>>[vector<16xi32>], vector<16xf32>,
    %get3A_1127 = arith.constant 512 : index
    %get3A_1128 = tpu.vector_load %arg4[%get3A_1127] {strides = array<i32>} : memref<2048xi32, #tpu.memory_space<vmem>>, vector<16xi32>,
    %add3A_1129 = arith.addi %mul3A_1029, %get3A_1128 : vector<16xi32>
    tpu.vector_store_idx %arg5[%add3A_1129], %broadcast_in_dim3A_1031 {add = true} : memref<8192xf32, #tpu.memory_space<vmem>>[vector<16xi32>], vector<16xf32>,
    %get3A_1130 = arith.constant 528 : index
    %get3A_1131 = tpu.vector_load %arg4[%get3A_1130] {strides = array<i32>} : memref<2048xi32, #tpu.memory_space<vmem>>, vector<16xi32>,
    %add3A_1132 = arith.addi %mul3A_1029, %get3A_1131 : vector<16xi32>
    tpu.vector_store_idx %arg5[%add3A_1132], %broadcast_in_dim3A_1031 {add = true} : memref<8192xf32, #tpu.memory_space<vmem>>[vector<16xi32>], vector<16xf32>,
    %get3A_1133 = arith.constant 544 : index
    %get3A_1134 = tpu.vector_load %arg4[%get3A_1133] {strides = array<i32>} : memref<2048xi32, #tpu.memory_space<vmem>>, vector<16xi32>,
    %add3A_1135 = arith.addi %mul3A_1029, %get3A_1134 : vector<16xi32>
    tpu.vector_store_idx %arg5[%add3A_1135], %broadcast_in_dim3A_1031 {add = true} : memref<8192xf32, #tpu.memory_space<vmem>>[vector<16xi32>], vector<16xf32>,
    %get3A_1136 = arith.constant 560 : index
    %get3A_1137 = tpu.vector_load %arg4[%get3A_1136] {strides = array<i32>} : memref<2048xi32, #tpu.memory_space<vmem>>, vector<16xi32>,
    %add3A_1138 = arith.addi %mul3A_1029, %get3A_1137 : vector<16xi32>
    tpu.vector_store_idx %arg5[%add3A_1138], %broadcast_in_dim3A_1031 {add = true} : memref<8192xf32, #tpu.memory_space<vmem>>[vector<16xi32>], vector<16xf32>,
    %get3A_1139 = arith.constant 576 : index
    %get3A_1140 = tpu.vector_load %arg4[%get3A_1139] {strides = array<i32>} : memref<2048xi32, #tpu.memory_space<vmem>>, vector<16xi32>,
    %add3A_1141 = arith.addi %mul3A_1029, %get3A_1140 : vector<16xi32>
    tpu.vector_store_idx %arg5[%add3A_1141], %broadcast_in_dim3A_1031 {add = true} : memref<8192xf32, #tpu.memory_space<vmem>>[vector<16xi32>], vector<16xf32>,
    %get3A_1142 = arith.constant 592 : index
    %get3A_1143 = tpu.vector_load %arg4[%get3A_1142] {strides = array<i32>} : memref<2048xi32, #tpu.memory_space<vmem>>, vector<16xi32>,
    %add3A_1144 = arith.addi %mul3A_1029, %get3A_1143 : vector<16xi32>
    tpu.vector_store_idx %arg5[%add3A_1144], %broadcast_in_dim3A_1031 {add = true} : memref<8192xf32, #tpu.memory_space<vmem>>[vector<16xi32>], vector<16xf32>,
    %get3A_1145 = arith.constant 608 : index
    %get3A_1146 = tpu.vector_load %arg4[%get3A_1145] {strides = array<i32>} : memref<2048xi32, #tpu.memory_space<vmem>>, vector<16xi32>,
    %add3A_1147 = arith.addi %mul3A_1029, %get3A_1146 : vector<16xi32>
    tpu.vector_store_idx %arg5[%add3A_1147], %broadcast_in_dim3A_1031 {add = true} : memref<8192xf32, #tpu.memory_space<vmem>>[vector<16xi32>], vector<16xf32>,
    %get3A_1148 = arith.constant 624 : index
    %get3A_1149 = tpu.vector_load %arg4[%get3A_1148] {strides = array<i32>} : memref<2048xi32, #tpu.memory_space<vmem>>, vector<16xi32>,
    %add3A_1150 = arith.addi %mul3A_1029, %get3A_1149 : vector<16xi32>
    tpu.vector_store_idx %arg5[%add3A_1150], %broadcast_in_dim3A_1031 {add = true} : memref<8192xf32, #tpu.memory_space<vmem>>[vector<16xi32>], vector<16xf32>,
    %get3A_1151 = arith.constant 640 : index
    %get3A_1152 = tpu.vector_load %arg4[%get3A_1151] {strides = array<i32>} : memref<2048xi32, #tpu.memory_space<vmem>>, vector<16xi32>,
    %add3A_1153 = arith.addi %mul3A_1029, %get3A_1152 : vector<16xi32>
    tpu.vector_store_idx %arg5[%add3A_1153], %broadcast_in_dim3A_1031 {add = true} : memref<8192xf32, #tpu.memory_space<vmem>>[vector<16xi32>], vector<16xf32>,
    %get3A_1154 = arith.constant 656 : index
    %get3A_1155 = tpu.vector_load %arg4[%get3A_1154] {strides = array<i32>} : memref<2048xi32, #tpu.memory_space<vmem>>, vector<16xi32>,
    %add3A_1156 = arith.addi %mul3A_1029, %get3A_1155 : vector<16xi32>
    tpu.vector_store_idx %arg5[%add3A_1156], %broadcast_in_dim3A_1031 {add = true} : memref<8192xf32, #tpu.memory_space<vmem>>[vector<16xi32>], vector<16xf32>,
    %get3A_1157 = arith.constant 672 : index
    %get3A_1158 = tpu.vector_load %arg4[%get3A_1157] {strides = array<i32>} : memref<2048xi32, #tpu.memory_space<vmem>>, vector<16xi32>,
    %add3A_1159 = arith.addi %mul3A_1029, %get3A_1158 : vector<16xi32>
    tpu.vector_store_idx %arg5[%add3A_1159], %broadcast_in_dim3A_1031 {add = true} : memref<8192xf32, #tpu.memory_space<vmem>>[vector<16xi32>], vector<16xf32>,
    %get3A_1160 = arith.constant 688 : index
    %get3A_1161 = tpu.vector_load %arg4[%get3A_1160] {strides = array<i32>} : memref<2048xi32, #tpu.memory_space<vmem>>, vector<16xi32>,
    %add3A_1162 = arith.addi %mul3A_1029, %get3A_1161 : vector<16xi32>
    tpu.vector_store_idx %arg5[%add3A_1162], %broadcast_in_dim3A_1031 {add = true} : memref<8192xf32, #tpu.memory_space<vmem>>[vector<16xi32>], vector<16xf32>,
    %get3A_1163 = arith.constant 704 : index
    %get3A_1164 = tpu.vector_load %arg4[%get3A_1163] {strides = array<i32>} : memref<2048xi32, #tpu.memory_space<vmem>>, vector<16xi32>,
    %add3A_1165 = arith.addi %mul3A_1029, %get3A_1164 : vector<16xi32>
    tpu.vector_store_idx %arg5[%add3A_1165], %broadcast_in_dim3A_1031 {add = true} : memref<8192xf32, #tpu.memory_space<vmem>>[vector<16xi32>], vector<16xf32>,
    %get3A_1166 = arith.constant 720 : index
    %get3A_1167 = tpu.vector_load %arg4[%get3A_1166] {strides = array<i32>} : memref<2048xi32, #tpu.memory_space<vmem>>, vector<16xi32>,
    %add3A_1168 = arith.addi %mul3A_1029, %get3A_1167 : vector<16xi32>
    tpu.vector_store_idx %arg5[%add3A_1168], %broadcast_in_dim3A_1031 {add = true} : memref<8192xf32, #tpu.memory_space<vmem>>[vector<16xi32>], vector<16xf32>,
    %get3A_1169 = arith.constant 736 : index
    %get3A_1170 = tpu.vector_load %arg4[%get3A_1169] {strides = array<i32>} : memref<2048xi32, #tpu.memory_space<vmem>>, vector<16xi32>,
    %add3A_1171 = arith.addi %mul3A_1029, %get3A_1170 : vector<16xi32>
    tpu.vector_store_idx %arg5[%add3A_1171], %broadcast_in_dim3A_1031 {add = true} : memref<8192xf32, #tpu.memory_space<vmem>>[vector<16xi32>], vector<16xf32>,
    %get3A_1172 = arith.constant 752 : index
    %get3A_1173 = tpu.vector_load %arg4[%get3A_1172] {strides = array<i32>} : memref<2048xi32, #tpu.memory_space<vmem>>, vector<16xi32>,
    %add3A_1174 = arith.addi %mul3A_1029, %get3A_1173 : vector<16xi32>
    tpu.vector_store_idx %arg5[%add3A_1174], %broadcast_in_dim3A_1031 {add = true} : memref<8192xf32, #tpu.memory_space<vmem>>[vector<16xi32>], vector<16xf32>,
    %get3A_1175 = arith.constant 768 : index
    %get3A_1176 = tpu.vector_load %arg4[%get3A_1175] {strides = array<i32>} : memref<2048xi32, #tpu.memory_space<vmem>>, vector<16xi32>,
    %add3A_1177 = arith.addi %mul3A_1029, %get3A_1176 : vector<16xi32>
    tpu.vector_store_idx %arg5[%add3A_1177], %broadcast_in_dim3A_1031 {add = true} : memref<8192xf32, #tpu.memory_space<vmem>>[vector<16xi32>], vector<16xf32>,
    %get3A_1178 = arith.constant 784 : index
    %get3A_1179 = tpu.vector_load %arg4[%get3A_1178] {strides = array<i32>} : memref<2048xi32, #tpu.memory_space<vmem>>, vector<16xi32>,
    %add3A_1180 = arith.addi %mul3A_1029, %get3A_1179 : vector<16xi32>
    tpu.vector_store_idx %arg5[%add3A_1180], %broadcast_in_dim3A_1031 {add = true} : memref<8192xf32, #tpu.memory_space<vmem>>[vector<16xi32>], vector<16xf32>,
    %get3A_1181 = arith.constant 800 : index
    %get3A_1182 = tpu.vector_load %arg4[%get3A_1181] {strides = array<i32>} : memref<2048xi32, #tpu.memory_space<vmem>>, vector<16xi32>,
    %add3A_1183 = arith.addi %mul3A_1029, %get3A_1182 : vector<16xi32>
    tpu.vector_store_idx %arg5[%add3A_1183], %broadcast_in_dim3A_1031 {add = true} : memref<8192xf32, #tpu.memory_space<vmem>>[vector<16xi32>], vector<16xf32>,
    %get3A_1184 = arith.constant 816 : index
    %get3A_1185 = tpu.vector_load %arg4[%get3A_1184] {strides = array<i32>} : memref<2048xi32, #tpu.memory_space<vmem>>, vector<16xi32>,
    %add3A_1186 = arith.addi %mul3A_1029, %get3A_1185 : vector<16xi32>
    tpu.vector_store_idx %arg5[%add3A_1186], %broadcast_in_dim3A_1031 {add = true} : memref<8192xf32, #tpu.memory_space<vmem>>[vector<16xi32>], vector<16xf32>,
    %get3A_1187 = arith.constant 832 : index
    %get3A_1188 = tpu.vector_load %arg4[%get3A_1187] {strides = array<i32>} : memref<2048xi32, #tpu.memory_space<vmem>>, vector<16xi32>,
    %add3A_1189 = arith.addi %mul3A_1029, %get3A_1188 : vector<16xi32>
    tpu.vector_store_idx %arg5[%add3A_1189], %broadcast_in_dim3A_1031 {add = true} : memref<8192xf32, #tpu.memory_space<vmem>>[vector<16xi32>], vector<16xf32>,
    %get3A_1190 = arith.constant 848 : index
    %get3A_1191 = tpu.vector_load %arg4[%get3A_1190] {strides = array<i32>} : memref<2048xi32, #tpu.memory_space<vmem>>, vector<16xi32>,
    %add3A_1192 = arith.addi %mul3A_1029, %get3A_1191 : vector<16xi32>
    tpu.vector_store_idx %arg5[%add3A_1192], %broadcast_in_dim3A_1031 {add = true} : memref<8192xf32, #tpu.memory_space<vmem>>[vector<16xi32>], vector<16xf32>,
    %get3A_1193 = arith.constant 864 : index
    %get3A_1194 = tpu.vector_load %arg4[%get3A_1193] {strides = array<i32>} : memref<2048xi32, #tpu.memory_space<vmem>>, vector<16xi32>,
    %add3A_1195 = arith.addi %mul3A_1029, %get3A_1194 : vector<16xi32>
    tpu.vector_store_idx %arg5[%add3A_1195], %broadcast_in_dim3A_1031 {add = true} : memref<8192xf32, #tpu.memory_space<vmem>>[vector<16xi32>], vector<16xf32>,
    %get3A_1196 = arith.constant 880 : index
    %get3A_1197 = tpu.vector_load %arg4[%get3A_1196] {strides = array<i32>} : memref<2048xi32, #tpu.memory_space<vmem>>, vector<16xi32>,
    %add3A_1198 = arith.addi %mul3A_1029, %get3A_1197 : vector<16xi32>
    tpu.vector_store_idx %arg5[%add3A_1198], %broadcast_in_dim3A_1031 {add = true} : memref<8192xf32, #tpu.memory_space<vmem>>[vector<16xi32>], vector<16xf32>,
    %get3A_1199 = arith.constant 896 : index
    %get3A_1200 = tpu.vector_load %arg4[%get3A_1199] {strides = array<i32>} : memref<2048xi32, #tpu.memory_space<vmem>>, vector<16xi32>,
    %add3A_1201 = arith.addi %mul3A_1029, %get3A_1200 : vector<16xi32>
    tpu.vector_store_idx %arg5[%add3A_1201], %broadcast_in_dim3A_1031 {add = true} : memref<8192xf32, #tpu.memory_space<vmem>>[vector<16xi32>], vector<16xf32>,
    %get3A_1202 = arith.constant 912 : index
    %get3A_1203 = tpu.vector_load %arg4[%get3A_1202] {strides = array<i32>} : memref<2048xi32, #tpu.memory_space<vmem>>, vector<16xi32>,
    %add3A_1204 = arith.addi %mul3A_1029, %get3A_1203 : vector<16xi32>
    tpu.vector_store_idx %arg5[%add3A_1204], %broadcast_in_dim3A_1031 {add = true} : memref<8192xf32, #tpu.memory_space<vmem>>[vector<16xi32>], vector<16xf32>,
    %get3A_1205 = arith.constant 928 : index
    %get3A_1206 = tpu.vector_load %arg4[%get3A_1205] {strides = array<i32>} : memref<2048xi32, #tpu.memory_space<vmem>>, vector<16xi32>,
    %add3A_1207 = arith.addi %mul3A_1029, %get3A_1206 : vector<16xi32>
    tpu.vector_store_idx %arg5[%add3A_1207], %broadcast_in_dim3A_1031 {add = true} : memref<8192xf32, #tpu.memory_space<vmem>>[vector<16xi32>], vector<16xf32>,
    %get3A_1208 = arith.constant 944 : index
    %get3A_1209 = tpu.vector_load %arg4[%get3A_1208] {strides = array<i32>} : memref<2048xi32, #tpu.memory_space<vmem>>, vector<16xi32>,
    %add3A_1210 = arith.addi %mul3A_1029, %get3A_1209 : vector<16xi32>
    tpu.vector_store_idx %arg5[%add3A_1210], %broadcast_in_dim3A_1031 {add = true} : memref<8192xf32, #tpu.memory_space<vmem>>[vector<16xi32>], vector<16xf32>,
    %get3A_1211 = arith.constant 960 : index
    %get3A_1212 = tpu.vector_load %arg4[%get3A_1211] {strides = array<i32>} : memref<2048xi32, #tpu.memory_space<vmem>>, vector<16xi32>,
    %add3A_1213 = arith.addi %mul3A_1029, %get3A_1212 : vector<16xi32>
    tpu.vector_store_idx %arg5[%add3A_1213], %broadcast_in_dim3A_1031 {add = true} : memref<8192xf32, #tpu.memory_space<vmem>>[vector<16xi32>], vector<16xf32>,
    %get3A_1214 = arith.constant 976 : index
    %get3A_1215 = tpu.vector_load %arg4[%get3A_1214] {strides = array<i32>} : memref<2048xi32, #tpu.memory_space<vmem>>, vector<16xi32>,
    %add3A_1216 = arith.addi %mul3A_1029, %get3A_1215 : vector<16xi32>
    tpu.vector_store_idx %arg5[%add3A_1216], %broadcast_in_dim3A_1031 {add = true} : memref<8192xf32, #tpu.memory_space<vmem>>[vector<16xi32>], vector<16xf32>,
    %get3A_1217 = arith.constant 992 : index
    %get3A_1218 = tpu.vector_load %arg4[%get3A_1217] {strides = array<i32>} : memref<2048xi32, #tpu.memory_space<vmem>>, vector<16xi32>,
    %add3A_1219 = arith.addi %mul3A_1029, %get3A_1218 : vector<16xi32>
    tpu.vector_store_idx %arg5[%add3A_1219], %broadcast_in_dim3A_1031 {add = true} : memref<8192xf32, #tpu.memory_space<vmem>>[vector<16xi32>], vector<16xf32>,
    %get3A_1220 = arith.constant 1008 : index
    %get3A_1221 = tpu.vector_load %arg4[%get3A_1220] {strides = array<i32>} : memref<2048xi32, #tpu.memory_space<vmem>>, vector<16xi32>,
    %add3A_1222 = arith.addi %mul3A_1029, %get3A_1221 : vector<16xi32>
    tpu.vector_store_idx %arg5[%add3A_1222], %broadcast_in_dim3A_1031 {add = true} : memref<8192xf32, #tpu.memory_space<vmem>>[vector<16xi32>], vector<16xf32>,
    %get3A_1223 = arith.constant 1024 : index
    %get3A_1224 = tpu.vector_load %arg4[%get3A_1223] {strides = array<i32>} : memref<2048xi32, #tpu.memory_space<vmem>>, vector<16xi32>,
    %add3A_1225 = arith.addi %mul3A_1029, %get3A_1224 : vector<16xi32>
    tpu.vector_store_idx %arg5[%add3A_1225], %broadcast_in_dim3A_1031 {add = true} : memref<8192xf32, #tpu.memory_space<vmem>>[vector<16xi32>], vector<16xf32>,
    %get3A_1226 = arith.constant 1040 : index
    %get3A_1227 = tpu.vector_load %arg4[%get3A_1226] {strides = array<i32>} : memref<2048xi32, #tpu.memory_space<vmem>>, vector<16xi32>,
    %add3A_1228 = arith.addi %mul3A_1029, %get3A_1227 : vector<16xi32>
    tpu.vector_store_idx %arg5[%add3A_1228], %broadcast_in_dim3A_1031 {add = true} : memref<8192xf32, #tpu.memory_space<vmem>>[vector<16xi32>], vector<16xf32>,
    %get3A_1229 = arith.constant 1056 : index
    %get3A_1230 = tpu.vector_load %arg4[%get3A_1229] {strides = array<i32>} : memref<2048xi32, #tpu.memory_space<vmem>>, vector<16xi32>,
    %add3A_1231 = arith.addi %mul3A_1029, %get3A_1230 : vector<16xi32>
    tpu.vector_store_idx %arg5[%add3A_1231], %broadcast_in_dim3A_1031 {add = true} : memref<8192xf32, #tpu.memory_space<vmem>>[vector<16xi32>], vector<16xf32>,
    %get3A_1232 = arith.constant 1072 : index
    %get3A_1233 = tpu.vector_load %arg4[%get3A_1232] {strides = array<i32>} : memref<2048xi32, #tpu.memory_space<vmem>>, vector<16xi32>,
    %add3A_1234 = arith.addi %mul3A_1029, %get3A_1233 : vector<16xi32>
    tpu.vector_store_idx %arg5[%add3A_1234], %broadcast_in_dim3A_1031 {add = true} : memref<8192xf32, #tpu.memory_space<vmem>>[vector<16xi32>], vector<16xf32>,
    %get3A_1235 = arith.constant 1088 : index
    %get3A_1236 = tpu.vector_load %arg4[%get3A_1235] {strides = array<i32>} : memref<2048xi32, #tpu.memory_space<vmem>>, vector<16xi32>,
    %add3A_1237 = arith.addi %mul3A_1029, %get3A_1236 : vector<16xi32>
    tpu.vector_store_idx %arg5[%add3A_1237], %broadcast_in_dim3A_1031 {add = true} : memref<8192xf32, #tpu.memory_space<vmem>>[vector<16xi32>], vector<16xf32>,
    %get3A_1238 = arith.constant 1104 : index
    %get3A_1239 = tpu.vector_load %arg4[%get3A_1238] {strides = array<i32>} : memref<2048xi32, #tpu.memory_space<vmem>>, vector<16xi32>,
    %add3A_1240 = arith.addi %mul3A_1029, %get3A_1239 : vector<16xi32>
    tpu.vector_store_idx %arg5[%add3A_1240], %broadcast_in_dim3A_1031 {add = true} : memref<8192xf32, #tpu.memory_space<vmem>>[vector<16xi32>], vector<16xf32>,
    %get3A_1241 = arith.constant 1120 : index
    %get3A_1242 = tpu.vector_load %arg4[%get3A_1241] {strides = array<i32>} : memref<2048xi32, #tpu.memory_space<vmem>>, vector<16xi32>,
    %add3A_1243 = arith.addi %mul3A_1029, %get3A_1242 : vector<16xi32>
    tpu.vector_store_idx %arg5[%add3A_1243], %broadcast_in_dim3A_1031 {add = true} : memref<8192xf32, #tpu.memory_space<vmem>>[vector<16xi32>], vector<16xf32>,
    %get3A_1244 = arith.constant 1136 : index
    %get3A_1245 = tpu.vector_load %arg4[%get3A_1244] {strides = array<i32>} : memref<2048xi32, #tpu.memory_space<vmem>>, vector<16xi32>,
    %add3A_1246 = arith.addi %mul3A_1029, %get3A_1245 : vector<16xi32>
    tpu.vector_store_idx %arg5[%add3A_1246], %broadcast_in_dim3A_1031 {add = true} : memref<8192xf32, #tpu.memory_space<vmem>>[vector<16xi32>], vector<16xf32>,
    %get3A_1247 = arith.constant 1152 : index
    %get3A_1248 = tpu.vector_load %arg4[%get3A_1247] {strides = array<i32>} : memref<2048xi32, #tpu.memory_space<vmem>>, vector<16xi32>,
    %add3A_1249 = arith.addi %mul3A_1029, %get3A_1248 : vector<16xi32>
    tpu.vector_store_idx %arg5[%add3A_1249], %broadcast_in_dim3A_1031 {add = true} : memref<8192xf32, #tpu.memory_space<vmem>>[vector<16xi32>], vector<16xf32>,
    %get3A_1250 = arith.constant 1168 : index
    %get3A_1251 = tpu.vector_load %arg4[%get3A_1250] {strides = array<i32>} : memref<2048xi32, #tpu.memory_space<vmem>>, vector<16xi32>,
    %add3A_1252 = arith.addi %mul3A_1029, %get3A_1251 : vector<16xi32>
    tpu.vector_store_idx %arg5[%add3A_1252], %broadcast_in_dim3A_1031 {add = true} : memref<8192xf32, #tpu.memory_space<vmem>>[vector<16xi32>], vector<16xf32>,
    %get3A_1253 = arith.constant 1184 : index
    %get3A_1254 = tpu.vector_load %arg4[%get3A_1253] {strides = array<i32>} : memref<2048xi32, #tpu.memory_space<vmem>>, vector<16xi32>,
    %add3A_1255 = arith.addi %mul3A_1029, %get3A_1254 : vector<16xi32>
    tpu.vector_store_idx %arg5[%add3A_1255], %broadcast_in_dim3A_1031 {add = true} : memref<8192xf32, #tpu.memory_space<vmem>>[vector<16xi32>], vector<16xf32>,
    %get3A_1256 = arith.constant 1200 : index
    %get3A_1257 = tpu.vector_load %arg4[%get3A_1256] {strides = array<i32>} : memref<2048xi32, #tpu.memory_space<vmem>>, vector<16xi32>,
    %add3A_1258 = arith.addi %mul3A_1029, %get3A_1257 : vector<16xi32>
    tpu.vector_store_idx %arg5[%add3A_1258], %broadcast_in_dim3A_1031 {add = true} : memref<8192xf32, #tpu.memory_space<vmem>>[vector<16xi32>], vector<16xf32>,
    %get3A_1259 = arith.constant 1216 : index
    %get3A_1260 = tpu.vector_load %arg4[%get3A_1259] {strides = array<i32>} : memref<2048xi32, #tpu.memory_space<vmem>>, vector<16xi32>,
    %add3A_1261 = arith.addi %mul3A_1029, %get3A_1260 : vector<16xi32>
    tpu.vector_store_idx %arg5[%add3A_1261], %broadcast_in_dim3A_1031 {add = true} : memref<8192xf32, #tpu.memory_space<vmem>>[vector<16xi32>], vector<16xf32>,
    %get3A_1262 = arith.constant 1232 : index
    %get3A_1263 = tpu.vector_load %arg4[%get3A_1262] {strides = array<i32>} : memref<2048xi32, #tpu.memory_space<vmem>>, vector<16xi32>,
    %add3A_1264 = arith.addi %mul3A_1029, %get3A_1263 : vector<16xi32>
    tpu.vector_store_idx %arg5[%add3A_1264], %broadcast_in_dim3A_1031 {add = true} : memref<8192xf32, #tpu.memory_space<vmem>>[vector<16xi32>], vector<16xf32>,
    %get3A_1265 = arith.constant 1248 : index
    %get3A_1266 = tpu.vector_load %arg4[%get3A_1265] {strides = array<i32>} : memref<2048xi32, #tpu.memory_space<vmem>>, vector<16xi32>,
    %add3A_1267 = arith.addi %mul3A_1029, %get3A_1266 : vector<16xi32>
    tpu.vector_store_idx %arg5[%add3A_1267], %broadcast_in_dim3A_1031 {add = true} : memref<8192xf32, #tpu.memory_space<vmem>>[vector<16xi32>], vector<16xf32>,
    %get3A_1268 = arith.constant 1264 : index
    %get3A_1269 = tpu.vector_load %arg4[%get3A_1268] {strides = array<i32>} : memref<2048xi32, #tpu.memory_space<vmem>>, vector<16xi32>,
    %add3A_1270 = arith.addi %mul3A_1029, %get3A_1269 : vector<16xi32>
    tpu.vector_store_idx %arg5[%add3A_1270], %broadcast_in_dim3A_1031 {add = true} : memref<8192xf32, #tpu.memory_space<vmem>>[vector<16xi32>], vector<16xf32>,
    %get3A_1271 = arith.constant 1280 : index
    %get3A_1272 = tpu.vector_load %arg4[%get3A_1271] {strides = array<i32>} : memref<2048xi32, #tpu.memory_space<vmem>>, vector<16xi32>,
    %add3A_1273 = arith.addi %mul3A_1029, %get3A_1272 : vector<16xi32>
    tpu.vector_store_idx %arg5[%add3A_1273], %broadcast_in_dim3A_1031 {add = true} : memref<8192xf32, #tpu.memory_space<vmem>>[vector<16xi32>], vector<16xf32>,
    %get3A_1274 = arith.constant 1296 : index
    %get3A_1275 = tpu.vector_load %arg4[%get3A_1274] {strides = array<i32>} : memref<2048xi32, #tpu.memory_space<vmem>>, vector<16xi32>,
    %add3A_1276 = arith.addi %mul3A_1029, %get3A_1275 : vector<16xi32>
    tpu.vector_store_idx %arg5[%add3A_1276], %broadcast_in_dim3A_1031 {add = true} : memref<8192xf32, #tpu.memory_space<vmem>>[vector<16xi32>], vector<16xf32>,
    %get3A_1277 = arith.constant 1312 : index
    %get3A_1278 = tpu.vector_load %arg4[%get3A_1277] {strides = array<i32>} : memref<2048xi32, #tpu.memory_space<vmem>>, vector<16xi32>,
    %add3A_1279 = arith.addi %mul3A_1029, %get3A_1278 : vector<16xi32>
    tpu.vector_store_idx %arg5[%add3A_1279], %broadcast_in_dim3A_1031 {add = true} : memref<8192xf32, #tpu.memory_space<vmem>>[vector<16xi32>], vector<16xf32>,
    %get3A_1280 = arith.constant 1328 : index
    %get3A_1281 = tpu.vector_load %arg4[%get3A_1280] {strides = array<i32>} : memref<2048xi32, #tpu.memory_space<vmem>>, vector<16xi32>,
    %add3A_1282 = arith.addi %mul3A_1029, %get3A_1281 : vector<16xi32>
    tpu.vector_store_idx %arg5[%add3A_1282], %broadcast_in_dim3A_1031 {add = true} : memref<8192xf32, #tpu.memory_space<vmem>>[vector<16xi32>], vector<16xf32>,
    %get3A_1283 = arith.constant 1344 : index
    %get3A_1284 = tpu.vector_load %arg4[%get3A_1283] {strides = array<i32>} : memref<2048xi32, #tpu.memory_space<vmem>>, vector<16xi32>,
    %add3A_1285 = arith.addi %mul3A_1029, %get3A_1284 : vector<16xi32>
    tpu.vector_store_idx %arg5[%add3A_1285], %broadcast_in_dim3A_1031 {add = true} : memref<8192xf32, #tpu.memory_space<vmem>>[vector<16xi32>], vector<16xf32>,
    %get3A_1286 = arith.constant 1360 : index
    %get3A_1287 = tpu.vector_load %arg4[%get3A_1286] {strides = array<i32>} : memref<2048xi32, #tpu.memory_space<vmem>>, vector<16xi32>,
    %add3A_1288 = arith.addi %mul3A_1029, %get3A_1287 : vector<16xi32>
    tpu.vector_store_idx %arg5[%add3A_1288], %broadcast_in_dim3A_1031 {add = true} : memref<8192xf32, #tpu.memory_space<vmem>>[vector<16xi32>], vector<16xf32>,
    %get3A_1289 = arith.constant 1376 : index
    %get3A_1290 = tpu.vector_load %arg4[%get3A_1289] {strides = array<i32>} : memref<2048xi32, #tpu.memory_space<vmem>>, vector<16xi32>,
    %add3A_1291 = arith.addi %mul3A_1029, %get3A_1290 : vector<16xi32>
    tpu.vector_store_idx %arg5[%add3A_1291], %broadcast_in_dim3A_1031 {add = true} : memref<8192xf32, #tpu.memory_space<vmem>>[vector<16xi32>], vector<16xf32>,
    %get3A_1292 = arith.constant 1392 : index
    %get3A_1293 = tpu.vector_load %arg4[%get3A_1292] {strides = array<i32>} : memref<2048xi32, #tpu.memory_space<vmem>>, vector<16xi32>,
    %add3A_1294 = arith.addi %mul3A_1029, %get3A_1293 : vector<16xi32>
    tpu.vector_store_idx %arg5[%add3A_1294], %broadcast_in_dim3A_1031 {add = true} : memref<8192xf32, #tpu.memory_space<vmem>>[vector<16xi32>], vector<16xf32>,
    %get3A_1295 = arith.constant 1408 : index
    %get3A_1296 = tpu.vector_load %arg4[%get3A_1295] {strides = array<i32>} : memref<2048xi32, #tpu.memory_space<vmem>>, vector<16xi32>,
    %add3A_1297 = arith.addi %mul3A_1029, %get3A_1296 : vector<16xi32>
    tpu.vector_store_idx %arg5[%add3A_1297], %broadcast_in_dim3A_1031 {add = true} : memref<8192xf32, #tpu.memory_space<vmem>>[vector<16xi32>], vector<16xf32>,
    %get3A_1298 = arith.constant 1424 : index
    %get3A_1299 = tpu.vector_load %arg4[%get3A_1298] {strides = array<i32>} : memref<2048xi32, #tpu.memory_space<vmem>>, vector<16xi32>,
    %add3A_1300 = arith.addi %mul3A_1029, %get3A_1299 : vector<16xi32>
    tpu.vector_store_idx %arg5[%add3A_1300], %broadcast_in_dim3A_1031 {add = true} : memref<8192xf32, #tpu.memory_space<vmem>>[vector<16xi32>], vector<16xf32>,
    %get3A_1301 = arith.constant 1440 : index
    %get3A_1302 = tpu.vector_load %arg4[%get3A_1301] {strides = array<i32>} : memref<2048xi32, #tpu.memory_space<vmem>>, vector<16xi32>,
    %add3A_1303 = arith.addi %mul3A_1029, %get3A_1302 : vector<16xi32>
    tpu.vector_store_idx %arg5[%add3A_1303], %broadcast_in_dim3A_1031 {add = true} : memref<8192xf32, #tpu.memory_space<vmem>>[vector<16xi32>], vector<16xf32>,
    %get3A_1304 = arith.constant 1456 : index
    %get3A_1305 = tpu.vector_load %arg4[%get3A_1304] {strides = array<i32>} : memref<2048xi32, #tpu.memory_space<vmem>>, vector<16xi32>,
    %add3A_1306 = arith.addi %mul3A_1029, %get3A_1305 : vector<16xi32>
    tpu.vector_store_idx %arg5[%add3A_1306], %broadcast_in_dim3A_1031 {add = true} : memref<8192xf32, #tpu.memory_space<vmem>>[vector<16xi32>], vector<16xf32>,
    %get3A_1307 = arith.constant 1472 : index
    %get3A_1308 = tpu.vector_load %arg4[%get3A_1307] {strides = array<i32>} : memref<2048xi32, #tpu.memory_space<vmem>>, vector<16xi32>,
    %add3A_1309 = arith.addi %mul3A_1029, %get3A_1308 : vector<16xi32>
    tpu.vector_store_idx %arg5[%add3A_1309], %broadcast_in_dim3A_1031 {add = true} : memref<8192xf32, #tpu.memory_space<vmem>>[vector<16xi32>], vector<16xf32>,
    %get3A_1310 = arith.constant 1488 : index
    %get3A_1311 = tpu.vector_load %arg4[%get3A_1310] {strides = array<i32>} : memref<2048xi32, #tpu.memory_space<vmem>>, vector<16xi32>,
    %add3A_1312 = arith.addi %mul3A_1029, %get3A_1311 : vector<16xi32>
    tpu.vector_store_idx %arg5[%add3A_1312], %broadcast_in_dim3A_1031 {add = true} : memref<8192xf32, #tpu.memory_space<vmem>>[vector<16xi32>], vector<16xf32>,
    %get3A_1313 = arith.constant 1504 : index
    %get3A_1314 = tpu.vector_load %arg4[%get3A_1313] {strides = array<i32>} : memref<2048xi32, #tpu.memory_space<vmem>>, vector<16xi32>,
    %add3A_1315 = arith.addi %mul3A_1029, %get3A_1314 : vector<16xi32>
    tpu.vector_store_idx %arg5[%add3A_1315], %broadcast_in_dim3A_1031 {add = true} : memref<8192xf32, #tpu.memory_space<vmem>>[vector<16xi32>], vector<16xf32>,
    %get3A_1316 = arith.constant 1520 : index
    %get3A_1317 = tpu.vector_load %arg4[%get3A_1316] {strides = array<i32>} : memref<2048xi32, #tpu.memory_space<vmem>>, vector<16xi32>,
    %add3A_1318 = arith.addi %mul3A_1029, %get3A_1317 : vector<16xi32>
    tpu.vector_store_idx %arg5[%add3A_1318], %broadcast_in_dim3A_1031 {add = true} : memref<8192xf32, #tpu.memory_space<vmem>>[vector<16xi32>], vector<16xf32>,
    %get3A_1319 = arith.constant 1536 : index
    %get3A_1320 = tpu.vector_load %arg4[%get3A_1319] {strides = array<i32>} : memref<2048xi32, #tpu.memory_space<vmem>>, vector<16xi32>,
    %add3A_1321 = arith.addi %mul3A_1029, %get3A_1320 : vector<16xi32>
    tpu.vector_store_idx %arg5[%add3A_1321], %broadcast_in_dim3A_1031 {add = true} : memref<8192xf32, #tpu.memory_space<vmem>>[vector<16xi32>], vector<16xf32>,
    %get3A_1322 = arith.constant 1552 : index
    %get3A_1323 = tpu.vector_load %arg4[%get3A_1322] {strides = array<i32>} : memref<2048xi32, #tpu.memory_space<vmem>>, vector<16xi32>,
    %add3A_1324 = arith.addi %mul3A_1029, %get3A_1323 : vector<16xi32>
    tpu.vector_store_idx %arg5[%add3A_1324], %broadcast_in_dim3A_1031 {add = true} : memref<8192xf32, #tpu.memory_space<vmem>>[vector<16xi32>], vector<16xf32>,
    %get3A_1325 = arith.constant 1568 : index
    %get3A_1326 = tpu.vector_load %arg4[%get3A_1325] {strides = array<i32>} : memref<2048xi32, #tpu.memory_space<vmem>>, vector<16xi32>,
    %add3A_1327 = arith.addi %mul3A_1029, %get3A_1326 : vector<16xi32>
    tpu.vector_store_idx %arg5[%add3A_1327], %broadcast_in_dim3A_1031 {add = true} : memref<8192xf32, #tpu.memory_space<vmem>>[vector<16xi32>], vector<16xf32>,
    %get3A_1328 = arith.constant 1584 : index
    %get3A_1329 = tpu.vector_load %arg4[%get3A_1328] {strides = array<i32>} : memref<2048xi32, #tpu.memory_space<vmem>>, vector<16xi32>,
    %add3A_1330 = arith.addi %mul3A_1029, %get3A_1329 : vector<16xi32>
    tpu.vector_store_idx %arg5[%add3A_1330], %broadcast_in_dim3A_1031 {add = true} : memref<8192xf32, #tpu.memory_space<vmem>>[vector<16xi32>], vector<16xf32>,
    %get3A_1331 = arith.constant 1600 : index
    %get3A_1332 = tpu.vector_load %arg4[%get3A_1331] {strides = array<i32>} : memref<2048xi32, #tpu.memory_space<vmem>>, vector<16xi32>,
    %add3A_1333 = arith.addi %mul3A_1029, %get3A_1332 : vector<16xi32>
    tpu.vector_store_idx %arg5[%add3A_1333], %broadcast_in_dim3A_1031 {add = true} : memref<8192xf32, #tpu.memory_space<vmem>>[vector<16xi32>], vector<16xf32>,
    %get3A_1334 = arith.constant 1616 : index
    %get3A_1335 = tpu.vector_load %arg4[%get3A_1334] {strides = array<i32>} : memref<2048xi32, #tpu.memory_space<vmem>>, vector<16xi32>,
    %add3A_1336 = arith.addi %mul3A_1029, %get3A_1335 : vector<16xi32>
    tpu.vector_store_idx %arg5[%add3A_1336], %broadcast_in_dim3A_1031 {add = true} : memref<8192xf32, #tpu.memory_space<vmem>>[vector<16xi32>], vector<16xf32>,
    %get3A_1337 = arith.constant 1632 : index
    %get3A_1338 = tpu.vector_load %arg4[%get3A_1337] {strides = array<i32>} : memref<2048xi32, #tpu.memory_space<vmem>>, vector<16xi32>,
    %add3A_1339 = arith.addi %mul3A_1029, %get3A_1338 : vector<16xi32>
    tpu.vector_store_idx %arg5[%add3A_1339], %broadcast_in_dim3A_1031 {add = true} : memref<8192xf32, #tpu.memory_space<vmem>>[vector<16xi32>], vector<16xf32>,
    %get3A_1340 = arith.constant 1648 : index
    %get3A_1341 = tpu.vector_load %arg4[%get3A_1340] {strides = array<i32>} : memref<2048xi32, #tpu.memory_space<vmem>>, vector<16xi32>,
    %add3A_1342 = arith.addi %mul3A_1029, %get3A_1341 : vector<16xi32>
    tpu.vector_store_idx %arg5[%add3A_1342], %broadcast_in_dim3A_1031 {add = true} : memref<8192xf32, #tpu.memory_space<vmem>>[vector<16xi32>], vector<16xf32>,
    %get3A_1343 = arith.constant 1664 : index
    %get3A_1344 = tpu.vector_load %arg4[%get3A_1343] {strides = array<i32>} : memref<2048xi32, #tpu.memory_space<vmem>>, vector<16xi32>,
    %add3A_1345 = arith.addi %mul3A_1029, %get3A_1344 : vector<16xi32>
    tpu.vector_store_idx %arg5[%add3A_1345], %broadcast_in_dim3A_1031 {add = true} : memref<8192xf32, #tpu.memory_space<vmem>>[vector<16xi32>], vector<16xf32>,
    %get3A_1346 = arith.constant 1680 : index
    %get3A_1347 = tpu.vector_load %arg4[%get3A_1346] {strides = array<i32>} : memref<2048xi32, #tpu.memory_space<vmem>>, vector<16xi32>,
    %add3A_1348 = arith.addi %mul3A_1029, %get3A_1347 : vector<16xi32>
    tpu.vector_store_idx %arg5[%add3A_1348], %broadcast_in_dim3A_1031 {add = true} : memref<8192xf32, #tpu.memory_space<vmem>>[vector<16xi32>], vector<16xf32>,
    %get3A_1349 = arith.constant 1696 : index
    %get3A_1350 = tpu.vector_load %arg4[%get3A_1349] {strides = array<i32>} : memref<2048xi32, #tpu.memory_space<vmem>>, vector<16xi32>,
    %add3A_1351 = arith.addi %mul3A_1029, %get3A_1350 : vector<16xi32>
    tpu.vector_store_idx %arg5[%add3A_1351], %broadcast_in_dim3A_1031 {add = true} : memref<8192xf32, #tpu.memory_space<vmem>>[vector<16xi32>], vector<16xf32>,
    %get3A_1352 = arith.constant 1712 : index
    %get3A_1353 = tpu.vector_load %arg4[%get3A_1352] {strides = array<i32>} : memref<2048xi32, #tpu.memory_space<vmem>>, vector<16xi32>,
    %add3A_1354 = arith.addi %mul3A_1029, %get3A_1353 : vector<16xi32>
    tpu.vector_store_idx %arg5[%add3A_1354], %broadcast_in_dim3A_1031 {add = true} : memref<8192xf32, #tpu.memory_space<vmem>>[vector<16xi32>], vector<16xf32>,
    %get3A_1355 = arith.constant 1728 : index
    %get3A_1356 = tpu.vector_load %arg4[%get3A_1355] {strides = array<i32>} : memref<2048xi32, #tpu.memory_space<vmem>>, vector<16xi32>,
    %add3A_1357 = arith.addi %mul3A_1029, %get3A_1356 : vector<16xi32>
    tpu.vector_store_idx %arg5[%add3A_1357], %broadcast_in_dim3A_1031 {add = true} : memref<8192xf32, #tpu.memory_space<vmem>>[vector<16xi32>], vector<16xf32>,
    %get3A_1358 = arith.constant 1744 : index
    %get3A_1359 = tpu.vector_load %arg4[%get3A_1358] {strides = array<i32>} : memref<2048xi32, #tpu.memory_space<vmem>>, vector<16xi32>,
    %add3A_1360 = arith.addi %mul3A_1029, %get3A_1359 : vector<16xi32>
    tpu.vector_store_idx %arg5[%add3A_1360], %broadcast_in_dim3A_1031 {add = true} : memref<8192xf32, #tpu.memory_space<vmem>>[vector<16xi32>], vector<16xf32>,
    %get3A_1361 = arith.constant 1760 : index
    %get3A_1362 = tpu.vector_load %arg4[%get3A_1361] {strides = array<i32>} : memref<2048xi32, #tpu.memory_space<vmem>>, vector<16xi32>,
    %add3A_1363 = arith.addi %mul3A_1029, %get3A_1362 : vector<16xi32>
    tpu.vector_store_idx %arg5[%add3A_1363], %broadcast_in_dim3A_1031 {add = true} : memref<8192xf32, #tpu.memory_space<vmem>>[vector<16xi32>], vector<16xf32>,
    %get3A_1364 = arith.constant 1776 : index
    %get3A_1365 = tpu.vector_load %arg4[%get3A_1364] {strides = array<i32>} : memref<2048xi32, #tpu.memory_space<vmem>>, vector<16xi32>,
    %add3A_1366 = arith.addi %mul3A_1029, %get3A_1365 : vector<16xi32>
    tpu.vector_store_idx %arg5[%add3A_1366], %broadcast_in_dim3A_1031 {add = true} : memref<8192xf32, #tpu.memory_space<vmem>>[vector<16xi32>], vector<16xf32>,
    %get3A_1367 = arith.constant 1792 : index
    %get3A_1368 = tpu.vector_load %arg4[%get3A_1367] {strides = array<i32>} : memref<2048xi32, #tpu.memory_space<vmem>>, vector<16xi32>,
    %add3A_1369 = arith.addi %mul3A_1029, %get3A_1368 : vector<16xi32>
    tpu.vector_store_idx %arg5[%add3A_1369], %broadcast_in_dim3A_1031 {add = true} : memref<8192xf32, #tpu.memory_space<vmem>>[vector<16xi32>], vector<16xf32>,
    %get3A_1370 = arith.constant 1808 : index
    %get3A_1371 = tpu.vector_load %arg4[%get3A_1370] {strides = array<i32>} : memref<2048xi32, #tpu.memory_space<vmem>>, vector<16xi32>,
    %add3A_1372 = arith.addi %mul3A_1029, %get3A_1371 : vector<16xi32>
    tpu.vector_store_idx %arg5[%add3A_1372], %broadcast_in_dim3A_1031 {add = true} : memref<8192xf32, #tpu.memory_space<vmem>>[vector<16xi32>], vector<16xf32>,
    %get3A_1373 = arith.constant 1824 : index
    %get3A_1374 = tpu.vector_load %arg4[%get3A_1373] {strides = array<i32>} : memref<2048xi32, #tpu.memory_space<vmem>>, vector<16xi32>,
    %add3A_1375 = arith.addi %mul3A_1029, %get3A_1374 : vector<16xi32>
    tpu.vector_store_idx %arg5[%add3A_1375], %broadcast_in_dim3A_1031 {add = true} : memref<8192xf32, #tpu.memory_space<vmem>>[vector<16xi32>], vector<16xf32>,
    %get3A_1376 = arith.constant 1840 : index
    %get3A_1377 = tpu.vector_load %arg4[%get3A_1376] {strides = array<i32>} : memref<2048xi32, #tpu.memory_space<vmem>>, vector<16xi32>,
    %add3A_1378 = arith.addi %mul3A_1029, %get3A_1377 : vector<16xi32>
    tpu.vector_store_idx %arg5[%add3A_1378], %broadcast_in_dim3A_1031 {add = true} : memref<8192xf32, #tpu.memory_space<vmem>>[vector<16xi32>], vector<16xf32>,
    %get3A_1379 = arith.constant 1856 : index
    %get3A_1380 = tpu.vector_load %arg4[%get3A_1379] {strides = array<i32>} : memref<2048xi32, #tpu.memory_space<vmem>>, vector<16xi32>,
    %add3A_1381 = arith.addi %mul3A_1029, %get3A_1380 : vector<16xi32>
    tpu.vector_store_idx %arg5[%add3A_1381], %broadcast_in_dim3A_1031 {add = true} : memref<8192xf32, #tpu.memory_space<vmem>>[vector<16xi32>], vector<16xf32>,
    %get3A_1382 = arith.constant 1872 : index
    %get3A_1383 = tpu.vector_load %arg4[%get3A_1382] {strides = array<i32>} : memref<2048xi32, #tpu.memory_space<vmem>>, vector<16xi32>,
    %add3A_1384 = arith.addi %mul3A_1029, %get3A_1383 : vector<16xi32>
    tpu.vector_store_idx %arg5[%add3A_1384], %broadcast_in_dim3A_1031 {add = true} : memref<8192xf32, #tpu.memory_space<vmem>>[vector<16xi32>], vector<16xf32>,
    %get3A_1385 = arith.constant 1888 : index
    %get3A_1386 = tpu.vector_load %arg4[%get3A_1385] {strides = array<i32>} : memref<2048xi32, #tpu.memory_space<vmem>>, vector<16xi32>,
    %add3A_1387 = arith.addi %mul3A_1029, %get3A_1386 : vector<16xi32>
    tpu.vector_store_idx %arg5[%add3A_1387], %broadcast_in_dim3A_1031 {add = true} : memref<8192xf32, #tpu.memory_space<vmem>>[vector<16xi32>], vector<16xf32>,
    %get3A_1388 = arith.constant 1904 : index
    %get3A_1389 = tpu.vector_load %arg4[%get3A_1388] {strides = array<i32>} : memref<2048xi32, #tpu.memory_space<vmem>>, vector<16xi32>,
    %add3A_1390 = arith.addi %mul3A_1029, %get3A_1389 : vector<16xi32>
    tpu.vector_store_idx %arg5[%add3A_1390], %broadcast_in_dim3A_1031 {add = true} : memref<8192xf32, #tpu.memory_space<vmem>>[vector<16xi32>], vector<16xf32>,
    %get3A_1391 = arith.constant 1920 : index
    %get3A_1392 = tpu.vector_load %arg4[%get3A_1391] {strides = array<i32>} : memref<2048xi32, #tpu.memory_space<vmem>>, vector<16xi32>,
    %add3A_1393 = arith.addi %mul3A_1029, %get3A_1392 : vector<16xi32>
    tpu.vector_store_idx %arg5[%add3A_1393], %broadcast_in_dim3A_1031 {add = true} : memref<8192xf32, #tpu.memory_space<vmem>>[vector<16xi32>], vector<16xf32>,
    %get3A_1394 = arith.constant 1936 : index
    %get3A_1395 = tpu.vector_load %arg4[%get3A_1394] {strides = array<i32>} : memref<2048xi32, #tpu.memory_space<vmem>>, vector<16xi32>,
    %add3A_1396 = arith.addi %mul3A_1029, %get3A_1395 : vector<16xi32>
    tpu.vector_store_idx %arg5[%add3A_1396], %broadcast_in_dim3A_1031 {add = true} : memref<8192xf32, #tpu.memory_space<vmem>>[vector<16xi32>], vector<16xf32>,
    %get3A_1397 = arith.constant 1952 : index
    %get3A_1398 = tpu.vector_load %arg4[%get3A_1397] {strides = array<i32>} : memref<2048xi32, #tpu.memory_space<vmem>>, vector<16xi32>,
    %add3A_1399 = arith.addi %mul3A_1029, %get3A_1398 : vector<16xi32>
    tpu.vector_store_idx %arg5[%add3A_1399], %broadcast_in_dim3A_1031 {add = true} : memref<8192xf32, #tpu.memory_space<vmem>>[vector<16xi32>], vector<16xf32>,
    %get3A_1400 = arith.constant 1968 : index
    %get3A_1401 = tpu.vector_load %arg4[%get3A_1400] {strides = array<i32>} : memref<2048xi32, #tpu.memory_space<vmem>>, vector<16xi32>,
    %add3A_1402 = arith.addi %mul3A_1029, %get3A_1401 : vector<16xi32>
    tpu.vector_store_idx %arg5[%add3A_1402], %broadcast_in_dim3A_1031 {add = true} : memref<8192xf32, #tpu.memory_space<vmem>>[vector<16xi32>], vector<16xf32>,
    %get3A_1403 = arith.constant 1984 : index
    %get3A_1404 = tpu.vector_load %arg4[%get3A_1403] {strides = array<i32>} : memref<2048xi32, #tpu.memory_space<vmem>>, vector<16xi32>,
    %add3A_1405 = arith.addi %mul3A_1029, %get3A_1404 : vector<16xi32>
    tpu.vector_store_idx %arg5[%add3A_1405], %broadcast_in_dim3A_1031 {add = true} : memref<8192xf32, #tpu.memory_space<vmem>>[vector<16xi32>], vector<16xf32>,
    %get3A_1406 = arith.constant 2000 : index
    %get3A_1407 = tpu.vector_load %arg4[%get3A_1406] {strides = array<i32>} : memref<2048xi32, #tpu.memory_space<vmem>>, vector<16xi32>,
    %add3A_1408 = arith.addi %mul3A_1029, %get3A_1407 : vector<16xi32>
    tpu.vector_store_idx %arg5[%add3A_1408], %broadcast_in_dim3A_1031 {add = true} : memref<8192xf32, #tpu.memory_space<vmem>>[vector<16xi32>], vector<16xf32>,
    %get3A_1409 = arith.constant 2016 : index
    %get3A_1410 = tpu.vector_load %arg4[%get3A_1409] {strides = array<i32>} : memref<2048xi32, #tpu.memory_space<vmem>>, vector<16xi32>,
    %add3A_1411 = arith.addi %mul3A_1029, %get3A_1410 : vector<16xi32>
    tpu.vector_store_idx %arg5[%add3A_1411], %broadcast_in_dim3A_1031 {add = true} : memref<8192xf32, #tpu.memory_space<vmem>>[vector<16xi32>], vector<16xf32>,
    %get3A_1412 = arith.constant 2032 : index
    %get3A_1413 = tpu.vector_load %arg4[%get3A_1412] {strides = array<i32>} : memref<2048xi32, #tpu.memory_space<vmem>>, vector<16xi32>,
    %add3A_1414 = arith.addi %mul3A_1029, %get3A_1413 : vector<16xi32>
    tpu.vector_store_idx %arg5[%add3A_1414], %broadcast_in_dim3A_1031 {add = true} : memref<8192xf32, #tpu.memory_space<vmem>>[vector<16xi32>], vector<16xf32>,
    %get3A_1415 = arith.constant 0 : index
    %get3A_1416 = tpu.vector_load %arg5[%get3A_1415] {strides = array<i32>} : memref<8192xf32, #tpu.memory_space<vmem>>, vector<16xf32>,
    %get3A_1417 = arith.constant 512 : index
    %get3A_1418 = tpu.vector_load %arg5[%get3A_1417] {strides = array<i32>} : memref<8192xf32, #tpu.memory_space<vmem>>, vector<16xf32>,
    %add3A_1419 = arith.addf %get3A_1416, %get3A_1418 : vector<16xf32>
    %get3A_1420 = arith.constant 1024 : index
    %get3A_1421 = tpu.vector_load %arg5[%get3A_1420] {strides = array<i32>} : memref<8192xf32, #tpu.memory_space<vmem>>, vector<16xf32>,
    %add3A_1422 = arith.addf %add3A_1419, %get3A_1421 : vector<16xf32>
    %get3A_1423 = arith.constant 1536 : index
    %get3A_1424 = tpu.vector_load %arg5[%get3A_1423] {strides = array<i32>} : memref<8192xf32, #tpu.memory_space<vmem>>, vector<16xf32>,
    %add3A_1425 = arith.addf %add3A_1422, %get3A_1424 : vector<16xf32>
    %get3A_1426 = arith.constant 2048 : index
    %get3A_1427 = tpu.vector_load %arg5[%get3A_1426] {strides = array<i32>} : memref<8192xf32, #tpu.memory_space<vmem>>, vector<16xf32>,
    %add3A_1428 = arith.addf %add3A_1425, %get3A_1427 : vector<16xf32>
    %get3A_1429 = arith.constant 2560 : index
    %get3A_1430 = tpu.vector_load %arg5[%get3A_1429] {strides = array<i32>} : memref<8192xf32, #tpu.memory_space<vmem>>, vector<16xf32>,
    %add3A_1431 = arith.addf %add3A_1428, %get3A_1430 : vector<16xf32>
    %get3A_1432 = arith.constant 3072 : index
    %get3A_1433 = tpu.vector_load %arg5[%get3A_1432] {strides = array<i32>} : memref<8192xf32, #tpu.memory_space<vmem>>, vector<16xf32>,
    %add3A_1434 = arith.addf %add3A_1431, %get3A_1433 : vector<16xf32>
    %get3A_1435 = arith.constant 3584 : index
    %get3A_1436 = tpu.vector_load %arg5[%get3A_1435] {strides = array<i32>} : memref<8192xf32, #tpu.memory_space<vmem>>, vector<16xf32>,
    %add3A_1437 = arith.addf %add3A_1434, %get3A_1436 : vector<16xf32>
    %get3A_1438 = arith.constant 4096 : index
    %get3A_1439 = tpu.vector_load %arg5[%get3A_1438] {strides = array<i32>} : memref<8192xf32, #tpu.memory_space<vmem>>, vector<16xf32>,
    %add3A_1440 = arith.addf %add3A_1437, %get3A_1439 : vector<16xf32>
    %get3A_1441 = arith.constant 4608 : index
    %get3A_1442 = tpu.vector_load %arg5[%get3A_1441] {strides = array<i32>} : memref<8192xf32, #tpu.memory_space<vmem>>, vector<16xf32>,
    %add3A_1443 = arith.addf %add3A_1440, %get3A_1442 : vector<16xf32>
    %get3A_1444 = arith.constant 5120 : index
    %get3A_1445 = tpu.vector_load %arg5[%get3A_1444] {strides = array<i32>} : memref<8192xf32, #tpu.memory_space<vmem>>, vector<16xf32>,
    %add3A_1446 = arith.addf %add3A_1443, %get3A_1445 : vector<16xf32>
    %get3A_1447 = arith.constant 5632 : index
    %get3A_1448 = tpu.vector_load %arg5[%get3A_1447] {strides = array<i32>} : memref<8192xf32, #tpu.memory_space<vmem>>, vector<16xf32>,
    %add3A_1449 = arith.addf %add3A_1446, %get3A_1448 : vector<16xf32>
    %get3A_1450 = arith.constant 6144 : index
    %get3A_1451 = tpu.vector_load %arg5[%get3A_1450] {strides = array<i32>} : memref<8192xf32, #tpu.memory_space<vmem>>, vector<16xf32>,
    %add3A_1452 = arith.addf %add3A_1449, %get3A_1451 : vector<16xf32>
    %get3A_1453 = arith.constant 6656 : index
    %get3A_1454 = tpu.vector_load %arg5[%get3A_1453] {strides = array<i32>} : memref<8192xf32, #tpu.memory_space<vmem>>, vector<16xf32>,
    %add3A_1455 = arith.addf %add3A_1452, %get3A_1454 : vector<16xf32>
    %get3A_1456 = arith.constant 7168 : index
    %get3A_1457 = tpu.vector_load %arg5[%get3A_1456] {strides = array<i32>} : memref<8192xf32, #tpu.memory_space<vmem>>, vector<16xf32>,
    %add3A_1458 = arith.addf %add3A_1455, %get3A_1457 : vector<16xf32>
    %get3A_1459 = arith.constant 7680 : index
    %get3A_1460 = tpu.vector_load %arg5[%get3A_1459] {strides = array<i32>} : memref<8192xf32, #tpu.memory_space<vmem>>, vector<16xf32>,
    %add3A_1461 = arith.addf %add3A_1458, %get3A_1460 : vector<16xf32>
    %swap3A_1462 = arith.constant 0 : index
    %swap3A_1463 = tpu.vector_load %arg6[%swap3A_1462] {strides = array<i32>} : memref<512xf32, #tpu.memory_space<vmem>>, vector<16xf32>,
    tpu.vector_store %arg6[%swap3A_1462], %add3A_1461 {strides = array<i32>} : memref<512xf32, #tpu.memory_space<vmem>>, vector<16xf32>,
    %get3A_1464 = arith.constant 16 : index
    %get3A_1465 = tpu.vector_load %arg5[%get3A_1464] {strides = array<i32>} : memref<8192xf32, #tpu.memory_space<vmem>>, vector<16xf32>,
    %get3A_1466 = arith.constant 528 : index
    %get3A_1467 = tpu.vector_load %arg5[%get3A_1466] {strides = array<i32>} : memref<8192xf32, #tpu.memory_space<vmem>>, vector<16xf32>,
    %add3A_1468 = arith.addf %get3A_1465, %get3A_1467 : vector<16xf32>
    %get3A_1469 = arith.constant 1040 : index
    %get3A_1470 = tpu.vector_load %arg5[%get3A_1469] {strides = array<i32>} : memref<8192xf32, #tpu.memory_space<vmem>>, vector<16xf32>,
    %add3A_1471 = arith.addf %add3A_1468, %get3A_1470 : vector<16xf32>
    %get3A_1472 = arith.constant 1552 : index
    %get3A_1473 = tpu.vector_load %arg5[%get3A_1472] {strides = array<i32>} : memref<8192xf32, #tpu.memory_space<vmem>>, vector<16xf32>,
    %add3A_1474 = arith.addf %add3A_1471, %get3A_1473 : vector<16xf32>
    %get3A_1475 = arith.constant 2064 : index
    %get3A_1476 = tpu.vector_load %arg5[%get3A_1475] {strides = array<i32>} : memref<8192xf32, #tpu.memory_space<vmem>>, vector<16xf32>,
    %add3A_1477 = arith.addf %add3A_1474, %get3A_1476 : vector<16xf32>
    %get3A_1478 = arith.constant 2576 : index
    %get3A_1479 = tpu.vector_load %arg5[%get3A_1478] {strides = array<i32>} : memref<8192xf32, #tpu.memory_space<vmem>>, vector<16xf32>,
    %add3A_1480 = arith.addf %add3A_1477, %get3A_1479 : vector<16xf32>
    %get3A_1481 = arith.constant 3088 : index
    %get3A_1482 = tpu.vector_load %arg5[%get3A_1481] {strides = array<i32>} : memref<8192xf32, #tpu.memory_space<vmem>>, vector<16xf32>,
    %add3A_1483 = arith.addf %add3A_1480, %get3A_1482 : vector<16xf32>
    %get3A_1484 = arith.constant 3600 : index
    %get3A_1485 = tpu.vector_load %arg5[%get3A_1484] {strides = array<i32>} : memref<8192xf32, #tpu.memory_space<vmem>>, vector<16xf32>,
    %add3A_1486 = arith.addf %add3A_1483, %get3A_1485 : vector<16xf32>
    %get3A_1487 = arith.constant 4112 : index
    %get3A_1488 = tpu.vector_load %arg5[%get3A_1487] {strides = array<i32>} : memref<8192xf32, #tpu.memory_space<vmem>>, vector<16xf32>,
    %add3A_1489 = arith.addf %add3A_1486, %get3A_1488 : vector<16xf32>
    %get3A_1490 = arith.constant 4624 : index
    %get3A_1491 = tpu.vector_load %arg5[%get3A_1490] {strides = array<i32>} : memref<8192xf32, #tpu.memory_space<vmem>>, vector<16xf32>,
    %add3A_1492 = arith.addf %add3A_1489, %get3A_1491 : vector<16xf32>
    %get3A_1493 = arith.constant 5136 : index
    %get3A_1494 = tpu.vector_load %arg5[%get3A_1493] {strides = array<i32>} : memref<8192xf32, #tpu.memory_space<vmem>>, vector<16xf32>,
    %add3A_1495 = arith.addf %add3A_1492, %get3A_1494 : vector<16xf32>
    %get3A_1496 = arith.constant 5648 : index
    %get3A_1497 = tpu.vector_load %arg5[%get3A_1496] {strides = array<i32>} : memref<8192xf32, #tpu.memory_space<vmem>>, vector<16xf32>,
    %add3A_1498 = arith.addf %add3A_1495, %get3A_1497 : vector<16xf32>
    %get3A_1499 = arith.constant 6160 : index
    %get3A_1500 = tpu.vector_load %arg5[%get3A_1499] {strides = array<i32>} : memref<8192xf32, #tpu.memory_space<vmem>>, vector<16xf32>,
    %add3A_1501 = arith.addf %add3A_1498, %get3A_1500 : vector<16xf32>
    %get3A_1502 = arith.constant 6672 : index
    %get3A_1503 = tpu.vector_load %arg5[%get3A_1502] {strides = array<i32>} : memref<8192xf32, #tpu.memory_space<vmem>>, vector<16xf32>,
    %add3A_1504 = arith.addf %add3A_1501, %get3A_1503 : vector<16xf32>
    %get3A_1505 = arith.constant 7184 : index
    %get3A_1506 = tpu.vector_load %arg5[%get3A_1505] {strides = array<i32>} : memref<8192xf32, #tpu.memory_space<vmem>>, vector<16xf32>,
    %add3A_1507 = arith.addf %add3A_1504, %get3A_1506 : vector<16xf32>
    %get3A_1508 = arith.constant 7696 : index
    %get3A_1509 = tpu.vector_load %arg5[%get3A_1508] {strides = array<i32>} : memref<8192xf32, #tpu.memory_space<vmem>>, vector<16xf32>,
    %add3A_1510 = arith.addf %add3A_1507, %get3A_1509 : vector<16xf32>
    %swap3A_1511 = arith.constant 16 : index
    %swap3A_1512 = tpu.vector_load %arg6[%swap3A_1511] {strides = array<i32>} : memref<512xf32, #tpu.memory_space<vmem>>, vector<16xf32>,
    tpu.vector_store %arg6[%swap3A_1511], %add3A_1510 {strides = array<i32>} : memref<512xf32, #tpu.memory_space<vmem>>, vector<16xf32>,
    %get3A_1513 = arith.constant 32 : index
    %get3A_1514 = tpu.vector_load %arg5[%get3A_1513] {strides = array<i32>} : memref<8192xf32, #tpu.memory_space<vmem>>, vector<16xf32>,
    %get3A_1515 = arith.constant 544 : index
    %get3A_1516 = tpu.vector_load %arg5[%get3A_1515] {strides = array<i32>} : memref<8192xf32, #tpu.memory_space<vmem>>, vector<16xf32>,
    %add3A_1517 = arith.addf %get3A_1514, %get3A_1516 : vector<16xf32>
    %get3A_1518 = arith.constant 1056 : index
    %get3A_1519 = tpu.vector_load %arg5[%get3A_1518] {strides = array<i32>} : memref<8192xf32, #tpu.memory_space<vmem>>, vector<16xf32>,
    %add3A_1520 = arith.addf %add3A_1517, %get3A_1519 : vector<16xf32>
    %get3A_1521 = arith.constant 1568 : index
    %get3A_1522 = tpu.vector_load %arg5[%get3A_1521] {strides = array<i32>} : memref<8192xf32, #tpu.memory_space<vmem>>, vector<16xf32>,
    %add3A_1523 = arith.addf %add3A_1520, %get3A_1522 : vector<16xf32>
    %get3A_1524 = arith.constant 2080 : index
    %get3A_1525 = tpu.vector_load %arg5[%get3A_1524] {strides = array<i32>} : memref<8192xf32, #tpu.memory_space<vmem>>, vector<16xf32>,
    %add3A_1526 = arith.addf %add3A_1523, %get3A_1525 : vector<16xf32>
    %get3A_1527 = arith.constant 2592 : index
    %get3A_1528 = tpu.vector_load %arg5[%get3A_1527] {strides = array<i32>} : memref<8192xf32, #tpu.memory_space<vmem>>, vector<16xf32>,
    %add3A_1529 = arith.addf %add3A_1526, %get3A_1528 : vector<16xf32>
    %get3A_1530 = arith.constant 3104 : index
    %get3A_1531 = tpu.vector_load %arg5[%get3A_1530] {strides = array<i32>} : memref<8192xf32, #tpu.memory_space<vmem>>, vector<16xf32>,
    %add3A_1532 = arith.addf %add3A_1529, %get3A_1531 : vector<16xf32>
    %get3A_1533 = arith.constant 3616 : index
    %get3A_1534 = tpu.vector_load %arg5[%get3A_1533] {strides = array<i32>} : memref<8192xf32, #tpu.memory_space<vmem>>, vector<16xf32>,
    %add3A_1535 = arith.addf %add3A_1532, %get3A_1534 : vector<16xf32>
    %get3A_1536 = arith.constant 4128 : index
    %get3A_1537 = tpu.vector_load %arg5[%get3A_1536] {strides = array<i32>} : memref<8192xf32, #tpu.memory_space<vmem>>, vector<16xf32>,
    %add3A_1538 = arith.addf %add3A_1535, %get3A_1537 : vector<16xf32>
    %get3A_1539 = arith.constant 4640 : index
    %get3A_1540 = tpu.vector_load %arg5[%get3A_1539] {strides = array<i32>} : memref<8192xf32, #tpu.memory_space<vmem>>, vector<16xf32>,
    %add3A_1541 = arith.addf %add3A_1538, %get3A_1540 : vector<16xf32>
    %get3A_1542 = arith.constant 5152 : index
    %get3A_1543 = tpu.vector_load %arg5[%get3A_1542] {strides = array<i32>} : memref<8192xf32, #tpu.memory_space<vmem>>, vector<16xf32>,
    %add3A_1544 = arith.addf %add3A_1541, %get3A_1543 : vector<16xf32>
    %get3A_1545 = arith.constant 5664 : index
    %get3A_1546 = tpu.vector_load %arg5[%get3A_1545] {strides = array<i32>} : memref<8192xf32, #tpu.memory_space<vmem>>, vector<16xf32>,
    %add3A_1547 = arith.addf %add3A_1544, %get3A_1546 : vector<16xf32>
    %get3A_1548 = arith.constant 6176 : index
    %get3A_1549 = tpu.vector_load %arg5[%get3A_1548] {strides = array<i32>} : memref<8192xf32, #tpu.memory_space<vmem>>, vector<16xf32>,
    %add3A_1550 = arith.addf %add3A_1547, %get3A_1549 : vector<16xf32>
    %get3A_1551 = arith.constant 6688 : index
    %get3A_1552 = tpu.vector_load %arg5[%get3A_1551] {strides = array<i32>} : memref<8192xf32, #tpu.memory_space<vmem>>, vector<16xf32>,
    %add3A_1553 = arith.addf %add3A_1550, %get3A_1552 : vector<16xf32>
    %get3A_1554 = arith.constant 7200 : index
    %get3A_1555 = tpu.vector_load %arg5[%get3A_1554] {strides = array<i32>} : memref<8192xf32, #tpu.memory_space<vmem>>, vector<16xf32>,
    %add3A_1556 = arith.addf %add3A_1553, %get3A_1555 : vector<16xf32>
    %get3A_1557 = arith.constant 7712 : index
    %get3A_1558 = tpu.vector_load %arg5[%get3A_1557] {strides = array<i32>} : memref<8192xf32, #tpu.memory_space<vmem>>, vector<16xf32>,
    %add3A_1559 = arith.addf %add3A_1556, %get3A_1558 : vector<16xf32>
    %swap3A_1560 = arith.constant 32 : index
    %swap3A_1561 = tpu.vector_load %arg6[%swap3A_1560] {strides = array<i32>} : memref<512xf32, #tpu.memory_space<vmem>>, vector<16xf32>,
    tpu.vector_store %arg6[%swap3A_1560], %add3A_1559 {strides = array<i32>} : memref<512xf32, #tpu.memory_space<vmem>>, vector<16xf32>,
    %get3A_1562 = arith.constant 48 : index
    %get3A_1563 = tpu.vector_load %arg5[%get3A_1562] {strides = array<i32>} : memref<8192xf32, #tpu.memory_space<vmem>>, vector<16xf32>,
    %get3A_1564 = arith.constant 560 : index
    %get3A_1565 = tpu.vector_load %arg5[%get3A_1564] {strides = array<i32>} : memref<8192xf32, #tpu.memory_space<vmem>>, vector<16xf32>,
    %add3A_1566 = arith.addf %get3A_1563, %get3A_1565 : vector<16xf32>
    %get3A_1567 = arith.constant 1072 : index
    %get3A_1568 = tpu.vector_load %arg5[%get3A_1567] {strides = array<i32>} : memref<8192xf32, #tpu.memory_space<vmem>>, vector<16xf32>,
    %add3A_1569 = arith.addf %add3A_1566, %get3A_1568 : vector<16xf32>
    %get3A_1570 = arith.constant 1584 : index
    %get3A_1571 = tpu.vector_load %arg5[%get3A_1570] {strides = array<i32>} : memref<8192xf32, #tpu.memory_space<vmem>>, vector<16xf32>,
    %add3A_1572 = arith.addf %add3A_1569, %get3A_1571 : vector<16xf32>
    %get3A_1573 = arith.constant 2096 : index
    %get3A_1574 = tpu.vector_load %arg5[%get3A_1573] {strides = array<i32>} : memref<8192xf32, #tpu.memory_space<vmem>>, vector<16xf32>,
    %add3A_1575 = arith.addf %add3A_1572, %get3A_1574 : vector<16xf32>
    %get3A_1576 = arith.constant 2608 : index
    %get3A_1577 = tpu.vector_load %arg5[%get3A_1576] {strides = array<i32>} : memref<8192xf32, #tpu.memory_space<vmem>>, vector<16xf32>,
    %add3A_1578 = arith.addf %add3A_1575, %get3A_1577 : vector<16xf32>
    %get3A_1579 = arith.constant 3120 : index
    %get3A_1580 = tpu.vector_load %arg5[%get3A_1579] {strides = array<i32>} : memref<8192xf32, #tpu.memory_space<vmem>>, vector<16xf32>,
    %add3A_1581 = arith.addf %add3A_1578, %get3A_1580 : vector<16xf32>
    %get3A_1582 = arith.constant 3632 : index
    %get3A_1583 = tpu.vector_load %arg5[%get3A_1582] {strides = array<i32>} : memref<8192xf32, #tpu.memory_space<vmem>>, vector<16xf32>,
    %add3A_1584 = arith.addf %add3A_1581, %get3A_1583 : vector<16xf32>
    %get3A_1585 = arith.constant 4144 : index
    %get3A_1586 = tpu.vector_load %arg5[%get3A_1585] {strides = array<i32>} : memref<8192xf32, #tpu.memory_space<vmem>>, vector<16xf32>,
    %add3A_1587 = arith.addf %add3A_1584, %get3A_1586 : vector<16xf32>
    %get3A_1588 = arith.constant 4656 : index
    %get3A_1589 = tpu.vector_load %arg5[%get3A_1588] {strides = array<i32>} : memref<8192xf32, #tpu.memory_space<vmem>>, vector<16xf32>,
    %add3A_1590 = arith.addf %add3A_1587, %get3A_1589 : vector<16xf32>
    %get3A_1591 = arith.constant 5168 : index
    %get3A_1592 = tpu.vector_load %arg5[%get3A_1591] {strides = array<i32>} : memref<8192xf32, #tpu.memory_space<vmem>>, vector<16xf32>,
    %add3A_1593 = arith.addf %add3A_1590, %get3A_1592 : vector<16xf32>
    %get3A_1594 = arith.constant 5680 : index
    %get3A_1595 = tpu.vector_load %arg5[%get3A_1594] {strides = array<i32>} : memref<8192xf32, #tpu.memory_space<vmem>>, vector<16xf32>,
    %add3A_1596 = arith.addf %add3A_1593, %get3A_1595 : vector<16xf32>
    %get3A_1597 = arith.constant 6192 : index
    %get3A_1598 = tpu.vector_load %arg5[%get3A_1597] {strides = array<i32>} : memref<8192xf32, #tpu.memory_space<vmem>>, vector<16xf32>,
    %add3A_1599 = arith.addf %add3A_1596, %get3A_1598 : vector<16xf32>
    %get3A_1600 = arith.constant 6704 : index
    %get3A_1601 = tpu.vector_load %arg5[%get3A_1600] {strides = array<i32>} : memref<8192xf32, #tpu.memory_space<vmem>>, vector<16xf32>,
    %add3A_1602 = arith.addf %add3A_1599, %get3A_1601 : vector<16xf32>
    %get3A_1603 = arith.constant 7216 : index
    %get3A_1604 = tpu.vector_load %arg5[%get3A_1603] {strides = array<i32>} : memref<8192xf32, #tpu.memory_space<vmem>>, vector<16xf32>,
    %add3A_1605 = arith.addf %add3A_1602, %get3A_1604 : vector<16xf32>
    %get3A_1606 = arith.constant 7728 : index
    %get3A_1607 = tpu.vector_load %arg5[%get3A_1606] {strides = array<i32>} : memref<8192xf32, #tpu.memory_space<vmem>>, vector<16xf32>,
    %add3A_1608 = arith.addf %add3A_1605, %get3A_1607 : vector<16xf32>
    %swap3A_1609 = arith.constant 48 : index
    %swap3A_1610 = tpu.vector_load %arg6[%swap3A_1609] {strides = array<i32>} : memref<512xf32, #tpu.memory_space<vmem>>, vector<16xf32>,
    tpu.vector_store %arg6[%swap3A_1609], %add3A_1608 {strides = array<i32>} : memref<512xf32, #tpu.memory_space<vmem>>, vector<16xf32>,
    %get3A_1611 = arith.constant 64 : index
    %get3A_1612 = tpu.vector_load %arg5[%get3A_1611] {strides = array<i32>} : memref<8192xf32, #tpu.memory_space<vmem>>, vector<16xf32>,
    %get3A_1613 = arith.constant 576 : index
    %get3A_1614 = tpu.vector_load %arg5[%get3A_1613] {strides = array<i32>} : memref<8192xf32, #tpu.memory_space<vmem>>, vector<16xf32>,
    %add3A_1615 = arith.addf %get3A_1612, %get3A_1614 : vector<16xf32>
    %get3A_1616 = arith.constant 1088 : index
    %get3A_1617 = tpu.vector_load %arg5[%get3A_1616] {strides = array<i32>} : memref<8192xf32, #tpu.memory_space<vmem>>, vector<16xf32>,
    %add3A_1618 = arith.addf %add3A_1615, %get3A_1617 : vector<16xf32>
    %get3A_1619 = arith.constant 1600 : index
    %get3A_1620 = tpu.vector_load %arg5[%get3A_1619] {strides = array<i32>} : memref<8192xf32, #tpu.memory_space<vmem>>, vector<16xf32>,
    %add3A_1621 = arith.addf %add3A_1618, %get3A_1620 : vector<16xf32>
    %get3A_1622 = arith.constant 2112 : index
    %get3A_1623 = tpu.vector_load %arg5[%get3A_1622] {strides = array<i32>} : memref<8192xf32, #tpu.memory_space<vmem>>, vector<16xf32>,
    %add3A_1624 = arith.addf %add3A_1621, %get3A_1623 : vector<16xf32>
    %get3A_1625 = arith.constant 2624 : index
    %get3A_1626 = tpu.vector_load %arg5[%get3A_1625] {strides = array<i32>} : memref<8192xf32, #tpu.memory_space<vmem>>, vector<16xf32>,
    %add3A_1627 = arith.addf %add3A_1624, %get3A_1626 : vector<16xf32>
    %get3A_1628 = arith.constant 3136 : index
    %get3A_1629 = tpu.vector_load %arg5[%get3A_1628] {strides = array<i32>} : memref<8192xf32, #tpu.memory_space<vmem>>, vector<16xf32>,
    %add3A_1630 = arith.addf %add3A_1627, %get3A_1629 : vector<16xf32>
    %get3A_1631 = arith.constant 3648 : index
    %get3A_1632 = tpu.vector_load %arg5[%get3A_1631] {strides = array<i32>} : memref<8192xf32, #tpu.memory_space<vmem>>, vector<16xf32>,
    %add3A_1633 = arith.addf %add3A_1630, %get3A_1632 : vector<16xf32>
    %get3A_1634 = arith.constant 4160 : index
    %get3A_1635 = tpu.vector_load %arg5[%get3A_1634] {strides = array<i32>} : memref<8192xf32, #tpu.memory_space<vmem>>, vector<16xf32>,
    %add3A_1636 = arith.addf %add3A_1633, %get3A_1635 : vector<16xf32>
    %get3A_1637 = arith.constant 4672 : index
    %get3A_1638 = tpu.vector_load %arg5[%get3A_1637] {strides = array<i32>} : memref<8192xf32, #tpu.memory_space<vmem>>, vector<16xf32>,
    %add3A_1639 = arith.addf %add3A_1636, %get3A_1638 : vector<16xf32>
    %get3A_1640 = arith.constant 5184 : index
    %get3A_1641 = tpu.vector_load %arg5[%get3A_1640] {strides = array<i32>} : memref<8192xf32, #tpu.memory_space<vmem>>, vector<16xf32>,
    %add3A_1642 = arith.addf %add3A_1639, %get3A_1641 : vector<16xf32>
    %get3A_1643 = arith.constant 5696 : index
    %get3A_1644 = tpu.vector_load %arg5[%get3A_1643] {strides = array<i32>} : memref<8192xf32, #tpu.memory_space<vmem>>, vector<16xf32>,
    %add3A_1645 = arith.addf %add3A_1642, %get3A_1644 : vector<16xf32>
    %get3A_1646 = arith.constant 6208 : index
    %get3A_1647 = tpu.vector_load %arg5[%get3A_1646] {strides = array<i32>} : memref<8192xf32, #tpu.memory_space<vmem>>, vector<16xf32>,
    %add3A_1648 = arith.addf %add3A_1645, %get3A_1647 : vector<16xf32>
    %get3A_1649 = arith.constant 6720 : index
    %get3A_1650 = tpu.vector_load %arg5[%get3A_1649] {strides = array<i32>} : memref<8192xf32, #tpu.memory_space<vmem>>, vector<16xf32>,
    %add3A_1651 = arith.addf %add3A_1648, %get3A_1650 : vector<16xf32>
    %get3A_1652 = arith.constant 7232 : index
    %get3A_1653 = tpu.vector_load %arg5[%get3A_1652] {strides = array<i32>} : memref<8192xf32, #tpu.memory_space<vmem>>, vector<16xf32>,
    %add3A_1654 = arith.addf %add3A_1651, %get3A_1653 : vector<16xf32>
    %get3A_1655 = arith.constant 7744 : index
    %get3A_1656 = tpu.vector_load %arg5[%get3A_1655] {strides = array<i32>} : memref<8192xf32, #tpu.memory_space<vmem>>, vector<16xf32>,
    %add3A_1657 = arith.addf %add3A_1654, %get3A_1656 : vector<16xf32>
    %swap3A_1658 = arith.constant 64 : index
    %swap3A_1659 = tpu.vector_load %arg6[%swap3A_1658] {strides = array<i32>} : memref<512xf32, #tpu.memory_space<vmem>>, vector<16xf32>,
    tpu.vector_store %arg6[%swap3A_1658], %add3A_1657 {strides = array<i32>} : memref<512xf32, #tpu.memory_space<vmem>>, vector<16xf32>,
    %get3A_1660 = arith.constant 80 : index
    %get3A_1661 = tpu.vector_load %arg5[%get3A_1660] {strides = array<i32>} : memref<8192xf32, #tpu.memory_space<vmem>>, vector<16xf32>,
    %get3A_1662 = arith.constant 592 : index
    %get3A_1663 = tpu.vector_load %arg5[%get3A_1662] {strides = array<i32>} : memref<8192xf32, #tpu.memory_space<vmem>>, vector<16xf32>,
    %add3A_1664 = arith.addf %get3A_1661, %get3A_1663 : vector<16xf32>
    %get3A_1665 = arith.constant 1104 : index
    %get3A_1666 = tpu.vector_load %arg5[%get3A_1665] {strides = array<i32>} : memref<8192xf32, #tpu.memory_space<vmem>>, vector<16xf32>,
    %add3A_1667 = arith.addf %add3A_1664, %get3A_1666 : vector<16xf32>
    %get3A_1668 = arith.constant 1616 : index
    %get3A_1669 = tpu.vector_load %arg5[%get3A_1668] {strides = array<i32>} : memref<8192xf32, #tpu.memory_space<vmem>>, vector<16xf32>,
    %add3A_1670 = arith.addf %add3A_1667, %get3A_1669 : vector<16xf32>
    %get3A_1671 = arith.constant 2128 : index
    %get3A_1672 = tpu.vector_load %arg5[%get3A_1671] {strides = array<i32>} : memref<8192xf32, #tpu.memory_space<vmem>>, vector<16xf32>,
    %add3A_1673 = arith.addf %add3A_1670, %get3A_1672 : vector<16xf32>
    %get3A_1674 = arith.constant 2640 : index
    %get3A_1675 = tpu.vector_load %arg5[%get3A_1674] {strides = array<i32>} : memref<8192xf32, #tpu.memory_space<vmem>>, vector<16xf32>,
    %add3A_1676 = arith.addf %add3A_1673, %get3A_1675 : vector<16xf32>
    %get3A_1677 = arith.constant 3152 : index
    %get3A_1678 = tpu.vector_load %arg5[%get3A_1677] {strides = array<i32>} : memref<8192xf32, #tpu.memory_space<vmem>>, vector<16xf32>,
    %add3A_1679 = arith.addf %add3A_1676, %get3A_1678 : vector<16xf32>
    %get3A_1680 = arith.constant 3664 : index
    %get3A_1681 = tpu.vector_load %arg5[%get3A_1680] {strides = array<i32>} : memref<8192xf32, #tpu.memory_space<vmem>>, vector<16xf32>,
    %add3A_1682 = arith.addf %add3A_1679, %get3A_1681 : vector<16xf32>
    %get3A_1683 = arith.constant 4176 : index
    %get3A_1684 = tpu.vector_load %arg5[%get3A_1683] {strides = array<i32>} : memref<8192xf32, #tpu.memory_space<vmem>>, vector<16xf32>,
    %add3A_1685 = arith.addf %add3A_1682, %get3A_1684 : vector<16xf32>
    %get3A_1686 = arith.constant 4688 : index
    %get3A_1687 = tpu.vector_load %arg5[%get3A_1686] {strides = array<i32>} : memref<8192xf32, #tpu.memory_space<vmem>>, vector<16xf32>,
    %add3A_1688 = arith.addf %add3A_1685, %get3A_1687 : vector<16xf32>
    %get3A_1689 = arith.constant 5200 : index
    %get3A_1690 = tpu.vector_load %arg5[%get3A_1689] {strides = array<i32>} : memref<8192xf32, #tpu.memory_space<vmem>>, vector<16xf32>,
    %add3A_1691 = arith.addf %add3A_1688, %get3A_1690 : vector<16xf32>
    %get3A_1692 = arith.constant 5712 : index
    %get3A_1693 = tpu.vector_load %arg5[%get3A_1692] {strides = array<i32>} : memref<8192xf32, #tpu.memory_space<vmem>>, vector<16xf32>,
    %add3A_1694 = arith.addf %add3A_1691, %get3A_1693 : vector<16xf32>
    %get3A_1695 = arith.constant 6224 : index
    %get3A_1696 = tpu.vector_load %arg5[%get3A_1695] {strides = array<i32>} : memref<8192xf32, #tpu.memory_space<vmem>>, vector<16xf32>,
    %add3A_1697 = arith.addf %add3A_1694, %get3A_1696 : vector<16xf32>
    %get3A_1698 = arith.constant 6736 : index
    %get3A_1699 = tpu.vector_load %arg5[%get3A_1698] {strides = array<i32>} : memref<8192xf32, #tpu.memory_space<vmem>>, vector<16xf32>,
    %add3A_1700 = arith.addf %add3A_1697, %get3A_1699 : vector<16xf32>
    %get3A_1701 = arith.constant 7248 : index
    %get3A_1702 = tpu.vector_load %arg5[%get3A_1701] {strides = array<i32>} : memref<8192xf32, #tpu.memory_space<vmem>>, vector<16xf32>,
    %add3A_1703 = arith.addf %add3A_1700, %get3A_1702 : vector<16xf32>
    %get3A_1704 = arith.constant 7760 : index
    %get3A_1705 = tpu.vector_load %arg5[%get3A_1704] {strides = array<i32>} : memref<8192xf32, #tpu.memory_space<vmem>>, vector<16xf32>,
    %add3A_1706 = arith.addf %add3A_1703, %get3A_1705 : vector<16xf32>
    %swap3A_1707 = arith.constant 80 : index
    %swap3A_1708 = tpu.vector_load %arg6[%swap3A_1707] {strides = array<i32>} : memref<512xf32, #tpu.memory_space<vmem>>, vector<16xf32>,
    tpu.vector_store %arg6[%swap3A_1707], %add3A_1706 {strides = array<i32>} : memref<512xf32, #tpu.memory_space<vmem>>, vector<16xf32>,
    %get3A_1709 = arith.constant 96 : index
    %get3A_1710 = tpu.vector_load %arg5[%get3A_1709] {strides = array<i32>} : memref<8192xf32, #tpu.memory_space<vmem>>, vector<16xf32>,
    %get3A_1711 = arith.constant 608 : index
    %get3A_1712 = tpu.vector_load %arg5[%get3A_1711] {strides = array<i32>} : memref<8192xf32, #tpu.memory_space<vmem>>, vector<16xf32>,
    %add3A_1713 = arith.addf %get3A_1710, %get3A_1712 : vector<16xf32>
    %get3A_1714 = arith.constant 1120 : index
    %get3A_1715 = tpu.vector_load %arg5[%get3A_1714] {strides = array<i32>} : memref<8192xf32, #tpu.memory_space<vmem>>, vector<16xf32>,
    %add3A_1716 = arith.addf %add3A_1713, %get3A_1715 : vector<16xf32>
    %get3A_1717 = arith.constant 1632 : index
    %get3A_1718 = tpu.vector_load %arg5[%get3A_1717] {strides = array<i32>} : memref<8192xf32, #tpu.memory_space<vmem>>, vector<16xf32>,
    %add3A_1719 = arith.addf %add3A_1716, %get3A_1718 : vector<16xf32>
    %get3A_1720 = arith.constant 2144 : index
    %get3A_1721 = tpu.vector_load %arg5[%get3A_1720] {strides = array<i32>} : memref<8192xf32, #tpu.memory_space<vmem>>, vector<16xf32>,
    %add3A_1722 = arith.addf %add3A_1719, %get3A_1721 : vector<16xf32>
    %get3A_1723 = arith.constant 2656 : index
    %get3A_1724 = tpu.vector_load %arg5[%get3A_1723] {strides = array<i32>} : memref<8192xf32, #tpu.memory_space<vmem>>, vector<16xf32>,
    %add3A_1725 = arith.addf %add3A_1722, %get3A_1724 : vector<16xf32>
    %get3A_1726 = arith.constant 3168 : index
    %get3A_1727 = tpu.vector_load %arg5[%get3A_1726] {strides = array<i32>} : memref<8192xf32, #tpu.memory_space<vmem>>, vector<16xf32>,
    %add3A_1728 = arith.addf %add3A_1725, %get3A_1727 : vector<16xf32>
    %get3A_1729 = arith.constant 3680 : index
    %get3A_1730 = tpu.vector_load %arg5[%get3A_1729] {strides = array<i32>} : memref<8192xf32, #tpu.memory_space<vmem>>, vector<16xf32>,
    %add3A_1731 = arith.addf %add3A_1728, %get3A_1730 : vector<16xf32>
    %get3A_1732 = arith.constant 4192 : index
    %get3A_1733 = tpu.vector_load %arg5[%get3A_1732] {strides = array<i32>} : memref<8192xf32, #tpu.memory_space<vmem>>, vector<16xf32>,
    %add3A_1734 = arith.addf %add3A_1731, %get3A_1733 : vector<16xf32>
    %get3A_1735 = arith.constant 4704 : index
    %get3A_1736 = tpu.vector_load %arg5[%get3A_1735] {strides = array<i32>} : memref<8192xf32, #tpu.memory_space<vmem>>, vector<16xf32>,
    %add3A_1737 = arith.addf %add3A_1734, %get3A_1736 : vector<16xf32>
    %get3A_1738 = arith.constant 5216 : index
    %get3A_1739 = tpu.vector_load %arg5[%get3A_1738] {strides = array<i32>} : memref<8192xf32, #tpu.memory_space<vmem>>, vector<16xf32>,
    %add3A_1740 = arith.addf %add3A_1737, %get3A_1739 : vector<16xf32>
    %get3A_1741 = arith.constant 5728 : index
    %get3A_1742 = tpu.vector_load %arg5[%get3A_1741] {strides = array<i32>} : memref<8192xf32, #tpu.memory_space<vmem>>, vector<16xf32>,
    %add3A_1743 = arith.addf %add3A_1740, %get3A_1742 : vector<16xf32>
    %get3A_1744 = arith.constant 6240 : index
    %get3A_1745 = tpu.vector_load %arg5[%get3A_1744] {strides = array<i32>} : memref<8192xf32, #tpu.memory_space<vmem>>, vector<16xf32>,
    %add3A_1746 = arith.addf %add3A_1743, %get3A_1745 : vector<16xf32>
    %get3A_1747 = arith.constant 6752 : index
    %get3A_1748 = tpu.vector_load %arg5[%get3A_1747] {strides = array<i32>} : memref<8192xf32, #tpu.memory_space<vmem>>, vector<16xf32>,
    %add3A_1749 = arith.addf %add3A_1746, %get3A_1748 : vector<16xf32>
    %get3A_1750 = arith.constant 7264 : index
    %get3A_1751 = tpu.vector_load %arg5[%get3A_1750] {strides = array<i32>} : memref<8192xf32, #tpu.memory_space<vmem>>, vector<16xf32>,
    %add3A_1752 = arith.addf %add3A_1749, %get3A_1751 : vector<16xf32>
    %get3A_1753 = arith.constant 7776 : index
    %get3A_1754 = tpu.vector_load %arg5[%get3A_1753] {strides = array<i32>} : memref<8192xf32, #tpu.memory_space<vmem>>, vector<16xf32>,
    %add3A_1755 = arith.addf %add3A_1752, %get3A_1754 : vector<16xf32>
    %swap3A_1756 = arith.constant 96 : index
    %swap3A_1757 = tpu.vector_load %arg6[%swap3A_1756] {strides = array<i32>} : memref<512xf32, #tpu.memory_space<vmem>>, vector<16xf32>,
    tpu.vector_store %arg6[%swap3A_1756], %add3A_1755 {strides = array<i32>} : memref<512xf32, #tpu.memory_space<vmem>>, vector<16xf32>,
    %get3A_1758 = arith.constant 112 : index
    %get3A_1759 = tpu.vector_load %arg5[%get3A_1758] {strides = array<i32>} : memref<8192xf32, #tpu.memory_space<vmem>>, vector<16xf32>,
    %get3A_1760 = arith.constant 624 : index
    %get3A_1761 = tpu.vector_load %arg5[%get3A_1760] {strides = array<i32>} : memref<8192xf32, #tpu.memory_space<vmem>>, vector<16xf32>,
    %add3A_1762 = arith.addf %get3A_1759, %get3A_1761 : vector<16xf32>
    %get3A_1763 = arith.constant 1136 : index
    %get3A_1764 = tpu.vector_load %arg5[%get3A_1763] {strides = array<i32>} : memref<8192xf32, #tpu.memory_space<vmem>>, vector<16xf32>,
    %add3A_1765 = arith.addf %add3A_1762, %get3A_1764 : vector<16xf32>
    %get3A_1766 = arith.constant 1648 : index
    %get3A_1767 = tpu.vector_load %arg5[%get3A_1766] {strides = array<i32>} : memref<8192xf32, #tpu.memory_space<vmem>>, vector<16xf32>,
    %add3A_1768 = arith.addf %add3A_1765, %get3A_1767 : vector<16xf32>
    %get3A_1769 = arith.constant 2160 : index
    %get3A_1770 = tpu.vector_load %arg5[%get3A_1769] {strides = array<i32>} : memref<8192xf32, #tpu.memory_space<vmem>>, vector<16xf32>,
    %add3A_1771 = arith.addf %add3A_1768, %get3A_1770 : vector<16xf32>
    %get3A_1772 = arith.constant 2672 : index
    %get3A_1773 = tpu.vector_load %arg5[%get3A_1772] {strides = array<i32>} : memref<8192xf32, #tpu.memory_space<vmem>>, vector<16xf32>,
    %add3A_1774 = arith.addf %add3A_1771, %get3A_1773 : vector<16xf32>
    %get3A_1775 = arith.constant 3184 : index
    %get3A_1776 = tpu.vector_load %arg5[%get3A_1775] {strides = array<i32>} : memref<8192xf32, #tpu.memory_space<vmem>>, vector<16xf32>,
    %add3A_1777 = arith.addf %add3A_1774, %get3A_1776 : vector<16xf32>
    %get3A_1778 = arith.constant 3696 : index
    %get3A_1779 = tpu.vector_load %arg5[%get3A_1778] {strides = array<i32>} : memref<8192xf32, #tpu.memory_space<vmem>>, vector<16xf32>,
    %add3A_1780 = arith.addf %add3A_1777, %get3A_1779 : vector<16xf32>
    %get3A_1781 = arith.constant 4208 : index
    %get3A_1782 = tpu.vector_load %arg5[%get3A_1781] {strides = array<i32>} : memref<8192xf32, #tpu.memory_space<vmem>>, vector<16xf32>,
    %add3A_1783 = arith.addf %add3A_1780, %get3A_1782 : vector<16xf32>
    %get3A_1784 = arith.constant 4720 : index
    %get3A_1785 = tpu.vector_load %arg5[%get3A_1784] {strides = array<i32>} : memref<8192xf32, #tpu.memory_space<vmem>>, vector<16xf32>,
    %add3A_1786 = arith.addf %add3A_1783, %get3A_1785 : vector<16xf32>
    %get3A_1787 = arith.constant 5232 : index
    %get3A_1788 = tpu.vector_load %arg5[%get3A_1787] {strides = array<i32>} : memref<8192xf32, #tpu.memory_space<vmem>>, vector<16xf32>,
    %add3A_1789 = arith.addf %add3A_1786, %get3A_1788 : vector<16xf32>
    %get3A_1790 = arith.constant 5744 : index
    %get3A_1791 = tpu.vector_load %arg5[%get3A_1790] {strides = array<i32>} : memref<8192xf32, #tpu.memory_space<vmem>>, vector<16xf32>,
    %add3A_1792 = arith.addf %add3A_1789, %get3A_1791 : vector<16xf32>
    %get3A_1793 = arith.constant 6256 : index
    %get3A_1794 = tpu.vector_load %arg5[%get3A_1793] {strides = array<i32>} : memref<8192xf32, #tpu.memory_space<vmem>>, vector<16xf32>,
    %add3A_1795 = arith.addf %add3A_1792, %get3A_1794 : vector<16xf32>
    %get3A_1796 = arith.constant 6768 : index
    %get3A_1797 = tpu.vector_load %arg5[%get3A_1796] {strides = array<i32>} : memref<8192xf32, #tpu.memory_space<vmem>>, vector<16xf32>,
    %add3A_1798 = arith.addf %add3A_1795, %get3A_1797 : vector<16xf32>
    %get3A_1799 = arith.constant 7280 : index
    %get3A_1800 = tpu.vector_load %arg5[%get3A_1799] {strides = array<i32>} : memref<8192xf32, #tpu.memory_space<vmem>>, vector<16xf32>,
    %add3A_1801 = arith.addf %add3A_1798, %get3A_1800 : vector<16xf32>
    %get3A_1802 = arith.constant 7792 : index
    %get3A_1803 = tpu.vector_load %arg5[%get3A_1802] {strides = array<i32>} : memref<8192xf32, #tpu.memory_space<vmem>>, vector<16xf32>,
    %add3A_1804 = arith.addf %add3A_1801, %get3A_1803 : vector<16xf32>
    %swap3A_1805 = arith.constant 112 : index
    %swap3A_1806 = tpu.vector_load %arg6[%swap3A_1805] {strides = array<i32>} : memref<512xf32, #tpu.memory_space<vmem>>, vector<16xf32>,
    tpu.vector_store %arg6[%swap3A_1805], %add3A_1804 {strides = array<i32>} : memref<512xf32, #tpu.memory_space<vmem>>, vector<16xf32>,
    %get3A_1807 = arith.constant 128 : index
    %get3A_1808 = tpu.vector_load %arg5[%get3A_1807] {strides = array<i32>} : memref<8192xf32, #tpu.memory_space<vmem>>, vector<16xf32>,
    %get3A_1809 = arith.constant 640 : index
    %get3A_1810 = tpu.vector_load %arg5[%get3A_1809] {strides = array<i32>} : memref<8192xf32, #tpu.memory_space<vmem>>, vector<16xf32>,
    %add3A_1811 = arith.addf %get3A_1808, %get3A_1810 : vector<16xf32>
    %get3A_1812 = arith.constant 1152 : index
    %get3A_1813 = tpu.vector_load %arg5[%get3A_1812] {strides = array<i32>} : memref<8192xf32, #tpu.memory_space<vmem>>, vector<16xf32>,
    %add3A_1814 = arith.addf %add3A_1811, %get3A_1813 : vector<16xf32>
    %get3A_1815 = arith.constant 1664 : index
    %get3A_1816 = tpu.vector_load %arg5[%get3A_1815] {strides = array<i32>} : memref<8192xf32, #tpu.memory_space<vmem>>, vector<16xf32>,
    %add3A_1817 = arith.addf %add3A_1814, %get3A_1816 : vector<16xf32>
    %get3A_1818 = arith.constant 2176 : index
    %get3A_1819 = tpu.vector_load %arg5[%get3A_1818] {strides = array<i32>} : memref<8192xf32, #tpu.memory_space<vmem>>, vector<16xf32>,
    %add3A_1820 = arith.addf %add3A_1817, %get3A_1819 : vector<16xf32>
    %get3A_1821 = arith.constant 2688 : index
    %get3A_1822 = tpu.vector_load %arg5[%get3A_1821] {strides = array<i32>} : memref<8192xf32, #tpu.memory_space<vmem>>, vector<16xf32>,
    %add3A_1823 = arith.addf %add3A_1820, %get3A_1822 : vector<16xf32>
    %get3A_1824 = arith.constant 3200 : index
    %get3A_1825 = tpu.vector_load %arg5[%get3A_1824] {strides = array<i32>} : memref<8192xf32, #tpu.memory_space<vmem>>, vector<16xf32>,
    %add3A_1826 = arith.addf %add3A_1823, %get3A_1825 : vector<16xf32>
    %get3A_1827 = arith.constant 3712 : index
    %get3A_1828 = tpu.vector_load %arg5[%get3A_1827] {strides = array<i32>} : memref<8192xf32, #tpu.memory_space<vmem>>, vector<16xf32>,
    %add3A_1829 = arith.addf %add3A_1826, %get3A_1828 : vector<16xf32>
    %get3A_1830 = arith.constant 4224 : index
    %get3A_1831 = tpu.vector_load %arg5[%get3A_1830] {strides = array<i32>} : memref<8192xf32, #tpu.memory_space<vmem>>, vector<16xf32>,
    %add3A_1832 = arith.addf %add3A_1829, %get3A_1831 : vector<16xf32>
    %get3A_1833 = arith.constant 4736 : index
    %get3A_1834 = tpu.vector_load %arg5[%get3A_1833] {strides = array<i32>} : memref<8192xf32, #tpu.memory_space<vmem>>, vector<16xf32>,
    %add3A_1835 = arith.addf %add3A_1832, %get3A_1834 : vector<16xf32>
    %get3A_1836 = arith.constant 5248 : index
    %get3A_1837 = tpu.vector_load %arg5[%get3A_1836] {strides = array<i32>} : memref<8192xf32, #tpu.memory_space<vmem>>, vector<16xf32>,
    %add3A_1838 = arith.addf %add3A_1835, %get3A_1837 : vector<16xf32>
    %get3A_1839 = arith.constant 5760 : index
    %get3A_1840 = tpu.vector_load %arg5[%get3A_1839] {strides = array<i32>} : memref<8192xf32, #tpu.memory_space<vmem>>, vector<16xf32>,
    %add3A_1841 = arith.addf %add3A_1838, %get3A_1840 : vector<16xf32>
    %get3A_1842 = arith.constant 6272 : index
    %get3A_1843 = tpu.vector_load %arg5[%get3A_1842] {strides = array<i32>} : memref<8192xf32, #tpu.memory_space<vmem>>, vector<16xf32>,
    %add3A_1844 = arith.addf %add3A_1841, %get3A_1843 : vector<16xf32>
    %get3A_1845 = arith.constant 6784 : index
    %get3A_1846 = tpu.vector_load %arg5[%get3A_1845] {strides = array<i32>} : memref<8192xf32, #tpu.memory_space<vmem>>, vector<16xf32>,
    %add3A_1847 = arith.addf %add3A_1844, %get3A_1846 : vector<16xf32>
    %get3A_1848 = arith.constant 7296 : index
    %get3A_1849 = tpu.vector_load %arg5[%get3A_1848] {strides = array<i32>} : memref<8192xf32, #tpu.memory_space<vmem>>, vector<16xf32>,
    %add3A_1850 = arith.addf %add3A_1847, %get3A_1849 : vector<16xf32>
    %get3A_1851 = arith.constant 7808 : index
    %get3A_1852 = tpu.vector_load %arg5[%get3A_1851] {strides = array<i32>} : memref<8192xf32, #tpu.memory_space<vmem>>, vector<16xf32>,
    %add3A_1853 = arith.addf %add3A_1850, %get3A_1852 : vector<16xf32>
    %swap3A_1854 = arith.constant 128 : index
    %swap3A_1855 = tpu.vector_load %arg6[%swap3A_1854] {strides = array<i32>} : memref<512xf32, #tpu.memory_space<vmem>>, vector<16xf32>,
    tpu.vector_store %arg6[%swap3A_1854], %add3A_1853 {strides = array<i32>} : memref<512xf32, #tpu.memory_space<vmem>>, vector<16xf32>,
    %get3A_1856 = arith.constant 144 : index
    %get3A_1857 = tpu.vector_load %arg5[%get3A_1856] {strides = array<i32>} : memref<8192xf32, #tpu.memory_space<vmem>>, vector<16xf32>,
    %get3A_1858 = arith.constant 656 : index
    %get3A_1859 = tpu.vector_load %arg5[%get3A_1858] {strides = array<i32>} : memref<8192xf32, #tpu.memory_space<vmem>>, vector<16xf32>,
    %add3A_1860 = arith.addf %get3A_1857, %get3A_1859 : vector<16xf32>
    %get3A_1861 = arith.constant 1168 : index
    %get3A_1862 = tpu.vector_load %arg5[%get3A_1861] {strides = array<i32>} : memref<8192xf32, #tpu.memory_space<vmem>>, vector<16xf32>,
    %add3A_1863 = arith.addf %add3A_1860, %get3A_1862 : vector<16xf32>
    %get3A_1864 = arith.constant 1680 : index
    %get3A_1865 = tpu.vector_load %arg5[%get3A_1864] {strides = array<i32>} : memref<8192xf32, #tpu.memory_space<vmem>>, vector<16xf32>,
    %add3A_1866 = arith.addf %add3A_1863, %get3A_1865 : vector<16xf32>
    %get3A_1867 = arith.constant 2192 : index
    %get3A_1868 = tpu.vector_load %arg5[%get3A_1867] {strides = array<i32>} : memref<8192xf32, #tpu.memory_space<vmem>>, vector<16xf32>,
    %add3A_1869 = arith.addf %add3A_1866, %get3A_1868 : vector<16xf32>
    %get3A_1870 = arith.constant 2704 : index
    %get3A_1871 = tpu.vector_load %arg5[%get3A_1870] {strides = array<i32>} : memref<8192xf32, #tpu.memory_space<vmem>>, vector<16xf32>,
    %add3A_1872 = arith.addf %add3A_1869, %get3A_1871 : vector<16xf32>
    %get3A_1873 = arith.constant 3216 : index
    %get3A_1874 = tpu.vector_load %arg5[%get3A_1873] {strides = array<i32>} : memref<8192xf32, #tpu.memory_space<vmem>>, vector<16xf32>,
    %add3A_1875 = arith.addf %add3A_1872, %get3A_1874 : vector<16xf32>
    %get3A_1876 = arith.constant 3728 : index
    %get3A_1877 = tpu.vector_load %arg5[%get3A_1876] {strides = array<i32>} : memref<8192xf32, #tpu.memory_space<vmem>>, vector<16xf32>,
    %add3A_1878 = arith.addf %add3A_1875, %get3A_1877 : vector<16xf32>
    %get3A_1879 = arith.constant 4240 : index
    %get3A_1880 = tpu.vector_load %arg5[%get3A_1879] {strides = array<i32>} : memref<8192xf32, #tpu.memory_space<vmem>>, vector<16xf32>,
    %add3A_1881 = arith.addf %add3A_1878, %get3A_1880 : vector<16xf32>
    %get3A_1882 = arith.constant 4752 : index
    %get3A_1883 = tpu.vector_load %arg5[%get3A_1882] {strides = array<i32>} : memref<8192xf32, #tpu.memory_space<vmem>>, vector<16xf32>,
    %add3A_1884 = arith.addf %add3A_1881, %get3A_1883 : vector<16xf32>
    %get3A_1885 = arith.constant 5264 : index
    %get3A_1886 = tpu.vector_load %arg5[%get3A_1885] {strides = array<i32>} : memref<8192xf32, #tpu.memory_space<vmem>>, vector<16xf32>,
    %add3A_1887 = arith.addf %add3A_1884, %get3A_1886 : vector<16xf32>
    %get3A_1888 = arith.constant 5776 : index
    %get3A_1889 = tpu.vector_load %arg5[%get3A_1888] {strides = array<i32>} : memref<8192xf32, #tpu.memory_space<vmem>>, vector<16xf32>,
    %add3A_1890 = arith.addf %add3A_1887, %get3A_1889 : vector<16xf32>
    %get3A_1891 = arith.constant 6288 : index
    %get3A_1892 = tpu.vector_load %arg5[%get3A_1891] {strides = array<i32>} : memref<8192xf32, #tpu.memory_space<vmem>>, vector<16xf32>,
    %add3A_1893 = arith.addf %add3A_1890, %get3A_1892 : vector<16xf32>
    %get3A_1894 = arith.constant 6800 : index
    %get3A_1895 = tpu.vector_load %arg5[%get3A_1894] {strides = array<i32>} : memref<8192xf32, #tpu.memory_space<vmem>>, vector<16xf32>,
    %add3A_1896 = arith.addf %add3A_1893, %get3A_1895 : vector<16xf32>
    %get3A_1897 = arith.constant 7312 : index
    %get3A_1898 = tpu.vector_load %arg5[%get3A_1897] {strides = array<i32>} : memref<8192xf32, #tpu.memory_space<vmem>>, vector<16xf32>,
    %add3A_1899 = arith.addf %add3A_1896, %get3A_1898 : vector<16xf32>
    %get3A_1900 = arith.constant 7824 : index
    %get3A_1901 = tpu.vector_load %arg5[%get3A_1900] {strides = array<i32>} : memref<8192xf32, #tpu.memory_space<vmem>>, vector<16xf32>,
    %add3A_1902 = arith.addf %add3A_1899, %get3A_1901 : vector<16xf32>
    %swap3A_1903 = arith.constant 144 : index
    %swap3A_1904 = tpu.vector_load %arg6[%swap3A_1903] {strides = array<i32>} : memref<512xf32, #tpu.memory_space<vmem>>, vector<16xf32>,
    tpu.vector_store %arg6[%swap3A_1903], %add3A_1902 {strides = array<i32>} : memref<512xf32, #tpu.memory_space<vmem>>, vector<16xf32>,
    %get3A_1905 = arith.constant 160 : index
    %get3A_1906 = tpu.vector_load %arg5[%get3A_1905] {strides = array<i32>} : memref<8192xf32, #tpu.memory_space<vmem>>, vector<16xf32>,
    %get3A_1907 = arith.constant 672 : index
    %get3A_1908 = tpu.vector_load %arg5[%get3A_1907] {strides = array<i32>} : memref<8192xf32, #tpu.memory_space<vmem>>, vector<16xf32>,
    %add3A_1909 = arith.addf %get3A_1906, %get3A_1908 : vector<16xf32>
    %get3A_1910 = arith.constant 1184 : index
    %get3A_1911 = tpu.vector_load %arg5[%get3A_1910] {strides = array<i32>} : memref<8192xf32, #tpu.memory_space<vmem>>, vector<16xf32>,
    %add3A_1912 = arith.addf %add3A_1909, %get3A_1911 : vector<16xf32>
    %get3A_1913 = arith.constant 1696 : index
    %get3A_1914 = tpu.vector_load %arg5[%get3A_1913] {strides = array<i32>} : memref<8192xf32, #tpu.memory_space<vmem>>, vector<16xf32>,
    %add3A_1915 = arith.addf %add3A_1912, %get3A_1914 : vector<16xf32>
    %get3A_1916 = arith.constant 2208 : index
    %get3A_1917 = tpu.vector_load %arg5[%get3A_1916] {strides = array<i32>} : memref<8192xf32, #tpu.memory_space<vmem>>, vector<16xf32>,
    %add3A_1918 = arith.addf %add3A_1915, %get3A_1917 : vector<16xf32>
    %get3A_1919 = arith.constant 2720 : index
    %get3A_1920 = tpu.vector_load %arg5[%get3A_1919] {strides = array<i32>} : memref<8192xf32, #tpu.memory_space<vmem>>, vector<16xf32>,
    %add3A_1921 = arith.addf %add3A_1918, %get3A_1920 : vector<16xf32>
    %get3A_1922 = arith.constant 3232 : index
    %get3A_1923 = tpu.vector_load %arg5[%get3A_1922] {strides = array<i32>} : memref<8192xf32, #tpu.memory_space<vmem>>, vector<16xf32>,
    %add3A_1924 = arith.addf %add3A_1921, %get3A_1923 : vector<16xf32>
    %get3A_1925 = arith.constant 3744 : index
    %get3A_1926 = tpu.vector_load %arg5[%get3A_1925] {strides = array<i32>} : memref<8192xf32, #tpu.memory_space<vmem>>, vector<16xf32>,
    %add3A_1927 = arith.addf %add3A_1924, %get3A_1926 : vector<16xf32>
    %get3A_1928 = arith.constant 4256 : index
    %get3A_1929 = tpu.vector_load %arg5[%get3A_1928] {strides = array<i32>} : memref<8192xf32, #tpu.memory_space<vmem>>, vector<16xf32>,
    %add3A_1930 = arith.addf %add3A_1927, %get3A_1929 : vector<16xf32>
    %get3A_1931 = arith.constant 4768 : index
    %get3A_1932 = tpu.vector_load %arg5[%get3A_1931] {strides = array<i32>} : memref<8192xf32, #tpu.memory_space<vmem>>, vector<16xf32>,
    %add3A_1933 = arith.addf %add3A_1930, %get3A_1932 : vector<16xf32>
    %get3A_1934 = arith.constant 5280 : index
    %get3A_1935 = tpu.vector_load %arg5[%get3A_1934] {strides = array<i32>} : memref<8192xf32, #tpu.memory_space<vmem>>, vector<16xf32>,
    %add3A_1936 = arith.addf %add3A_1933, %get3A_1935 : vector<16xf32>
    %get3A_1937 = arith.constant 5792 : index
    %get3A_1938 = tpu.vector_load %arg5[%get3A_1937] {strides = array<i32>} : memref<8192xf32, #tpu.memory_space<vmem>>, vector<16xf32>,
    %add3A_1939 = arith.addf %add3A_1936, %get3A_1938 : vector<16xf32>
    %get3A_1940 = arith.constant 6304 : index
    %get3A_1941 = tpu.vector_load %arg5[%get3A_1940] {strides = array<i32>} : memref<8192xf32, #tpu.memory_space<vmem>>, vector<16xf32>,
    %add3A_1942 = arith.addf %add3A_1939, %get3A_1941 : vector<16xf32>
    %get3A_1943 = arith.constant 6816 : index
    %get3A_1944 = tpu.vector_load %arg5[%get3A_1943] {strides = array<i32>} : memref<8192xf32, #tpu.memory_space<vmem>>, vector<16xf32>,
    %add3A_1945 = arith.addf %add3A_1942, %get3A_1944 : vector<16xf32>
    %get3A_1946 = arith.constant 7328 : index
    %get3A_1947 = tpu.vector_load %arg5[%get3A_1946] {strides = array<i32>} : memref<8192xf32, #tpu.memory_space<vmem>>, vector<16xf32>,
    %add3A_1948 = arith.addf %add3A_1945, %get3A_1947 : vector<16xf32>
    %get3A_1949 = arith.constant 7840 : index
    %get3A_1950 = tpu.vector_load %arg5[%get3A_1949] {strides = array<i32>} : memref<8192xf32, #tpu.memory_space<vmem>>, vector<16xf32>,
    %add3A_1951 = arith.addf %add3A_1948, %get3A_1950 : vector<16xf32>
    %swap3A_1952 = arith.constant 160 : index
    %swap3A_1953 = tpu.vector_load %arg6[%swap3A_1952] {strides = array<i32>} : memref<512xf32, #tpu.memory_space<vmem>>, vector<16xf32>,
    tpu.vector_store %arg6[%swap3A_1952], %add3A_1951 {strides = array<i32>} : memref<512xf32, #tpu.memory_space<vmem>>, vector<16xf32>,
    %get3A_1954 = arith.constant 176 : index
    %get3A_1955 = tpu.vector_load %arg5[%get3A_1954] {strides = array<i32>} : memref<8192xf32, #tpu.memory_space<vmem>>, vector<16xf32>,
    %get3A_1956 = arith.constant 688 : index
    %get3A_1957 = tpu.vector_load %arg5[%get3A_1956] {strides = array<i32>} : memref<8192xf32, #tpu.memory_space<vmem>>, vector<16xf32>,
    %add3A_1958 = arith.addf %get3A_1955, %get3A_1957 : vector<16xf32>
    %get3A_1959 = arith.constant 1200 : index
    %get3A_1960 = tpu.vector_load %arg5[%get3A_1959] {strides = array<i32>} : memref<8192xf32, #tpu.memory_space<vmem>>, vector<16xf32>,
    %add3A_1961 = arith.addf %add3A_1958, %get3A_1960 : vector<16xf32>
    %get3A_1962 = arith.constant 1712 : index
    %get3A_1963 = tpu.vector_load %arg5[%get3A_1962] {strides = array<i32>} : memref<8192xf32, #tpu.memory_space<vmem>>, vector<16xf32>,
    %add3A_1964 = arith.addf %add3A_1961, %get3A_1963 : vector<16xf32>
    %get3A_1965 = arith.constant 2224 : index
    %get3A_1966 = tpu.vector_load %arg5[%get3A_1965] {strides = array<i32>} : memref<8192xf32, #tpu.memory_space<vmem>>, vector<16xf32>,
    %add3A_1967 = arith.addf %add3A_1964, %get3A_1966 : vector<16xf32>
    %get3A_1968 = arith.constant 2736 : index
    %get3A_1969 = tpu.vector_load %arg5[%get3A_1968] {strides = array<i32>} : memref<8192xf32, #tpu.memory_space<vmem>>, vector<16xf32>,
    %add3A_1970 = arith.addf %add3A_1967, %get3A_1969 : vector<16xf32>
    %get3A_1971 = arith.constant 3248 : index
    %get3A_1972 = tpu.vector_load %arg5[%get3A_1971] {strides = array<i32>} : memref<8192xf32, #tpu.memory_space<vmem>>, vector<16xf32>,
    %add3A_1973 = arith.addf %add3A_1970, %get3A_1972 : vector<16xf32>
    %get3A_1974 = arith.constant 3760 : index
    %get3A_1975 = tpu.vector_load %arg5[%get3A_1974] {strides = array<i32>} : memref<8192xf32, #tpu.memory_space<vmem>>, vector<16xf32>,
    %add3A_1976 = arith.addf %add3A_1973, %get3A_1975 : vector<16xf32>
    %get3A_1977 = arith.constant 4272 : index
    %get3A_1978 = tpu.vector_load %arg5[%get3A_1977] {strides = array<i32>} : memref<8192xf32, #tpu.memory_space<vmem>>, vector<16xf32>,
    %add3A_1979 = arith.addf %add3A_1976, %get3A_1978 : vector<16xf32>
    %get3A_1980 = arith.constant 4784 : index
    %get3A_1981 = tpu.vector_load %arg5[%get3A_1980] {strides = array<i32>} : memref<8192xf32, #tpu.memory_space<vmem>>, vector<16xf32>,
    %add3A_1982 = arith.addf %add3A_1979, %get3A_1981 : vector<16xf32>
    %get3A_1983 = arith.constant 5296 : index
    %get3A_1984 = tpu.vector_load %arg5[%get3A_1983] {strides = array<i32>} : memref<8192xf32, #tpu.memory_space<vmem>>, vector<16xf32>,
    %add3A_1985 = arith.addf %add3A_1982, %get3A_1984 : vector<16xf32>
    %get3A_1986 = arith.constant 5808 : index
    %get3A_1987 = tpu.vector_load %arg5[%get3A_1986] {strides = array<i32>} : memref<8192xf32, #tpu.memory_space<vmem>>, vector<16xf32>,
    %add3A_1988 = arith.addf %add3A_1985, %get3A_1987 : vector<16xf32>
    %get3A_1989 = arith.constant 6320 : index
    %get3A_1990 = tpu.vector_load %arg5[%get3A_1989] {strides = array<i32>} : memref<8192xf32, #tpu.memory_space<vmem>>, vector<16xf32>,
    %add3A_1991 = arith.addf %add3A_1988, %get3A_1990 : vector<16xf32>
    %get3A_1992 = arith.constant 6832 : index
    %get3A_1993 = tpu.vector_load %arg5[%get3A_1992] {strides = array<i32>} : memref<8192xf32, #tpu.memory_space<vmem>>, vector<16xf32>,
    %add3A_1994 = arith.addf %add3A_1991, %get3A_1993 : vector<16xf32>
    %get3A_1995 = arith.constant 7344 : index
    %get3A_1996 = tpu.vector_load %arg5[%get3A_1995] {strides = array<i32>} : memref<8192xf32, #tpu.memory_space<vmem>>, vector<16xf32>,
    %add3A_1997 = arith.addf %add3A_1994, %get3A_1996 : vector<16xf32>
    %get3A_1998 = arith.constant 7856 : index
    %get3A_1999 = tpu.vector_load %arg5[%get3A_1998] {strides = array<i32>} : memref<8192xf32, #tpu.memory_space<vmem>>, vector<16xf32>,
    %add3A_2000 = arith.addf %add3A_1997, %get3A_1999 : vector<16xf32>
    %swap3A_2001 = arith.constant 176 : index
    %swap3A_2002 = tpu.vector_load %arg6[%swap3A_2001] {strides = array<i32>} : memref<512xf32, #tpu.memory_space<vmem>>, vector<16xf32>,
    tpu.vector_store %arg6[%swap3A_2001], %add3A_2000 {strides = array<i32>} : memref<512xf32, #tpu.memory_space<vmem>>, vector<16xf32>,
    %get3A_2003 = arith.constant 192 : index
    %get3A_2004 = tpu.vector_load %arg5[%get3A_2003] {strides = array<i32>} : memref<8192xf32, #tpu.memory_space<vmem>>, vector<16xf32>,
    %get3A_2005 = arith.constant 704 : index
    %get3A_2006 = tpu.vector_load %arg5[%get3A_2005] {strides = array<i32>} : memref<8192xf32, #tpu.memory_space<vmem>>, vector<16xf32>,
    %add3A_2007 = arith.addf %get3A_2004, %get3A_2006 : vector<16xf32>
    %get3A_2008 = arith.constant 1216 : index
    %get3A_2009 = tpu.vector_load %arg5[%get3A_2008] {strides = array<i32>} : memref<8192xf32, #tpu.memory_space<vmem>>, vector<16xf32>,
    %add3A_2010 = arith.addf %add3A_2007, %get3A_2009 : vector<16xf32>
    %get3A_2011 = arith.constant 1728 : index
    %get3A_2012 = tpu.vector_load %arg5[%get3A_2011] {strides = array<i32>} : memref<8192xf32, #tpu.memory_space<vmem>>, vector<16xf32>,
    %add3A_2013 = arith.addf %add3A_2010, %get3A_2012 : vector<16xf32>
    %get3A_2014 = arith.constant 2240 : index
    %get3A_2015 = tpu.vector_load %arg5[%get3A_2014] {strides = array<i32>} : memref<8192xf32, #tpu.memory_space<vmem>>, vector<16xf32>,
    %add3A_2016 = arith.addf %add3A_2013, %get3A_2015 : vector<16xf32>
    %get3A_2017 = arith.constant 2752 : index
    %get3A_2018 = tpu.vector_load %arg5[%get3A_2017] {strides = array<i32>} : memref<8192xf32, #tpu.memory_space<vmem>>, vector<16xf32>,
    %add3A_2019 = arith.addf %add3A_2016, %get3A_2018 : vector<16xf32>
    %get3A_2020 = arith.constant 3264 : index
    %get3A_2021 = tpu.vector_load %arg5[%get3A_2020] {strides = array<i32>} : memref<8192xf32, #tpu.memory_space<vmem>>, vector<16xf32>,
    %add3A_2022 = arith.addf %add3A_2019, %get3A_2021 : vector<16xf32>
    %get3A_2023 = arith.constant 3776 : index
    %get3A_2024 = tpu.vector_load %arg5[%get3A_2023] {strides = array<i32>} : memref<8192xf32, #tpu.memory_space<vmem>>, vector<16xf32>,
    %add3A_2025 = arith.addf %add3A_2022, %get3A_2024 : vector<16xf32>
    %get3A_2026 = arith.constant 4288 : index
    %get3A_2027 = tpu.vector_load %arg5[%get3A_2026] {strides = array<i32>} : memref<8192xf32, #tpu.memory_space<vmem>>, vector<16xf32>,
    %add3A_2028 = arith.addf %add3A_2025, %get3A_2027 : vector<16xf32>
    %get3A_2029 = arith.constant 4800 : index
    %get3A_2030 = tpu.vector_load %arg5[%get3A_2029] {strides = array<i32>} : memref<8192xf32, #tpu.memory_space<vmem>>, vector<16xf32>,
    %add3A_2031 = arith.addf %add3A_2028, %get3A_2030 : vector<16xf32>
    %get3A_2032 = arith.constant 5312 : index
    %get3A_2033 = tpu.vector_load %arg5[%get3A_2032] {strides = array<i32>} : memref<8192xf32, #tpu.memory_space<vmem>>, vector<16xf32>,
    %add3A_2034 = arith.addf %add3A_2031, %get3A_2033 : vector<16xf32>
    %get3A_2035 = arith.constant 5824 : index
    %get3A_2036 = tpu.vector_load %arg5[%get3A_2035] {strides = array<i32>} : memref<8192xf32, #tpu.memory_space<vmem>>, vector<16xf32>,
    %add3A_2037 = arith.addf %add3A_2034, %get3A_2036 : vector<16xf32>
    %get3A_2038 = arith.constant 6336 : index
    %get3A_2039 = tpu.vector_load %arg5[%get3A_2038] {strides = array<i32>} : memref<8192xf32, #tpu.memory_space<vmem>>, vector<16xf32>,
    %add3A_2040 = arith.addf %add3A_2037, %get3A_2039 : vector<16xf32>
    %get3A_2041 = arith.constant 6848 : index
    %get3A_2042 = tpu.vector_load %arg5[%get3A_2041] {strides = array<i32>} : memref<8192xf32, #tpu.memory_space<vmem>>, vector<16xf32>,
    %add3A_2043 = arith.addf %add3A_2040, %get3A_2042 : vector<16xf32>
    %get3A_2044 = arith.constant 7360 : index
    %get3A_2045 = tpu.vector_load %arg5[%get3A_2044] {strides = array<i32>} : memref<8192xf32, #tpu.memory_space<vmem>>, vector<16xf32>,
    %add3A_2046 = arith.addf %add3A_2043, %get3A_2045 : vector<16xf32>
    %get3A_2047 = arith.constant 7872 : index
    %get3A_2048 = tpu.vector_load %arg5[%get3A_2047] {strides = array<i32>} : memref<8192xf32, #tpu.memory_space<vmem>>, vector<16xf32>,
    %add3A_2049 = arith.addf %add3A_2046, %get3A_2048 : vector<16xf32>
    %swap3A_2050 = arith.constant 192 : index
    %swap3A_2051 = tpu.vector_load %arg6[%swap3A_2050] {strides = array<i32>} : memref<512xf32, #tpu.memory_space<vmem>>, vector<16xf32>,
    tpu.vector_store %arg6[%swap3A_2050], %add3A_2049 {strides = array<i32>} : memref<512xf32, #tpu.memory_space<vmem>>, vector<16xf32>,
    %get3A_2052 = arith.constant 208 : index
    %get3A_2053 = tpu.vector_load %arg5[%get3A_2052] {strides = array<i32>} : memref<8192xf32, #tpu.memory_space<vmem>>, vector<16xf32>,
    %get3A_2054 = arith.constant 720 : index
    %get3A_2055 = tpu.vector_load %arg5[%get3A_2054] {strides = array<i32>} : memref<8192xf32, #tpu.memory_space<vmem>>, vector<16xf32>,
    %add3A_2056 = arith.addf %get3A_2053, %get3A_2055 : vector<16xf32>
    %get3A_2057 = arith.constant 1232 : index
    %get3A_2058 = tpu.vector_load %arg5[%get3A_2057] {strides = array<i32>} : memref<8192xf32, #tpu.memory_space<vmem>>, vector<16xf32>,
    %add3A_2059 = arith.addf %add3A_2056, %get3A_2058 : vector<16xf32>
    %get3A_2060 = arith.constant 1744 : index
    %get3A_2061 = tpu.vector_load %arg5[%get3A_2060] {strides = array<i32>} : memref<8192xf32, #tpu.memory_space<vmem>>, vector<16xf32>,
    %add3A_2062 = arith.addf %add3A_2059, %get3A_2061 : vector<16xf32>
    %get3A_2063 = arith.constant 2256 : index
    %get3A_2064 = tpu.vector_load %arg5[%get3A_2063] {strides = array<i32>} : memref<8192xf32, #tpu.memory_space<vmem>>, vector<16xf32>,
    %add3A_2065 = arith.addf %add3A_2062, %get3A_2064 : vector<16xf32>
    %get3A_2066 = arith.constant 2768 : index
    %get3A_2067 = tpu.vector_load %arg5[%get3A_2066] {strides = array<i32>} : memref<8192xf32, #tpu.memory_space<vmem>>, vector<16xf32>,
    %add3A_2068 = arith.addf %add3A_2065, %get3A_2067 : vector<16xf32>
    %get3A_2069 = arith.constant 3280 : index
    %get3A_2070 = tpu.vector_load %arg5[%get3A_2069] {strides = array<i32>} : memref<8192xf32, #tpu.memory_space<vmem>>, vector<16xf32>,
    %add3A_2071 = arith.addf %add3A_2068, %get3A_2070 : vector<16xf32>
    %get3A_2072 = arith.constant 3792 : index
    %get3A_2073 = tpu.vector_load %arg5[%get3A_2072] {strides = array<i32>} : memref<8192xf32, #tpu.memory_space<vmem>>, vector<16xf32>,
    %add3A_2074 = arith.addf %add3A_2071, %get3A_2073 : vector<16xf32>
    %get3A_2075 = arith.constant 4304 : index
    %get3A_2076 = tpu.vector_load %arg5[%get3A_2075] {strides = array<i32>} : memref<8192xf32, #tpu.memory_space<vmem>>, vector<16xf32>,
    %add3A_2077 = arith.addf %add3A_2074, %get3A_2076 : vector<16xf32>
    %get3A_2078 = arith.constant 4816 : index
    %get3A_2079 = tpu.vector_load %arg5[%get3A_2078] {strides = array<i32>} : memref<8192xf32, #tpu.memory_space<vmem>>, vector<16xf32>,
    %add3A_2080 = arith.addf %add3A_2077, %get3A_2079 : vector<16xf32>
    %get3A_2081 = arith.constant 5328 : index
    %get3A_2082 = tpu.vector_load %arg5[%get3A_2081] {strides = array<i32>} : memref<8192xf32, #tpu.memory_space<vmem>>, vector<16xf32>,
    %add3A_2083 = arith.addf %add3A_2080, %get3A_2082 : vector<16xf32>
    %get3A_2084 = arith.constant 5840 : index
    %get3A_2085 = tpu.vector_load %arg5[%get3A_2084] {strides = array<i32>} : memref<8192xf32, #tpu.memory_space<vmem>>, vector<16xf32>,
    %add3A_2086 = arith.addf %add3A_2083, %get3A_2085 : vector<16xf32>
    %get3A_2087 = arith.constant 6352 : index
    %get3A_2088 = tpu.vector_load %arg5[%get3A_2087] {strides = array<i32>} : memref<8192xf32, #tpu.memory_space<vmem>>, vector<16xf32>,
    %add3A_2089 = arith.addf %add3A_2086, %get3A_2088 : vector<16xf32>
    %get3A_2090 = arith.constant 6864 : index
    %get3A_2091 = tpu.vector_load %arg5[%get3A_2090] {strides = array<i32>} : memref<8192xf32, #tpu.memory_space<vmem>>, vector<16xf32>,
    %add3A_2092 = arith.addf %add3A_2089, %get3A_2091 : vector<16xf32>
    %get3A_2093 = arith.constant 7376 : index
    %get3A_2094 = tpu.vector_load %arg5[%get3A_2093] {strides = array<i32>} : memref<8192xf32, #tpu.memory_space<vmem>>, vector<16xf32>,
    %add3A_2095 = arith.addf %add3A_2092, %get3A_2094 : vector<16xf32>
    %get3A_2096 = arith.constant 7888 : index
    %get3A_2097 = tpu.vector_load %arg5[%get3A_2096] {strides = array<i32>} : memref<8192xf32, #tpu.memory_space<vmem>>, vector<16xf32>,
    %add3A_2098 = arith.addf %add3A_2095, %get3A_2097 : vector<16xf32>
    %swap3A_2099 = arith.constant 208 : index
    %swap3A_2100 = tpu.vector_load %arg6[%swap3A_2099] {strides = array<i32>} : memref<512xf32, #tpu.memory_space<vmem>>, vector<16xf32>,
    tpu.vector_store %arg6[%swap3A_2099], %add3A_2098 {strides = array<i32>} : memref<512xf32, #tpu.memory_space<vmem>>, vector<16xf32>,
    %get3A_2101 = arith.constant 224 : index
    %get3A_2102 = tpu.vector_load %arg5[%get3A_2101] {strides = array<i32>} : memref<8192xf32, #tpu.memory_space<vmem>>, vector<16xf32>,
    %get3A_2103 = arith.constant 736 : index
    %get3A_2104 = tpu.vector_load %arg5[%get3A_2103] {strides = array<i32>} : memref<8192xf32, #tpu.memory_space<vmem>>, vector<16xf32>,
    %add3A_2105 = arith.addf %get3A_2102, %get3A_2104 : vector<16xf32>
    %get3A_2106 = arith.constant 1248 : index
    %get3A_2107 = tpu.vector_load %arg5[%get3A_2106] {strides = array<i32>} : memref<8192xf32, #tpu.memory_space<vmem>>, vector<16xf32>,
    %add3A_2108 = arith.addf %add3A_2105, %get3A_2107 : vector<16xf32>
    %get3A_2109 = arith.constant 1760 : index
    %get3A_2110 = tpu.vector_load %arg5[%get3A_2109] {strides = array<i32>} : memref<8192xf32, #tpu.memory_space<vmem>>, vector<16xf32>,
    %add3A_2111 = arith.addf %add3A_2108, %get3A_2110 : vector<16xf32>
    %get3A_2112 = arith.constant 2272 : index
    %get3A_2113 = tpu.vector_load %arg5[%get3A_2112] {strides = array<i32>} : memref<8192xf32, #tpu.memory_space<vmem>>, vector<16xf32>,
    %add3A_2114 = arith.addf %add3A_2111, %get3A_2113 : vector<16xf32>
    %get3A_2115 = arith.constant 2784 : index
    %get3A_2116 = tpu.vector_load %arg5[%get3A_2115] {strides = array<i32>} : memref<8192xf32, #tpu.memory_space<vmem>>, vector<16xf32>,
    %add3A_2117 = arith.addf %add3A_2114, %get3A_2116 : vector<16xf32>
    %get3A_2118 = arith.constant 3296 : index
    %get3A_2119 = tpu.vector_load %arg5[%get3A_2118] {strides = array<i32>} : memref<8192xf32, #tpu.memory_space<vmem>>, vector<16xf32>,
    %add3A_2120 = arith.addf %add3A_2117, %get3A_2119 : vector<16xf32>
    %get3A_2121 = arith.constant 3808 : index
    %get3A_2122 = tpu.vector_load %arg5[%get3A_2121] {strides = array<i32>} : memref<8192xf32, #tpu.memory_space<vmem>>, vector<16xf32>,
    %add3A_2123 = arith.addf %add3A_2120, %get3A_2122 : vector<16xf32>
    %get3A_2124 = arith.constant 4320 : index
    %get3A_2125 = tpu.vector_load %arg5[%get3A_2124] {strides = array<i32>} : memref<8192xf32, #tpu.memory_space<vmem>>, vector<16xf32>,
    %add3A_2126 = arith.addf %add3A_2123, %get3A_2125 : vector<16xf32>
    %get3A_2127 = arith.constant 4832 : index
    %get3A_2128 = tpu.vector_load %arg5[%get3A_2127] {strides = array<i32>} : memref<8192xf32, #tpu.memory_space<vmem>>, vector<16xf32>,
    %add3A_2129 = arith.addf %add3A_2126, %get3A_2128 : vector<16xf32>
    %get3A_2130 = arith.constant 5344 : index
    %get3A_2131 = tpu.vector_load %arg5[%get3A_2130] {strides = array<i32>} : memref<8192xf32, #tpu.memory_space<vmem>>, vector<16xf32>,
    %add3A_2132 = arith.addf %add3A_2129, %get3A_2131 : vector<16xf32>
    %get3A_2133 = arith.constant 5856 : index
    %get3A_2134 = tpu.vector_load %arg5[%get3A_2133] {strides = array<i32>} : memref<8192xf32, #tpu.memory_space<vmem>>, vector<16xf32>,
    %add3A_2135 = arith.addf %add3A_2132, %get3A_2134 : vector<16xf32>
    %get3A_2136 = arith.constant 6368 : index
    %get3A_2137 = tpu.vector_load %arg5[%get3A_2136] {strides = array<i32>} : memref<8192xf32, #tpu.memory_space<vmem>>, vector<16xf32>,
    %add3A_2138 = arith.addf %add3A_2135, %get3A_2137 : vector<16xf32>
    %get3A_2139 = arith.constant 6880 : index
    %get3A_2140 = tpu.vector_load %arg5[%get3A_2139] {strides = array<i32>} : memref<8192xf32, #tpu.memory_space<vmem>>, vector<16xf32>,
    %add3A_2141 = arith.addf %add3A_2138, %get3A_2140 : vector<16xf32>
    %get3A_2142 = arith.constant 7392 : index
    %get3A_2143 = tpu.vector_load %arg5[%get3A_2142] {strides = array<i32>} : memref<8192xf32, #tpu.memory_space<vmem>>, vector<16xf32>,
    %add3A_2144 = arith.addf %add3A_2141, %get3A_2143 : vector<16xf32>
    %get3A_2145 = arith.constant 7904 : index
    %get3A_2146 = tpu.vector_load %arg5[%get3A_2145] {strides = array<i32>} : memref<8192xf32, #tpu.memory_space<vmem>>, vector<16xf32>,
    %add3A_2147 = arith.addf %add3A_2144, %get3A_2146 : vector<16xf32>
    %swap3A_2148 = arith.constant 224 : index
    %swap3A_2149 = tpu.vector_load %arg6[%swap3A_2148] {strides = array<i32>} : memref<512xf32, #tpu.memory_space<vmem>>, vector<16xf32>,
    tpu.vector_store %arg6[%swap3A_2148], %add3A_2147 {strides = array<i32>} : memref<512xf32, #tpu.memory_space<vmem>>, vector<16xf32>,
    %get3A_2150 = arith.constant 240 : index
    %get3A_2151 = tpu.vector_load %arg5[%get3A_2150] {strides = array<i32>} : memref<8192xf32, #tpu.memory_space<vmem>>, vector<16xf32>,
    %get3A_2152 = arith.constant 752 : index
    %get3A_2153 = tpu.vector_load %arg5[%get3A_2152] {strides = array<i32>} : memref<8192xf32, #tpu.memory_space<vmem>>, vector<16xf32>,
    %add3A_2154 = arith.addf %get3A_2151, %get3A_2153 : vector<16xf32>
    %get3A_2155 = arith.constant 1264 : index
    %get3A_2156 = tpu.vector_load %arg5[%get3A_2155] {strides = array<i32>} : memref<8192xf32, #tpu.memory_space<vmem>>, vector<16xf32>,
    %add3A_2157 = arith.addf %add3A_2154, %get3A_2156 : vector<16xf32>
    %get3A_2158 = arith.constant 1776 : index
    %get3A_2159 = tpu.vector_load %arg5[%get3A_2158] {strides = array<i32>} : memref<8192xf32, #tpu.memory_space<vmem>>, vector<16xf32>,
    %add3A_2160 = arith.addf %add3A_2157, %get3A_2159 : vector<16xf32>
    %get3A_2161 = arith.constant 2288 : index
    %get3A_2162 = tpu.vector_load %arg5[%get3A_2161] {strides = array<i32>} : memref<8192xf32, #tpu.memory_space<vmem>>, vector<16xf32>,
    %add3A_2163 = arith.addf %add3A_2160, %get3A_2162 : vector<16xf32>
    %get3A_2164 = arith.constant 2800 : index
    %get3A_2165 = tpu.vector_load %arg5[%get3A_2164] {strides = array<i32>} : memref<8192xf32, #tpu.memory_space<vmem>>, vector<16xf32>,
    %add3A_2166 = arith.addf %add3A_2163, %get3A_2165 : vector<16xf32>
    %get3A_2167 = arith.constant 3312 : index
    %get3A_2168 = tpu.vector_load %arg5[%get3A_2167] {strides = array<i32>} : memref<8192xf32, #tpu.memory_space<vmem>>, vector<16xf32>,
    %add3A_2169 = arith.addf %add3A_2166, %get3A_2168 : vector<16xf32>
    %get3A_2170 = arith.constant 3824 : index
    %get3A_2171 = tpu.vector_load %arg5[%get3A_2170] {strides = array<i32>} : memref<8192xf32, #tpu.memory_space<vmem>>, vector<16xf32>,
    %add3A_2172 = arith.addf %add3A_2169, %get3A_2171 : vector<16xf32>
    %get3A_2173 = arith.constant 4336 : index
    %get3A_2174 = tpu.vector_load %arg5[%get3A_2173] {strides = array<i32>} : memref<8192xf32, #tpu.memory_space<vmem>>, vector<16xf32>,
    %add3A_2175 = arith.addf %add3A_2172, %get3A_2174 : vector<16xf32>
    %get3A_2176 = arith.constant 4848 : index
    %get3A_2177 = tpu.vector_load %arg5[%get3A_2176] {strides = array<i32>} : memref<8192xf32, #tpu.memory_space<vmem>>, vector<16xf32>,
    %add3A_2178 = arith.addf %add3A_2175, %get3A_2177 : vector<16xf32>
    %get3A_2179 = arith.constant 5360 : index
    %get3A_2180 = tpu.vector_load %arg5[%get3A_2179] {strides = array<i32>} : memref<8192xf32, #tpu.memory_space<vmem>>, vector<16xf32>,
    %add3A_2181 = arith.addf %add3A_2178, %get3A_2180 : vector<16xf32>
    %get3A_2182 = arith.constant 5872 : index
    %get3A_2183 = tpu.vector_load %arg5[%get3A_2182] {strides = array<i32>} : memref<8192xf32, #tpu.memory_space<vmem>>, vector<16xf32>,
    %add3A_2184 = arith.addf %add3A_2181, %get3A_2183 : vector<16xf32>
    %get3A_2185 = arith.constant 6384 : index
    %get3A_2186 = tpu.vector_load %arg5[%get3A_2185] {strides = array<i32>} : memref<8192xf32, #tpu.memory_space<vmem>>, vector<16xf32>,
    %add3A_2187 = arith.addf %add3A_2184, %get3A_2186 : vector<16xf32>
    %get3A_2188 = arith.constant 6896 : index
    %get3A_2189 = tpu.vector_load %arg5[%get3A_2188] {strides = array<i32>} : memref<8192xf32, #tpu.memory_space<vmem>>, vector<16xf32>,
    %add3A_2190 = arith.addf %add3A_2187, %get3A_2189 : vector<16xf32>
    %get3A_2191 = arith.constant 7408 : index
    %get3A_2192 = tpu.vector_load %arg5[%get3A_2191] {strides = array<i32>} : memref<8192xf32, #tpu.memory_space<vmem>>, vector<16xf32>,
    %add3A_2193 = arith.addf %add3A_2190, %get3A_2192 : vector<16xf32>
    %get3A_2194 = arith.constant 7920 : index
    %get3A_2195 = tpu.vector_load %arg5[%get3A_2194] {strides = array<i32>} : memref<8192xf32, #tpu.memory_space<vmem>>, vector<16xf32>,
    %add3A_2196 = arith.addf %add3A_2193, %get3A_2195 : vector<16xf32>
    %swap3A_2197 = arith.constant 240 : index
    %swap3A_2198 = tpu.vector_load %arg6[%swap3A_2197] {strides = array<i32>} : memref<512xf32, #tpu.memory_space<vmem>>, vector<16xf32>,
    tpu.vector_store %arg6[%swap3A_2197], %add3A_2196 {strides = array<i32>} : memref<512xf32, #tpu.memory_space<vmem>>, vector<16xf32>,
    %get3A_2199 = arith.constant 256 : index
    %get3A_2200 = tpu.vector_load %arg5[%get3A_2199] {strides = array<i32>} : memref<8192xf32, #tpu.memory_space<vmem>>, vector<16xf32>,
    %get3A_2201 = arith.constant 768 : index
    %get3A_2202 = tpu.vector_load %arg5[%get3A_2201] {strides = array<i32>} : memref<8192xf32, #tpu.memory_space<vmem>>, vector<16xf32>,
    %add3A_2203 = arith.addf %get3A_2200, %get3A_2202 : vector<16xf32>
    %get3A_2204 = arith.constant 1280 : index
    %get3A_2205 = tpu.vector_load %arg5[%get3A_2204] {strides = array<i32>} : memref<8192xf32, #tpu.memory_space<vmem>>, vector<16xf32>,
    %add3A_2206 = arith.addf %add3A_2203, %get3A_2205 : vector<16xf32>
    %get3A_2207 = arith.constant 1792 : index
    %get3A_2208 = tpu.vector_load %arg5[%get3A_2207] {strides = array<i32>} : memref<8192xf32, #tpu.memory_space<vmem>>, vector<16xf32>,
    %add3A_2209 = arith.addf %add3A_2206, %get3A_2208 : vector<16xf32>
    %get3A_2210 = arith.constant 2304 : index
    %get3A_2211 = tpu.vector_load %arg5[%get3A_2210] {strides = array<i32>} : memref<8192xf32, #tpu.memory_space<vmem>>, vector<16xf32>,
    %add3A_2212 = arith.addf %add3A_2209, %get3A_2211 : vector<16xf32>
    %get3A_2213 = arith.constant 2816 : index
    %get3A_2214 = tpu.vector_load %arg5[%get3A_2213] {strides = array<i32>} : memref<8192xf32, #tpu.memory_space<vmem>>, vector<16xf32>,
    %add3A_2215 = arith.addf %add3A_2212, %get3A_2214 : vector<16xf32>
    %get3A_2216 = arith.constant 3328 : index
    %get3A_2217 = tpu.vector_load %arg5[%get3A_2216] {strides = array<i32>} : memref<8192xf32, #tpu.memory_space<vmem>>, vector<16xf32>,
    %add3A_2218 = arith.addf %add3A_2215, %get3A_2217 : vector<16xf32>
    %get3A_2219 = arith.constant 3840 : index
    %get3A_2220 = tpu.vector_load %arg5[%get3A_2219] {strides = array<i32>} : memref<8192xf32, #tpu.memory_space<vmem>>, vector<16xf32>,
    %add3A_2221 = arith.addf %add3A_2218, %get3A_2220 : vector<16xf32>
    %get3A_2222 = arith.constant 4352 : index
    %get3A_2223 = tpu.vector_load %arg5[%get3A_2222] {strides = array<i32>} : memref<8192xf32, #tpu.memory_space<vmem>>, vector<16xf32>,
    %add3A_2224 = arith.addf %add3A_2221, %get3A_2223 : vector<16xf32>
    %get3A_2225 = arith.constant 4864 : index
    %get3A_2226 = tpu.vector_load %arg5[%get3A_2225] {strides = array<i32>} : memref<8192xf32, #tpu.memory_space<vmem>>, vector<16xf32>,
    %add3A_2227 = arith.addf %add3A_2224, %get3A_2226 : vector<16xf32>
    %get3A_2228 = arith.constant 5376 : index
    %get3A_2229 = tpu.vector_load %arg5[%get3A_2228] {strides = array<i32>} : memref<8192xf32, #tpu.memory_space<vmem>>, vector<16xf32>,
    %add3A_2230 = arith.addf %add3A_2227, %get3A_2229 : vector<16xf32>
    %get3A_2231 = arith.constant 5888 : index
    %get3A_2232 = tpu.vector_load %arg5[%get3A_2231] {strides = array<i32>} : memref<8192xf32, #tpu.memory_space<vmem>>, vector<16xf32>,
    %add3A_2233 = arith.addf %add3A_2230, %get3A_2232 : vector<16xf32>
    %get3A_2234 = arith.constant 6400 : index
    %get3A_2235 = tpu.vector_load %arg5[%get3A_2234] {strides = array<i32>} : memref<8192xf32, #tpu.memory_space<vmem>>, vector<16xf32>,
    %add3A_2236 = arith.addf %add3A_2233, %get3A_2235 : vector<16xf32>
    %get3A_2237 = arith.constant 6912 : index
    %get3A_2238 = tpu.vector_load %arg5[%get3A_2237] {strides = array<i32>} : memref<8192xf32, #tpu.memory_space<vmem>>, vector<16xf32>,
    %add3A_2239 = arith.addf %add3A_2236, %get3A_2238 : vector<16xf32>
    %get3A_2240 = arith.constant 7424 : index
    %get3A_2241 = tpu.vector_load %arg5[%get3A_2240] {strides = array<i32>} : memref<8192xf32, #tpu.memory_space<vmem>>, vector<16xf32>,
    %add3A_2242 = arith.addf %add3A_2239, %get3A_2241 : vector<16xf32>
    %get3A_2243 = arith.constant 7936 : index
    %get3A_2244 = tpu.vector_load %arg5[%get3A_2243] {strides = array<i32>} : memref<8192xf32, #tpu.memory_space<vmem>>, vector<16xf32>,
    %add3A_2245 = arith.addf %add3A_2242, %get3A_2244 : vector<16xf32>
    %swap3A_2246 = arith.constant 256 : index
    %swap3A_2247 = tpu.vector_load %arg6[%swap3A_2246] {strides = array<i32>} : memref<512xf32, #tpu.memory_space<vmem>>, vector<16xf32>,
    tpu.vector_store %arg6[%swap3A_2246], %add3A_2245 {strides = array<i32>} : memref<512xf32, #tpu.memory_space<vmem>>, vector<16xf32>,
    %get3A_2248 = arith.constant 272 : index
    %get3A_2249 = tpu.vector_load %arg5[%get3A_2248] {strides = array<i32>} : memref<8192xf32, #tpu.memory_space<vmem>>, vector<16xf32>,
    %get3A_2250 = arith.constant 784 : index
    %get3A_2251 = tpu.vector_load %arg5[%get3A_2250] {strides = array<i32>} : memref<8192xf32, #tpu.memory_space<vmem>>, vector<16xf32>,
    %add3A_2252 = arith.addf %get3A_2249, %get3A_2251 : vector<16xf32>
    %get3A_2253 = arith.constant 1296 : index
    %get3A_2254 = tpu.vector_load %arg5[%get3A_2253] {strides = array<i32>} : memref<8192xf32, #tpu.memory_space<vmem>>, vector<16xf32>,
    %add3A_2255 = arith.addf %add3A_2252, %get3A_2254 : vector<16xf32>
    %get3A_2256 = arith.constant 1808 : index
    %get3A_2257 = tpu.vector_load %arg5[%get3A_2256] {strides = array<i32>} : memref<8192xf32, #tpu.memory_space<vmem>>, vector<16xf32>,
    %add3A_2258 = arith.addf %add3A_2255, %get3A_2257 : vector<16xf32>
    %get3A_2259 = arith.constant 2320 : index
    %get3A_2260 = tpu.vector_load %arg5[%get3A_2259] {strides = array<i32>} : memref<8192xf32, #tpu.memory_space<vmem>>, vector<16xf32>,
    %add3A_2261 = arith.addf %add3A_2258, %get3A_2260 : vector<16xf32>
    %get3A_2262 = arith.constant 2832 : index
    %get3A_2263 = tpu.vector_load %arg5[%get3A_2262] {strides = array<i32>} : memref<8192xf32, #tpu.memory_space<vmem>>, vector<16xf32>,
    %add3A_2264 = arith.addf %add3A_2261, %get3A_2263 : vector<16xf32>
    %get3A_2265 = arith.constant 3344 : index
    %get3A_2266 = tpu.vector_load %arg5[%get3A_2265] {strides = array<i32>} : memref<8192xf32, #tpu.memory_space<vmem>>, vector<16xf32>,
    %add3A_2267 = arith.addf %add3A_2264, %get3A_2266 : vector<16xf32>
    %get3A_2268 = arith.constant 3856 : index
    %get3A_2269 = tpu.vector_load %arg5[%get3A_2268] {strides = array<i32>} : memref<8192xf32, #tpu.memory_space<vmem>>, vector<16xf32>,
    %add3A_2270 = arith.addf %add3A_2267, %get3A_2269 : vector<16xf32>
    %get3A_2271 = arith.constant 4368 : index
    %get3A_2272 = tpu.vector_load %arg5[%get3A_2271] {strides = array<i32>} : memref<8192xf32, #tpu.memory_space<vmem>>, vector<16xf32>,
    %add3A_2273 = arith.addf %add3A_2270, %get3A_2272 : vector<16xf32>
    %get3A_2274 = arith.constant 4880 : index
    %get3A_2275 = tpu.vector_load %arg5[%get3A_2274] {strides = array<i32>} : memref<8192xf32, #tpu.memory_space<vmem>>, vector<16xf32>,
    %add3A_2276 = arith.addf %add3A_2273, %get3A_2275 : vector<16xf32>
    %get3A_2277 = arith.constant 5392 : index
    %get3A_2278 = tpu.vector_load %arg5[%get3A_2277] {strides = array<i32>} : memref<8192xf32, #tpu.memory_space<vmem>>, vector<16xf32>,
    %add3A_2279 = arith.addf %add3A_2276, %get3A_2278 : vector<16xf32>
    %get3A_2280 = arith.constant 5904 : index
    %get3A_2281 = tpu.vector_load %arg5[%get3A_2280] {strides = array<i32>} : memref<8192xf32, #tpu.memory_space<vmem>>, vector<16xf32>,
    %add3A_2282 = arith.addf %add3A_2279, %get3A_2281 : vector<16xf32>
    %get3A_2283 = arith.constant 6416 : index
    %get3A_2284 = tpu.vector_load %arg5[%get3A_2283] {strides = array<i32>} : memref<8192xf32, #tpu.memory_space<vmem>>, vector<16xf32>,
    %add3A_2285 = arith.addf %add3A_2282, %get3A_2284 : vector<16xf32>
    %get3A_2286 = arith.constant 6928 : index
    %get3A_2287 = tpu.vector_load %arg5[%get3A_2286] {strides = array<i32>} : memref<8192xf32, #tpu.memory_space<vmem>>, vector<16xf32>,
    %add3A_2288 = arith.addf %add3A_2285, %get3A_2287 : vector<16xf32>
    %get3A_2289 = arith.constant 7440 : index
    %get3A_2290 = tpu.vector_load %arg5[%get3A_2289] {strides = array<i32>} : memref<8192xf32, #tpu.memory_space<vmem>>, vector<16xf32>,
    %add3A_2291 = arith.addf %add3A_2288, %get3A_2290 : vector<16xf32>
    %get3A_2292 = arith.constant 7952 : index
    %get3A_2293 = tpu.vector_load %arg5[%get3A_2292] {strides = array<i32>} : memref<8192xf32, #tpu.memory_space<vmem>>, vector<16xf32>,
    %add3A_2294 = arith.addf %add3A_2291, %get3A_2293 : vector<16xf32>
    %swap3A_2295 = arith.constant 272 : index
    %swap3A_2296 = tpu.vector_load %arg6[%swap3A_2295] {strides = array<i32>} : memref<512xf32, #tpu.memory_space<vmem>>, vector<16xf32>,
    tpu.vector_store %arg6[%swap3A_2295], %add3A_2294 {strides = array<i32>} : memref<512xf32, #tpu.memory_space<vmem>>, vector<16xf32>,
    %get3A_2297 = arith.constant 288 : index
    %get3A_2298 = tpu.vector_load %arg5[%get3A_2297] {strides = array<i32>} : memref<8192xf32, #tpu.memory_space<vmem>>, vector<16xf32>,
    %get3A_2299 = arith.constant 800 : index
    %get3A_2300 = tpu.vector_load %arg5[%get3A_2299] {strides = array<i32>} : memref<8192xf32, #tpu.memory_space<vmem>>, vector<16xf32>,
    %add3A_2301 = arith.addf %get3A_2298, %get3A_2300 : vector<16xf32>
    %get3A_2302 = arith.constant 1312 : index
    %get3A_2303 = tpu.vector_load %arg5[%get3A_2302] {strides = array<i32>} : memref<8192xf32, #tpu.memory_space<vmem>>, vector<16xf32>,
    %add3A_2304 = arith.addf %add3A_2301, %get3A_2303 : vector<16xf32>
    %get3A_2305 = arith.constant 1824 : index
    %get3A_2306 = tpu.vector_load %arg5[%get3A_2305] {strides = array<i32>} : memref<8192xf32, #tpu.memory_space<vmem>>, vector<16xf32>,
    %add3A_2307 = arith.addf %add3A_2304, %get3A_2306 : vector<16xf32>
    %get3A_2308 = arith.constant 2336 : index
    %get3A_2309 = tpu.vector_load %arg5[%get3A_2308] {strides = array<i32>} : memref<8192xf32, #tpu.memory_space<vmem>>, vector<16xf32>,
    %add3A_2310 = arith.addf %add3A_2307, %get3A_2309 : vector<16xf32>
    %get3A_2311 = arith.constant 2848 : index
    %get3A_2312 = tpu.vector_load %arg5[%get3A_2311] {strides = array<i32>} : memref<8192xf32, #tpu.memory_space<vmem>>, vector<16xf32>,
    %add3A_2313 = arith.addf %add3A_2310, %get3A_2312 : vector<16xf32>
    %get3A_2314 = arith.constant 3360 : index
    %get3A_2315 = tpu.vector_load %arg5[%get3A_2314] {strides = array<i32>} : memref<8192xf32, #tpu.memory_space<vmem>>, vector<16xf32>,
    %add3A_2316 = arith.addf %add3A_2313, %get3A_2315 : vector<16xf32>
    %get3A_2317 = arith.constant 3872 : index
    %get3A_2318 = tpu.vector_load %arg5[%get3A_2317] {strides = array<i32>} : memref<8192xf32, #tpu.memory_space<vmem>>, vector<16xf32>,
    %add3A_2319 = arith.addf %add3A_2316, %get3A_2318 : vector<16xf32>
    %get3A_2320 = arith.constant 4384 : index
    %get3A_2321 = tpu.vector_load %arg5[%get3A_2320] {strides = array<i32>} : memref<8192xf32, #tpu.memory_space<vmem>>, vector<16xf32>,
    %add3A_2322 = arith.addf %add3A_2319, %get3A_2321 : vector<16xf32>
    %get3A_2323 = arith.constant 4896 : index
    %get3A_2324 = tpu.vector_load %arg5[%get3A_2323] {strides = array<i32>} : memref<8192xf32, #tpu.memory_space<vmem>>, vector<16xf32>,
    %add3A_2325 = arith.addf %add3A_2322, %get3A_2324 : vector<16xf32>
    %get3A_2326 = arith.constant 5408 : index
    %get3A_2327 = tpu.vector_load %arg5[%get3A_2326] {strides = array<i32>} : memref<8192xf32, #tpu.memory_space<vmem>>, vector<16xf32>,
    %add3A_2328 = arith.addf %add3A_2325, %get3A_2327 : vector<16xf32>
    %get3A_2329 = arith.constant 5920 : index
    %get3A_2330 = tpu.vector_load %arg5[%get3A_2329] {strides = array<i32>} : memref<8192xf32, #tpu.memory_space<vmem>>, vector<16xf32>,
    %add3A_2331 = arith.addf %add3A_2328, %get3A_2330 : vector<16xf32>
    %get3A_2332 = arith.constant 6432 : index
    %get3A_2333 = tpu.vector_load %arg5[%get3A_2332] {strides = array<i32>} : memref<8192xf32, #tpu.memory_space<vmem>>, vector<16xf32>,
    %add3A_2334 = arith.addf %add3A_2331, %get3A_2333 : vector<16xf32>
    %get3A_2335 = arith.constant 6944 : index
    %get3A_2336 = tpu.vector_load %arg5[%get3A_2335] {strides = array<i32>} : memref<8192xf32, #tpu.memory_space<vmem>>, vector<16xf32>,
    %add3A_2337 = arith.addf %add3A_2334, %get3A_2336 : vector<16xf32>
    %get3A_2338 = arith.constant 7456 : index
    %get3A_2339 = tpu.vector_load %arg5[%get3A_2338] {strides = array<i32>} : memref<8192xf32, #tpu.memory_space<vmem>>, vector<16xf32>,
    %add3A_2340 = arith.addf %add3A_2337, %get3A_2339 : vector<16xf32>
    %get3A_2341 = arith.constant 7968 : index
    %get3A_2342 = tpu.vector_load %arg5[%get3A_2341] {strides = array<i32>} : memref<8192xf32, #tpu.memory_space<vmem>>, vector<16xf32>,
    %add3A_2343 = arith.addf %add3A_2340, %get3A_2342 : vector<16xf32>
    %swap3A_2344 = arith.constant 288 : index
    %swap3A_2345 = tpu.vector_load %arg6[%swap3A_2344] {strides = array<i32>} : memref<512xf32, #tpu.memory_space<vmem>>, vector<16xf32>,
    tpu.vector_store %arg6[%swap3A_2344], %add3A_2343 {strides = array<i32>} : memref<512xf32, #tpu.memory_space<vmem>>, vector<16xf32>,
    %get3A_2346 = arith.constant 304 : index
    %get3A_2347 = tpu.vector_load %arg5[%get3A_2346] {strides = array<i32>} : memref<8192xf32, #tpu.memory_space<vmem>>, vector<16xf32>,
    %get3A_2348 = arith.constant 816 : index
    %get3A_2349 = tpu.vector_load %arg5[%get3A_2348] {strides = array<i32>} : memref<8192xf32, #tpu.memory_space<vmem>>, vector<16xf32>,
    %add3A_2350 = arith.addf %get3A_2347, %get3A_2349 : vector<16xf32>
    %get3A_2351 = arith.constant 1328 : index
    %get3A_2352 = tpu.vector_load %arg5[%get3A_2351] {strides = array<i32>} : memref<8192xf32, #tpu.memory_space<vmem>>, vector<16xf32>,
    %add3A_2353 = arith.addf %add3A_2350, %get3A_2352 : vector<16xf32>
    %get3A_2354 = arith.constant 1840 : index
    %get3A_2355 = tpu.vector_load %arg5[%get3A_2354] {strides = array<i32>} : memref<8192xf32, #tpu.memory_space<vmem>>, vector<16xf32>,
    %add3A_2356 = arith.addf %add3A_2353, %get3A_2355 : vector<16xf32>
    %get3A_2357 = arith.constant 2352 : index
    %get3A_2358 = tpu.vector_load %arg5[%get3A_2357] {strides = array<i32>} : memref<8192xf32, #tpu.memory_space<vmem>>, vector<16xf32>,
    %add3A_2359 = arith.addf %add3A_2356, %get3A_2358 : vector<16xf32>
    %get3A_2360 = arith.constant 2864 : index
    %get3A_2361 = tpu.vector_load %arg5[%get3A_2360] {strides = array<i32>} : memref<8192xf32, #tpu.memory_space<vmem>>, vector<16xf32>,
    %add3A_2362 = arith.addf %add3A_2359, %get3A_2361 : vector<16xf32>
    %get3A_2363 = arith.constant 3376 : index
    %get3A_2364 = tpu.vector_load %arg5[%get3A_2363] {strides = array<i32>} : memref<8192xf32, #tpu.memory_space<vmem>>, vector<16xf32>,
    %add3A_2365 = arith.addf %add3A_2362, %get3A_2364 : vector<16xf32>
    %get3A_2366 = arith.constant 3888 : index
    %get3A_2367 = tpu.vector_load %arg5[%get3A_2366] {strides = array<i32>} : memref<8192xf32, #tpu.memory_space<vmem>>, vector<16xf32>,
    %add3A_2368 = arith.addf %add3A_2365, %get3A_2367 : vector<16xf32>
    %get3A_2369 = arith.constant 4400 : index
    %get3A_2370 = tpu.vector_load %arg5[%get3A_2369] {strides = array<i32>} : memref<8192xf32, #tpu.memory_space<vmem>>, vector<16xf32>,
    %add3A_2371 = arith.addf %add3A_2368, %get3A_2370 : vector<16xf32>
    %get3A_2372 = arith.constant 4912 : index
    %get3A_2373 = tpu.vector_load %arg5[%get3A_2372] {strides = array<i32>} : memref<8192xf32, #tpu.memory_space<vmem>>, vector<16xf32>,
    %add3A_2374 = arith.addf %add3A_2371, %get3A_2373 : vector<16xf32>
    %get3A_2375 = arith.constant 5424 : index
    %get3A_2376 = tpu.vector_load %arg5[%get3A_2375] {strides = array<i32>} : memref<8192xf32, #tpu.memory_space<vmem>>, vector<16xf32>,
    %add3A_2377 = arith.addf %add3A_2374, %get3A_2376 : vector<16xf32>
    %get3A_2378 = arith.constant 5936 : index
    %get3A_2379 = tpu.vector_load %arg5[%get3A_2378] {strides = array<i32>} : memref<8192xf32, #tpu.memory_space<vmem>>, vector<16xf32>,
    %add3A_2380 = arith.addf %add3A_2377, %get3A_2379 : vector<16xf32>
    %get3A_2381 = arith.constant 6448 : index
    %get3A_2382 = tpu.vector_load %arg5[%get3A_2381] {strides = array<i32>} : memref<8192xf32, #tpu.memory_space<vmem>>, vector<16xf32>,
    %add3A_2383 = arith.addf %add3A_2380, %get3A_2382 : vector<16xf32>
    %get3A_2384 = arith.constant 6960 : index
    %get3A_2385 = tpu.vector_load %arg5[%get3A_2384] {strides = array<i32>} : memref<8192xf32, #tpu.memory_space<vmem>>, vector<16xf32>,
    %add3A_2386 = arith.addf %add3A_2383, %get3A_2385 : vector<16xf32>
    %get3A_2387 = arith.constant 7472 : index
    %get3A_2388 = tpu.vector_load %arg5[%get3A_2387] {strides = array<i32>} : memref<8192xf32, #tpu.memory_space<vmem>>, vector<16xf32>,
    %add3A_2389 = arith.addf %add3A_2386, %get3A_2388 : vector<16xf32>
    %get3A_2390 = arith.constant 7984 : index
    %get3A_2391 = tpu.vector_load %arg5[%get3A_2390] {strides = array<i32>} : memref<8192xf32, #tpu.memory_space<vmem>>, vector<16xf32>,
    %add3A_2392 = arith.addf %add3A_2389, %get3A_2391 : vector<16xf32>
    %swap3A_2393 = arith.constant 304 : index
    %swap3A_2394 = tpu.vector_load %arg6[%swap3A_2393] {strides = array<i32>} : memref<512xf32, #tpu.memory_space<vmem>>, vector<16xf32>,
    tpu.vector_store %arg6[%swap3A_2393], %add3A_2392 {strides = array<i32>} : memref<512xf32, #tpu.memory_space<vmem>>, vector<16xf32>,
    %get3A_2395 = arith.constant 320 : index
    %get3A_2396 = tpu.vector_load %arg5[%get3A_2395] {strides = array<i32>} : memref<8192xf32, #tpu.memory_space<vmem>>, vector<16xf32>,
    %get3A_2397 = arith.constant 832 : index
    %get3A_2398 = tpu.vector_load %arg5[%get3A_2397] {strides = array<i32>} : memref<8192xf32, #tpu.memory_space<vmem>>, vector<16xf32>,
    %add3A_2399 = arith.addf %get3A_2396, %get3A_2398 : vector<16xf32>
    %get3A_2400 = arith.constant 1344 : index
    %get3A_2401 = tpu.vector_load %arg5[%get3A_2400] {strides = array<i32>} : memref<8192xf32, #tpu.memory_space<vmem>>, vector<16xf32>,
    %add3A_2402 = arith.addf %add3A_2399, %get3A_2401 : vector<16xf32>
    %get3A_2403 = arith.constant 1856 : index
    %get3A_2404 = tpu.vector_load %arg5[%get3A_2403] {strides = array<i32>} : memref<8192xf32, #tpu.memory_space<vmem>>, vector<16xf32>,
    %add3A_2405 = arith.addf %add3A_2402, %get3A_2404 : vector<16xf32>
    %get3A_2406 = arith.constant 2368 : index
    %get3A_2407 = tpu.vector_load %arg5[%get3A_2406] {strides = array<i32>} : memref<8192xf32, #tpu.memory_space<vmem>>, vector<16xf32>,
    %add3A_2408 = arith.addf %add3A_2405, %get3A_2407 : vector<16xf32>
    %get3A_2409 = arith.constant 2880 : index
    %get3A_2410 = tpu.vector_load %arg5[%get3A_2409] {strides = array<i32>} : memref<8192xf32, #tpu.memory_space<vmem>>, vector<16xf32>,
    %add3A_2411 = arith.addf %add3A_2408, %get3A_2410 : vector<16xf32>
    %get3A_2412 = arith.constant 3392 : index
    %get3A_2413 = tpu.vector_load %arg5[%get3A_2412] {strides = array<i32>} : memref<8192xf32, #tpu.memory_space<vmem>>, vector<16xf32>,
    %add3A_2414 = arith.addf %add3A_2411, %get3A_2413 : vector<16xf32>
    %get3A_2415 = arith.constant 3904 : index
    %get3A_2416 = tpu.vector_load %arg5[%get3A_2415] {strides = array<i32>} : memref<8192xf32, #tpu.memory_space<vmem>>, vector<16xf32>,
    %add3A_2417 = arith.addf %add3A_2414, %get3A_2416 : vector<16xf32>
    %get3A_2418 = arith.constant 4416 : index
    %get3A_2419 = tpu.vector_load %arg5[%get3A_2418] {strides = array<i32>} : memref<8192xf32, #tpu.memory_space<vmem>>, vector<16xf32>,
    %add3A_2420 = arith.addf %add3A_2417, %get3A_2419 : vector<16xf32>
    %get3A_2421 = arith.constant 4928 : index
    %get3A_2422 = tpu.vector_load %arg5[%get3A_2421] {strides = array<i32>} : memref<8192xf32, #tpu.memory_space<vmem>>, vector<16xf32>,
    %add3A_2423 = arith.addf %add3A_2420, %get3A_2422 : vector<16xf32>
    %get3A_2424 = arith.constant 5440 : index
    %get3A_2425 = tpu.vector_load %arg5[%get3A_2424] {strides = array<i32>} : memref<8192xf32, #tpu.memory_space<vmem>>, vector<16xf32>,
    %add3A_2426 = arith.addf %add3A_2423, %get3A_2425 : vector<16xf32>
    %get3A_2427 = arith.constant 5952 : index
    %get3A_2428 = tpu.vector_load %arg5[%get3A_2427] {strides = array<i32>} : memref<8192xf32, #tpu.memory_space<vmem>>, vector<16xf32>,
    %add3A_2429 = arith.addf %add3A_2426, %get3A_2428 : vector<16xf32>
    %get3A_2430 = arith.constant 6464 : index
    %get3A_2431 = tpu.vector_load %arg5[%get3A_2430] {strides = array<i32>} : memref<8192xf32, #tpu.memory_space<vmem>>, vector<16xf32>,
    %add3A_2432 = arith.addf %add3A_2429, %get3A_2431 : vector<16xf32>
    %get3A_2433 = arith.constant 6976 : index
    %get3A_2434 = tpu.vector_load %arg5[%get3A_2433] {strides = array<i32>} : memref<8192xf32, #tpu.memory_space<vmem>>, vector<16xf32>,
    %add3A_2435 = arith.addf %add3A_2432, %get3A_2434 : vector<16xf32>
    %get3A_2436 = arith.constant 7488 : index
    %get3A_2437 = tpu.vector_load %arg5[%get3A_2436] {strides = array<i32>} : memref<8192xf32, #tpu.memory_space<vmem>>, vector<16xf32>,
    %add3A_2438 = arith.addf %add3A_2435, %get3A_2437 : vector<16xf32>
    %get3A_2439 = arith.constant 8000 : index
    %get3A_2440 = tpu.vector_load %arg5[%get3A_2439] {strides = array<i32>} : memref<8192xf32, #tpu.memory_space<vmem>>, vector<16xf32>,
    %add3A_2441 = arith.addf %add3A_2438, %get3A_2440 : vector<16xf32>
    %swap3A_2442 = arith.constant 320 : index
    %swap3A_2443 = tpu.vector_load %arg6[%swap3A_2442] {strides = array<i32>} : memref<512xf32, #tpu.memory_space<vmem>>, vector<16xf32>,
    tpu.vector_store %arg6[%swap3A_2442], %add3A_2441 {strides = array<i32>} : memref<512xf32, #tpu.memory_space<vmem>>, vector<16xf32>,
    %get3A_2444 = arith.constant 336 : index
    %get3A_2445 = tpu.vector_load %arg5[%get3A_2444] {strides = array<i32>} : memref<8192xf32, #tpu.memory_space<vmem>>, vector<16xf32>,
    %get3A_2446 = arith.constant 848 : index
    %get3A_2447 = tpu.vector_load %arg5[%get3A_2446] {strides = array<i32>} : memref<8192xf32, #tpu.memory_space<vmem>>, vector<16xf32>,
    %add3A_2448 = arith.addf %get3A_2445, %get3A_2447 : vector<16xf32>
    %get3A_2449 = arith.constant 1360 : index
    %get3A_2450 = tpu.vector_load %arg5[%get3A_2449] {strides = array<i32>} : memref<8192xf32, #tpu.memory_space<vmem>>, vector<16xf32>,
    %add3A_2451 = arith.addf %add3A_2448, %get3A_2450 : vector<16xf32>
    %get3A_2452 = arith.constant 1872 : index
    %get3A_2453 = tpu.vector_load %arg5[%get3A_2452] {strides = array<i32>} : memref<8192xf32, #tpu.memory_space<vmem>>, vector<16xf32>,
    %add3A_2454 = arith.addf %add3A_2451, %get3A_2453 : vector<16xf32>
    %get3A_2455 = arith.constant 2384 : index
    %get3A_2456 = tpu.vector_load %arg5[%get3A_2455] {strides = array<i32>} : memref<8192xf32, #tpu.memory_space<vmem>>, vector<16xf32>,
    %add3A_2457 = arith.addf %add3A_2454, %get3A_2456 : vector<16xf32>
    %get3A_2458 = arith.constant 2896 : index
    %get3A_2459 = tpu.vector_load %arg5[%get3A_2458] {strides = array<i32>} : memref<8192xf32, #tpu.memory_space<vmem>>, vector<16xf32>,
    %add3A_2460 = arith.addf %add3A_2457, %get3A_2459 : vector<16xf32>
    %get3A_2461 = arith.constant 3408 : index
    %get3A_2462 = tpu.vector_load %arg5[%get3A_2461] {strides = array<i32>} : memref<8192xf32, #tpu.memory_space<vmem>>, vector<16xf32>,
    %add3A_2463 = arith.addf %add3A_2460, %get3A_2462 : vector<16xf32>
    %get3A_2464 = arith.constant 3920 : index
    %get3A_2465 = tpu.vector_load %arg5[%get3A_2464] {strides = array<i32>} : memref<8192xf32, #tpu.memory_space<vmem>>, vector<16xf32>,
    %add3A_2466 = arith.addf %add3A_2463, %get3A_2465 : vector<16xf32>
    %get3A_2467 = arith.constant 4432 : index
    %get3A_2468 = tpu.vector_load %arg5[%get3A_2467] {strides = array<i32>} : memref<8192xf32, #tpu.memory_space<vmem>>, vector<16xf32>,
    %add3A_2469 = arith.addf %add3A_2466, %get3A_2468 : vector<16xf32>
    %get3A_2470 = arith.constant 4944 : index
    %get3A_2471 = tpu.vector_load %arg5[%get3A_2470] {strides = array<i32>} : memref<8192xf32, #tpu.memory_space<vmem>>, vector<16xf32>,
    %add3A_2472 = arith.addf %add3A_2469, %get3A_2471 : vector<16xf32>
    %get3A_2473 = arith.constant 5456 : index
    %get3A_2474 = tpu.vector_load %arg5[%get3A_2473] {strides = array<i32>} : memref<8192xf32, #tpu.memory_space<vmem>>, vector<16xf32>,
    %add3A_2475 = arith.addf %add3A_2472, %get3A_2474 : vector<16xf32>
    %get3A_2476 = arith.constant 5968 : index
    %get3A_2477 = tpu.vector_load %arg5[%get3A_2476] {strides = array<i32>} : memref<8192xf32, #tpu.memory_space<vmem>>, vector<16xf32>,
    %add3A_2478 = arith.addf %add3A_2475, %get3A_2477 : vector<16xf32>
    %get3A_2479 = arith.constant 6480 : index
    %get3A_2480 = tpu.vector_load %arg5[%get3A_2479] {strides = array<i32>} : memref<8192xf32, #tpu.memory_space<vmem>>, vector<16xf32>,
    %add3A_2481 = arith.addf %add3A_2478, %get3A_2480 : vector<16xf32>
    %get3A_2482 = arith.constant 6992 : index
    %get3A_2483 = tpu.vector_load %arg5[%get3A_2482] {strides = array<i32>} : memref<8192xf32, #tpu.memory_space<vmem>>, vector<16xf32>,
    %add3A_2484 = arith.addf %add3A_2481, %get3A_2483 : vector<16xf32>
    %get3A_2485 = arith.constant 7504 : index
    %get3A_2486 = tpu.vector_load %arg5[%get3A_2485] {strides = array<i32>} : memref<8192xf32, #tpu.memory_space<vmem>>, vector<16xf32>,
    %add3A_2487 = arith.addf %add3A_2484, %get3A_2486 : vector<16xf32>
    %get3A_2488 = arith.constant 8016 : index
    %get3A_2489 = tpu.vector_load %arg5[%get3A_2488] {strides = array<i32>} : memref<8192xf32, #tpu.memory_space<vmem>>, vector<16xf32>,
    %add3A_2490 = arith.addf %add3A_2487, %get3A_2489 : vector<16xf32>
    %swap3A_2491 = arith.constant 336 : index
    %swap3A_2492 = tpu.vector_load %arg6[%swap3A_2491] {strides = array<i32>} : memref<512xf32, #tpu.memory_space<vmem>>, vector<16xf32>,
    tpu.vector_store %arg6[%swap3A_2491], %add3A_2490 {strides = array<i32>} : memref<512xf32, #tpu.memory_space<vmem>>, vector<16xf32>,
    %get3A_2493 = arith.constant 352 : index
    %get3A_2494 = tpu.vector_load %arg5[%get3A_2493] {strides = array<i32>} : memref<8192xf32, #tpu.memory_space<vmem>>, vector<16xf32>,
    %get3A_2495 = arith.constant 864 : index
    %get3A_2496 = tpu.vector_load %arg5[%get3A_2495] {strides = array<i32>} : memref<8192xf32, #tpu.memory_space<vmem>>, vector<16xf32>,
    %add3A_2497 = arith.addf %get3A_2494, %get3A_2496 : vector<16xf32>
    %get3A_2498 = arith.constant 1376 : index
    %get3A_2499 = tpu.vector_load %arg5[%get3A_2498] {strides = array<i32>} : memref<8192xf32, #tpu.memory_space<vmem>>, vector<16xf32>,
    %add3A_2500 = arith.addf %add3A_2497, %get3A_2499 : vector<16xf32>
    %get3A_2501 = arith.constant 1888 : index
    %get3A_2502 = tpu.vector_load %arg5[%get3A_2501] {strides = array<i32>} : memref<8192xf32, #tpu.memory_space<vmem>>, vector<16xf32>,
    %add3A_2503 = arith.addf %add3A_2500, %get3A_2502 : vector<16xf32>
    %get3A_2504 = arith.constant 2400 : index
    %get3A_2505 = tpu.vector_load %arg5[%get3A_2504] {strides = array<i32>} : memref<8192xf32, #tpu.memory_space<vmem>>, vector<16xf32>,
    %add3A_2506 = arith.addf %add3A_2503, %get3A_2505 : vector<16xf32>
    %get3A_2507 = arith.constant 2912 : index
    %get3A_2508 = tpu.vector_load %arg5[%get3A_2507] {strides = array<i32>} : memref<8192xf32, #tpu.memory_space<vmem>>, vector<16xf32>,
    %add3A_2509 = arith.addf %add3A_2506, %get3A_2508 : vector<16xf32>
    %get3A_2510 = arith.constant 3424 : index
    %get3A_2511 = tpu.vector_load %arg5[%get3A_2510] {strides = array<i32>} : memref<8192xf32, #tpu.memory_space<vmem>>, vector<16xf32>,
    %add3A_2512 = arith.addf %add3A_2509, %get3A_2511 : vector<16xf32>
    %get3A_2513 = arith.constant 3936 : index
    %get3A_2514 = tpu.vector_load %arg5[%get3A_2513] {strides = array<i32>} : memref<8192xf32, #tpu.memory_space<vmem>>, vector<16xf32>,
    %add3A_2515 = arith.addf %add3A_2512, %get3A_2514 : vector<16xf32>
    %get3A_2516 = arith.constant 4448 : index
    %get3A_2517 = tpu.vector_load %arg5[%get3A_2516] {strides = array<i32>} : memref<8192xf32, #tpu.memory_space<vmem>>, vector<16xf32>,
    %add3A_2518 = arith.addf %add3A_2515, %get3A_2517 : vector<16xf32>
    %get3A_2519 = arith.constant 4960 : index
    %get3A_2520 = tpu.vector_load %arg5[%get3A_2519] {strides = array<i32>} : memref<8192xf32, #tpu.memory_space<vmem>>, vector<16xf32>,
    %add3A_2521 = arith.addf %add3A_2518, %get3A_2520 : vector<16xf32>
    %get3A_2522 = arith.constant 5472 : index
    %get3A_2523 = tpu.vector_load %arg5[%get3A_2522] {strides = array<i32>} : memref<8192xf32, #tpu.memory_space<vmem>>, vector<16xf32>,
    %add3A_2524 = arith.addf %add3A_2521, %get3A_2523 : vector<16xf32>
    %get3A_2525 = arith.constant 5984 : index
    %get3A_2526 = tpu.vector_load %arg5[%get3A_2525] {strides = array<i32>} : memref<8192xf32, #tpu.memory_space<vmem>>, vector<16xf32>,
    %add3A_2527 = arith.addf %add3A_2524, %get3A_2526 : vector<16xf32>
    %get3A_2528 = arith.constant 6496 : index
    %get3A_2529 = tpu.vector_load %arg5[%get3A_2528] {strides = array<i32>} : memref<8192xf32, #tpu.memory_space<vmem>>, vector<16xf32>,
    %add3A_2530 = arith.addf %add3A_2527, %get3A_2529 : vector<16xf32>
    %get3A_2531 = arith.constant 7008 : index
    %get3A_2532 = tpu.vector_load %arg5[%get3A_2531] {strides = array<i32>} : memref<8192xf32, #tpu.memory_space<vmem>>, vector<16xf32>,
    %add3A_2533 = arith.addf %add3A_2530, %get3A_2532 : vector<16xf32>
    %get3A_2534 = arith.constant 7520 : index
    %get3A_2535 = tpu.vector_load %arg5[%get3A_2534] {strides = array<i32>} : memref<8192xf32, #tpu.memory_space<vmem>>, vector<16xf32>,
    %add3A_2536 = arith.addf %add3A_2533, %get3A_2535 : vector<16xf32>
    %get3A_2537 = arith.constant 8032 : index
    %get3A_2538 = tpu.vector_load %arg5[%get3A_2537] {strides = array<i32>} : memref<8192xf32, #tpu.memory_space<vmem>>, vector<16xf32>,
    %add3A_2539 = arith.addf %add3A_2536, %get3A_2538 : vector<16xf32>
    %swap3A_2540 = arith.constant 352 : index
    %swap3A_2541 = tpu.vector_load %arg6[%swap3A_2540] {strides = array<i32>} : memref<512xf32, #tpu.memory_space<vmem>>, vector<16xf32>,
    tpu.vector_store %arg6[%swap3A_2540], %add3A_2539 {strides = array<i32>} : memref<512xf32, #tpu.memory_space<vmem>>, vector<16xf32>,
    %get3A_2542 = arith.constant 368 : index
    %get3A_2543 = tpu.vector_load %arg5[%get3A_2542] {strides = array<i32>} : memref<8192xf32, #tpu.memory_space<vmem>>, vector<16xf32>,
    %get3A_2544 = arith.constant 880 : index
    %get3A_2545 = tpu.vector_load %arg5[%get3A_2544] {strides = array<i32>} : memref<8192xf32, #tpu.memory_space<vmem>>, vector<16xf32>,
    %add3A_2546 = arith.addf %get3A_2543, %get3A_2545 : vector<16xf32>
    %get3A_2547 = arith.constant 1392 : index
    %get3A_2548 = tpu.vector_load %arg5[%get3A_2547] {strides = array<i32>} : memref<8192xf32, #tpu.memory_space<vmem>>, vector<16xf32>,
    %add3A_2549 = arith.addf %add3A_2546, %get3A_2548 : vector<16xf32>
    %get3A_2550 = arith.constant 1904 : index
    %get3A_2551 = tpu.vector_load %arg5[%get3A_2550] {strides = array<i32>} : memref<8192xf32, #tpu.memory_space<vmem>>, vector<16xf32>,
    %add3A_2552 = arith.addf %add3A_2549, %get3A_2551 : vector<16xf32>
    %get3A_2553 = arith.constant 2416 : index
    %get3A_2554 = tpu.vector_load %arg5[%get3A_2553] {strides = array<i32>} : memref<8192xf32, #tpu.memory_space<vmem>>, vector<16xf32>,
    %add3A_2555 = arith.addf %add3A_2552, %get3A_2554 : vector<16xf32>
    %get3A_2556 = arith.constant 2928 : index
    %get3A_2557 = tpu.vector_load %arg5[%get3A_2556] {strides = array<i32>} : memref<8192xf32, #tpu.memory_space<vmem>>, vector<16xf32>,
    %add3A_2558 = arith.addf %add3A_2555, %get3A_2557 : vector<16xf32>
    %get3A_2559 = arith.constant 3440 : index
    %get3A_2560 = tpu.vector_load %arg5[%get3A_2559] {strides = array<i32>} : memref<8192xf32, #tpu.memory_space<vmem>>, vector<16xf32>,
    %add3A_2561 = arith.addf %add3A_2558, %get3A_2560 : vector<16xf32>
    %get3A_2562 = arith.constant 3952 : index
    %get3A_2563 = tpu.vector_load %arg5[%get3A_2562] {strides = array<i32>} : memref<8192xf32, #tpu.memory_space<vmem>>, vector<16xf32>,
    %add3A_2564 = arith.addf %add3A_2561, %get3A_2563 : vector<16xf32>
    %get3A_2565 = arith.constant 4464 : index
    %get3A_2566 = tpu.vector_load %arg5[%get3A_2565] {strides = array<i32>} : memref<8192xf32, #tpu.memory_space<vmem>>, vector<16xf32>,
    %add3A_2567 = arith.addf %add3A_2564, %get3A_2566 : vector<16xf32>
    %get3A_2568 = arith.constant 4976 : index
    %get3A_2569 = tpu.vector_load %arg5[%get3A_2568] {strides = array<i32>} : memref<8192xf32, #tpu.memory_space<vmem>>, vector<16xf32>,
    %add3A_2570 = arith.addf %add3A_2567, %get3A_2569 : vector<16xf32>
    %get3A_2571 = arith.constant 5488 : index
    %get3A_2572 = tpu.vector_load %arg5[%get3A_2571] {strides = array<i32>} : memref<8192xf32, #tpu.memory_space<vmem>>, vector<16xf32>,
    %add3A_2573 = arith.addf %add3A_2570, %get3A_2572 : vector<16xf32>
    %get3A_2574 = arith.constant 6000 : index
    %get3A_2575 = tpu.vector_load %arg5[%get3A_2574] {strides = array<i32>} : memref<8192xf32, #tpu.memory_space<vmem>>, vector<16xf32>,
    %add3A_2576 = arith.addf %add3A_2573, %get3A_2575 : vector<16xf32>
    %get3A_2577 = arith.constant 6512 : index
    %get3A_2578 = tpu.vector_load %arg5[%get3A_2577] {strides = array<i32>} : memref<8192xf32, #tpu.memory_space<vmem>>, vector<16xf32>,
    %add3A_2579 = arith.addf %add3A_2576, %get3A_2578 : vector<16xf32>
    %get3A_2580 = arith.constant 7024 : index
    %get3A_2581 = tpu.vector_load %arg5[%get3A_2580] {strides = array<i32>} : memref<8192xf32, #tpu.memory_space<vmem>>, vector<16xf32>,
    %add3A_2582 = arith.addf %add3A_2579, %get3A_2581 : vector<16xf32>
    %get3A_2583 = arith.constant 7536 : index
    %get3A_2584 = tpu.vector_load %arg5[%get3A_2583] {strides = array<i32>} : memref<8192xf32, #tpu.memory_space<vmem>>, vector<16xf32>,
    %add3A_2585 = arith.addf %add3A_2582, %get3A_2584 : vector<16xf32>
    %get3A_2586 = arith.constant 8048 : index
    %get3A_2587 = tpu.vector_load %arg5[%get3A_2586] {strides = array<i32>} : memref<8192xf32, #tpu.memory_space<vmem>>, vector<16xf32>,
    %add3A_2588 = arith.addf %add3A_2585, %get3A_2587 : vector<16xf32>
    %swap3A_2589 = arith.constant 368 : index
    %swap3A_2590 = tpu.vector_load %arg6[%swap3A_2589] {strides = array<i32>} : memref<512xf32, #tpu.memory_space<vmem>>, vector<16xf32>,
    tpu.vector_store %arg6[%swap3A_2589], %add3A_2588 {strides = array<i32>} : memref<512xf32, #tpu.memory_space<vmem>>, vector<16xf32>,
    %get3A_2591 = arith.constant 384 : index
    %get3A_2592 = tpu.vector_load %arg5[%get3A_2591] {strides = array<i32>} : memref<8192xf32, #tpu.memory_space<vmem>>, vector<16xf32>,
    %get3A_2593 = arith.constant 896 : index
    %get3A_2594 = tpu.vector_load %arg5[%get3A_2593] {strides = array<i32>} : memref<8192xf32, #tpu.memory_space<vmem>>, vector<16xf32>,
    %add3A_2595 = arith.addf %get3A_2592, %get3A_2594 : vector<16xf32>
    %get3A_2596 = arith.constant 1408 : index
    %get3A_2597 = tpu.vector_load %arg5[%get3A_2596] {strides = array<i32>} : memref<8192xf32, #tpu.memory_space<vmem>>, vector<16xf32>,
    %add3A_2598 = arith.addf %add3A_2595, %get3A_2597 : vector<16xf32>
    %get3A_2599 = arith.constant 1920 : index
    %get3A_2600 = tpu.vector_load %arg5[%get3A_2599] {strides = array<i32>} : memref<8192xf32, #tpu.memory_space<vmem>>, vector<16xf32>,
    %add3A_2601 = arith.addf %add3A_2598, %get3A_2600 : vector<16xf32>
    %get3A_2602 = arith.constant 2432 : index
    %get3A_2603 = tpu.vector_load %arg5[%get3A_2602] {strides = array<i32>} : memref<8192xf32, #tpu.memory_space<vmem>>, vector<16xf32>,
    %add3A_2604 = arith.addf %add3A_2601, %get3A_2603 : vector<16xf32>
    %get3A_2605 = arith.constant 2944 : index
    %get3A_2606 = tpu.vector_load %arg5[%get3A_2605] {strides = array<i32>} : memref<8192xf32, #tpu.memory_space<vmem>>, vector<16xf32>,
    %add3A_2607 = arith.addf %add3A_2604, %get3A_2606 : vector<16xf32>
    %get3A_2608 = arith.constant 3456 : index
    %get3A_2609 = tpu.vector_load %arg5[%get3A_2608] {strides = array<i32>} : memref<8192xf32, #tpu.memory_space<vmem>>, vector<16xf32>,
    %add3A_2610 = arith.addf %add3A_2607, %get3A_2609 : vector<16xf32>
    %get3A_2611 = arith.constant 3968 : index
    %get3A_2612 = tpu.vector_load %arg5[%get3A_2611] {strides = array<i32>} : memref<8192xf32, #tpu.memory_space<vmem>>, vector<16xf32>,
    %add3A_2613 = arith.addf %add3A_2610, %get3A_2612 : vector<16xf32>
    %get3A_2614 = arith.constant 4480 : index
    %get3A_2615 = tpu.vector_load %arg5[%get3A_2614] {strides = array<i32>} : memref<8192xf32, #tpu.memory_space<vmem>>, vector<16xf32>,
    %add3A_2616 = arith.addf %add3A_2613, %get3A_2615 : vector<16xf32>
    %get3A_2617 = arith.constant 4992 : index
    %get3A_2618 = tpu.vector_load %arg5[%get3A_2617] {strides = array<i32>} : memref<8192xf32, #tpu.memory_space<vmem>>, vector<16xf32>,
    %add3A_2619 = arith.addf %add3A_2616, %get3A_2618 : vector<16xf32>
    %get3A_2620 = arith.constant 5504 : index
    %get3A_2621 = tpu.vector_load %arg5[%get3A_2620] {strides = array<i32>} : memref<8192xf32, #tpu.memory_space<vmem>>, vector<16xf32>,
    %add3A_2622 = arith.addf %add3A_2619, %get3A_2621 : vector<16xf32>
    %get3A_2623 = arith.constant 6016 : index
    %get3A_2624 = tpu.vector_load %arg5[%get3A_2623] {strides = array<i32>} : memref<8192xf32, #tpu.memory_space<vmem>>, vector<16xf32>,
    %add3A_2625 = arith.addf %add3A_2622, %get3A_2624 : vector<16xf32>
    %get3A_2626 = arith.constant 6528 : index
    %get3A_2627 = tpu.vector_load %arg5[%get3A_2626] {strides = array<i32>} : memref<8192xf32, #tpu.memory_space<vmem>>, vector<16xf32>,
    %add3A_2628 = arith.addf %add3A_2625, %get3A_2627 : vector<16xf32>
    %get3A_2629 = arith.constant 7040 : index
    %get3A_2630 = tpu.vector_load %arg5[%get3A_2629] {strides = array<i32>} : memref<8192xf32, #tpu.memory_space<vmem>>, vector<16xf32>,
    %add3A_2631 = arith.addf %add3A_2628, %get3A_2630 : vector<16xf32>
    %get3A_2632 = arith.constant 7552 : index
    %get3A_2633 = tpu.vector_load %arg5[%get3A_2632] {strides = array<i32>} : memref<8192xf32, #tpu.memory_space<vmem>>, vector<16xf32>,
    %add3A_2634 = arith.addf %add3A_2631, %get3A_2633 : vector<16xf32>
    %get3A_2635 = arith.constant 8064 : index
    %get3A_2636 = tpu.vector_load %arg5[%get3A_2635] {strides = array<i32>} : memref<8192xf32, #tpu.memory_space<vmem>>, vector<16xf32>,
    %add3A_2637 = arith.addf %add3A_2634, %get3A_2636 : vector<16xf32>
    %swap3A_2638 = arith.constant 384 : index
    %swap3A_2639 = tpu.vector_load %arg6[%swap3A_2638] {strides = array<i32>} : memref<512xf32, #tpu.memory_space<vmem>>, vector<16xf32>,
    tpu.vector_store %arg6[%swap3A_2638], %add3A_2637 {strides = array<i32>} : memref<512xf32, #tpu.memory_space<vmem>>, vector<16xf32>,
    %get3A_2640 = arith.constant 400 : index
    %get3A_2641 = tpu.vector_load %arg5[%get3A_2640] {strides = array<i32>} : memref<8192xf32, #tpu.memory_space<vmem>>, vector<16xf32>,
    %get3A_2642 = arith.constant 912 : index
    %get3A_2643 = tpu.vector_load %arg5[%get3A_2642] {strides = array<i32>} : memref<8192xf32, #tpu.memory_space<vmem>>, vector<16xf32>,
    %add3A_2644 = arith.addf %get3A_2641, %get3A_2643 : vector<16xf32>
    %get3A_2645 = arith.constant 1424 : index
    %get3A_2646 = tpu.vector_load %arg5[%get3A_2645] {strides = array<i32>} : memref<8192xf32, #tpu.memory_space<vmem>>, vector<16xf32>,
    %add3A_2647 = arith.addf %add3A_2644, %get3A_2646 : vector<16xf32>
    %get3A_2648 = arith.constant 1936 : index
    %get3A_2649 = tpu.vector_load %arg5[%get3A_2648] {strides = array<i32>} : memref<8192xf32, #tpu.memory_space<vmem>>, vector<16xf32>,
    %add3A_2650 = arith.addf %add3A_2647, %get3A_2649 : vector<16xf32>
    %get3A_2651 = arith.constant 2448 : index
    %get3A_2652 = tpu.vector_load %arg5[%get3A_2651] {strides = array<i32>} : memref<8192xf32, #tpu.memory_space<vmem>>, vector<16xf32>,
    %add3A_2653 = arith.addf %add3A_2650, %get3A_2652 : vector<16xf32>
    %get3A_2654 = arith.constant 2960 : index
    %get3A_2655 = tpu.vector_load %arg5[%get3A_2654] {strides = array<i32>} : memref<8192xf32, #tpu.memory_space<vmem>>, vector<16xf32>,
    %add3A_2656 = arith.addf %add3A_2653, %get3A_2655 : vector<16xf32>
    %get3A_2657 = arith.constant 3472 : index
    %get3A_2658 = tpu.vector_load %arg5[%get3A_2657] {strides = array<i32>} : memref<8192xf32, #tpu.memory_space<vmem>>, vector<16xf32>,
    %add3A_2659 = arith.addf %add3A_2656, %get3A_2658 : vector<16xf32>
    %get3A_2660 = arith.constant 3984 : index
    %get3A_2661 = tpu.vector_load %arg5[%get3A_2660] {strides = array<i32>} : memref<8192xf32, #tpu.memory_space<vmem>>, vector<16xf32>,
    %add3A_2662 = arith.addf %add3A_2659, %get3A_2661 : vector<16xf32>
    %get3A_2663 = arith.constant 4496 : index
    %get3A_2664 = tpu.vector_load %arg5[%get3A_2663] {strides = array<i32>} : memref<8192xf32, #tpu.memory_space<vmem>>, vector<16xf32>,
    %add3A_2665 = arith.addf %add3A_2662, %get3A_2664 : vector<16xf32>
    %get3A_2666 = arith.constant 5008 : index
    %get3A_2667 = tpu.vector_load %arg5[%get3A_2666] {strides = array<i32>} : memref<8192xf32, #tpu.memory_space<vmem>>, vector<16xf32>,
    %add3A_2668 = arith.addf %add3A_2665, %get3A_2667 : vector<16xf32>
    %get3A_2669 = arith.constant 5520 : index
    %get3A_2670 = tpu.vector_load %arg5[%get3A_2669] {strides = array<i32>} : memref<8192xf32, #tpu.memory_space<vmem>>, vector<16xf32>,
    %add3A_2671 = arith.addf %add3A_2668, %get3A_2670 : vector<16xf32>
    %get3A_2672 = arith.constant 6032 : index
    %get3A_2673 = tpu.vector_load %arg5[%get3A_2672] {strides = array<i32>} : memref<8192xf32, #tpu.memory_space<vmem>>, vector<16xf32>,
    %add3A_2674 = arith.addf %add3A_2671, %get3A_2673 : vector<16xf32>
    %get3A_2675 = arith.constant 6544 : index
    %get3A_2676 = tpu.vector_load %arg5[%get3A_2675] {strides = array<i32>} : memref<8192xf32, #tpu.memory_space<vmem>>, vector<16xf32>,
    %add3A_2677 = arith.addf %add3A_2674, %get3A_2676 : vector<16xf32>
    %get3A_2678 = arith.constant 7056 : index
    %get3A_2679 = tpu.vector_load %arg5[%get3A_2678] {strides = array<i32>} : memref<8192xf32, #tpu.memory_space<vmem>>, vector<16xf32>,
    %add3A_2680 = arith.addf %add3A_2677, %get3A_2679 : vector<16xf32>
    %get3A_2681 = arith.constant 7568 : index
    %get3A_2682 = tpu.vector_load %arg5[%get3A_2681] {strides = array<i32>} : memref<8192xf32, #tpu.memory_space<vmem>>, vector<16xf32>,
    %add3A_2683 = arith.addf %add3A_2680, %get3A_2682 : vector<16xf32>
    %get3A_2684 = arith.constant 8080 : index
    %get3A_2685 = tpu.vector_load %arg5[%get3A_2684] {strides = array<i32>} : memref<8192xf32, #tpu.memory_space<vmem>>, vector<16xf32>,
    %add3A_2686 = arith.addf %add3A_2683, %get3A_2685 : vector<16xf32>
    %swap3A_2687 = arith.constant 400 : index
    %swap3A_2688 = tpu.vector_load %arg6[%swap3A_2687] {strides = array<i32>} : memref<512xf32, #tpu.memory_space<vmem>>, vector<16xf32>,
    tpu.vector_store %arg6[%swap3A_2687], %add3A_2686 {strides = array<i32>} : memref<512xf32, #tpu.memory_space<vmem>>, vector<16xf32>,
    %get3A_2689 = arith.constant 416 : index
    %get3A_2690 = tpu.vector_load %arg5[%get3A_2689] {strides = array<i32>} : memref<8192xf32, #tpu.memory_space<vmem>>, vector<16xf32>,
    %get3A_2691 = arith.constant 928 : index
    %get3A_2692 = tpu.vector_load %arg5[%get3A_2691] {strides = array<i32>} : memref<8192xf32, #tpu.memory_space<vmem>>, vector<16xf32>,
    %add3A_2693 = arith.addf %get3A_2690, %get3A_2692 : vector<16xf32>
    %get3A_2694 = arith.constant 1440 : index
    %get3A_2695 = tpu.vector_load %arg5[%get3A_2694] {strides = array<i32>} : memref<8192xf32, #tpu.memory_space<vmem>>, vector<16xf32>,
    %add3A_2696 = arith.addf %add3A_2693, %get3A_2695 : vector<16xf32>
    %get3A_2697 = arith.constant 1952 : index
    %get3A_2698 = tpu.vector_load %arg5[%get3A_2697] {strides = array<i32>} : memref<8192xf32, #tpu.memory_space<vmem>>, vector<16xf32>,
    %add3A_2699 = arith.addf %add3A_2696, %get3A_2698 : vector<16xf32>
    %get3A_2700 = arith.constant 2464 : index
    %get3A_2701 = tpu.vector_load %arg5[%get3A_2700] {strides = array<i32>} : memref<8192xf32, #tpu.memory_space<vmem>>, vector<16xf32>,
    %add3A_2702 = arith.addf %add3A_2699, %get3A_2701 : vector<16xf32>
    %get3A_2703 = arith.constant 2976 : index
    %get3A_2704 = tpu.vector_load %arg5[%get3A_2703] {strides = array<i32>} : memref<8192xf32, #tpu.memory_space<vmem>>, vector<16xf32>,
    %add3A_2705 = arith.addf %add3A_2702, %get3A_2704 : vector<16xf32>
    %get3A_2706 = arith.constant 3488 : index
    %get3A_2707 = tpu.vector_load %arg5[%get3A_2706] {strides = array<i32>} : memref<8192xf32, #tpu.memory_space<vmem>>, vector<16xf32>,
    %add3A_2708 = arith.addf %add3A_2705, %get3A_2707 : vector<16xf32>
    %get3A_2709 = arith.constant 4000 : index
    %get3A_2710 = tpu.vector_load %arg5[%get3A_2709] {strides = array<i32>} : memref<8192xf32, #tpu.memory_space<vmem>>, vector<16xf32>,
    %add3A_2711 = arith.addf %add3A_2708, %get3A_2710 : vector<16xf32>
    %get3A_2712 = arith.constant 4512 : index
    %get3A_2713 = tpu.vector_load %arg5[%get3A_2712] {strides = array<i32>} : memref<8192xf32, #tpu.memory_space<vmem>>, vector<16xf32>,
    %add3A_2714 = arith.addf %add3A_2711, %get3A_2713 : vector<16xf32>
    %get3A_2715 = arith.constant 5024 : index
    %get3A_2716 = tpu.vector_load %arg5[%get3A_2715] {strides = array<i32>} : memref<8192xf32, #tpu.memory_space<vmem>>, vector<16xf32>,
    %add3A_2717 = arith.addf %add3A_2714, %get3A_2716 : vector<16xf32>
    %get3A_2718 = arith.constant 5536 : index
    %get3A_2719 = tpu.vector_load %arg5[%get3A_2718] {strides = array<i32>} : memref<8192xf32, #tpu.memory_space<vmem>>, vector<16xf32>,
    %add3A_2720 = arith.addf %add3A_2717, %get3A_2719 : vector<16xf32>
    %get3A_2721 = arith.constant 6048 : index
    %get3A_2722 = tpu.vector_load %arg5[%get3A_2721] {strides = array<i32>} : memref<8192xf32, #tpu.memory_space<vmem>>, vector<16xf32>,
    %add3A_2723 = arith.addf %add3A_2720, %get3A_2722 : vector<16xf32>
    %get3A_2724 = arith.constant 6560 : index
    %get3A_2725 = tpu.vector_load %arg5[%get3A_2724] {strides = array<i32>} : memref<8192xf32, #tpu.memory_space<vmem>>, vector<16xf32>,
    %add3A_2726 = arith.addf %add3A_2723, %get3A_2725 : vector<16xf32>
    %get3A_2727 = arith.constant 7072 : index
    %get3A_2728 = tpu.vector_load %arg5[%get3A_2727] {strides = array<i32>} : memref<8192xf32, #tpu.memory_space<vmem>>, vector<16xf32>,
    %add3A_2729 = arith.addf %add3A_2726, %get3A_2728 : vector<16xf32>
    %get3A_2730 = arith.constant 7584 : index
    %get3A_2731 = tpu.vector_load %arg5[%get3A_2730] {strides = array<i32>} : memref<8192xf32, #tpu.memory_space<vmem>>, vector<16xf32>,
    %add3A_2732 = arith.addf %add3A_2729, %get3A_2731 : vector<16xf32>
    %get3A_2733 = arith.constant 8096 : index
    %get3A_2734 = tpu.vector_load %arg5[%get3A_2733] {strides = array<i32>} : memref<8192xf32, #tpu.memory_space<vmem>>, vector<16xf32>,
    %add3A_2735 = arith.addf %add3A_2732, %get3A_2734 : vector<16xf32>
    %swap3A_2736 = arith.constant 416 : index
    %swap3A_2737 = tpu.vector_load %arg6[%swap3A_2736] {strides = array<i32>} : memref<512xf32, #tpu.memory_space<vmem>>, vector<16xf32>,
    tpu.vector_store %arg6[%swap3A_2736], %add3A_2735 {strides = array<i32>} : memref<512xf32, #tpu.memory_space<vmem>>, vector<16xf32>,
    %get3A_2738 = arith.constant 432 : index
    %get3A_2739 = tpu.vector_load %arg5[%get3A_2738] {strides = array<i32>} : memref<8192xf32, #tpu.memory_space<vmem>>, vector<16xf32>,
    %get3A_2740 = arith.constant 944 : index
    %get3A_2741 = tpu.vector_load %arg5[%get3A_2740] {strides = array<i32>} : memref<8192xf32, #tpu.memory_space<vmem>>, vector<16xf32>,
    %add3A_2742 = arith.addf %get3A_2739, %get3A_2741 : vector<16xf32>
    %get3A_2743 = arith.constant 1456 : index
    %get3A_2744 = tpu.vector_load %arg5[%get3A_2743] {strides = array<i32>} : memref<8192xf32, #tpu.memory_space<vmem>>, vector<16xf32>,
    %add3A_2745 = arith.addf %add3A_2742, %get3A_2744 : vector<16xf32>
    %get3A_2746 = arith.constant 1968 : index
    %get3A_2747 = tpu.vector_load %arg5[%get3A_2746] {strides = array<i32>} : memref<8192xf32, #tpu.memory_space<vmem>>, vector<16xf32>,
    %add3A_2748 = arith.addf %add3A_2745, %get3A_2747 : vector<16xf32>
    %get3A_2749 = arith.constant 2480 : index
    %get3A_2750 = tpu.vector_load %arg5[%get3A_2749] {strides = array<i32>} : memref<8192xf32, #tpu.memory_space<vmem>>, vector<16xf32>,
    %add3A_2751 = arith.addf %add3A_2748, %get3A_2750 : vector<16xf32>
    %get3A_2752 = arith.constant 2992 : index
    %get3A_2753 = tpu.vector_load %arg5[%get3A_2752] {strides = array<i32>} : memref<8192xf32, #tpu.memory_space<vmem>>, vector<16xf32>,
    %add3A_2754 = arith.addf %add3A_2751, %get3A_2753 : vector<16xf32>
    %get3A_2755 = arith.constant 3504 : index
    %get3A_2756 = tpu.vector_load %arg5[%get3A_2755] {strides = array<i32>} : memref<8192xf32, #tpu.memory_space<vmem>>, vector<16xf32>,
    %add3A_2757 = arith.addf %add3A_2754, %get3A_2756 : vector<16xf32>
    %get3A_2758 = arith.constant 4016 : index
    %get3A_2759 = tpu.vector_load %arg5[%get3A_2758] {strides = array<i32>} : memref<8192xf32, #tpu.memory_space<vmem>>, vector<16xf32>,
    %add3A_2760 = arith.addf %add3A_2757, %get3A_2759 : vector<16xf32>
    %get3A_2761 = arith.constant 4528 : index
    %get3A_2762 = tpu.vector_load %arg5[%get3A_2761] {strides = array<i32>} : memref<8192xf32, #tpu.memory_space<vmem>>, vector<16xf32>,
    %add3A_2763 = arith.addf %add3A_2760, %get3A_2762 : vector<16xf32>
    %get3A_2764 = arith.constant 5040 : index
    %get3A_2765 = tpu.vector_load %arg5[%get3A_2764] {strides = array<i32>} : memref<8192xf32, #tpu.memory_space<vmem>>, vector<16xf32>,
    %add3A_2766 = arith.addf %add3A_2763, %get3A_2765 : vector<16xf32>
    %get3A_2767 = arith.constant 5552 : index
    %get3A_2768 = tpu.vector_load %arg5[%get3A_2767] {strides = array<i32>} : memref<8192xf32, #tpu.memory_space<vmem>>, vector<16xf32>,
    %add3A_2769 = arith.addf %add3A_2766, %get3A_2768 : vector<16xf32>
    %get3A_2770 = arith.constant 6064 : index
    %get3A_2771 = tpu.vector_load %arg5[%get3A_2770] {strides = array<i32>} : memref<8192xf32, #tpu.memory_space<vmem>>, vector<16xf32>,
    %add3A_2772 = arith.addf %add3A_2769, %get3A_2771 : vector<16xf32>
    %get3A_2773 = arith.constant 6576 : index
    %get3A_2774 = tpu.vector_load %arg5[%get3A_2773] {strides = array<i32>} : memref<8192xf32, #tpu.memory_space<vmem>>, vector<16xf32>,
    %add3A_2775 = arith.addf %add3A_2772, %get3A_2774 : vector<16xf32>
    %get3A_2776 = arith.constant 7088 : index
    %get3A_2777 = tpu.vector_load %arg5[%get3A_2776] {strides = array<i32>} : memref<8192xf32, #tpu.memory_space<vmem>>, vector<16xf32>,
    %add3A_2778 = arith.addf %add3A_2775, %get3A_2777 : vector<16xf32>
    %get3A_2779 = arith.constant 7600 : index
    %get3A_2780 = tpu.vector_load %arg5[%get3A_2779] {strides = array<i32>} : memref<8192xf32, #tpu.memory_space<vmem>>, vector<16xf32>,
    %add3A_2781 = arith.addf %add3A_2778, %get3A_2780 : vector<16xf32>
    %get3A_2782 = arith.constant 8112 : index
    %get3A_2783 = tpu.vector_load %arg5[%get3A_2782] {strides = array<i32>} : memref<8192xf32, #tpu.memory_space<vmem>>, vector<16xf32>,
    %add3A_2784 = arith.addf %add3A_2781, %get3A_2783 : vector<16xf32>
    %swap3A_2785 = arith.constant 432 : index
    %swap3A_2786 = tpu.vector_load %arg6[%swap3A_2785] {strides = array<i32>} : memref<512xf32, #tpu.memory_space<vmem>>, vector<16xf32>,
    tpu.vector_store %arg6[%swap3A_2785], %add3A_2784 {strides = array<i32>} : memref<512xf32, #tpu.memory_space<vmem>>, vector<16xf32>,
    %get3A_2787 = arith.constant 448 : index
    %get3A_2788 = tpu.vector_load %arg5[%get3A_2787] {strides = array<i32>} : memref<8192xf32, #tpu.memory_space<vmem>>, vector<16xf32>,
    %get3A_2789 = arith.constant 960 : index
    %get3A_2790 = tpu.vector_load %arg5[%get3A_2789] {strides = array<i32>} : memref<8192xf32, #tpu.memory_space<vmem>>, vector<16xf32>,
    %add3A_2791 = arith.addf %get3A_2788, %get3A_2790 : vector<16xf32>
    %get3A_2792 = arith.constant 1472 : index
    %get3A_2793 = tpu.vector_load %arg5[%get3A_2792] {strides = array<i32>} : memref<8192xf32, #tpu.memory_space<vmem>>, vector<16xf32>,
    %add3A_2794 = arith.addf %add3A_2791, %get3A_2793 : vector<16xf32>
    %get3A_2795 = arith.constant 1984 : index
    %get3A_2796 = tpu.vector_load %arg5[%get3A_2795] {strides = array<i32>} : memref<8192xf32, #tpu.memory_space<vmem>>, vector<16xf32>,
    %add3A_2797 = arith.addf %add3A_2794, %get3A_2796 : vector<16xf32>
    %get3A_2798 = arith.constant 2496 : index
    %get3A_2799 = tpu.vector_load %arg5[%get3A_2798] {strides = array<i32>} : memref<8192xf32, #tpu.memory_space<vmem>>, vector<16xf32>,
    %add3A_2800 = arith.addf %add3A_2797, %get3A_2799 : vector<16xf32>
    %get3A_2801 = arith.constant 3008 : index
    %get3A_2802 = tpu.vector_load %arg5[%get3A_2801] {strides = array<i32>} : memref<8192xf32, #tpu.memory_space<vmem>>, vector<16xf32>,
    %add3A_2803 = arith.addf %add3A_2800, %get3A_2802 : vector<16xf32>
    %get3A_2804 = arith.constant 3520 : index
    %get3A_2805 = tpu.vector_load %arg5[%get3A_2804] {strides = array<i32>} : memref<8192xf32, #tpu.memory_space<vmem>>, vector<16xf32>,
    %add3A_2806 = arith.addf %add3A_2803, %get3A_2805 : vector<16xf32>
    %get3A_2807 = arith.constant 4032 : index
    %get3A_2808 = tpu.vector_load %arg5[%get3A_2807] {strides = array<i32>} : memref<8192xf32, #tpu.memory_space<vmem>>, vector<16xf32>,
    %add3A_2809 = arith.addf %add3A_2806, %get3A_2808 : vector<16xf32>
    %get3A_2810 = arith.constant 4544 : index
    %get3A_2811 = tpu.vector_load %arg5[%get3A_2810] {strides = array<i32>} : memref<8192xf32, #tpu.memory_space<vmem>>, vector<16xf32>,
    %add3A_2812 = arith.addf %add3A_2809, %get3A_2811 : vector<16xf32>
    %get3A_2813 = arith.constant 5056 : index
    %get3A_2814 = tpu.vector_load %arg5[%get3A_2813] {strides = array<i32>} : memref<8192xf32, #tpu.memory_space<vmem>>, vector<16xf32>,
    %add3A_2815 = arith.addf %add3A_2812, %get3A_2814 : vector<16xf32>
    %get3A_2816 = arith.constant 5568 : index
    %get3A_2817 = tpu.vector_load %arg5[%get3A_2816] {strides = array<i32>} : memref<8192xf32, #tpu.memory_space<vmem>>, vector<16xf32>,
    %add3A_2818 = arith.addf %add3A_2815, %get3A_2817 : vector<16xf32>
    %get3A_2819 = arith.constant 6080 : index
    %get3A_2820 = tpu.vector_load %arg5[%get3A_2819] {strides = array<i32>} : memref<8192xf32, #tpu.memory_space<vmem>>, vector<16xf32>,
    %add3A_2821 = arith.addf %add3A_2818, %get3A_2820 : vector<16xf32>
    %get3A_2822 = arith.constant 6592 : index
    %get3A_2823 = tpu.vector_load %arg5[%get3A_2822] {strides = array<i32>} : memref<8192xf32, #tpu.memory_space<vmem>>, vector<16xf32>,
    %add3A_2824 = arith.addf %add3A_2821, %get3A_2823 : vector<16xf32>
    %get3A_2825 = arith.constant 7104 : index
    %get3A_2826 = tpu.vector_load %arg5[%get3A_2825] {strides = array<i32>} : memref<8192xf32, #tpu.memory_space<vmem>>, vector<16xf32>,
    %add3A_2827 = arith.addf %add3A_2824, %get3A_2826 : vector<16xf32>
    %get3A_2828 = arith.constant 7616 : index
    %get3A_2829 = tpu.vector_load %arg5[%get3A_2828] {strides = array<i32>} : memref<8192xf32, #tpu.memory_space<vmem>>, vector<16xf32>,
    %add3A_2830 = arith.addf %add3A_2827, %get3A_2829 : vector<16xf32>
    %get3A_2831 = arith.constant 8128 : index
    %get3A_2832 = tpu.vector_load %arg5[%get3A_2831] {strides = array<i32>} : memref<8192xf32, #tpu.memory_space<vmem>>, vector<16xf32>,
    %add3A_2833 = arith.addf %add3A_2830, %get3A_2832 : vector<16xf32>
    %swap3A_2834 = arith.constant 448 : index
    %swap3A_2835 = tpu.vector_load %arg6[%swap3A_2834] {strides = array<i32>} : memref<512xf32, #tpu.memory_space<vmem>>, vector<16xf32>,
    tpu.vector_store %arg6[%swap3A_2834], %add3A_2833 {strides = array<i32>} : memref<512xf32, #tpu.memory_space<vmem>>, vector<16xf32>,
    %get3A_2836 = arith.constant 464 : index
    %get3A_2837 = tpu.vector_load %arg5[%get3A_2836] {strides = array<i32>} : memref<8192xf32, #tpu.memory_space<vmem>>, vector<16xf32>,
    %get3A_2838 = arith.constant 976 : index
    %get3A_2839 = tpu.vector_load %arg5[%get3A_2838] {strides = array<i32>} : memref<8192xf32, #tpu.memory_space<vmem>>, vector<16xf32>,
    %add3A_2840 = arith.addf %get3A_2837, %get3A_2839 : vector<16xf32>
    %get3A_2841 = arith.constant 1488 : index
    %get3A_2842 = tpu.vector_load %arg5[%get3A_2841] {strides = array<i32>} : memref<8192xf32, #tpu.memory_space<vmem>>, vector<16xf32>,
    %add3A_2843 = arith.addf %add3A_2840, %get3A_2842 : vector<16xf32>
    %get3A_2844 = arith.constant 2000 : index
    %get3A_2845 = tpu.vector_load %arg5[%get3A_2844] {strides = array<i32>} : memref<8192xf32, #tpu.memory_space<vmem>>, vector<16xf32>,
    %add3A_2846 = arith.addf %add3A_2843, %get3A_2845 : vector<16xf32>
    %get3A_2847 = arith.constant 2512 : index
    %get3A_2848 = tpu.vector_load %arg5[%get3A_2847] {strides = array<i32>} : memref<8192xf32, #tpu.memory_space<vmem>>, vector<16xf32>,
    %add3A_2849 = arith.addf %add3A_2846, %get3A_2848 : vector<16xf32>
    %get3A_2850 = arith.constant 3024 : index
    %get3A_2851 = tpu.vector_load %arg5[%get3A_2850] {strides = array<i32>} : memref<8192xf32, #tpu.memory_space<vmem>>, vector<16xf32>,
    %add3A_2852 = arith.addf %add3A_2849, %get3A_2851 : vector<16xf32>
    %get3A_2853 = arith.constant 3536 : index
    %get3A_2854 = tpu.vector_load %arg5[%get3A_2853] {strides = array<i32>} : memref<8192xf32, #tpu.memory_space<vmem>>, vector<16xf32>,
    %add3A_2855 = arith.addf %add3A_2852, %get3A_2854 : vector<16xf32>
    %get3A_2856 = arith.constant 4048 : index
    %get3A_2857 = tpu.vector_load %arg5[%get3A_2856] {strides = array<i32>} : memref<8192xf32, #tpu.memory_space<vmem>>, vector<16xf32>,
    %add3A_2858 = arith.addf %add3A_2855, %get3A_2857 : vector<16xf32>
    %get3A_2859 = arith.constant 4560 : index
    %get3A_2860 = tpu.vector_load %arg5[%get3A_2859] {strides = array<i32>} : memref<8192xf32, #tpu.memory_space<vmem>>, vector<16xf32>,
    %add3A_2861 = arith.addf %add3A_2858, %get3A_2860 : vector<16xf32>
    %get3A_2862 = arith.constant 5072 : index
    %get3A_2863 = tpu.vector_load %arg5[%get3A_2862] {strides = array<i32>} : memref<8192xf32, #tpu.memory_space<vmem>>, vector<16xf32>,
    %add3A_2864 = arith.addf %add3A_2861, %get3A_2863 : vector<16xf32>
    %get3A_2865 = arith.constant 5584 : index
    %get3A_2866 = tpu.vector_load %arg5[%get3A_2865] {strides = array<i32>} : memref<8192xf32, #tpu.memory_space<vmem>>, vector<16xf32>,
    %add3A_2867 = arith.addf %add3A_2864, %get3A_2866 : vector<16xf32>
    %get3A_2868 = arith.constant 6096 : index
    %get3A_2869 = tpu.vector_load %arg5[%get3A_2868] {strides = array<i32>} : memref<8192xf32, #tpu.memory_space<vmem>>, vector<16xf32>,
    %add3A_2870 = arith.addf %add3A_2867, %get3A_2869 : vector<16xf32>
    %get3A_2871 = arith.constant 6608 : index
    %get3A_2872 = tpu.vector_load %arg5[%get3A_2871] {strides = array<i32>} : memref<8192xf32, #tpu.memory_space<vmem>>, vector<16xf32>,
    %add3A_2873 = arith.addf %add3A_2870, %get3A_2872 : vector<16xf32>
    %get3A_2874 = arith.constant 7120 : index
    %get3A_2875 = tpu.vector_load %arg5[%get3A_2874] {strides = array<i32>} : memref<8192xf32, #tpu.memory_space<vmem>>, vector<16xf32>,
    %add3A_2876 = arith.addf %add3A_2873, %get3A_2875 : vector<16xf32>
    %get3A_2877 = arith.constant 7632 : index
    %get3A_2878 = tpu.vector_load %arg5[%get3A_2877] {strides = array<i32>} : memref<8192xf32, #tpu.memory_space<vmem>>, vector<16xf32>,
    %add3A_2879 = arith.addf %add3A_2876, %get3A_2878 : vector<16xf32>
    %get3A_2880 = arith.constant 8144 : index
    %get3A_2881 = tpu.vector_load %arg5[%get3A_2880] {strides = array<i32>} : memref<8192xf32, #tpu.memory_space<vmem>>, vector<16xf32>,
    %add3A_2882 = arith.addf %add3A_2879, %get3A_2881 : vector<16xf32>
    %swap3A_2883 = arith.constant 464 : index
    %swap3A_2884 = tpu.vector_load %arg6[%swap3A_2883] {strides = array<i32>} : memref<512xf32, #tpu.memory_space<vmem>>, vector<16xf32>,
    tpu.vector_store %arg6[%swap3A_2883], %add3A_2882 {strides = array<i32>} : memref<512xf32, #tpu.memory_space<vmem>>, vector<16xf32>,
    %get3A_2885 = arith.constant 480 : index
    %get3A_2886 = tpu.vector_load %arg5[%get3A_2885] {strides = array<i32>} : memref<8192xf32, #tpu.memory_space<vmem>>, vector<16xf32>,
    %get3A_2887 = arith.constant 992 : index
    %get3A_2888 = tpu.vector_load %arg5[%get3A_2887] {strides = array<i32>} : memref<8192xf32, #tpu.memory_space<vmem>>, vector<16xf32>,
    %add3A_2889 = arith.addf %get3A_2886, %get3A_2888 : vector<16xf32>
    %get3A_2890 = arith.constant 1504 : index
    %get3A_2891 = tpu.vector_load %arg5[%get3A_2890] {strides = array<i32>} : memref<8192xf32, #tpu.memory_space<vmem>>, vector<16xf32>,
    %add3A_2892 = arith.addf %add3A_2889, %get3A_2891 : vector<16xf32>
    %get3A_2893 = arith.constant 2016 : index
    %get3A_2894 = tpu.vector_load %arg5[%get3A_2893] {strides = array<i32>} : memref<8192xf32, #tpu.memory_space<vmem>>, vector<16xf32>,
    %add3A_2895 = arith.addf %add3A_2892, %get3A_2894 : vector<16xf32>
    %get3A_2896 = arith.constant 2528 : index
    %get3A_2897 = tpu.vector_load %arg5[%get3A_2896] {strides = array<i32>} : memref<8192xf32, #tpu.memory_space<vmem>>, vector<16xf32>,
    %add3A_2898 = arith.addf %add3A_2895, %get3A_2897 : vector<16xf32>
    %get3A_2899 = arith.constant 3040 : index
    %get3A_2900 = tpu.vector_load %arg5[%get3A_2899] {strides = array<i32>} : memref<8192xf32, #tpu.memory_space<vmem>>, vector<16xf32>,
    %add3A_2901 = arith.addf %add3A_2898, %get3A_2900 : vector<16xf32>
    %get3A_2902 = arith.constant 3552 : index
    %get3A_2903 = tpu.vector_load %arg5[%get3A_2902] {strides = array<i32>} : memref<8192xf32, #tpu.memory_space<vmem>>, vector<16xf32>,
    %add3A_2904 = arith.addf %add3A_2901, %get3A_2903 : vector<16xf32>
    %get3A_2905 = arith.constant 4064 : index
    %get3A_2906 = tpu.vector_load %arg5[%get3A_2905] {strides = array<i32>} : memref<8192xf32, #tpu.memory_space<vmem>>, vector<16xf32>,
    %add3A_2907 = arith.addf %add3A_2904, %get3A_2906 : vector<16xf32>
    %get3A_2908 = arith.constant 4576 : index
    %get3A_2909 = tpu.vector_load %arg5[%get3A_2908] {strides = array<i32>} : memref<8192xf32, #tpu.memory_space<vmem>>, vector<16xf32>,
    %add3A_2910 = arith.addf %add3A_2907, %get3A_2909 : vector<16xf32>
    %get3A_2911 = arith.constant 5088 : index
    %get3A_2912 = tpu.vector_load %arg5[%get3A_2911] {strides = array<i32>} : memref<8192xf32, #tpu.memory_space<vmem>>, vector<16xf32>,
    %add3A_2913 = arith.addf %add3A_2910, %get3A_2912 : vector<16xf32>
    %get3A_2914 = arith.constant 5600 : index
    %get3A_2915 = tpu.vector_load %arg5[%get3A_2914] {strides = array<i32>} : memref<8192xf32, #tpu.memory_space<vmem>>, vector<16xf32>,
    %add3A_2916 = arith.addf %add3A_2913, %get3A_2915 : vector<16xf32>
    %get3A_2917 = arith.constant 6112 : index
    %get3A_2918 = tpu.vector_load %arg5[%get3A_2917] {strides = array<i32>} : memref<8192xf32, #tpu.memory_space<vmem>>, vector<16xf32>,
    %add3A_2919 = arith.addf %add3A_2916, %get3A_2918 : vector<16xf32>
    %get3A_2920 = arith.constant 6624 : index
    %get3A_2921 = tpu.vector_load %arg5[%get3A_2920] {strides = array<i32>} : memref<8192xf32, #tpu.memory_space<vmem>>, vector<16xf32>,
    %add3A_2922 = arith.addf %add3A_2919, %get3A_2921 : vector<16xf32>
    %get3A_2923 = arith.constant 7136 : index
    %get3A_2924 = tpu.vector_load %arg5[%get3A_2923] {strides = array<i32>} : memref<8192xf32, #tpu.memory_space<vmem>>, vector<16xf32>,
    %add3A_2925 = arith.addf %add3A_2922, %get3A_2924 : vector<16xf32>
    %get3A_2926 = arith.constant 7648 : index
    %get3A_2927 = tpu.vector_load %arg5[%get3A_2926] {strides = array<i32>} : memref<8192xf32, #tpu.memory_space<vmem>>, vector<16xf32>,
    %add3A_2928 = arith.addf %add3A_2925, %get3A_2927 : vector<16xf32>
    %get3A_2929 = arith.constant 8160 : index
    %get3A_2930 = tpu.vector_load %arg5[%get3A_2929] {strides = array<i32>} : memref<8192xf32, #tpu.memory_space<vmem>>, vector<16xf32>,
    %add3A_2931 = arith.addf %add3A_2928, %get3A_2930 : vector<16xf32>
    %swap3A_2932 = arith.constant 480 : index
    %swap3A_2933 = tpu.vector_load %arg6[%swap3A_2932] {strides = array<i32>} : memref<512xf32, #tpu.memory_space<vmem>>, vector<16xf32>,
    tpu.vector_store %arg6[%swap3A_2932], %add3A_2931 {strides = array<i32>} : memref<512xf32, #tpu.memory_space<vmem>>, vector<16xf32>,
    %get3A_2934 = arith.constant 496 : index
    %get3A_2935 = tpu.vector_load %arg5[%get3A_2934] {strides = array<i32>} : memref<8192xf32, #tpu.memory_space<vmem>>, vector<16xf32>,
    %get3A_2936 = arith.constant 1008 : index
    %get3A_2937 = tpu.vector_load %arg5[%get3A_2936] {strides = array<i32>} : memref<8192xf32, #tpu.memory_space<vmem>>, vector<16xf32>,
    %add3A_2938 = arith.addf %get3A_2935, %get3A_2937 : vector<16xf32>
    %get3A_2939 = arith.constant 1520 : index
    %get3A_2940 = tpu.vector_load %arg5[%get3A_2939] {strides = array<i32>} : memref<8192xf32, #tpu.memory_space<vmem>>, vector<16xf32>,
    %add3A_2941 = arith.addf %add3A_2938, %get3A_2940 : vector<16xf32>
    %get3A_2942 = arith.constant 2032 : index
    %get3A_2943 = tpu.vector_load %arg5[%get3A_2942] {strides = array<i32>} : memref<8192xf32, #tpu.memory_space<vmem>>, vector<16xf32>,
    %add3A_2944 = arith.addf %add3A_2941, %get3A_2943 : vector<16xf32>
    %get3A_2945 = arith.constant 2544 : index
    %get3A_2946 = tpu.vector_load %arg5[%get3A_2945] {strides = array<i32>} : memref<8192xf32, #tpu.memory_space<vmem>>, vector<16xf32>,
    %add3A_2947 = arith.addf %add3A_2944, %get3A_2946 : vector<16xf32>
    %get3A_2948 = arith.constant 3056 : index
    %get3A_2949 = tpu.vector_load %arg5[%get3A_2948] {strides = array<i32>} : memref<8192xf32, #tpu.memory_space<vmem>>, vector<16xf32>,
    %add3A_2950 = arith.addf %add3A_2947, %get3A_2949 : vector<16xf32>
    %get3A_2951 = arith.constant 3568 : index
    %get3A_2952 = tpu.vector_load %arg5[%get3A_2951] {strides = array<i32>} : memref<8192xf32, #tpu.memory_space<vmem>>, vector<16xf32>,
    %add3A_2953 = arith.addf %add3A_2950, %get3A_2952 : vector<16xf32>
    %get3A_2954 = arith.constant 4080 : index
    %get3A_2955 = tpu.vector_load %arg5[%get3A_2954] {strides = array<i32>} : memref<8192xf32, #tpu.memory_space<vmem>>, vector<16xf32>,
    %add3A_2956 = arith.addf %add3A_2953, %get3A_2955 : vector<16xf32>
    %get3A_2957 = arith.constant 4592 : index
    %get3A_2958 = tpu.vector_load %arg5[%get3A_2957] {strides = array<i32>} : memref<8192xf32, #tpu.memory_space<vmem>>, vector<16xf32>,
    %add3A_2959 = arith.addf %add3A_2956, %get3A_2958 : vector<16xf32>
    %get3A_2960 = arith.constant 5104 : index
    %get3A_2961 = tpu.vector_load %arg5[%get3A_2960] {strides = array<i32>} : memref<8192xf32, #tpu.memory_space<vmem>>, vector<16xf32>,
    %add3A_2962 = arith.addf %add3A_2959, %get3A_2961 : vector<16xf32>
    %get3A_2963 = arith.constant 5616 : index
    %get3A_2964 = tpu.vector_load %arg5[%get3A_2963] {strides = array<i32>} : memref<8192xf32, #tpu.memory_space<vmem>>, vector<16xf32>,
    %add3A_2965 = arith.addf %add3A_2962, %get3A_2964 : vector<16xf32>
    %get3A_2966 = arith.constant 6128 : index
    %get3A_2967 = tpu.vector_load %arg5[%get3A_2966] {strides = array<i32>} : memref<8192xf32, #tpu.memory_space<vmem>>, vector<16xf32>,
    %add3A_2968 = arith.addf %add3A_2965, %get3A_2967 : vector<16xf32>
    %get3A_2969 = arith.constant 6640 : index
    %get3A_2970 = tpu.vector_load %arg5[%get3A_2969] {strides = array<i32>} : memref<8192xf32, #tpu.memory_space<vmem>>, vector<16xf32>,
    %add3A_2971 = arith.addf %add3A_2968, %get3A_2970 : vector<16xf32>
    %get3A_2972 = arith.constant 7152 : index
    %get3A_2973 = tpu.vector_load %arg5[%get3A_2972] {strides = array<i32>} : memref<8192xf32, #tpu.memory_space<vmem>>, vector<16xf32>,
    %add3A_2974 = arith.addf %add3A_2971, %get3A_2973 : vector<16xf32>
    %get3A_2975 = arith.constant 7664 : index
    %get3A_2976 = tpu.vector_load %arg5[%get3A_2975] {strides = array<i32>} : memref<8192xf32, #tpu.memory_space<vmem>>, vector<16xf32>,
    %add3A_2977 = arith.addf %add3A_2974, %get3A_2976 : vector<16xf32>
    %get3A_2978 = arith.constant 8176 : index
    %get3A_2979 = tpu.vector_load %arg5[%get3A_2978] {strides = array<i32>} : memref<8192xf32, #tpu.memory_space<vmem>>, vector<16xf32>,
    %add3A_2980 = arith.addf %add3A_2977, %get3A_2979 : vector<16xf32>
    %swap3A_2981 = arith.constant 496 : index
    %swap3A_2982 = tpu.vector_load %arg6[%swap3A_2981] {strides = array<i32>} : memref<512xf32, #tpu.memory_space<vmem>>, vector<16xf32>,
    tpu.vector_store %arg6[%swap3A_2981], %add3A_2980 {strides = array<i32>} : memref<512xf32, #tpu.memory_space<vmem>>, vector<16xf32>,
    "tpu.region"() ({
      %run_scoped3A = tpu.sem_alloc : memref<!tpu.dma_semaphore, #tpu.memory_space<semaphore_mem>>
      %dma_start3A = arith.constant 0 : i32
      %dma_start3A_2983 = tpu.memref_slice %arg3[%add3A, %dma_start3A] : memref<32x512xf32, #tpu.memory_space<hbm>> -> memref<1x512xf32, #tpu.memory_space<hbm>>
      %dma_start3A_2984 = tpu.memref_squeeze %dma_start3A_2983 : memref<1x512xf32, #tpu.memory_space<hbm>> -> memref<512xf32, #tpu.memory_space<hbm>>
      %dma_start3A_2985 = arith.constant 0 : i32
      %dma_start3A_2986 = tpu.memref_slice %arg3[%add3A, %dma_start3A_2985] : memref<32x512xf32, #tpu.memory_space<hbm>> -> memref<1x512xf32, #tpu.memory_space<hbm>>
      %dma_start3A_2987 = tpu.memref_squeeze %dma_start3A_2986 : memref<1x512xf32, #tpu.memory_space<hbm>> -> memref<512xf32, #tpu.memory_space<hbm>>
      tpu.enqueue_dma source(%arg6 : memref<512xf32, #tpu.memory_space<vmem>>) target(%dma_start3A_2987 : memref<512xf32, #tpu.memory_space<hbm>>) target_semaphore(%run_scoped3A : memref<!tpu.dma_semaphore, #tpu.memory_space<semaphore_mem>>)
      %dma_wait3A = arith.constant 0 : i32
      %dma_wait3A_2988 = tpu.memref_slice %arg3[%add3A, %dma_wait3A] : memref<32x512xf32, #tpu.memory_space<hbm>> -> memref<1x512xf32, #tpu.memory_space<hbm>>
      %dma_wait3A_2989 = tpu.memref_squeeze %dma_wait3A_2988 : memref<1x512xf32, #tpu.memory_space<hbm>> -> memref<512xf32, #tpu.memory_space<hbm>>
      %dma_wait3A_2990 = arith.constant 0 : i32
      %dma_wait3A_2991 = tpu.memref_slice %arg3[%add3A, %dma_wait3A_2990] : memref<32x512xf32, #tpu.memory_space<hbm>> -> memref<1x512xf32, #tpu.memory_space<hbm>>
      %dma_wait3A_2992 = tpu.memref_squeeze %dma_wait3A_2991 : memref<1x512xf32, #tpu.memory_space<hbm>> -> memref<512xf32, #tpu.memory_space<hbm>>
      tpu.wait_dma2 semaphore(%run_scoped3A : memref<!tpu.dma_semaphore, #tpu.memory_space<semaphore_mem>>) src(%arg6 : memref<512xf32, #tpu.memory_space<vmem>>) dst(%dma_wait3A_2992 : memref<512xf32, #tpu.memory_space<hbm>>)
      tpu.yield
    }) : () -> ()
    return
  }
}

module attributes {stable_mosaic.version = 14 : i64} {
  func.func @_vq_body(%arg0: i32, %arg1: memref<32x128x64xf32, #tpu.memory_space<vmem>>, %arg2: memref<512x32xf32, #tpu.memory_space<vmem>>, %arg3: memref<32x512xf32, #tpu.memory_space<vmem>>, %arg4: memref<32x128x64xf32, #tpu.memory_space<vmem>>, %arg5: memref<1x1x8192xi32, #tpu.memory_space<vmem>>, %arg6: memref<1x1xf32, #tpu.memory_space<vmem>>) attributes {dimension_semantics = [#tpu.dimension_semantics<arbitrary>], iteration_bounds = array<i64: 8>, scalar_prefetch = 0 : i64, scratch_operands = 0 : i64, tpu.core_type = #tpu.core_type<tc>, window_params = [{transform_indices = @transform_0, window_bounds = array<i64: 32, 128, 64>}, {pipeline_mode = #tpu.pipeline_mode<synchronous>, transform_indices = @transform_1, window_bounds = array<i64: 512, 32>}, {pipeline_mode = #tpu.pipeline_mode<synchronous>, transform_indices = @transform_2, window_bounds = array<i64: 32, 512>}, {transform_indices = @transform_3, window_bounds = array<i64: 32, 128, 64>}, {transform_indices = @transform_4, window_bounds = array<i64: 1, 1, 8192>}, {pipeline_mode = #tpu.pipeline_mode<synchronous>, transform_indices = @transform_5, window_bounds = array<i64: 1, 1>}]} {
    %get3A = arith.constant 0 : index
    %get3A_0 = arith.constant 0 : index
    %get3A_1 = arith.constant 0 : index
    %get3A_2 = vector.load %arg1[%get3A, %get3A_0, %get3A_1] : memref<32x128x64xf32, #tpu.memory_space<vmem>>, vector<32x128x64xf32>
    %reshape3A = vector.shape_cast %get3A_2 : vector<32x128x64xf32> to vector<32x8192xf32>
    %get3A_3 = arith.constant 0 : index
    %get3A_4 = arith.constant 0 : index
    %get3A_5 = vector.load %arg2[%get3A_3, %get3A_4] : memref<512x32xf32, #tpu.memory_space<vmem>>, vector<512x32xf32>
    %get3A_6 = arith.constant 0 : index
    %get3A_7 = arith.constant 0 : index
    %get3A_8 = vector.load %arg3[%get3A_6, %get3A_7] : memref<32x512xf32, #tpu.memory_space<vmem>>, vector<32x512xf32>
    %add3A = arith.addf %get3A_5, %get3A_5 : vector<512x32xf32>
    %dot_general3A = arith.constant dense<0.000000e+00> : vector<512x8192xf32>
    %dot_general3A_9 = tpu.matmul %add3A, %reshape3A, %dot_general3A {dimension_numbers = #tpu.dot_dimension_numbers<[1], [0], [0], [1], [0, 0, 1, 1], [], []>, transpose_lhs_hint = false} : vector<512x32xf32>, vector<32x8192xf32>, vector<512x8192xf32> -> vector<512x8192xf32>
    %mul3A = arith.mulf %reshape3A, %reshape3A : vector<32x8192xf32>
    %reduce_sum3A = arith.constant dense<0.000000e+00> : vector<8192xf32>
    %reduce_sum3A_10 = vector.multi_reduction <add>, %mul3A, %reduce_sum3A [0] : vector<32x8192xf32> to vector<8192xf32>
    %broadcast_in_dim3A = vector.shape_cast %reduce_sum3A_10 : vector<8192xf32> to vector<1x8192xf32>
    %mul3A_11 = arith.mulf %get3A_5, %get3A_5 : vector<512x32xf32>
    %reduce_sum3A_12 = arith.constant dense<0.000000e+00> : vector<512xf32>
    %reduce_sum3A_13 = vector.multi_reduction <add>, %mul3A_11, %reduce_sum3A_12 [1] : vector<512x32xf32> to vector<512xf32>
    %broadcast_in_dim3A_14 = vector.shape_cast %reduce_sum3A_13 : vector<512xf32> to vector<512x1xf32>
    %add3A_15 = vector.broadcast %broadcast_in_dim3A : vector<1x8192xf32> to vector<512x8192xf32>
    %add3A_16 = vector.broadcast %broadcast_in_dim3A_14 : vector<512x1xf32> to vector<512x8192xf32>
    %add3A_17 = arith.addf %add3A_15, %add3A_16 : vector<512x8192xf32>
    %sub3A = arith.subf %add3A_17, %dot_general3A_9 : vector<512x8192xf32>
    %argmin3A = tpu.reduce_index %sub3A {axis = 0 : i32, kind = #tpu.reduction_kind<arg_min>} : vector<512x8192xf32> -> vector<8192xi32>
    %swap3A = arith.constant 0 : index
    %swap3A_18 = arith.constant 0 : index
    %swap3A_19 = arith.constant 0 : index
    %swap3A_20 = vector.load %arg5[%swap3A, %swap3A_18, %swap3A_19] : memref<1x1x8192xi32, #tpu.memory_space<vmem>>, vector<1x1x8192xi32>
    %swap3A_21 = vector.shape_cast %swap3A_20 : vector<1x1x8192xi32> to vector<8192xi32>
    %swap3A_22 = vector.shape_cast %argmin3A : vector<8192xi32> to vector<1x1x8192xi32>
    tpu.vector_store %arg5[%swap3A, %swap3A_18, %swap3A_19], %swap3A_22 {strides = array<i32>} : memref<1x1x8192xi32, #tpu.memory_space<vmem>>, vector<1x1x8192xi32>,
    %iota3A = tpu.iota {dimensions = array<i32: 0>} : vector<512x1xi32>
    %broadcast_in_dim3A_23 = vector.shape_cast %argmin3A : vector<8192xi32> to vector<1x8192xi32>
    %eq3A = vector.broadcast %iota3A : vector<512x1xi32> to vector<512x8192xi32>
    %eq3A_24 = vector.broadcast %broadcast_in_dim3A_23 : vector<1x8192xi32> to vector<512x8192xi32>
    %eq3A_25 = arith.cmpi eq, %eq3A, %eq3A_24 : vector<512x8192xi32>
    %convert_element_type3A = arith.extui %eq3A_25 : vector<512x8192xi1> to vector<512x8192xi32>
    %convert_element_type3A_26 = arith.sitofp %convert_element_type3A : vector<512x8192xi32> to vector<512x8192xf32>
    %dot_general3A_27 = arith.constant dense<0.000000e+00> : vector<32x8192xf32>
    %dot_general3A_28 = tpu.matmul %get3A_8, %convert_element_type3A_26, %dot_general3A_27 {dimension_numbers = #tpu.dot_dimension_numbers<[1], [0], [0], [1], [0, 0, 1, 1], [], []>, transpose_lhs_hint = false} : vector<32x512xf32>, vector<512x8192xf32>, vector<32x8192xf32> -> vector<32x8192xf32>
    %reshape3A_29 = vector.shape_cast %dot_general3A_28 : vector<32x8192xf32> to vector<32x128x64xf32>
    %swap3A_30 = arith.constant 0 : index
    %swap3A_31 = arith.constant 0 : index
    %swap3A_32 = arith.constant 0 : index
    %swap3A_33 = vector.load %arg4[%swap3A_30, %swap3A_31, %swap3A_32] : memref<32x128x64xf32, #tpu.memory_space<vmem>>, vector<32x128x64xf32>
    tpu.vector_store %arg4[%swap3A_30, %swap3A_31, %swap3A_32], %reshape3A_29 {strides = array<i32>} : memref<32x128x64xf32, #tpu.memory_space<vmem>>, vector<32x128x64xf32>,
    %sub3A_34 = arith.subf %reshape3A, %dot_general3A_28 : vector<32x8192xf32>
    %integer_pow3A = arith.mulf %sub3A_34, %sub3A_34 : vector<32x8192xf32>
    %reduce_sum3A_35 = vector.shape_cast %integer_pow3A : vector<32x8192xf32> to vector<1x32x8192xf32>
    %reduce_sum3A_36 = arith.constant dense<0.000000e+00> : vector<1xf32>
    %reduce_sum3A_37 = vector.multi_reduction <add>, %reduce_sum3A_35, %reduce_sum3A_36 [1, 2] : vector<1x32x8192xf32> to vector<1xf32>
    %reduce_sum3A_38 = vector.shape_cast %reduce_sum3A_37 : vector<1xf32> to vector<1x1x1xf32>
    %reduce_sum3A_39 = vector.extract %reduce_sum3A_38[0, 0, 0] : f32 from vector<1x1x1xf32>
    %reshape3A_40 = vector.broadcast %reduce_sum3A_39 : f32 to vector<1x1xf32>
    %eq3A_41 = arith.constant 0 : i32
    %eq3A_42 = arith.cmpi eq, %arg0, %eq3A_41 : i32
    %convert_element_type3A_43 = arith.extui %eq3A_42 : i1 to i32
    %cond3A = arith.constant 0 : i32
    %cond3A_44 = arith.cmpi ne, %convert_element_type3A_43, %cond3A : i32
    scf.if %cond3A_44 {
      %swap3A_49 = arith.constant 0 : index
      %swap3A_50 = arith.constant 0 : index
      %swap3A_51 = vector.load %arg6[%swap3A_49, %swap3A_50] : memref<1x1xf32, #tpu.memory_space<vmem>>, vector<1x1xf32>
      tpu.vector_store %arg6[%swap3A_49, %swap3A_50], %reshape3A_40 {strides = array<i32>} : memref<1x1xf32, #tpu.memory_space<vmem>>, vector<1x1xf32>,
    } else {
    }
    %gt3A = arith.constant 0 : i32
    %gt3A_45 = arith.cmpi sgt, %arg0, %gt3A : i32
    %convert_element_type3A_46 = arith.extui %gt3A_45 : i1 to i32
    %cond3A_47 = arith.constant 0 : i32
    %cond3A_48 = arith.cmpi ne, %convert_element_type3A_46, %cond3A_47 : i32
    scf.if %cond3A_48 {
      %get3A_49 = arith.constant 0 : index
      %get3A_50 = arith.constant 0 : index
      %get3A_51 = vector.load %arg6[%get3A_49, %get3A_50] : memref<1x1xf32, #tpu.memory_space<vmem>>, vector<1x1xf32>
      %add3A_52 = arith.addf %get3A_51, %reshape3A_40 : vector<1x1xf32>
      %swap3A_53 = arith.constant 0 : index
      %swap3A_54 = arith.constant 0 : index
      %swap3A_55 = vector.load %arg6[%swap3A_53, %swap3A_54] : memref<1x1xf32, #tpu.memory_space<vmem>>, vector<1x1xf32>
      tpu.vector_store %arg6[%swap3A_53, %swap3A_54], %add3A_52 {strides = array<i32>} : memref<1x1xf32, #tpu.memory_space<vmem>>, vector<1x1xf32>,
    } else {
    }
    return
  }
  func.func @transform_0(%arg0: i32) -> (i32, i32, i32) {
    %c0_i32 = arith.constant 0 : i32
    %c0_i32_0 = arith.constant 0 : i32
    %c0_i32_1 = arith.constant 0 : i32
    return %c0_i32, %arg0, %c0_i32_0 : i32, i32, i32
  }
  func.func @transform_1(%arg0: i32) -> (i32, i32) {
    %c0_i32 = arith.constant 0 : i32
    %c0_i32_0 = arith.constant 0 : i32
    %c0_i32_1 = arith.constant 0 : i32
    return %c0_i32, %c0_i32_0 : i32, i32
  }
  func.func @transform_2(%arg0: i32) -> (i32, i32) {
    %c0_i32 = arith.constant 0 : i32
    %c0_i32_0 = arith.constant 0 : i32
    %c0_i32_1 = arith.constant 0 : i32
    return %c0_i32, %c0_i32_0 : i32, i32
  }
  func.func @transform_3(%arg0: i32) -> (i32, i32, i32) {
    %c0_i32 = arith.constant 0 : i32
    %c0_i32_0 = arith.constant 0 : i32
    %c0_i32_1 = arith.constant 0 : i32
    return %c0_i32, %arg0, %c0_i32_0 : i32, i32, i32
  }
  func.func @transform_4(%arg0: i32) -> (i32, i32, i32) {
    %c0_i32 = arith.constant 0 : i32
    %c0_i32_0 = arith.constant 0 : i32
    %c0_i32_1 = arith.constant 0 : i32
    return %arg0, %c0_i32, %c0_i32_0 : i32, i32, i32
  }
  func.func @transform_5(%arg0: i32) -> (i32, i32) {
    %c0_i32 = arith.constant 0 : i32
    %c0_i32_0 = arith.constant 0 : i32
    %c0_i32_1 = arith.constant 0 : i32
    return %c0_i32, %c0_i32_0 : i32, i32
  }
}

module attributes {stable_mosaic.version = 14 : i64} {
  func.func @_epilogue_body(%arg0: memref<32x512xf32, #tpu.memory_space<vmem>>, %arg1: memref<1x1xf32, #tpu.memory_space<vmem>>, %arg2: memref<1x512xf32, #tpu.memory_space<vmem>>, %arg3: memref<1x1xf32, #tpu.memory_space<vmem>>, %arg4: memref<1x1xf32, #tpu.memory_space<vmem>>, %arg5: memref<1x1xf32, #tpu.memory_space<vmem>>) attributes {dimension_semantics = [], scalar_prefetch = 0 : i64, scratch_operands = 0 : i64, tpu.core_type = #tpu.core_type<tc>} {
    %get3A = arith.constant 0 : index
    %get3A_0 = arith.constant 0 : index
    %get3A_1 = vector.load %arg0[%get3A, %get3A_0] : memref<32x512xf32, #tpu.memory_space<vmem>>, vector<32x512xf32>
    %reduce_sum3A = arith.constant dense<0.000000e+00> : vector<512xf32>
    %reduce_sum3A_2 = vector.multi_reduction <add>, %get3A_1, %reduce_sum3A [0] : vector<32x512xf32> to vector<512xf32>
    %broadcast_in_dim3A = vector.shape_cast %reduce_sum3A_2 : vector<512xf32> to vector<1x512xf32>
    %mul3A = arith.constant 1.52587891E-5 : f32
    %mul3A_3 = vector.broadcast %mul3A : f32 to vector<1x512xf32>
    %mul3A_4 = arith.mulf %broadcast_in_dim3A, %mul3A_3 : vector<1x512xf32>
    %swap3A = arith.constant 0 : index
    %swap3A_5 = arith.constant 0 : index
    %swap3A_6 = vector.load %arg2[%swap3A, %swap3A_5] : memref<1x512xf32, #tpu.memory_space<vmem>>, vector<1x512xf32>
    tpu.vector_store %arg2[%swap3A, %swap3A_5], %mul3A_4 {strides = array<i32>} : memref<1x512xf32, #tpu.memory_space<vmem>>, vector<1x512xf32>,
    %add3A = arith.constant 9.99999996E-13 : f32
    %add3A_7 = vector.broadcast %add3A : f32 to vector<1x512xf32>
    %add3A_8 = arith.addf %mul3A_4, %add3A_7 : vector<1x512xf32>
    %log3A = math.log %add3A_8 : vector<1x512xf32>
    %mul3A_9 = arith.mulf %mul3A_4, %log3A : vector<1x512xf32>
    %reduce_sum3A_10 = vector.shape_cast %mul3A_9 : vector<1x512xf32> to vector<1x1x512xf32>
    %reduce_sum3A_11 = arith.constant dense<0.000000e+00> : vector<1xf32>
    %reduce_sum3A_12 = vector.multi_reduction <add>, %reduce_sum3A_10, %reduce_sum3A_11 [1, 2] : vector<1x1x512xf32> to vector<1xf32>
    %reduce_sum3A_13 = vector.shape_cast %reduce_sum3A_12 : vector<1xf32> to vector<1x1x1xf32>
    %reduce_sum3A_14 = vector.extract %reduce_sum3A_13[0, 0, 0] : f32 from vector<1x1x1xf32>
    %neg3A = arith.constant 0.000000e+00 : f32
    %neg3A_15 = arith.subf %neg3A, %reduce_sum3A_14 : f32
    %exp3A = math.exp %neg3A_15 : f32
    %reshape3A = vector.broadcast %exp3A : f32 to vector<1x1xf32>
    %swap3A_16 = arith.constant 0 : index
    %swap3A_17 = arith.constant 0 : index
    %swap3A_18 = vector.load %arg3[%swap3A_16, %swap3A_17] : memref<1x1xf32, #tpu.memory_space<vmem>>, vector<1x1xf32>
    tpu.vector_store %arg3[%swap3A_16, %swap3A_17], %reshape3A {strides = array<i32>} : memref<1x1xf32, #tpu.memory_space<vmem>>, vector<1x1xf32>,
    %gt3A = arith.constant 0.000000e+00 : f32
    %gt3A_19 = vector.broadcast %gt3A : f32 to vector<1x512xf32>
    %gt3A_20 = arith.cmpf ogt, %mul3A_4, %gt3A_19 : vector<1x512xf32>
    %convert_element_type3A = arith.extui %gt3A_20 : vector<1x512xi1> to vector<1x512xi32>
    %convert_element_type3A_21 = arith.sitofp %convert_element_type3A : vector<1x512xi32> to vector<1x512xf32>
    %reduce_sum3A_22 = vector.shape_cast %convert_element_type3A_21 : vector<1x512xf32> to vector<1x1x512xf32>
    %reduce_sum3A_23 = arith.constant dense<0.000000e+00> : vector<1xf32>
    %reduce_sum3A_24 = vector.multi_reduction <add>, %reduce_sum3A_22, %reduce_sum3A_23 [1, 2] : vector<1x1x512xf32> to vector<1xf32>
    %reduce_sum3A_25 = vector.shape_cast %reduce_sum3A_24 : vector<1xf32> to vector<1x1x1xf32>
    %reduce_sum3A_26 = vector.extract %reduce_sum3A_25[0, 0, 0] : f32 from vector<1x1x1xf32>
    %div3A = arith.constant 5.120000e+02 : f32
    %div3A_27 = arith.divf %reduce_sum3A_26, %div3A : f32
    %reshape3A_28 = vector.broadcast %div3A_27 : f32 to vector<1x1xf32>
    %swap3A_29 = arith.constant 0 : index
    %swap3A_30 = arith.constant 0 : index
    %swap3A_31 = vector.load %arg4[%swap3A_29, %swap3A_30] : memref<1x1xf32, #tpu.memory_space<vmem>>, vector<1x1xf32>
    tpu.vector_store %arg4[%swap3A_29, %swap3A_30], %reshape3A_28 {strides = array<i32>} : memref<1x1xf32, #tpu.memory_space<vmem>>, vector<1x1xf32>,
    %get3A_32 = arith.constant 0 : index
    %get3A_33 = arith.constant 0 : index
    %get3A_34 = vector.load %arg1[%get3A_32, %get3A_33] : memref<1x1xf32, #tpu.memory_space<vmem>>, vector<1x1xf32>
    %mul3A_35 = arith.constant 2.500000e-01 : f32
    %mul3A_36 = vector.broadcast %mul3A_35 : f32 to vector<1x1xf32>
    %mul3A_37 = arith.mulf %mul3A_36, %get3A_34 : vector<1x1xf32>
    %div3A_38 = arith.constant 0x4A000000 : f32
    %div3A_39 = vector.broadcast %div3A_38 : f32 to vector<1x1xf32>
    %div3A_40 = arith.divf %mul3A_37, %div3A_39 : vector<1x1xf32>
    %swap3A_41 = arith.constant 0 : index
    %swap3A_42 = arith.constant 0 : index
    %swap3A_43 = vector.load %arg5[%swap3A_41, %swap3A_42] : memref<1x1xf32, #tpu.memory_space<vmem>>, vector<1x1xf32>
    tpu.vector_store %arg5[%swap3A_41, %swap3A_42], %div3A_40 {strides = array<i32>} : memref<1x1xf32, #tpu.memory_space<vmem>>, vector<1x1xf32>,
    return
  }
}

</mosaic_0001>

<sc_bundles>
// kernel: kernel.5.cloned.1.call-start
scs
__scs_entry_jumppad:
0x0: {  	(pc) =	sbr.rel $0x88, $3  }
0x1: {  	(tag) =	ssettag $0x0;
	lr =	simm.s32 $0x1  }
0x2: {  	[smem:$0x3F9F] =	sst lr;
	_ =	strace $0xD0000000  }
0x3: {  	_ = 	snop  }
0x4: {  	_ = 	snop  }
0x5: {  	_ = 	snop  }
0x6: {  	_ = 	snop  }
0x7: {  	_ = 	snop  }
__scs_overlays_trampoline_lowered:
0x8: {  	[smem:$0x3FAE] =	sst s0  }
0x9: {  	[smem:$0x3FAF] =	sst s1  }
0xa: {  	[smem:$0x3FB0] =	sst s2  }
0xb: {  	[smem:$0x3FB1] =	sst s3  }
0xc: {  	[smem:$0x3FB2] =	sst s4  }
0xd: {  	[smem:$0x3FB3] =	sst s5  }
0xe: {  	[smem:$0x3FB4] =	sst s6  }
0xf: {  	[smem:$0x3FB5] =	sst s7  }
0x10: {  	[smem:$0x3FB6] =	sst s8  }
0x11: {  	[smem:$0x3FB7] =	sst s9;
	s0 =	simm.s32 @!p0 $0x0  }
0x12: {  	s1 =	sld [smem:$0x3F9D];
	s0 =	simm.s32 @p0 $0x1  }
0x13: {  	[smem:$0x3FB8] =	sst s0;
	s0 =	simm.s32 @!p1 $0x0  }
0x14: {  	s2 =	sld [smem:$0x3F9C];
	s0 =	simm.s32 @p1 $0x1  }
0x15: {  	[smem:$0x3FB9] =	sst s0;
	s0 =	simm.s32 @!p2 $0x0  }
0x16: {  	s3 =	sld [smem:$0x3FDB];
	s0 =	simm.s32 @p2 $0x1  }
0x17: {  	s4 =	simm.s32 $0x1BF5;
	[smem:$0x3FBB] =	sst s0  }
0x18: {  	s0 =	sld [smem:$0x3F9E];
	_ =	swait.ge [sflag:s4], $0x0  }
0x19: {  	s7 =	sld [smem:$0x3F9F]  }
0x1a: {  	s8 =	sadd.s32 $0xFFFFE003, lr  }
0x1b: {  	s9 =	sadd.s32 $0xFFFFFEF7, lr;
	s5 =	simm.s32 $0xFFFFFFFF;
	p2 =	slt.u32 s8, $0xFFFFF086  }
0x1c: {  	p1 =	slt.u32 s9, $0xF7A;
	s5 =	simm.s32 @!p2 $0x0  }
0x1d: {  	s5 =	simm.s32 @p1 $0x1;
	p0 =	seq.s32 s7, s2  }
0x1e: {  	s7 =	smul.u32 @!p0 $0xF7A, s2;
	p2 =	seq.s32 @!p0 s5, $0x0  }
0x1f: {  	s9 =	smul.u32 $0xF7A, s1;
	s8 =	simm.s32 @!p0 $0x1BF5;
	p2 =	por !p2, p0  }
0x20: {  	[sflag:s8] =	ssyncset.s32 @!p0 $0xFFFFF086;
	s6 =	sadd.s32 @!p0 s3, s7;
	s7 =	simm.s32 @!p0 $0x108  }
0x21: {  	s3 =	sadd.s32 s3, s9;
	s6 =	sadd.s32 @!p0 $0x88, s6;
	s7 =	simm.s32 @p2 $0x1082  }
0x22: {  	[simem:s7], [sflag:s8] =	dma.local @!p0 [hbm:s6], $0xF7A  }
0x23: {  	s9 =	sor.u32 $0xD0000000, s2;
	s6 =	simm.s32 $0x108;
	_ =	swait.ge @!p0 [sflag:s8], $0x0  }
0x24: {  	s3 =	sadd.s32 $0x88, s3;
	s6 =	simm.s32 @!p1 $0x1082;
	[sflag:s4] =	ssyncset.s32 $0xFFFFF086  }
0x25: {  	[simem:s6], [sflag:s4] =	dma.local [hbm:s3], $0xF7A  }
0x26: {  	[smem:$0x3F9F] =	sst s1;
	(tag) =	ssettag s2;
	_ =	strace s9  }
0x27: {  	s1 =	sld [smem:$0x3FAF]  }
0x28: {  	s2 =	sld [smem:$0x3FB0]  }
0x29: {  	s4 =	sld [smem:$0x3FB2]  }
0x2a: {  	p0 =	seq.s32 s5, $0x0;
	s5 =	sld [smem:$0x3FB3]  }
0x2b: {  	s6 =	sld [smem:$0x3FB4]  }
0x2c: {  	s7 =	sld [smem:$0x3FB5]  }
0x2d: {  	s3 =	simm.s32 $0x108;
	s8 =	sld [smem:$0x3FB6]  }
0x2e: {  	s3 =	simm.s32 @!p0 $0x1082;
	s9 =	sld [smem:$0x3FB7]  }
0x2f: {  	lr =	sadd.s32 s0, s3;
	s0 =	sld [smem:$0x3FAE]  }
0x30: {  	s3 =	sld [smem:$0x3FB1]  }
0x31: {  	[smem:$0x3FBA] =	sst s10  }
0x32: {  	s10 =	sld [smem:$0x3FB8];
	_ =	sdelay $0x3  }
0x33: {  	p0 =	seq.s32 s10, $0x1;
	s10 =	sld [smem:$0x3FBA];
	_ =	sdelay $0x3  }
0x34: {  	[smem:$0x3FBA] =	sst s10  }
0x35: {  	s10 =	sld [smem:$0x3FB9];
	_ =	sdelay $0x3  }
0x36: {  	p1 =	seq.s32 s10, $0x1;
	s10 =	sld [smem:$0x3FBA];
	_ =	sdelay $0x3  }
0x37: {  	[smem:$0x3FBA] =	sst s10  }
0x38: {  	s10 =	sld [smem:$0x3FBB]  }
0x39: {  	_ = 	snop;
	(pc) =	sbr.ind lr, $3  }
0x3a: {  	_ = 	snop  }
0x3b: {  	_ = 	snop  }
0x3c: {  	p2 =	seq.s32 s10, $0x1;
	s10 =	sld [smem:$0x3FBA]  }
0x3d: {  	_ =	shalt  }
0x3e: {  	_ =	shalt  }
0x3f: {  	_ =	shalt  }
0x40: {  	_ =	shalt  }
0x41: {  	_ =	shalt  }
0x42: {  	_ =	shalt  }
0x43: {  	_ =	shalt  }
0x44: {  	_ =	shalt  }
0x45: {  	_ =	shalt  }
0x46: {  	_ =	shalt  }
0x47: {  	_ =	shalt  }
0x48: {  	_ =	shalt  }
0x49: {  	_ =	shalt  }
0x4a: {  	_ =	shalt  }
0x4b: {  	_ =	shalt  }
0x4c: {  	_ =	shalt  }
0x4d: {  	_ =	shalt  }
0x4e: {  	_ =	shalt  }
0x4f: {  	_ =	shalt  }
0x50: {  	_ =	shalt  }
0x51: {  	_ =	shalt  }
0x52: {  	_ =	shalt  }
0x53: {  	_ =	shalt  }
0x54: {  	_ =	shalt  }
0x55: {  	_ =	shalt  }
0x56: {  	_ =	shalt  }
0x57: {  	_ =	shalt  }
0x58: {  	_ =	shalt  }
0x59: {  	_ =	shalt  }
0x5a: {  	_ =	shalt  }
0x5b: {  	_ =	shalt  }
0x5c: {  	_ =	shalt  }
0x5d: {  	_ =	shalt  }
0x5e: {  	_ =	shalt  }
0x5f: {  	_ =	shalt  }
0x60: {  	_ =	shalt  }
0x61: {  	_ =	shalt  }
0x62: {  	_ =	shalt  }
0x63: {  	_ =	shalt  }
0x64: {  	_ =	shalt  }
0x65: {  	_ =	shalt  }
0x66: {  	_ =	shalt  }
0x67: {  	_ =	shalt  }
0x68: {  	_ =	shalt  }
0x69: {  	_ =	shalt  }
0x6a: {  	_ =	shalt  }
0x6b: {  	_ =	shalt  }
0x6c: {  	_ =	shalt  }
0x6d: {  	_ =	shalt  }
0x6e: {  	_ =	shalt  }
0x6f: {  	_ =	shalt  }
0x70: {  	_ =	shalt  }
0x71: {  	_ =	shalt  }
0x72: {  	_ =	shalt  }
0x73: {  	_ =	shalt  }
0x74: {  	_ =	shalt  }
0x75: {  	_ =	shalt  }
0x76: {  	_ =	shalt  }
0x77: {  	_ =	shalt  }
0x78: {  	_ =	shalt  }
0x79: {  	_ =	shalt  }
0x7a: {  	_ =	shalt  }
0x7b: {  	_ =	shalt  }
0x7c: {  	_ =	shalt  }
0x7d: {  	_ =	shalt  }
0x7e: {  	_ =	shalt  }
0x7f: {  	_ =	shalt  }
0x80: {  	_ =	shalt  }
0x81: {  	_ =	shalt  }
0x82: {  	_ =	shalt  }
0x83: {  	_ =	shalt  }
0x84: {  	_ =	shalt  }
0x85: {  	_ =	shalt  }
0x86: {  	_ =	shalt  }
0x87: {  	_ =	shalt  }
.Lfunc_end0:
.L_simem_size_0:
called_computation_lowered:
.L_overlay_start_0:
0x88: {  	s2 =	sld [smem:$0x3FD9]  }
0x89: {  	s3 =	sld [smem:$0x3FFE];
	_ =	sdelay $0x1  }
0x8a: {  	s1 =	srdreg.scid  }
0x8b: {  	s0 =	sand.u32 $0x1, s1  }
0x8c: {  	s16 =	sshll.u32 s0, $0xA;
	s2 =	sadd.s32 s3, s2  }
0x8d: {  	s2 =	sadd.s32 s2, s16  }
0x8e: {  	[smem:$0x3FC6] =	sst s2  }
0x8f: {  	_ = 	snop  }
0x90: {  	(tm) =	ssettm $0x1  }
0x91: {  	s17 =	sld [smem:$0x3FFB];
	_ =	sdelay $0x3  }
0x92: {  	_ =	strace s17  }
0x93: {  	s2 =	sld [smem:$0x3FFC];
	_ =	sdelay $0x3  }
0x94: {  	_ =	strace s2  }
0x95: {  	s2 =	sld [smem:$0x3FFD];
	_ =	sdelay $0x3  }
0x96: {  	_ =	strace s2  }
0x97: {  	_ =	strace $0x8FFFFFFF  }
0x98: {  	s18 =	sld [smem:$0x3FDB];
	_ =	sdelay $0x1  }
0x99: {  	s19 =	simm.s32 $_scs_section_size  }
0x9a: {  	s4 =	simm.s32 $_size__tile_overlayer_lowered;
	s5 =	simm.s32 $_tile_overlayer_lowered  }
0x9b: {  	s22 =	simm.s32 $0x1BFF;
	s21 =	sshll.u32 s5, $0x1;
	s2 =	sadd.s32 s19, s18  }
0x9c: {  	s6 =	simm.s32 $0x0;
	s20 =	sshll.u32 s4, $0x1;
	s4 =	sadd.s32 s21, s2  }
0x9d: {  	[timem:s6], [sflag:s22] =	dma.local [hbm:s4], s20  }
0x9e: {  	_ =	swait.ge [sflag:s22], s20  }
0x9f: {  	s3 =	ssub.s32 $0x0, s20;
	[sflag:s22] =	ssyncset.done $0x0  }
0xa0: {  	[sflag:s22] =	ssyncadd.s32 s3;
	_ =	sdelay $0x1  }
0xa1: {  	s23 =	simm.s32 $0x1B8B  }
0xa2: {  	_ =	swait.ge [sflag:s23], $0x1  }
0xa3: {  	[sflag:s23] =	ssyncset.done $0x0  }
0xa4: {  	s25 =	simm.s32 $0x1B8E;
	s24 =	sld [smem:$0x3FFE];
	[sflag:s23] =	ssyncadd.s32 $0xFFFFFFFF  }
0xa5: {  	s26 =	simm.s32 $execute0_lowered;
	[smem:$0x3FD2] =	sst s25  }
0xa6: {  	s4 =	sshll.u32 s26, $0x1;
	_ =	strace $0x80000046;
	[dreg:$0x1] =	wrdreg $0xFFFFFFFF  }
0xa7: {  	s28 =	simm.s32 $_size_execute0_lowered;
	s2 =	sadd.s32 s2, s4;
	[dreg:$0x0] =	wrdreg $0x0  }
0xa8: {  	s4 =	sshll.u32 s28, $0x1;
	[dreg:$0x2] =	wrdreg s2  }
0xa9: {  	[dreg:$0x3] =	wrdreg s4  }
0xaa: {  	[dreg:$0x4] =	wrdreg $0xC0  }
0xab: {  	_ =	task [dreg:s6], $0x5FFFF  }
0xac: {  	[dreg:$0x1] =	wrdreg $0xFFFFFFFF  }
0xad: {  	[dreg:$0x0] =	wrdreg $0x60  }
0xae: {  	[dreg:$0x2] =	wrdreg s24  }
0xaf: {  	[dreg:$0x3] =	wrdreg $0x9  }
0xb0: {  	_ =	task.clear_ibuf [dreg:s6], $0x4FFFF;
	_ =	strace $0x90000046  }
0xb1: {  	s29 =	simm.s32 $0x9;
	_ =	strace $0x80000048  }
0xb2: {  	_ =	swait.ge [sflag:s29], $0x1  }
0xb3: {  	[sflag:s29] =	ssyncadd.s32 $0xFFFFFFFF  }
0xb4: {  	_ =	strace $0x90000048  }
0xb5: {  	_ =	sfence  }
0xb6: {  	s30 =	sld [smem:$0x0];
	_ =	sdelay $0x2  }
0xb7: {  	s31 =	sshll.u32 s1, $0xD;
	s1 =	sshrl.u32 s1, $0x2  }
0xb8: {  	s3 =	sand.u32 $0x4000, s31;
	s1 =	sadd.s32 s1, s30  }
0xb9: {  	s0 =	sor.u32 s3, s0;
	s1 =	sshll.u32 s1, $0x11  }
0xba: {  	s0 =	sor.u32 s1, s0  }
0xbb: {  	s0 =	sadd.s32 $0x8F2B, s0  }
0xbc: {  	[sflag:s0] =	ssyncadd.remote.s32 $0x1  }
0xbd: {  	_ =	sfence.sel $0xFFFF  }
0xbe: {  	[dreg:$0x0] =	wrdreg $0xFFFFFFFF;
	(pc) =	sbr.abs _section_cstart, $3  }
0xbf: {  	[dreg:$0x1] =	wrdreg $0xFFFFFFFF  }
0xc0: {  	_ =	task.clear_ibuf [dreg:s6], $0x2FFFF;
	_ =	strace $0x9FFFFFFF  }
0xc1: {  	(tm) =	ssettm $0x7FFFFFFF  }
tec
execute0_lowered:
.L_overlay_start_1:
0x0: {  	(tag) =	ssettag $0x1  }
0x1: {  	s3 =	rddreg [dreg:$0x0]  }
0x2: {  	s0 =	rddreg [dreg:$0x1]  }
0x3: {  	s2 =	simm.s32 $0x0;
	s4 =	srdreg.scid;
	s1 =	stileid.u32  }
0x4: {  	s8 =	simm.s32 $0x80;
	s9 =	simm.s32 $0x400;
	s10 =	simm.s32 $0x2800  }
0x5: {  	[smem:$0x7FF] =	sst s2;
	s4 =	sand.u32 $0x1, s4;
	s5 =	sshll.u32 s1, $0x1  }
0x6: {  	s6 =	sshll.u32 s1, $0x7;
	_ =	strace $0x80000047;
	s5 =	sor.u32 s4, s5  }
0x7: {  	s6 =	sand.u32 $0x600, s6;
	s4 =	ssub.s32 $0x2, s4;
	s7 =	sshll.u32 s5, $0x8  }
0x8: {  	s5 =	sshll.u32 s5, $0x4;
	s6 =	sadd.s32 s6, s3;
	s30 =	sshrl.u32 s4, $0x1  }
0x9: {  	s5 =	sand.u32 $0x70, s5;
	s3 =	sadd.s32 s7, s3;
	s31 =	ssub.s32 s4, s30  }
0xa: {  	v1 =	vlaneseq.u32;
	s7 =	simm.s32 $0x800;
	s5 =	sadd.s32 s5, s6;
	s3 =	sadd.s32 $0x600, s3  }
0xb: {  	v0 =	vimm.f32 $0.0e+00;
	v59 =	vimm.f32 $1.000000000e+00;
	v1 =	vmul.u32 $0x200, v1;
	s6 =	simm.s32 $0x1;
	s4 =	sadd.s32 $0x2800, s5;
	s5 =	smax.u32 s31, $0x1  }
.LBB2_1:
0xc: {  	[tilespmem:s2], [sflag:$0x1] =	stream.linear.gather [hbm4b:s3+s2], $0x800, $0x38;
	[tilespmem:$0x2A00] =	vst v63  }
0xd: {  	_ =	swait.ge [sflag:s6], $0x800  }
0xe: {  	[sflag:s6] =	ssyncset.done $0x0  }
0xf: {  	[sflag:s6] =	ssyncadd.s32 $0xFFFFF800  }
0x10: {  	[tilespmem:$0x800] =	vst v0  }
0x11: {  	[tilespmem:$0x810] =	vst v0  }
0x12: {  	[tilespmem:$0x820] =	vst v0  }
0x13: {  	[tilespmem:$0x830] =	vst v0  }
0x14: {  	[tilespmem:$0x840] =	vst v0  }
0x15: {  	[tilespmem:$0x850] =	vst v0  }
0x16: {  	[tilespmem:$0x860] =	vst v0  }
0x17: {  	[tilespmem:$0x870] =	vst v0  }
0x18: {  	[tilespmem:$0x880] =	vst v0  }
0x19: {  	[tilespmem:$0x890] =	vst v0  }
0x1a: {  	[tilespmem:$0x8A0] =	vst v0  }
0x1b: {  	[tilespmem:$0x8B0] =	vst v0  }
0x1c: {  	[tilespmem:$0x8C0] =	vst v0  }
0x1d: {  	[tilespmem:$0x8D0] =	vst v0  }
0x1e: {  	[tilespmem:$0x8E0] =	vst v0  }
0x1f: {  	[tilespmem:$0x8F0] =	vst v0  }
0x20: {  	[tilespmem:$0x900] =	vst v0  }
0x21: {  	[tilespmem:$0x910] =	vst v0  }
0x22: {  	[tilespmem:$0x920] =	vst v0  }
0x23: {  	[tilespmem:$0x930] =	vst v0  }
0x24: {  	[tilespmem:$0x940] =	vst v0  }
0x25: {  	[tilespmem:$0x950] =	vst v0  }
0x26: {  	[tilespmem:$0x960] =	vst v0  }
0x27: {  	[tilespmem:$0x970] =	vst v0  }
0x28: {  	[tilespmem:$0x980] =	vst v0  }
0x29: {  	[tilespmem:$0x990] =	vst v0  }
0x2a: {  	[tilespmem:$0x9A0] =	vst v0  }
0x2b: {  	[tilespmem:$0x9B0] =	vst v0  }
0x2c: {  	[tilespmem:$0x9C0] =	vst v0  }
0x2d: {  	[tilespmem:$0x9D0] =	vst v0  }
0x2e: {  	[tilespmem:$0x9E0] =	vst v0  }
0x2f: {  	[tilespmem:$0x9F0] =	vst v0  }
0x30: {  	[tilespmem:$0xA00] =	vst v0  }
0x31: {  	[tilespmem:$0xA10] =	vst v0  }
0x32: {  	[tilespmem:$0xA20] =	vst v0  }
0x33: {  	[tilespmem:$0xA30] =	vst v0  }
0x34: {  	[tilespmem:$0xA40] =	vst v0  }
0x35: {  	[tilespmem:$0xA50] =	vst v0  }
0x36: {  	[tilespmem:$0xA60] =	vst v0  }
0x37: {  	[tilespmem:$0xA70] =	vst v0  }
0x38: {  	[tilespmem:$0xA80] =	vst v0  }
0x39: {  	[tilespmem:$0xA90] =	vst v0  }
0x3a: {  	[tilespmem:$0xAA0] =	vst v0  }
0x3b: {  	[tilespmem:$0xAB0] =	vst v0  }
0x3c: {  	[tilespmem:$0xAC0] =	vst v0  }
0x3d: {  	[tilespmem:$0xAD0] =	vst v0  }
0x3e: {  	[tilespmem:$0xAE0] =	vst v0  }
0x3f: {  	[tilespmem:$0xAF0] =	vst v0  }
0x40: {  	[tilespmem:$0xB00] =	vst v0  }
0x41: {  	[tilespmem:$0xB10] =	vst v0  }
0x42: {  	[tilespmem:$0xB20] =	vst v0  }
0x43: {  	[tilespmem:$0xB30] =	vst v0  }
0x44: {  	[tilespmem:$0xB40] =	vst v0  }
0x45: {  	[tilespmem:$0xB50] =	vst v0  }
0x46: {  	[tilespmem:$0xB60] =	vst v0  }
0x47: {  	[tilespmem:$0xB70] =	vst v0  }
0x48: {  	[tilespmem:$0xB80] =	vst v0  }
0x49: {  	[tilespmem:$0xB90] =	vst v0  }
0x4a: {  	[tilespmem:$0xBA0] =	vst v0  }
0x4b: {  	[tilespmem:$0xBB0] =	vst v0  }
0x4c: {  	[tilespmem:$0xBC0] =	vst v0  }
0x4d: {  	[tilespmem:$0xBD0] =	vst v0  }
0x4e: {  	[tilespmem:$0xBE0] =	vst v0  }
0x4f: {  	[tilespmem:$0xBF0] =	vst v0  }
0x50: {  	[tilespmem:$0xC00] =	vst v0  }
0x51: {  	[tilespmem:$0xC10] =	vst v0  }
0x52: {  	[tilespmem:$0xC20] =	vst v0  }
0x53: {  	[tilespmem:$0xC30] =	vst v0  }
0x54: {  	[tilespmem:$0xC40] =	vst v0  }
0x55: {  	[tilespmem:$0xC50] =	vst v0  }
0x56: {  	[tilespmem:$0xC60] =	vst v0  }
0x57: {  	[tilespmem:$0xC70] =	vst v0  }
0x58: {  	[tilespmem:$0xC80] =	vst v0  }
0x59: {  	[tilespmem:$0xC90] =	vst v0  }
0x5a: {  	[tilespmem:$0xCA0] =	vst v0  }
0x5b: {  	[tilespmem:$0xCB0] =	vst v0  }
0x5c: {  	[tilespmem:$0xCC0] =	vst v0  }
0x5d: {  	[tilespmem:$0xCD0] =	vst v0  }
0x5e: {  	[tilespmem:$0xCE0] =	vst v0  }
0x5f: {  	[tilespmem:$0xCF0] =	vst v0  }
0x60: {  	[tilespmem:$0xD00] =	vst v0  }
0x61: {  	[tilespmem:$0xD10] =	vst v0  }
0x62: {  	[tilespmem:$0xD20] =	vst v0  }
0x63: {  	[tilespmem:$0xD30] =	vst v0  }
0x64: {  	[tilespmem:$0xD40] =	vst v0  }
0x65: {  	[tilespmem:$0xD50] =	vst v0  }
0x66: {  	[tilespmem:$0xD60] =	vst v0  }
0x67: {  	[tilespmem:$0xD70] =	vst v0  }
0x68: {  	[tilespmem:$0xD80] =	vst v0  }
0x69: {  	[tilespmem:$0xD90] =	vst v0  }
0x6a: {  	[tilespmem:$0xDA0] =	vst v0  }
0x6b: {  	[tilespmem:$0xDB0] =	vst v0  }
0x6c: {  	[tilespmem:$0xDC0] =	vst v0  }
0x6d: {  	[tilespmem:$0xDD0] =	vst v0  }
0x6e: {  	[tilespmem:$0xDE0] =	vst v0  }
0x6f: {  	[tilespmem:$0xDF0] =	vst v0  }
0x70: {  	[tilespmem:$0xE00] =	vst v0  }
0x71: {  	[tilespmem:$0xE10] =	vst v0  }
0x72: {  	[tilespmem:$0xE20] =	vst v0  }
0x73: {  	[tilespmem:$0xE30] =	vst v0  }
0x74: {  	[tilespmem:$0xE40] =	vst v0  }
0x75: {  	[tilespmem:$0xE50] =	vst v0  }
0x76: {  	[tilespmem:$0xE60] =	vst v0  }
0x77: {  	[tilespmem:$0xE70] =	vst v0  }
0x78: {  	[tilespmem:$0xE80] =	vst v0  }
0x79: {  	[tilespmem:$0xE90] =	vst v0  }
0x7a: {  	[tilespmem:$0xEA0] =	vst v0  }
0x7b: {  	[tilespmem:$0xEB0] =	vst v0  }
0x7c: {  	[tilespmem:$0xEC0] =	vst v0  }
0x7d: {  	[tilespmem:$0xED0] =	vst v0  }
0x7e: {  	[tilespmem:$0xEE0] =	vst v0  }
0x7f: {  	[tilespmem:$0xEF0] =	vst v0  }
0x80: {  	[tilespmem:$0xF00] =	vst v0  }
0x81: {  	[tilespmem:$0xF10] =	vst v0  }
0x82: {  	[tilespmem:$0xF20] =	vst v0  }
0x83: {  	[tilespmem:$0xF30] =	vst v0  }
0x84: {  	[tilespmem:$0xF40] =	vst v0  }
0x85: {  	[tilespmem:$0xF50] =	vst v0  }
0x86: {  	[tilespmem:$0xF60] =	vst v0  }
0x87: {  	[tilespmem:$0xF70] =	vst v0  }
0x88: {  	[tilespmem:$0xF80] =	vst v0  }
0x89: {  	[tilespmem:$0xF90] =	vst v0  }
0x8a: {  	[tilespmem:$0xFA0] =	vst v0  }
0x8b: {  	[tilespmem:$0xFB0] =	vst v0  }
0x8c: {  	[tilespmem:$0xFC0] =	vst v0  }
0x8d: {  	[tilespmem:$0xFD0] =	vst v0  }
0x8e: {  	[tilespmem:$0xFE0] =	vst v0  }
0x8f: {  	[tilespmem:$0xFF0] =	vst v0  }
0x90: {  	[tilespmem:$0x1000] =	vst v0  }
0x91: {  	[tilespmem:$0x1010] =	vst v0  }
0x92: {  	[tilespmem:$0x1020] =	vst v0  }
0x93: {  	[tilespmem:$0x1030] =	vst v0  }
0x94: {  	[tilespmem:$0x1040] =	vst v0  }
0x95: {  	[tilespmem:$0x1050] =	vst v0  }
0x96: {  	[tilespmem:$0x1060] =	vst v0  }
0x97: {  	[tilespmem:$0x1070] =	vst v0  }
0x98: {  	[tilespmem:$0x1080] =	vst v0  }
0x99: {  	[tilespmem:$0x1090] =	vst v0  }
0x9a: {  	[tilespmem:$0x10A0] =	vst v0  }
0x9b: {  	[tilespmem:$0x10B0] =	vst v0  }
0x9c: {  	[tilespmem:$0x10C0] =	vst v0  }
0x9d: {  	[tilespmem:$0x10D0] =	vst v0  }
0x9e: {  	[tilespmem:$0x10E0] =	vst v0  }
0x9f: {  	[tilespmem:$0x10F0] =	vst v0  }
0xa0: {  	[tilespmem:$0x1100] =	vst v0  }
0xa1: {  	[tilespmem:$0x1110] =	vst v0  }
0xa2: {  	[tilespmem:$0x1120] =	vst v0  }
0xa3: {  	[tilespmem:$0x1130] =	vst v0  }
0xa4: {  	[tilespmem:$0x1140] =	vst v0  }
0xa5: {  	[tilespmem:$0x1150] =	vst v0  }
0xa6: {  	[tilespmem:$0x1160] =	vst v0  }
0xa7: {  	[tilespmem:$0x1170] =	vst v0  }
0xa8: {  	[tilespmem:$0x1180] =	vst v0  }
0xa9: {  	[tilespmem:$0x1190] =	vst v0  }
0xaa: {  	[tilespmem:$0x11A0] =	vst v0  }
0xab: {  	[tilespmem:$0x11B0] =	vst v0  }
0xac: {  	[tilespmem:$0x11C0] =	vst v0  }
0xad: {  	[tilespmem:$0x11D0] =	vst v0  }
0xae: {  	[tilespmem:$0x11E0] =	vst v0  }
0xaf: {  	[tilespmem:$0x11F0] =	vst v0  }
0xb0: {  	[tilespmem:$0x1200] =	vst v0  }
0xb1: {  	[tilespmem:$0x1210] =	vst v0  }
0xb2: {  	[tilespmem:$0x1220] =	vst v0  }
0xb3: {  	[tilespmem:$0x1230] =	vst v0  }
0xb4: {  	[tilespmem:$0x1240] =	vst v0  }
0xb5: {  	[tilespmem:$0x1250] =	vst v0  }
0xb6: {  	[tilespmem:$0x1260] =	vst v0  }
0xb7: {  	[tilespmem:$0x1270] =	vst v0  }
0xb8: {  	[tilespmem:$0x1280] =	vst v0  }
0xb9: {  	[tilespmem:$0x1290] =	vst v0  }
0xba: {  	[tilespmem:$0x12A0] =	vst v0  }
0xbb: {  	[tilespmem:$0x12B0] =	vst v0  }
0xbc: {  	[tilespmem:$0x12C0] =	vst v0  }
0xbd: {  	[tilespmem:$0x12D0] =	vst v0  }
0xbe: {  	[tilespmem:$0x12E0] =	vst v0  }
0xbf: {  	[tilespmem:$0x12F0] =	vst v0  }
0xc0: {  	[tilespmem:$0x1300] =	vst v0  }
0xc1: {  	[tilespmem:$0x1310] =	vst v0  }
0xc2: {  	[tilespmem:$0x1320] =	vst v0  }
0xc3: {  	[tilespmem:$0x1330] =	vst v0  }
0xc4: {  	[tilespmem:$0x1340] =	vst v0  }
0xc5: {  	[tilespmem:$0x1350] =	vst v0  }
0xc6: {  	[tilespmem:$0x1360] =	vst v0  }
0xc7: {  	[tilespmem:$0x1370] =	vst v0  }
0xc8: {  	[tilespmem:$0x1380] =	vst v0  }
0xc9: {  	[tilespmem:$0x1390] =	vst v0  }
0xca: {  	[tilespmem:$0x13A0] =	vst v0  }
0xcb: {  	[tilespmem:$0x13B0] =	vst v0  }
0xcc: {  	[tilespmem:$0x13C0] =	vst v0  }
0xcd: {  	[tilespmem:$0x13D0] =	vst v0  }
0xce: {  	[tilespmem:$0x13E0] =	vst v0  }
0xcf: {  	[tilespmem:$0x13F0] =	vst v0  }
0xd0: {  	[tilespmem:$0x1400] =	vst v0  }
0xd1: {  	[tilespmem:$0x1410] =	vst v0  }
0xd2: {  	[tilespmem:$0x1420] =	vst v0  }
0xd3: {  	[tilespmem:$0x1430] =	vst v0  }
0xd4: {  	[tilespmem:$0x1440] =	vst v0  }
0xd5: {  	[tilespmem:$0x1450] =	vst v0  }
0xd6: {  	[tilespmem:$0x1460] =	vst v0  }
0xd7: {  	[tilespmem:$0x1470] =	vst v0  }
0xd8: {  	[tilespmem:$0x1480] =	vst v0  }
0xd9: {  	[tilespmem:$0x1490] =	vst v0  }
0xda: {  	[tilespmem:$0x14A0] =	vst v0  }
0xdb: {  	[tilespmem:$0x14B0] =	vst v0  }
0xdc: {  	[tilespmem:$0x14C0] =	vst v0  }
0xdd: {  	[tilespmem:$0x14D0] =	vst v0  }
0xde: {  	[tilespmem:$0x14E0] =	vst v0  }
0xdf: {  	[tilespmem:$0x14F0] =	vst v0  }
0xe0: {  	[tilespmem:$0x1500] =	vst v0  }
0xe1: {  	[tilespmem:$0x1510] =	vst v0  }
0xe2: {  	[tilespmem:$0x1520] =	vst v0  }
0xe3: {  	[tilespmem:$0x1530] =	vst v0  }
0xe4: {  	[tilespmem:$0x1540] =	vst v0  }
0xe5: {  	[tilespmem:$0x1550] =	vst v0  }
0xe6: {  	[tilespmem:$0x1560] =	vst v0  }
0xe7: {  	[tilespmem:$0x1570] =	vst v0  }
0xe8: {  	[tilespmem:$0x1580] =	vst v0  }
0xe9: {  	[tilespmem:$0x1590] =	vst v0  }
0xea: {  	[tilespmem:$0x15A0] =	vst v0  }
0xeb: {  	[tilespmem:$0x15B0] =	vst v0  }
0xec: {  	[tilespmem:$0x15C0] =	vst v0  }
0xed: {  	[tilespmem:$0x15D0] =	vst v0  }
0xee: {  	[tilespmem:$0x15E0] =	vst v0  }
0xef: {  	[tilespmem:$0x15F0] =	vst v0  }
0xf0: {  	[tilespmem:$0x1600] =	vst v0  }
0xf1: {  	[tilespmem:$0x1610] =	vst v0  }
0xf2: {  	[tilespmem:$0x1620] =	vst v0  }
0xf3: {  	[tilespmem:$0x1630] =	vst v0  }
0xf4: {  	[tilespmem:$0x1640] =	vst v0  }
0xf5: {  	[tilespmem:$0x1650] =	vst v0  }
0xf6: {  	[tilespmem:$0x1660] =	vst v0  }
0xf7: {  	[tilespmem:$0x1670] =	vst v0  }
0xf8: {  	[tilespmem:$0x1680] =	vst v0  }
0xf9: {  	[tilespmem:$0x1690] =	vst v0  }
0xfa: {  	[tilespmem:$0x16A0] =	vst v0  }
0xfb: {  	[tilespmem:$0x16B0] =	vst v0  }
0xfc: {  	[tilespmem:$0x16C0] =	vst v0  }
0xfd: {  	[tilespmem:$0x16D0] =	vst v0  }
0xfe: {  	[tilespmem:$0x16E0] =	vst v0  }
0xff: {  	[tilespmem:$0x16F0] =	vst v0  }
0x100: {  	[tilespmem:$0x1700] =	vst v0  }
0x101: {  	[tilespmem:$0x1710] =	vst v0  }
0x102: {  	[tilespmem:$0x1720] =	vst v0  }
0x103: {  	[tilespmem:$0x1730] =	vst v0  }
0x104: {  	[tilespmem:$0x1740] =	vst v0  }
0x105: {  	[tilespmem:$0x1750] =	vst v0  }
0x106: {  	[tilespmem:$0x1760] =	vst v0  }
0x107: {  	[tilespmem:$0x1770] =	vst v0  }
0x108: {  	[tilespmem:$0x1780] =	vst v0  }
0x109: {  	[tilespmem:$0x1790] =	vst v0  }
0x10a: {  	[tilespmem:$0x17A0] =	vst v0  }
0x10b: {  	[tilespmem:$0x17B0] =	vst v0  }
0x10c: {  	[tilespmem:$0x17C0] =	vst v0  }
0x10d: {  	[tilespmem:$0x17D0] =	vst v0  }
0x10e: {  	[tilespmem:$0x17E0] =	vst v0  }
0x10f: {  	[tilespmem:$0x1F30] =	vst v0  }
0x110: {  	[tilespmem:$0x1F20] =	vst v0  }
0x111: {  	[tilespmem:$0x1F10] =	vst v0  }
0x112: {  	[tilespmem:$0x1F00] =	vst v0  }
0x113: {  	[tilespmem:$0x1EF0] =	vst v0  }
0x114: {  	[tilespmem:$0x1EE0] =	vst v0  }
0x115: {  	[tilespmem:$0x1ED0] =	vst v0  }
0x116: {  	[tilespmem:$0x1EC0] =	vst v0  }
0x117: {  	[tilespmem:$0x1EB0] =	vst v0  }
0x118: {  	[tilespmem:$0x1EA0] =	vst v0  }
0x119: {  	[tilespmem:$0x1E90] =	vst v0  }
0x11a: {  	[tilespmem:$0x1E80] =	vst v0  }
0x11b: {  	[tilespmem:$0x1E70] =	vst v0  }
0x11c: {  	[tilespmem:$0x1E60] =	vst v0  }
0x11d: {  	[tilespmem:$0x1E50] =	vst v0  }
0x11e: {  	[tilespmem:$0x1E40] =	vst v0  }
0x11f: {  	[tilespmem:$0x1E30] =	vst v0  }
0x120: {  	[tilespmem:$0x1E20] =	vst v0  }
0x121: {  	[tilespmem:$0x1E10] =	vst v0  }
0x122: {  	[tilespmem:$0x1E00] =	vst v0  }
0x123: {  	[tilespmem:$0x1DF0] =	vst v0  }
0x124: {  	[tilespmem:$0x1DE0] =	vst v0  }
0x125: {  	[tilespmem:$0x1DD0] =	vst v0  }
0x126: {  	[tilespmem:$0x1DC0] =	vst v0  }
0x127: {  	[tilespmem:$0x1DB0] =	vst v0  }
0x128: {  	[tilespmem:$0x1DA0] =	vst v0  }
0x129: {  	[tilespmem:$0x1D90] =	vst v0  }
0x12a: {  	[tilespmem:$0x1D80] =	vst v0  }
0x12b: {  	[tilespmem:$0x1D70] =	vst v0  }
0x12c: {  	[tilespmem:$0x1D60] =	vst v0  }
0x12d: {  	[tilespmem:$0x1D50] =	vst v0  }
0x12e: {  	[tilespmem:$0x1D40] =	vst v0  }
0x12f: {  	[tilespmem:$0x1D30] =	vst v0  }
0x130: {  	[tilespmem:$0x1D20] =	vst v0  }
0x131: {  	[tilespmem:$0x1D10] =	vst v0  }
0x132: {  	[tilespmem:$0x1D00] =	vst v0  }
0x133: {  	[tilespmem:$0x1CF0] =	vst v0  }
0x134: {  	[tilespmem:$0x1CE0] =	vst v0  }
0x135: {  	[tilespmem:$0x1CD0] =	vst v0  }
0x136: {  	[tilespmem:$0x1CC0] =	vst v0  }
0x137: {  	[tilespmem:$0x1CB0] =	vst v0  }
0x138: {  	[tilespmem:$0x1CA0] =	vst v0  }
0x139: {  	[tilespmem:$0x1C90] =	vst v0  }
0x13a: {  	[tilespmem:$0x1C80] =	vst v0  }
0x13b: {  	[tilespmem:$0x1C70] =	vst v0  }
0x13c: {  	[tilespmem:$0x1C60] =	vst v0  }
0x13d: {  	[tilespmem:$0x1C50] =	vst v0  }
0x13e: {  	[tilespmem:$0x1C40] =	vst v0  }
0x13f: {  	[tilespmem:$0x1C30] =	vst v0  }
0x140: {  	[tilespmem:$0x1C20] =	vst v0  }
0x141: {  	[tilespmem:$0x1C10] =	vst v0  }
0x142: {  	[tilespmem:$0x1C00] =	vst v0  }
0x143: {  	[tilespmem:$0x1BF0] =	vst v0  }
0x144: {  	[tilespmem:$0x1BE0] =	vst v0  }
0x145: {  	[tilespmem:$0x1BD0] =	vst v0  }
0x146: {  	[tilespmem:$0x1BC0] =	vst v0  }
0x147: {  	[tilespmem:$0x1BB0] =	vst v0  }
0x148: {  	[tilespmem:$0x1BA0] =	vst v0  }
0x149: {  	[tilespmem:$0x17F0] =	vst v0  }
0x14a: {  	[tilespmem:$0x1800] =	vst v0  }
0x14b: {  	[tilespmem:$0x1810] =	vst v0  }
0x14c: {  	[tilespmem:$0x1820] =	vst v0  }
0x14d: {  	[tilespmem:$0x1830] =	vst v0  }
0x14e: {  	[tilespmem:$0x1840] =	vst v0  }
0x14f: {  	[tilespmem:$0x1850] =	vst v0  }
0x150: {  	[tilespmem:$0x1860] =	vst v0  }
0x151: {  	[tilespmem:$0x1870] =	vst v0  }
0x152: {  	[tilespmem:$0x1880] =	vst v0  }
0x153: {  	[tilespmem:$0x1890] =	vst v0  }
0x154: {  	[tilespmem:$0x18A0] =	vst v0  }
0x155: {  	[tilespmem:$0x18B0] =	vst v0  }
0x156: {  	[tilespmem:$0x18C0] =	vst v0  }
0x157: {  	[tilespmem:$0x18D0] =	vst v0  }
0x158: {  	[tilespmem:$0x18E0] =	vst v0  }
0x159: {  	[tilespmem:$0x18F0] =	vst v0  }
0x15a: {  	[tilespmem:$0x1900] =	vst v0  }
0x15b: {  	[tilespmem:$0x1910] =	vst v0  }
0x15c: {  	[tilespmem:$0x1920] =	vst v0  }
0x15d: {  	[tilespmem:$0x1930] =	vst v0  }
0x15e: {  	[tilespmem:$0x1940] =	vst v0  }
0x15f: {  	[tilespmem:$0x1950] =	vst v0  }
0x160: {  	[tilespmem:$0x1960] =	vst v0  }
0x161: {  	[tilespmem:$0x1970] =	vst v0  }
0x162: {  	[tilespmem:$0x1980] =	vst v0  }
0x163: {  	[tilespmem:$0x1990] =	vst v0  }
0x164: {  	[tilespmem:$0x19A0] =	vst v0  }
0x165: {  	[tilespmem:$0x19B0] =	vst v0  }
0x166: {  	[tilespmem:$0x19C0] =	vst v0  }
0x167: {  	[tilespmem:$0x19D0] =	vst v0  }
0x168: {  	[tilespmem:$0x19E0] =	vst v0  }
0x169: {  	[tilespmem:$0x19F0] =	vst v0  }
0x16a: {  	[tilespmem:$0x1A00] =	vst v0  }
0x16b: {  	[tilespmem:$0x1A10] =	vst v0  }
0x16c: {  	[tilespmem:$0x1A20] =	vst v0  }
0x16d: {  	[tilespmem:$0x1A30] =	vst v0  }
0x16e: {  	[tilespmem:$0x1A40] =	vst v0  }
0x16f: {  	[tilespmem:$0x1A50] =	vst v0  }
0x170: {  	[tilespmem:$0x1A60] =	vst v0  }
0x171: {  	[tilespmem:$0x1A70] =	vst v0  }
0x172: {  	[tilespmem:$0x1A80] =	vst v0  }
0x173: {  	[tilespmem:$0x1A90] =	vst v0  }
0x174: {  	[tilespmem:$0x1AA0] =	vst v0  }
0x175: {  	[tilespmem:$0x1AB0] =	vst v0  }
0x176: {  	[tilespmem:$0x1AC0] =	vst v0  }
0x177: {  	[tilespmem:$0x1AD0] =	vst v0  }
0x178: {  	[tilespmem:$0x1AE0] =	vst v0  }
0x179: {  	[tilespmem:$0x1AF0] =	vst v0  }
0x17a: {  	[tilespmem:$0x1B00] =	vst v0  }
0x17b: {  	[tilespmem:$0x1B10] =	vst v0  }
0x17c: {  	[tilespmem:$0x1B20] =	vst v0  }
0x17d: {  	[tilespmem:$0x1B30] =	vst v0  }
0x17e: {  	[tilespmem:$0x1B40] =	vst v0  }
0x17f: {  	[tilespmem:$0x1B50] =	vst v0  }
0x180: {  	[tilespmem:$0x1B60] =	vst v0  }
0x181: {  	[tilespmem:$0x1B70] =	vst v0  }
0x182: {  	[tilespmem:$0x1B80] =	vst v0  }
0x183: {  	[tilespmem:$0x1B90] =	vst v0  }
0x184: {  	[tilespmem:$0x1F40] =	vst v0  }
0x185: {  	[tilespmem:$0x1F50] =	vst v0  }
0x186: {  	[tilespmem:$0x1F60] =	vst v0  }
0x187: {  	[tilespmem:$0x1F70] =	vst v0  }
0x188: {  	[tilespmem:$0x1F80] =	vst v0  }
0x189: {  	[tilespmem:$0x1F90] =	vst v0  }
0x18a: {  	[tilespmem:$0x1FA0] =	vst v0  }
0x18b: {  	[tilespmem:$0x1FB0] =	vst v0  }
0x18c: {  	[tilespmem:$0x1FC0] =	vst v0  }
0x18d: {  	[tilespmem:$0x1FD0] =	vst v0  }
0x18e: {  	[tilespmem:$0x1FE0] =	vst v0  }
0x18f: {  	[tilespmem:$0x1FF0] =	vst v0  }
0x190: {  	[tilespmem:$0x2000] =	vst v0  }
0x191: {  	[tilespmem:$0x2010] =	vst v0  }
0x192: {  	[tilespmem:$0x2020] =	vst v0  }
0x193: {  	[tilespmem:$0x2030] =	vst v0  }
0x194: {  	[tilespmem:$0x2040] =	vst v0  }
0x195: {  	[tilespmem:$0x2050] =	vst v0  }
0x196: {  	[tilespmem:$0x2060] =	vst v0  }
0x197: {  	[tilespmem:$0x2070] =	vst v0  }
0x198: {  	[tilespmem:$0x2080] =	vst v0  }
0x199: {  	[tilespmem:$0x2090] =	vst v0  }
0x19a: {  	[tilespmem:$0x20A0] =	vst v0  }
0x19b: {  	[tilespmem:$0x20B0] =	vst v0  }
0x19c: {  	[tilespmem:$0x20C0] =	vst v0  }
0x19d: {  	[tilespmem:$0x20D0] =	vst v0  }
0x19e: {  	[tilespmem:$0x20E0] =	vst v0  }
0x19f: {  	[tilespmem:$0x20F0] =	vst v0  }
0x1a0: {  	[tilespmem:$0x2100] =	vst v0  }
0x1a1: {  	[tilespmem:$0x2110] =	vst v0  }
0x1a2: {  	[tilespmem:$0x2120] =	vst v0  }
0x1a3: {  	[tilespmem:$0x2130] =	vst v0  }
0x1a4: {  	[tilespmem:$0x2140] =	vst v0  }
0x1a5: {  	[tilespmem:$0x2150] =	vst v0  }
0x1a6: {  	[tilespmem:$0x2160] =	vst v0  }
0x1a7: {  	[tilespmem:$0x2170] =	vst v0  }
0x1a8: {  	[tilespmem:$0x2180] =	vst v0  }
0x1a9: {  	[tilespmem:$0x2190] =	vst v0  }
0x1aa: {  	[tilespmem:$0x21A0] =	vst v0  }
0x1ab: {  	[tilespmem:$0x21B0] =	vst v0  }
0x1ac: {  	[tilespmem:$0x21C0] =	vst v0  }
0x1ad: {  	[tilespmem:$0x21D0] =	vst v0  }
0x1ae: {  	[tilespmem:$0x21E0] =	vst v0  }
0x1af: {  	[tilespmem:$0x21F0] =	vst v0  }
0x1b0: {  	[tilespmem:$0x2200] =	vst v0  }
0x1b1: {  	[tilespmem:$0x2210] =	vst v0  }
0x1b2: {  	[tilespmem:$0x2220] =	vst v0  }
0x1b3: {  	[tilespmem:$0x2230] =	vst v0  }
0x1b4: {  	[tilespmem:$0x2240] =	vst v0  }
0x1b5: {  	[tilespmem:$0x2250] =	vst v0  }
0x1b6: {  	[tilespmem:$0x2260] =	vst v0  }
0x1b7: {  	[tilespmem:$0x2270] =	vst v0  }
0x1b8: {  	[tilespmem:$0x2280] =	vst v0  }
0x1b9: {  	[tilespmem:$0x2290] =	vst v0  }
0x1ba: {  	[tilespmem:$0x22A0] =	vst v0  }
0x1bb: {  	[tilespmem:$0x22B0] =	vst v0  }
0x1bc: {  	[tilespmem:$0x22C0] =	vst v0  }
0x1bd: {  	[tilespmem:$0x22D0] =	vst v0  }
0x1be: {  	[tilespmem:$0x22E0] =	vst v0  }
0x1bf: {  	[tilespmem:$0x22F0] =	vst v0  }
0x1c0: {  	[tilespmem:$0x2300] =	vst v0  }
0x1c1: {  	[tilespmem:$0x2310] =	vst v0  }
0x1c2: {  	[tilespmem:$0x2320] =	vst v0  }
0x1c3: {  	[tilespmem:$0x2330] =	vst v0  }
0x1c4: {  	[tilespmem:$0x2340] =	vst v0  }
0x1c5: {  	[tilespmem:$0x2350] =	vst v0  }
0x1c6: {  	[tilespmem:$0x2360] =	vst v0  }
0x1c7: {  	[tilespmem:$0x2370] =	vst v0  }
0x1c8: {  	[tilespmem:$0x2380] =	vst v0  }
0x1c9: {  	[tilespmem:$0x2390] =	vst v0  }
0x1ca: {  	[tilespmem:$0x23A0] =	vst v0  }
0x1cb: {  	[tilespmem:$0x23B0] =	vst v0  }
0x1cc: {  	[tilespmem:$0x23C0] =	vst v0  }
0x1cd: {  	[tilespmem:$0x23D0] =	vst v0  }
0x1ce: {  	[tilespmem:$0x23E0] =	vst v0  }
0x1cf: {  	[tilespmem:$0x23F0] =	vst v0  }
0x1d0: {  	[tilespmem:$0x2400] =	vst v0  }
0x1d1: {  	[tilespmem:$0x2410] =	vst v0  }
0x1d2: {  	[tilespmem:$0x2420] =	vst v0  }
0x1d3: {  	[tilespmem:$0x2430] =	vst v0  }
0x1d4: {  	[tilespmem:$0x2440] =	vst v0  }
0x1d5: {  	[tilespmem:$0x2450] =	vst v0  }
0x1d6: {  	[tilespmem:$0x2460] =	vst v0  }
0x1d7: {  	[tilespmem:$0x2470] =	vst v0  }
0x1d8: {  	[tilespmem:$0x2480] =	vst v0  }
0x1d9: {  	[tilespmem:$0x2490] =	vst v0  }
0x1da: {  	[tilespmem:$0x24A0] =	vst v0  }
0x1db: {  	[tilespmem:$0x24B0] =	vst v0  }
0x1dc: {  	[tilespmem:$0x24C0] =	vst v0  }
0x1dd: {  	[tilespmem:$0x24D0] =	vst v0  }
0x1de: {  	[tilespmem:$0x24E0] =	vst v0  }
0x1df: {  	[tilespmem:$0x24F0] =	vst v0  }
0x1e0: {  	[tilespmem:$0x2500] =	vst v0  }
0x1e1: {  	[tilespmem:$0x2510] =	vst v0  }
0x1e2: {  	[tilespmem:$0x2520] =	vst v0  }
0x1e3: {  	[tilespmem:$0x2530] =	vst v0  }
0x1e4: {  	[tilespmem:$0x2540] =	vst v0  }
0x1e5: {  	[tilespmem:$0x2550] =	vst v0  }
0x1e6: {  	[tilespmem:$0x2560] =	vst v0  }
0x1e7: {  	[tilespmem:$0x2570] =	vst v0  }
0x1e8: {  	[tilespmem:$0x2580] =	vst v0  }
0x1e9: {  	[tilespmem:$0x2590] =	vst v0  }
0x1ea: {  	[tilespmem:$0x25A0] =	vst v0  }
0x1eb: {  	[tilespmem:$0x25B0] =	vst v0  }
0x1ec: {  	[tilespmem:$0x25C0] =	vst v0  }
0x1ed: {  	[tilespmem:$0x25D0] =	vst v0  }
0x1ee: {  	[tilespmem:$0x25E0] =	vst v0  }
0x1ef: {  	[tilespmem:$0x25F0] =	vst v0  }
0x1f0: {  	[tilespmem:$0x2600] =	vst v0  }
0x1f1: {  	[tilespmem:$0x2610] =	vst v0  }
0x1f2: {  	[tilespmem:$0x2620] =	vst v0  }
0x1f3: {  	[tilespmem:$0x2630] =	vst v0  }
0x1f4: {  	[tilespmem:$0x2640] =	vst v0  }
0x1f5: {  	[tilespmem:$0x2650] =	vst v0  }
0x1f6: {  	[tilespmem:$0x2660] =	vst v0  }
0x1f7: {  	[tilespmem:$0x2670] =	vst v0  }
0x1f8: {  	[tilespmem:$0x2680] =	vst v0  }
0x1f9: {  	[tilespmem:$0x2690] =	vst v0  }
0x1fa: {  	[tilespmem:$0x26A0] =	vst v0  }
0x1fb: {  	[tilespmem:$0x26B0] =	vst v0  }
0x1fc: {  	[tilespmem:$0x26C0] =	vst v0  }
0x1fd: {  	[tilespmem:$0x26D0] =	vst v0  }
0x1fe: {  	[tilespmem:$0x26E0] =	vst v0  }
0x1ff: {  	[tilespmem:$0x26F0] =	vst v0  }
0x200: {  	[tilespmem:$0x2700] =	vst v0  }
0x201: {  	[tilespmem:$0x2710] =	vst v0  }
0x202: {  	[tilespmem:$0x2720] =	vst v0  }
0x203: {  	[tilespmem:$0x2730] =	vst v0  }
0x204: {  	[tilespmem:$0x2740] =	vst v0  }
0x205: {  	[tilespmem:$0x2750] =	vst v0  }
0x206: {  	[tilespmem:$0x2760] =	vst v0;
	v3 =	vld [tilespmem:$0x0]  }
0x207: {  	[tilespmem:$0x2770] =	vst v0  }
0x208: {  	[tilespmem:$0x2780] =	vst v0  }
0x209: {  	[tilespmem:$0x2790] =	vst v0  }
0x20a: {  	[tilespmem:$0x27A0] =	vst v0  }
0x20b: {  	[tilespmem:$0x27B0] =	vst v0;
	v3 =	vadd.s32 v1, v3  }
0x20c: {  	[tilespmem:$0x27C0] =	vst v0  }
0x20d: {  	[tilespmem:$0x27D0] =	vst v0  }
0x20e: {  	[tilespmem:$0x27E0] =	vst v0  }
0x20f: {  	[tilespmem:$0x27F0] =	vst v0  }
0x210: {  	[tilespmem:v3+s7+$0x0] =	vst.idx.add.f32.msk $0xffff, v59  }
0x211: {  	v3 =	vld [tilespmem:$0x10];
	_ =	sdelay $0x4  }
0x212: {  	v3 =	vadd.s32 v1, v3;
	_ =	sdelay $0x4  }
0x213: {  	[tilespmem:v3+s7+$0x0] =	vst.idx.add.f32.msk $0xffff, v59  }
0x214: {  	v3 =	vld [tilespmem:$0x20];
	_ =	sdelay $0x4  }
0x215: {  	v3 =	vadd.s32 v1, v3;
	_ =	sdelay $0x4  }
0x216: {  	[tilespmem:v3+s7+$0x0] =	vst.idx.add.f32.msk $0xffff, v59  }
0x217: {  	v3 =	vld [tilespmem:$0x30];
	_ =	sdelay $0x4  }
0x218: {  	v3 =	vadd.s32 v1, v3;
	_ =	sdelay $0x4  }
0x219: {  	[tilespmem:v3+s7+$0x0] =	vst.idx.add.f32.msk $0xffff, v59  }
0x21a: {  	v3 =	vld [tilespmem:$0x40];
	_ =	sdelay $0x4  }
0x21b: {  	v3 =	vadd.s32 v1, v3;
	_ =	sdelay $0x4  }
0x21c: {  	[tilespmem:v3+s7+$0x0] =	vst.idx.add.f32.msk $0xffff, v59  }
0x21d: {  	v3 =	vld [tilespmem:$0x50];
	_ =	sdelay $0x4  }
0x21e: {  	v3 =	vadd.s32 v1, v3;
	_ =	sdelay $0x4  }
0x21f: {  	[tilespmem:v3+s7+$0x0] =	vst.idx.add.f32.msk $0xffff, v59  }
0x220: {  	v3 =	vld [tilespmem:$0x60];
	_ =	sdelay $0x4  }
0x221: {  	v3 =	vadd.s32 v1, v3;
	_ =	sdelay $0x4  }
0x222: {  	[tilespmem:v3+s7+$0x0] =	vst.idx.add.f32.msk $0xffff, v59  }
0x223: {  	v3 =	vld [tilespmem:$0x70];
	_ =	sdelay $0x4  }
0x224: {  	v3 =	vadd.s32 v1, v3;
	_ =	sdelay $0x4  }
0x225: {  	[tilespmem:v3+s7+$0x0] =	vst.idx.add.f32.msk $0xffff, v59  }
0x226: {  	v3 =	vld [tilespmem:$0x80];
	_ =	sdelay $0x4  }
0x227: {  	v3 =	vadd.s32 v1, v3;
	_ =	sdelay $0x4  }
0x228: {  	[tilespmem:v3+s7+$0x0] =	vst.idx.add.f32.msk $0xffff, v59  }
0x229: {  	v3 =	vld [tilespmem:$0x90];
	_ =	sdelay $0x4  }
0x22a: {  	v3 =	vadd.s32 v1, v3;
	_ =	sdelay $0x4  }
0x22b: {  	[tilespmem:v3+s7+$0x0] =	vst.idx.add.f32.msk $0xffff, v59  }
0x22c: {  	v3 =	vld [tilespmem:$0xA0];
	_ =	sdelay $0x4  }
0x22d: {  	v3 =	vadd.s32 v1, v3;
	_ =	sdelay $0x4  }
0x22e: {  	[tilespmem:v3+s7+$0x0] =	vst.idx.add.f32.msk $0xffff, v59  }
0x22f: {  	v3 =	vld [tilespmem:$0xB0];
	_ =	sdelay $0x4  }
0x230: {  	v3 =	vadd.s32 v1, v3;
	_ =	sdelay $0x4  }
0x231: {  	[tilespmem:v3+s7+$0x0] =	vst.idx.add.f32.msk $0xffff, v59  }
0x232: {  	v3 =	vld [tilespmem:$0xC0];
	_ =	sdelay $0x4  }
0x233: {  	v3 =	vadd.s32 v1, v3;
	_ =	sdelay $0x4  }
0x234: {  	[tilespmem:v3+s7+$0x0] =	vst.idx.add.f32.msk $0xffff, v59  }
0x235: {  	v3 =	vld [tilespmem:$0xD0];
	_ =	sdelay $0x4  }
0x236: {  	v3 =	vadd.s32 v1, v3;
	_ =	sdelay $0x4  }
0x237: {  	[tilespmem:v3+s7+$0x0] =	vst.idx.add.f32.msk $0xffff, v59  }
0x238: {  	v3 =	vld [tilespmem:$0xE0];
	_ =	sdelay $0x4  }
0x239: {  	v3 =	vadd.s32 v1, v3;
	_ =	sdelay $0x4  }
0x23a: {  	[tilespmem:v3+s7+$0x0] =	vst.idx.add.f32.msk $0xffff, v59  }
0x23b: {  	v3 =	vld [tilespmem:$0xF0];
	_ =	sdelay $0x4  }
0x23c: {  	v3 =	vadd.s32 v1, v3;
	_ =	sdelay $0x4  }
0x23d: {  	[tilespmem:v3+s7+$0x0] =	vst.idx.add.f32.msk $0xffff, v59  }
0x23e: {  	v3 =	vld [tilespmem:$0x100];
	_ =	sdelay $0x4  }
0x23f: {  	v3 =	vadd.s32 v1, v3;
	_ =	sdelay $0x4  }
0x240: {  	[tilespmem:v3+s7+$0x0] =	vst.idx.add.f32.msk $0xffff, v59  }
0x241: {  	v3 =	vld [tilespmem:$0x110];
	_ =	sdelay $0x4  }
0x242: {  	v3 =	vadd.s32 v1, v3;
	_ =	sdelay $0x4  }
0x243: {  	[tilespmem:v3+s7+$0x0] =	vst.idx.add.f32.msk $0xffff, v59  }
0x244: {  	v3 =	vld [tilespmem:$0x120];
	_ =	sdelay $0x4  }
0x245: {  	v3 =	vadd.s32 v1, v3;
	_ =	sdelay $0x4  }
0x246: {  	[tilespmem:v3+s7+$0x0] =	vst.idx.add.f32.msk $0xffff, v59  }
0x247: {  	v3 =	vld [tilespmem:$0x130];
	_ =	sdelay $0x4  }
0x248: {  	v3 =	vadd.s32 v1, v3;
	_ =	sdelay $0x4  }
0x249: {  	[tilespmem:v3+s7+$0x0] =	vst.idx.add.f32.msk $0xffff, v59  }
0x24a: {  	v3 =	vld [tilespmem:$0x140];
	_ =	sdelay $0x4  }
0x24b: {  	v3 =	vadd.s32 v1, v3;
	_ =	sdelay $0x4  }
0x24c: {  	[tilespmem:v3+s7+$0x0] =	vst.idx.add.f32.msk $0xffff, v59  }
0x24d: {  	v3 =	vld [tilespmem:$0x150];
	_ =	sdelay $0x4  }
0x24e: {  	v3 =	vadd.s32 v1, v3;
	_ =	sdelay $0x4  }
0x24f: {  	[tilespmem:v3+s7+$0x0] =	vst.idx.add.f32.msk $0xffff, v59  }
0x250: {  	v3 =	vld [tilespmem:$0x160];
	_ =	sdelay $0x4  }
0x251: {  	v3 =	vadd.s32 v1, v3;
	_ =	sdelay $0x4  }
0x252: {  	[tilespmem:v3+s7+$0x0] =	vst.idx.add.f32.msk $0xffff, v59  }
0x253: {  	v3 =	vld [tilespmem:$0x170];
	_ =	sdelay $0x4  }
0x254: {  	v3 =	vadd.s32 v1, v3;
	_ =	sdelay $0x4  }
0x255: {  	[tilespmem:v3+s7+$0x0] =	vst.idx.add.f32.msk $0xffff, v59  }
0x256: {  	v3 =	vld [tilespmem:$0x180];
	_ =	sdelay $0x4  }
0x257: {  	v3 =	vadd.s32 v1, v3;
	_ =	sdelay $0x4  }
0x258: {  	[tilespmem:v3+s7+$0x0] =	vst.idx.add.f32.msk $0xffff, v59  }
0x259: {  	v3 =	vld [tilespmem:$0x190];
	_ =	sdelay $0x4  }
0x25a: {  	v3 =	vadd.s32 v1, v3;
	_ =	sdelay $0x4  }
0x25b: {  	[tilespmem:v3+s7+$0x0] =	vst.idx.add.f32.msk $0xffff, v59  }
0x25c: {  	v3 =	vld [tilespmem:$0x1A0];
	_ =	sdelay $0x4  }
0x25d: {  	v3 =	vadd.s32 v1, v3;
	_ =	sdelay $0x4  }
0x25e: {  	[tilespmem:v3+s7+$0x0] =	vst.idx.add.f32.msk $0xffff, v59  }
0x25f: {  	v3 =	vld [tilespmem:$0x1B0];
	_ =	sdelay $0x4  }
0x260: {  	v3 =	vadd.s32 v1, v3;
	_ =	sdelay $0x4  }
0x261: {  	[tilespmem:v3+s7+$0x0] =	vst.idx.add.f32.msk $0xffff, v59  }
0x262: {  	v3 =	vld [tilespmem:$0x1C0];
	_ =	sdelay $0x4  }
0x263: {  	v3 =	vadd.s32 v1, v3;
	_ =	sdelay $0x4  }
0x264: {  	[tilespmem:v3+s7+$0x0] =	vst.idx.add.f32.msk $0xffff, v59  }
0x265: {  	v3 =	vld [tilespmem:$0x1D0];
	_ =	sdelay $0x4  }
0x266: {  	v3 =	vadd.s32 v1, v3;
	_ =	sdelay $0x4  }
0x267: {  	[tilespmem:v3+s7+$0x0] =	vst.idx.add.f32.msk $0xffff, v59  }
0x268: {  	v3 =	vld [tilespmem:$0x1E0];
	_ =	sdelay $0x4  }
0x269: {  	v3 =	vadd.s32 v1, v3;
	_ =	sdelay $0x4  }
0x26a: {  	[tilespmem:v3+s7+$0x0] =	vst.idx.add.f32.msk $0xffff, v59  }
0x26b: {  	v3 =	vld [tilespmem:$0x1F0];
	_ =	sdelay $0x4  }
0x26c: {  	v3 =	vadd.s32 v1, v3;
	_ =	sdelay $0x4  }
0x26d: {  	[tilespmem:v3+s7+$0x0] =	vst.idx.add.f32.msk $0xffff, v59  }
0x26e: {  	v3 =	vld [tilespmem:$0x200];
	_ =	sdelay $0x4  }
0x26f: {  	v3 =	vadd.s32 v1, v3;
	_ =	sdelay $0x4  }
0x270: {  	[tilespmem:v3+s7+$0x0] =	vst.idx.add.f32.msk $0xffff, v59  }
0x271: {  	v3 =	vld [tilespmem:$0x210];
	_ =	sdelay $0x4  }
0x272: {  	v3 =	vadd.s32 v1, v3;
	_ =	sdelay $0x4  }
0x273: {  	[tilespmem:v3+s7+$0x0] =	vst.idx.add.f32.msk $0xffff, v59  }
0x274: {  	v3 =	vld [tilespmem:$0x220];
	_ =	sdelay $0x4  }
0x275: {  	v3 =	vadd.s32 v1, v3;
	_ =	sdelay $0x4  }
0x276: {  	[tilespmem:v3+s7+$0x0] =	vst.idx.add.f32.msk $0xffff, v59  }
0x277: {  	v3 =	vld [tilespmem:$0x230];
	_ =	sdelay $0x4  }
0x278: {  	v3 =	vadd.s32 v1, v3;
	_ =	sdelay $0x4  }
0x279: {  	[tilespmem:v3+s7+$0x0] =	vst.idx.add.f32.msk $0xffff, v59  }
0x27a: {  	v3 =	vld [tilespmem:$0x240];
	_ =	sdelay $0x4  }
0x27b: {  	v3 =	vadd.s32 v1, v3;
	_ =	sdelay $0x4  }
0x27c: {  	[tilespmem:v3+s7+$0x0] =	vst.idx.add.f32.msk $0xffff, v59  }
0x27d: {  	v3 =	vld [tilespmem:$0x250];
	_ =	sdelay $0x4  }
0x27e: {  	v3 =	vadd.s32 v1, v3;
	_ =	sdelay $0x4  }
0x27f: {  	[tilespmem:v3+s7+$0x0] =	vst.idx.add.f32.msk $0xffff, v59  }
0x280: {  	v3 =	vld [tilespmem:$0x260];
	_ =	sdelay $0x4  }
0x281: {  	v3 =	vadd.s32 v1, v3;
	_ =	sdelay $0x4  }
0x282: {  	[tilespmem:v3+s7+$0x0] =	vst.idx.add.f32.msk $0xffff, v59  }
0x283: {  	v3 =	vld [tilespmem:$0x270];
	_ =	sdelay $0x4  }
0x284: {  	v3 =	vadd.s32 v1, v3;
	_ =	sdelay $0x4  }
0x285: {  	[tilespmem:v3+s7+$0x0] =	vst.idx.add.f32.msk $0xffff, v59  }
0x286: {  	v3 =	vld [tilespmem:$0x280];
	_ =	sdelay $0x4  }
0x287: {  	v3 =	vadd.s32 v1, v3;
	_ =	sdelay $0x4  }
0x288: {  	[tilespmem:v3+s7+$0x0] =	vst.idx.add.f32.msk $0xffff, v59  }
0x289: {  	v3 =	vld [tilespmem:$0x290];
	_ =	sdelay $0x4  }
0x28a: {  	v3 =	vadd.s32 v1, v3;
	_ =	sdelay $0x4  }
0x28b: {  	[tilespmem:v3+s7+$0x0] =	vst.idx.add.f32.msk $0xffff, v59  }
0x28c: {  	v3 =	vld [tilespmem:$0x2A0];
	_ =	sdelay $0x4  }
0x28d: {  	v3 =	vadd.s32 v1, v3;
	_ =	sdelay $0x4  }
0x28e: {  	[tilespmem:v3+s7+$0x0] =	vst.idx.add.f32.msk $0xffff, v59  }
0x28f: {  	v3 =	vld [tilespmem:$0x2B0];
	_ =	sdelay $0x4  }
0x290: {  	v3 =	vadd.s32 v1, v3;
	_ =	sdelay $0x4  }
0x291: {  	[tilespmem:v3+s7+$0x0] =	vst.idx.add.f32.msk $0xffff, v59  }
0x292: {  	v3 =	vld [tilespmem:$0x2C0];
	_ =	sdelay $0x4  }
0x293: {  	v3 =	vadd.s32 v1, v3;
	_ =	sdelay $0x4  }
0x294: {  	[tilespmem:v3+s7+$0x0] =	vst.idx.add.f32.msk $0xffff, v59  }
0x295: {  	v3 =	vld [tilespmem:$0x2D0];
	_ =	sdelay $0x4  }
0x296: {  	v3 =	vadd.s32 v1, v3;
	_ =	sdelay $0x4  }
0x297: {  	[tilespmem:v3+s7+$0x0] =	vst.idx.add.f32.msk $0xffff, v59  }
0x298: {  	v3 =	vld [tilespmem:$0x2E0];
	_ =	sdelay $0x4  }
0x299: {  	v3 =	vadd.s32 v1, v3;
	_ =	sdelay $0x4  }
0x29a: {  	[tilespmem:v3+s7+$0x0] =	vst.idx.add.f32.msk $0xffff, v59  }
0x29b: {  	v3 =	vld [tilespmem:$0x2F0];
	_ =	sdelay $0x4  }
0x29c: {  	v3 =	vadd.s32 v1, v3;
	_ =	sdelay $0x4  }
0x29d: {  	[tilespmem:v3+s7+$0x0] =	vst.idx.add.f32.msk $0xffff, v59  }
0x29e: {  	v3 =	vld [tilespmem:$0x300];
	_ =	sdelay $0x4  }
0x29f: {  	v3 =	vadd.s32 v1, v3;
	_ =	sdelay $0x4  }
0x2a0: {  	[tilespmem:v3+s7+$0x0] =	vst.idx.add.f32.msk $0xffff, v59  }
0x2a1: {  	v3 =	vld [tilespmem:$0x310];
	_ =	sdelay $0x4  }
0x2a2: {  	v3 =	vadd.s32 v1, v3;
	_ =	sdelay $0x4  }
0x2a3: {  	[tilespmem:v3+s7+$0x0] =	vst.idx.add.f32.msk $0xffff, v59  }
0x2a4: {  	v3 =	vld [tilespmem:$0x320];
	_ =	sdelay $0x4  }
0x2a5: {  	v3 =	vadd.s32 v1, v3;
	_ =	sdelay $0x4  }
0x2a6: {  	[tilespmem:v3+s7+$0x0] =	vst.idx.add.f32.msk $0xffff, v59  }
0x2a7: {  	v3 =	vld [tilespmem:$0x330];
	_ =	sdelay $0x4  }
0x2a8: {  	v3 =	vadd.s32 v1, v3;
	_ =	sdelay $0x4  }
0x2a9: {  	[tilespmem:v3+s7+$0x0] =	vst.idx.add.f32.msk $0xffff, v59  }
0x2aa: {  	v3 =	vld [tilespmem:$0x340];
	_ =	sdelay $0x4  }
0x2ab: {  	v3 =	vadd.s32 v1, v3;
	_ =	sdelay $0x4  }
0x2ac: {  	[tilespmem:v3+s7+$0x0] =	vst.idx.add.f32.msk $0xffff, v59  }
0x2ad: {  	v3 =	vld [tilespmem:$0x350];
	_ =	sdelay $0x4  }
0x2ae: {  	v3 =	vadd.s32 v1, v3;
	_ =	sdelay $0x4  }
0x2af: {  	[tilespmem:v3+s7+$0x0] =	vst.idx.add.f32.msk $0xffff, v59  }
0x2b0: {  	v3 =	vld [tilespmem:$0x360];
	_ =	sdelay $0x4  }
0x2b1: {  	v3 =	vadd.s32 v1, v3;
	_ =	sdelay $0x4  }
0x2b2: {  	[tilespmem:v3+s7+$0x0] =	vst.idx.add.f32.msk $0xffff, v59  }
0x2b3: {  	v3 =	vld [tilespmem:$0x370];
	_ =	sdelay $0x4  }
0x2b4: {  	v3 =	vadd.s32 v1, v3;
	_ =	sdelay $0x4  }
0x2b5: {  	[tilespmem:v3+s7+$0x0] =	vst.idx.add.f32.msk $0xffff, v59  }
0x2b6: {  	v3 =	vld [tilespmem:$0x380];
	_ =	sdelay $0x4  }
0x2b7: {  	v3 =	vadd.s32 v1, v3;
	_ =	sdelay $0x4  }
0x2b8: {  	[tilespmem:v3+s7+$0x0] =	vst.idx.add.f32.msk $0xffff, v59  }
0x2b9: {  	v3 =	vld [tilespmem:$0x390];
	_ =	sdelay $0x4  }
0x2ba: {  	v3 =	vadd.s32 v1, v3;
	_ =	sdelay $0x4  }
0x2bb: {  	[tilespmem:v3+s7+$0x0] =	vst.idx.add.f32.msk $0xffff, v59  }
0x2bc: {  	v3 =	vld [tilespmem:$0x3A0];
	_ =	sdelay $0x4  }
0x2bd: {  	v3 =	vadd.s32 v1, v3;
	_ =	sdelay $0x4  }
0x2be: {  	[tilespmem:v3+s7+$0x0] =	vst.idx.add.f32.msk $0xffff, v59  }
0x2bf: {  	v3 =	vld [tilespmem:$0x3B0];
	_ =	sdelay $0x4  }
0x2c0: {  	v3 =	vadd.s32 v1, v3;
	_ =	sdelay $0x4  }
0x2c1: {  	[tilespmem:v3+s7+$0x0] =	vst.idx.add.f32.msk $0xffff, v59  }
0x2c2: {  	v3 =	vld [tilespmem:$0x3C0];
	_ =	sdelay $0x4  }
0x2c3: {  	v3 =	vadd.s32 v1, v3;
	_ =	sdelay $0x4  }
0x2c4: {  	[tilespmem:v3+s7+$0x0] =	vst.idx.add.f32.msk $0xffff, v59  }
0x2c5: {  	v3 =	vld [tilespmem:$0x3D0];
	_ =	sdelay $0x4  }
0x2c6: {  	v3 =	vadd.s32 v1, v3;
	_ =	sdelay $0x4  }
0x2c7: {  	[tilespmem:v3+s7+$0x0] =	vst.idx.add.f32.msk $0xffff, v59  }
0x2c8: {  	v3 =	vld [tilespmem:$0x3E0];
	_ =	sdelay $0x4  }
0x2c9: {  	v3 =	vadd.s32 v1, v3;
	_ =	sdelay $0x4  }
0x2ca: {  	[tilespmem:v3+s7+$0x0] =	vst.idx.add.f32.msk $0xffff, v59  }
0x2cb: {  	v3 =	vld [tilespmem:$0x3F0];
	_ =	sdelay $0x4  }
0x2cc: {  	v3 =	vadd.s32 v1, v3;
	_ =	sdelay $0x4  }
0x2cd: {  	[tilespmem:v3+s7+$0x0] =	vst.idx.add.f32.msk $0xffff, v59  }
0x2ce: {  	v3 =	vld [tilespmem:$0x400];
	_ =	sdelay $0x4  }
0x2cf: {  	v3 =	vadd.s32 v1, v3;
	_ =	sdelay $0x4  }
0x2d0: {  	[tilespmem:v3+s7+$0x0] =	vst.idx.add.f32.msk $0xffff, v59  }
0x2d1: {  	v3 =	vld [tilespmem:$0x410];
	_ =	sdelay $0x4  }
0x2d2: {  	v3 =	vadd.s32 v1, v3;
	_ =	sdelay $0x4  }
0x2d3: {  	[tilespmem:v3+s7+$0x0] =	vst.idx.add.f32.msk $0xffff, v59  }
0x2d4: {  	v3 =	vld [tilespmem:$0x420];
	_ =	sdelay $0x4  }
0x2d5: {  	v3 =	vadd.s32 v1, v3;
	_ =	sdelay $0x4  }
0x2d6: {  	[tilespmem:v3+s7+$0x0] =	vst.idx.add.f32.msk $0xffff, v59  }
0x2d7: {  	v3 =	vld [tilespmem:$0x430];
	_ =	sdelay $0x4  }
0x2d8: {  	v3 =	vadd.s32 v1, v3;
	_ =	sdelay $0x4  }
0x2d9: {  	[tilespmem:v3+s7+$0x0] =	vst.idx.add.f32.msk $0xffff, v59  }
0x2da: {  	v3 =	vld [tilespmem:$0x440];
	_ =	sdelay $0x4  }
0x2db: {  	v3 =	vadd.s32 v1, v3;
	_ =	sdelay $0x4  }
0x2dc: {  	[tilespmem:v3+s7+$0x0] =	vst.idx.add.f32.msk $0xffff, v59  }
0x2dd: {  	v3 =	vld [tilespmem:$0x450];
	_ =	sdelay $0x4  }
0x2de: {  	v3 =	vadd.s32 v1, v3;
	_ =	sdelay $0x4  }
0x2df: {  	[tilespmem:v3+s7+$0x0] =	vst.idx.add.f32.msk $0xffff, v59  }
0x2e0: {  	v3 =	vld [tilespmem:$0x460];
	_ =	sdelay $0x4  }
0x2e1: {  	v3 =	vadd.s32 v1, v3;
	_ =	sdelay $0x4  }
0x2e2: {  	[tilespmem:v3+s7+$0x0] =	vst.idx.add.f32.msk $0xffff, v59  }
0x2e3: {  	v3 =	vld [tilespmem:$0x470];
	_ =	sdelay $0x4  }
0x2e4: {  	v3 =	vadd.s32 v1, v3;
	_ =	sdelay $0x4  }
0x2e5: {  	[tilespmem:v3+s7+$0x0] =	vst.idx.add.f32.msk $0xffff, v59  }
0x2e6: {  	v3 =	vld [tilespmem:$0x480];
	_ =	sdelay $0x4  }
0x2e7: {  	v3 =	vadd.s32 v1, v3;
	_ =	sdelay $0x4  }
0x2e8: {  	[tilespmem:v3+s7+$0x0] =	vst.idx.add.f32.msk $0xffff, v59  }
0x2e9: {  	v3 =	vld [tilespmem:$0x490];
	_ =	sdelay $0x4  }
0x2ea: {  	v3 =	vadd.s32 v1, v3;
	_ =	sdelay $0x4  }
0x2eb: {  	[tilespmem:v3+s7+$0x0] =	vst.idx.add.f32.msk $0xffff, v59  }
0x2ec: {  	v3 =	vld [tilespmem:$0x4A0];
	_ =	sdelay $0x4  }
0x2ed: {  	v3 =	vadd.s32 v1, v3;
	_ =	sdelay $0x4  }
0x2ee: {  	[tilespmem:v3+s7+$0x0] =	vst.idx.add.f32.msk $0xffff, v59  }
0x2ef: {  	v3 =	vld [tilespmem:$0x4B0];
	_ =	sdelay $0x4  }
0x2f0: {  	v3 =	vadd.s32 v1, v3;
	_ =	sdelay $0x4  }
0x2f1: {  	[tilespmem:v3+s7+$0x0] =	vst.idx.add.f32.msk $0xffff, v59  }
0x2f2: {  	v3 =	vld [tilespmem:$0x4C0];
	_ =	sdelay $0x4  }
0x2f3: {  	v3 =	vadd.s32 v1, v3;
	_ =	sdelay $0x4  }
0x2f4: {  	[tilespmem:v3+s7+$0x0] =	vst.idx.add.f32.msk $0xffff, v59  }
0x2f5: {  	v3 =	vld [tilespmem:$0x4D0];
	_ =	sdelay $0x4  }
0x2f6: {  	v3 =	vadd.s32 v1, v3;
	_ =	sdelay $0x4  }
0x2f7: {  	[tilespmem:v3+s7+$0x0] =	vst.idx.add.f32.msk $0xffff, v59  }
0x2f8: {  	v3 =	vld [tilespmem:$0x4E0];
	_ =	sdelay $0x4  }
0x2f9: {  	v3 =	vadd.s32 v1, v3;
	_ =	sdelay $0x4  }
0x2fa: {  	[tilespmem:v3+s7+$0x0] =	vst.idx.add.f32.msk $0xffff, v59  }
0x2fb: {  	v3 =	vld [tilespmem:$0x4F0];
	_ =	sdelay $0x4  }
0x2fc: {  	v3 =	vadd.s32 v1, v3;
	_ =	sdelay $0x4  }
0x2fd: {  	[tilespmem:v3+s7+$0x0] =	vst.idx.add.f32.msk $0xffff, v59  }
0x2fe: {  	v3 =	vld [tilespmem:$0x500];
	_ =	sdelay $0x4  }
0x2ff: {  	v3 =	vadd.s32 v1, v3;
	_ =	sdelay $0x4  }
0x300: {  	[tilespmem:v3+s7+$0x0] =	vst.idx.add.f32.msk $0xffff, v59  }
0x301: {  	v3 =	vld [tilespmem:$0x510];
	_ =	sdelay $0x4  }
0x302: {  	v3 =	vadd.s32 v1, v3;
	_ =	sdelay $0x4  }
0x303: {  	[tilespmem:v3+s7+$0x0] =	vst.idx.add.f32.msk $0xffff, v59  }
0x304: {  	v3 =	vld [tilespmem:$0x520];
	_ =	sdelay $0x4  }
0x305: {  	v3 =	vadd.s32 v1, v3;
	_ =	sdelay $0x4  }
0x306: {  	[tilespmem:v3+s7+$0x0] =	vst.idx.add.f32.msk $0xffff, v59  }
0x307: {  	v3 =	vld [tilespmem:$0x530];
	_ =	sdelay $0x4  }
0x308: {  	v3 =	vadd.s32 v1, v3;
	_ =	sdelay $0x4  }
0x309: {  	[tilespmem:v3+s7+$0x0] =	vst.idx.add.f32.msk $0xffff, v59  }
0x30a: {  	v3 =	vld [tilespmem:$0x540];
	_ =	sdelay $0x4  }
0x30b: {  	v3 =	vadd.s32 v1, v3;
	_ =	sdelay $0x4  }
0x30c: {  	[tilespmem:v3+s7+$0x0] =	vst.idx.add.f32.msk $0xffff, v59  }
0x30d: {  	v3 =	vld [tilespmem:$0x550];
	_ =	sdelay $0x4  }
0x30e: {  	v3 =	vadd.s32 v1, v3;
	_ =	sdelay $0x4  }
0x30f: {  	[tilespmem:v3+s7+$0x0] =	vst.idx.add.f32.msk $0xffff, v59  }
0x310: {  	v3 =	vld [tilespmem:$0x560];
	_ =	sdelay $0x4  }
0x311: {  	v3 =	vadd.s32 v1, v3;
	_ =	sdelay $0x4  }
0x312: {  	[tilespmem:v3+s7+$0x0] =	vst.idx.add.f32.msk $0xffff, v59  }
0x313: {  	v3 =	vld [tilespmem:$0x570];
	_ =	sdelay $0x4  }
0x314: {  	v3 =	vadd.s32 v1, v3;
	_ =	sdelay $0x4  }
0x315: {  	[tilespmem:v3+s7+$0x0] =	vst.idx.add.f32.msk $0xffff, v59  }
0x316: {  	v3 =	vld [tilespmem:$0x580];
	_ =	sdelay $0x4  }
0x317: {  	v3 =	vadd.s32 v1, v3;
	_ =	sdelay $0x4  }
0x318: {  	[tilespmem:v3+s7+$0x0] =	vst.idx.add.f32.msk $0xffff, v59  }
0x319: {  	v3 =	vld [tilespmem:$0x590];
	_ =	sdelay $0x4  }
0x31a: {  	v3 =	vadd.s32 v1, v3;
	_ =	sdelay $0x4  }
0x31b: {  	[tilespmem:v3+s7+$0x0] =	vst.idx.add.f32.msk $0xffff, v59  }
0x31c: {  	v3 =	vld [tilespmem:$0x5A0];
	_ =	sdelay $0x4  }
0x31d: {  	v3 =	vadd.s32 v1, v3;
	_ =	sdelay $0x4  }
0x31e: {  	[tilespmem:v3+s7+$0x0] =	vst.idx.add.f32.msk $0xffff, v59  }
0x31f: {  	v3 =	vld [tilespmem:$0x5B0];
	_ =	sdelay $0x4  }
0x320: {  	v3 =	vadd.s32 v1, v3;
	_ =	sdelay $0x4  }
0x321: {  	[tilespmem:v3+s7+$0x0] =	vst.idx.add.f32.msk $0xffff, v59  }
0x322: {  	v3 =	vld [tilespmem:$0x5C0];
	_ =	sdelay $0x4  }
0x323: {  	v3 =	vadd.s32 v1, v3;
	_ =	sdelay $0x4  }
0x324: {  	[tilespmem:v3+s7+$0x0] =	vst.idx.add.f32.msk $0xffff, v59  }
0x325: {  	v3 =	vld [tilespmem:$0x5D0];
	_ =	sdelay $0x4  }
0x326: {  	v3 =	vadd.s32 v1, v3;
	_ =	sdelay $0x4  }
0x327: {  	[tilespmem:v3+s7+$0x0] =	vst.idx.add.f32.msk $0xffff, v59  }
0x328: {  	v3 =	vld [tilespmem:$0x5E0];
	_ =	sdelay $0x4  }
0x329: {  	v3 =	vadd.s32 v1, v3;
	_ =	sdelay $0x4  }
0x32a: {  	[tilespmem:v3+s7+$0x0] =	vst.idx.add.f32.msk $0xffff, v59  }
0x32b: {  	v3 =	vld [tilespmem:$0x5F0];
	_ =	sdelay $0x4  }
0x32c: {  	v3 =	vadd.s32 v1, v3;
	_ =	sdelay $0x4  }
0x32d: {  	[tilespmem:v3+s7+$0x0] =	vst.idx.add.f32.msk $0xffff, v59  }
0x32e: {  	v3 =	vld [tilespmem:$0x600];
	_ =	sdelay $0x4  }
0x32f: {  	v3 =	vadd.s32 v1, v3;
	_ =	sdelay $0x4  }
0x330: {  	[tilespmem:v3+s7+$0x0] =	vst.idx.add.f32.msk $0xffff, v59  }
0x331: {  	v3 =	vld [tilespmem:$0x610];
	_ =	sdelay $0x4  }
0x332: {  	v3 =	vadd.s32 v1, v3;
	_ =	sdelay $0x4  }
0x333: {  	[tilespmem:v3+s7+$0x0] =	vst.idx.add.f32.msk $0xffff, v59  }
0x334: {  	v3 =	vld [tilespmem:$0x620];
	_ =	sdelay $0x4  }
0x335: {  	v3 =	vadd.s32 v1, v3;
	_ =	sdelay $0x4  }
0x336: {  	[tilespmem:v3+s7+$0x0] =	vst.idx.add.f32.msk $0xffff, v59  }
0x337: {  	v3 =	vld [tilespmem:$0x630];
	_ =	sdelay $0x4  }
0x338: {  	v3 =	vadd.s32 v1, v3;
	_ =	sdelay $0x4  }
0x339: {  	[tilespmem:v3+s7+$0x0] =	vst.idx.add.f32.msk $0xffff, v59  }
0x33a: {  	v3 =	vld [tilespmem:$0x640];
	_ =	sdelay $0x4  }
0x33b: {  	v3 =	vadd.s32 v1, v3;
	_ =	sdelay $0x4  }
0x33c: {  	[tilespmem:v3+s7+$0x0] =	vst.idx.add.f32.msk $0xffff, v59  }
0x33d: {  	v3 =	vld [tilespmem:$0x650];
	_ =	sdelay $0x4  }
0x33e: {  	v3 =	vadd.s32 v1, v3;
	_ =	sdelay $0x4  }
0x33f: {  	[tilespmem:v3+s7+$0x0] =	vst.idx.add.f32.msk $0xffff, v59  }
0x340: {  	v3 =	vld [tilespmem:$0x660];
	_ =	sdelay $0x4  }
0x341: {  	v3 =	vadd.s32 v1, v3;
	_ =	sdelay $0x4  }
0x342: {  	[tilespmem:v3+s7+$0x0] =	vst.idx.add.f32.msk $0xffff, v59  }
0x343: {  	v3 =	vld [tilespmem:$0x670];
	_ =	sdelay $0x4  }
0x344: {  	v3 =	vadd.s32 v1, v3;
	_ =	sdelay $0x4  }
0x345: {  	[tilespmem:v3+s7+$0x0] =	vst.idx.add.f32.msk $0xffff, v59  }
0x346: {  	v3 =	vld [tilespmem:$0x680];
	_ =	sdelay $0x4  }
0x347: {  	v3 =	vadd.s32 v1, v3;
	_ =	sdelay $0x4  }
0x348: {  	[tilespmem:v3+s7+$0x0] =	vst.idx.add.f32.msk $0xffff, v59  }
0x349: {  	v3 =	vld [tilespmem:$0x690];
	_ =	sdelay $0x4  }
0x34a: {  	v3 =	vadd.s32 v1, v3;
	_ =	sdelay $0x4  }
0x34b: {  	[tilespmem:v3+s7+$0x0] =	vst.idx.add.f32.msk $0xffff, v59  }
0x34c: {  	v3 =	vld [tilespmem:$0x6A0];
	_ =	sdelay $0x4  }
0x34d: {  	v3 =	vadd.s32 v1, v3;
	_ =	sdelay $0x4  }
0x34e: {  	[tilespmem:v3+s7+$0x0] =	vst.idx.add.f32.msk $0xffff, v59  }
0x34f: {  	v3 =	vld [tilespmem:$0x6B0];
	_ =	sdelay $0x4  }
0x350: {  	v3 =	vadd.s32 v1, v3;
	_ =	sdelay $0x4  }
0x351: {  	[tilespmem:v3+s7+$0x0] =	vst.idx.add.f32.msk $0xffff, v59  }
0x352: {  	v3 =	vld [tilespmem:$0x6C0];
	_ =	sdelay $0x4  }
0x353: {  	v3 =	vadd.s32 v1, v3;
	_ =	sdelay $0x4  }
0x354: {  	[tilespmem:v3+s7+$0x0] =	vst.idx.add.f32.msk $0xffff, v59  }
0x355: {  	v3 =	vld [tilespmem:$0x6D0];
	_ =	sdelay $0x4  }
0x356: {  	v3 =	vadd.s32 v1, v3;
	_ =	sdelay $0x4  }
0x357: {  	[tilespmem:v3+s7+$0x0] =	vst.idx.add.f32.msk $0xffff, v59  }
0x358: {  	v3 =	vld [tilespmem:$0x6E0];
	_ =	sdelay $0x4  }
0x359: {  	v3 =	vadd.s32 v1, v3;
	_ =	sdelay $0x4  }
0x35a: {  	[tilespmem:v3+s7+$0x0] =	vst.idx.add.f32.msk $0xffff, v59  }
0x35b: {  	v3 =	vld [tilespmem:$0x6F0];
	_ =	sdelay $0x4  }
0x35c: {  	v3 =	vadd.s32 v1, v3;
	_ =	sdelay $0x4  }
0x35d: {  	[tilespmem:v3+s7+$0x0] =	vst.idx.add.f32.msk $0xffff, v59  }
0x35e: {  	v3 =	vld [tilespmem:$0x700];
	_ =	sdelay $0x4  }
0x35f: {  	v3 =	vadd.s32 v1, v3;
	_ =	sdelay $0x4  }
0x360: {  	[tilespmem:v3+s7+$0x0] =	vst.idx.add.f32.msk $0xffff, v59  }
0x361: {  	v3 =	vld [tilespmem:$0x710];
	_ =	sdelay $0x4  }
0x362: {  	v3 =	vadd.s32 v1, v3;
	_ =	sdelay $0x4  }
0x363: {  	[tilespmem:v3+s7+$0x0] =	vst.idx.add.f32.msk $0xffff, v59  }
0x364: {  	v3 =	vld [tilespmem:$0x720];
	_ =	sdelay $0x4  }
0x365: {  	v3 =	vadd.s32 v1, v3;
	_ =	sdelay $0x4  }
0x366: {  	[tilespmem:v3+s7+$0x0] =	vst.idx.add.f32.msk $0xffff, v59  }
0x367: {  	v3 =	vld [tilespmem:$0x730];
	_ =	sdelay $0x4  }
0x368: {  	v3 =	vadd.s32 v1, v3;
	_ =	sdelay $0x4  }
0x369: {  	[tilespmem:v3+s7+$0x0] =	vst.idx.add.f32.msk $0xffff, v59  }
0x36a: {  	v3 =	vld [tilespmem:$0x740];
	_ =	sdelay $0x4  }
0x36b: {  	v3 =	vadd.s32 v1, v3;
	_ =	sdelay $0x4  }
0x36c: {  	[tilespmem:v3+s7+$0x0] =	vst.idx.add.f32.msk $0xffff, v59  }
0x36d: {  	v3 =	vld [tilespmem:$0x750];
	_ =	sdelay $0x4  }
0x36e: {  	v3 =	vadd.s32 v1, v3;
	_ =	sdelay $0x4  }
0x36f: {  	[tilespmem:v3+s7+$0x0] =	vst.idx.add.f32.msk $0xffff, v59  }
0x370: {  	v3 =	vld [tilespmem:$0x760];
	_ =	sdelay $0x4  }
0x371: {  	v3 =	vadd.s32 v1, v3;
	_ =	sdelay $0x4  }
0x372: {  	[tilespmem:v3+s7+$0x0] =	vst.idx.add.f32.msk $0xffff, v59  }
0x373: {  	v3 =	vld [tilespmem:$0x770];
	_ =	sdelay $0x4  }
0x374: {  	v3 =	vadd.s32 v1, v3;
	_ =	sdelay $0x4  }
0x375: {  	[tilespmem:v3+s7+$0x0] =	vst.idx.add.f32.msk $0xffff, v59  }
0x376: {  	v3 =	vld [tilespmem:$0x780];
	_ =	sdelay $0x4  }
0x377: {  	v3 =	vadd.s32 v1, v3;
	_ =	sdelay $0x4  }
0x378: {  	[tilespmem:v3+s7+$0x0] =	vst.idx.add.f32.msk $0xffff, v59  }
0x379: {  	v3 =	vld [tilespmem:$0x790];
	_ =	sdelay $0x4  }
0x37a: {  	v3 =	vadd.s32 v1, v3;
	_ =	sdelay $0x4  }
0x37b: {  	[tilespmem:v3+s7+$0x0] =	vst.idx.add.f32.msk $0xffff, v59  }
0x37c: {  	v3 =	vld [tilespmem:$0x7A0];
	_ =	sdelay $0x4  }
0x37d: {  	v3 =	vadd.s32 v1, v3;
	_ =	sdelay $0x4  }
0x37e: {  	[tilespmem:v3+s7+$0x0] =	vst.idx.add.f32.msk $0xffff, v59  }
0x37f: {  	v3 =	vld [tilespmem:$0x7B0];
	_ =	sdelay $0x4  }
0x380: {  	v3 =	vadd.s32 v1, v3;
	_ =	sdelay $0x4  }
0x381: {  	[tilespmem:v3+s7+$0x0] =	vst.idx.add.f32.msk $0xffff, v59  }
0x382: {  	v3 =	vld [tilespmem:$0x7C0];
	_ =	sdelay $0x4  }
0x383: {  	v3 =	vadd.s32 v1, v3;
	_ =	sdelay $0x4  }
0x384: {  	[tilespmem:v3+s7+$0x0] =	vst.idx.add.f32.msk $0xffff, v59  }
0x385: {  	v3 =	vld [tilespmem:$0x7D0];
	_ =	sdelay $0x4  }
0x386: {  	v3 =	vadd.s32 v1, v3;
	_ =	sdelay $0x4  }
0x387: {  	[tilespmem:v3+s7+$0x0] =	vst.idx.add.f32.msk $0xffff, v59  }
0x388: {  	v3 =	vld [tilespmem:$0x7E0];
	_ =	sdelay $0x4  }
0x389: {  	v3 =	vadd.s32 v1, v3;
	_ =	sdelay $0x4  }
0x38a: {  	[tilespmem:v3+s7+$0x0] =	vst.idx.add.f32.msk $0xffff, v59  }
0x38b: {  	v3 =	vld [tilespmem:$0x7F0];
	_ =	sdelay $0x4  }
0x38c: {  	v3 =	vadd.s32 v1, v3;
	_ =	sdelay $0x4  }
0x38d: {  	[tilespmem:v3+s7+$0x0] =	vst.idx.add.f32.msk $0xffff, v59  }
0x38e: {  	v3 =	vld [tilespmem:$0x800]  }
0x38f: {  	v4 =	vld [tilespmem:$0xA00]  }
0x390: {  	v5 =	vld [tilespmem:$0xC00]  }
0x391: {  	v6 =	vld [tilespmem:$0xE00]  }
0x392: {  	v7 =	vld [tilespmem:$0x1000]  }
0x393: {  	v8 =	vld [tilespmem:$0x1200]  }
0x394: {  	v9 =	vld [tilespmem:$0x1400]  }
0x395: {  	v10 =	vld [tilespmem:$0x1600]  }
0x396: {  	v11 =	vld [tilespmem:$0x810]  }
0x397: {  	v12 =	vld [tilespmem:$0xA10]  }
0x398: {  	v13 =	vld [tilespmem:$0x1800]  }
0x399: {  	v14 =	vld [tilespmem:$0xC10]  }
0x39a: {  	v15 =	vld [tilespmem:$0x1A00]  }
0x39b: {  	v45 =	vld [tilespmem:$0xE10]  }
0x39c: {  	v16 =	vld [tilespmem:$0x1C00]  }
0x39d: {  	v46 =	vld [tilespmem:$0x1010]  }
0x39e: {  	v47 =	vld [tilespmem:$0x1E00]  }
0x39f: {  	v48 =	vld [tilespmem:$0x1210]  }
0x3a0: {  	v49 =	vld [tilespmem:$0x2000]  }
0x3a1: {  	v50 =	vld [tilespmem:$0x1410]  }
0x3a2: {  	v51 =	vld [tilespmem:$0x2200]  }
0x3a3: {  	v52 =	vld [tilespmem:$0x1610]  }
0x3a4: {  	v53 =	vld [tilespmem:$0x2400]  }
0x3a5: {  	v54 =	vld [tilespmem:$0x1810]  }
0x3a6: {  	v55 =	vld [tilespmem:$0x2600]  }
0x3a7: {  	v56 =	vld [tilespmem:$0x1A10]  }
0x3a8: {  	v57 =	vld [tilespmem:$0x1C10]  }
0x3a9: {  	v58 =	vld [tilespmem:$0x1E10]  }
0x3aa: {  	v60 =	vld [tilespmem:$0x2010]  }
0x3ab: {  	v61 =	vld [tilespmem:$0x2210]  }
0x3ac: {  	v62 =	vld [tilespmem:$0x2410]  }
0x3ad: {  	v63 =	vld [tilespmem:$0x2610]  }
0x3ae: {  	v28 =	vld [tilespmem:$0x820]  }
0x3af: {  	v23 =	vld [tilespmem:$0xA20]  }
0x3b0: {  	v29 =	vld [tilespmem:$0xC20]  }
0x3b1: {  	v33 =	vld [tilespmem:$0xE20]  }
0x3b2: {  	v37 =	vld [tilespmem:$0x1020]  }
0x3b3: {  	v39 =	vld [tilespmem:$0x1220]  }
0x3b4: {  	v42 =	vld [tilespmem:$0x1420]  }
0x3b5: {  	v2 =	vld [tilespmem:$0x1E20]  }
0x3b6: {  	v17 =	vld [tilespmem:$0x1630]  }
0x3b7: {  	v20 =	vld [tilespmem:$0x1830]  }
0x3b8: {  	v22 =	vld [tilespmem:$0x1A30]  }
0x3b9: {  	v30 =	vld [tilespmem:$0x1C30]  }
0x3ba: {  	v36 =	vld [tilespmem:$0x1E30]  }
0x3bb: {  	v40 =	vld [tilespmem:$0x2030]  }
0x3bc: {  	v18 =	vld [tilespmem:$0x1040]  }
0x3bd: {  	v19 =	vld [tilespmem:$0x1240]  }
0x3be: {  	v21 =	vld [tilespmem:$0x1440]  }
0x3bf: {  	v24 =	vld [tilespmem:$0x1640]  }
0x3c0: {  	v25 =	vld [tilespmem:$0x1840]  }
0x3c1: {  	v26 =	vld [tilespmem:$0x1A40]  }
0x3c2: {  	v27 =	vld [tilespmem:$0x1C40]  }
0x3c3: {  	v31 =	vld [tilespmem:$0x1E40];
	v3 =	vadd.f32 v4, v3  }
0x3c4: {  	v32 =	vld [tilespmem:$0x2040];
	v11 =	vadd.f32 v12, v11  }
0x3c5: {  	v34 =	vld [tilespmem:$0x2240];
	v3 =	vadd.f32 v5, v3  }
0x3c6: {  	v35 =	vld [tilespmem:$0x2440];
	v11 =	vadd.f32 v14, v11  }
0x3c7: {  	v38 =	vld [tilespmem:$0x2640];
	v3 =	vadd.f32 v6, v3  }
0x3c8: {  	[tilespmem:$0x1EE90] =	vst v2;
	v2 =	vld [tilespmem:$0x2020];
	v4 =	vadd.f32 v45, v11  }
0x3c9: {  	v43 =	vld [tilespmem:$0xE50];
	v3 =	vadd.f32 v7, v3  }
0x3ca: {  	v12 =	vld [tilespmem:$0x1230];
	v4 =	vadd.f32 v46, v4  }
0x3cb: {  	[tilespmem:$0x1EFE0] =	vst v31;
	v31 =	vld [tilespmem:$0x850];
	v3 =	vadd.f32 v8, v3  }
0x3cc: {  	[tilespmem:$0x1EF60] =	vst v25;
	v25 =	vld [tilespmem:$0xA50];
	v4 =	vadd.f32 v48, v4  }
0x3cd: {  	[tilespmem:$0x1EEA0] =	vst v2;
	v2 =	vld [tilespmem:$0x2220];
	v3 =	vadd.f32 v9, v3  }
0x3ce: {  	[tilespmem:$0x1F060] =	vst v34;
	v34 =	vld [tilespmem:$0xC50];
	v4 =	vadd.f32 v50, v4  }
0x3cf: {  	v5 =	vld [tilespmem:$0x830];
	v3 =	vadd.f32 v10, v3  }
0x3d0: {  	v45 =	vld [tilespmem:$0x2230];
	v4 =	vadd.f32 v52, v4  }
0x3d1: {  	v7 =	vld [tilespmem:$0xC30];
	v3 =	vadd.f32 v13, v3  }
0x3d2: {  	[tilespmem:$0x1EEB0] =	vst v2;
	v2 =	vld [tilespmem:$0x2420];
	v4 =	vadd.f32 v54, v4  }
0x3d3: {  	v50 =	vld [tilespmem:$0x1820];
	v3 =	vadd.f32 v15, v3  }
0x3d4: {  	v9 =	vld [tilespmem:$0xE30];
	v4 =	vadd.f32 v56, v4  }
0x3d5: {  	[tilespmem:$0x1EEF0] =	vst v18;
	v10 =	vld [tilespmem:$0x1030];
	v3 =	vadd.f32 v16, v3  }
0x3d6: {  	[tilespmem:$0x1EF00] =	vst v19;
	v52 =	vld [tilespmem:$0x2430];
	v4 =	vadd.f32 v57, v4  }
0x3d7: {  	[tilespmem:$0x1EEC0] =	vst v2;
	v2 =	vld [tilespmem:$0x2620];
	v3 =	vadd.f32 v47, v3  }
0x3d8: {  	[tilespmem:$0x1EF20] =	vst v21;
	v15 =	vld [tilespmem:$0x1430];
	v4 =	vadd.f32 v58, v4  }
0x3d9: {  	[tilespmem:$0x1EF40] =	vst v24;
	v56 =	vld [tilespmem:$0x1050];
	v3 =	vadd.f32 v49, v3  }
0x3da: {  	[tilespmem:$0x1EF80] =	vst v26;
	v16 =	vld [tilespmem:$0xE40];
	v4 =	vadd.f32 v60, v4  }
0x3db: {  	[tilespmem:$0x1EFB0] =	vst v27;
	v47 =	vld [tilespmem:$0x1620];
	v3 =	vadd.f32 v51, v3  }
0x3dc: {  	[tilespmem:$0x1F020] =	vst v32;
	v58 =	vld [tilespmem:$0x1A20];
	v4 =	vadd.f32 v61, v4  }
0x3dd: {  	[tilespmem:$0x1EED0] =	vst v2;
	v2 =	vld [tilespmem:$0x2630];
	v3 =	vadd.f32 v53, v3  }
0x3de: {  	[tilespmem:$0x1F0A0] =	vst v35;
	v49 =	vld [tilespmem:$0xA40];
	v4 =	vadd.f32 v62, v4  }
0x3df: {  	[tilespmem:$0x1F0E0] =	vst v38;
	v60 =	vld [tilespmem:$0xC40];
	v3 =	vadd.f32 v55, v3  }
0x3e0: {  	[tilespmem:$0x1EEE0] =	vst v16;
	v61 =	vld [tilespmem:$0x1C20];
	v4 =	vadd.f32 v63, v4  }
0x3e1: {  	v55 =	vld [tilespmem:$0x840];
	[tilespmem:$0x2800] =	vst v3  }
0x3e2: {  	[tilespmem:$0x2810] =	vst v4;
	v3 =	vld [tilespmem:$0xA30]  }
0x3e3: {  	v4 =	vld [tilespmem:$0x1250]  }
0x3e4: {  	v63 =	vld [tilespmem:$0x2650];
	_ =	sdelay $0x4  }
0x3e5: {  	[tilespmem:$0x1F100] =	vst v63;
	v63 =	vld [tilespmem:$0x880];
	_ =	sdelay $0x4  }
0x3e6: {  	[tilespmem:$0x1F130] =	vst v63;
	v63 =	vld [tilespmem:$0x1480];
	_ =	sdelay $0x4  }
0x3e7: {  	[tilespmem:$0x1F230] =	vst v63;
	v63 =	vld [tilespmem:$0x2080];
	_ =	sdelay $0x4  }
0x3e8: {  	[tilespmem:$0x1F3B0] =	vst v63;
	v63 =	vld [tilespmem:$0xC90];
	_ =	sdelay $0x4  }
0x3e9: {  	[tilespmem:$0x1F190] =	vst v63;
	v63 =	vld [tilespmem:$0x1890];
	_ =	sdelay $0x4  }
0x3ea: {  	[tilespmem:$0x1F2D0] =	vst v63;
	v63 =	vld [tilespmem:$0x2490];
	_ =	sdelay $0x4  }
0x3eb: {  	[tilespmem:$0x1F450] =	vst v63;
	v63 =	vld [tilespmem:$0x10A0];
	_ =	sdelay $0x4  }
0x3ec: {  	[tilespmem:$0x1F210] =	vst v63;
	v63 =	vld [tilespmem:$0x18A0];
	_ =	sdelay $0x4  }
0x3ed: {  	[tilespmem:$0x1F300] =	vst v63;
	v63 =	vld [tilespmem:$0x20A0];
	_ =	sdelay $0x4  }
0x3ee: {  	[tilespmem:$0x1F400] =	vst v63;
	v63 =	vld [tilespmem:$0x12B0];
	_ =	sdelay $0x4  }
0x3ef: {  	[tilespmem:$0x1F260] =	vst v63;
	v63 =	vld [tilespmem:$0x14B0];
	_ =	sdelay $0x4  }
0x3f0: {  	[tilespmem:$0x1F2A0] =	vst v63;
	v63 =	vld [tilespmem:$0x16B0];
	_ =	sdelay $0x4  }
0x3f1: {  	[tilespmem:$0x1F2E0] =	vst v63;
	v63 =	vld [tilespmem:$0x18B0];
	_ =	sdelay $0x4  }
0x3f2: {  	[tilespmem:$0x1F320] =	vst v63;
	v63 =	vld [tilespmem:$0x1AB0];
	_ =	sdelay $0x4  }
0x3f3: {  	[tilespmem:$0x1F360] =	vst v63;
	v63 =	vld [tilespmem:$0x1CB0];
	_ =	sdelay $0x4  }
0x3f4: {  	[tilespmem:$0x1F3A0] =	vst v63;
	v63 =	vld [tilespmem:$0x1EB0];
	_ =	sdelay $0x4  }
0x3f5: {  	[tilespmem:$0x1F3E0] =	vst v63;
	v63 =	vld [tilespmem:$0x20B0];
	_ =	sdelay $0x4  }
0x3f6: {  	[tilespmem:$0x1F420] =	vst v63;
	v63 =	vld [tilespmem:$0x22B0];
	_ =	sdelay $0x4  }
0x3f7: {  	[tilespmem:$0x1F460] =	vst v63;
	v63 =	vld [tilespmem:$0x24B0];
	_ =	sdelay $0x4  }
0x3f8: {  	[tilespmem:$0x1F4A0] =	vst v63;
	v63 =	vld [tilespmem:$0x26B0];
	_ =	sdelay $0x4  }
0x3f9: {  	[tilespmem:$0x1F4E0] =	vst v63;
	v63 =	vld [tilespmem:$0x8C0];
	_ =	sdelay $0x4  }
0x3fa: {  	[tilespmem:$0x1F4C0] =	vst v63;
	v63 =	vld [tilespmem:$0xAC0];
	_ =	sdelay $0x4  }
0x3fb: {  	[tilespmem:$0x1F4D0] =	vst v63;
	v63 =	vld [tilespmem:$0xCC0];
	_ =	sdelay $0x4  }
0x3fc: {  	[tilespmem:$0x1F510] =	vst v63;
	v63 =	vld [tilespmem:$0xEC0];
	_ =	sdelay $0x4  }
0x3fd: {  	[tilespmem:$0x1F570] =	vst v63;
	v63 =	vld [tilespmem:$0x10C0];
	_ =	sdelay $0x4  }
0x3fe: {  	[tilespmem:$0x1F5B0] =	vst v63;
	v63 =	vld [tilespmem:$0x12C0];
	_ =	sdelay $0x4  }
0x3ff: {  	[tilespmem:$0x1F5F0] =	vst v63;
	v63 =	vld [tilespmem:$0x14C0];
	_ =	sdelay $0x4  }
0x400: {  	[tilespmem:$0x1F630] =	vst v63;
	v63 =	vld [tilespmem:$0x16C0];
	_ =	sdelay $0x4  }
0x401: {  	[tilespmem:$0x1F670] =	vst v63;
	v63 =	vld [tilespmem:$0x18C0];
	_ =	sdelay $0x4  }
0x402: {  	[tilespmem:$0x1F6B0] =	vst v63;
	v63 =	vld [tilespmem:$0x1AC0];
	_ =	sdelay $0x4  }
0x403: {  	[tilespmem:$0x1F6F0] =	vst v63;
	v63 =	vld [tilespmem:$0x1CC0];
	_ =	sdelay $0x4  }
0x404: {  	[tilespmem:$0x1F730] =	vst v63;
	v63 =	vld [tilespmem:$0x1EC0];
	_ =	sdelay $0x4  }
0x405: {  	[tilespmem:$0x1F770] =	vst v63;
	v63 =	vld [tilespmem:$0x20C0];
	_ =	sdelay $0x4  }
0x406: {  	[tilespmem:$0x1F7B0] =	vst v63;
	v63 =	vld [tilespmem:$0x22C0];
	_ =	sdelay $0x4  }
0x407: {  	[tilespmem:$0x1F7F0] =	vst v63;
	v63 =	vld [tilespmem:$0x24C0];
	_ =	sdelay $0x4  }
0x408: {  	[tilespmem:$0x1F830] =	vst v63;
	v63 =	vld [tilespmem:$0x26C0];
	_ =	sdelay $0x4  }
0x409: {  	[tilespmem:$0x1F870] =	vst v63;
	v63 =	vld [tilespmem:$0x8D0];
	_ =	sdelay $0x4  }
0x40a: {  	[tilespmem:$0x1F4F0] =	vst v63;
	v63 =	vld [tilespmem:$0xAD0];
	_ =	sdelay $0x4  }
0x40b: {  	[tilespmem:$0x1F500] =	vst v63;
	v63 =	vld [tilespmem:$0xCD0];
	_ =	sdelay $0x4  }
0x40c: {  	[tilespmem:$0x1F540] =	vst v63;
	v63 =	vld [tilespmem:$0xED0];
	_ =	sdelay $0x4  }
0x40d: {  	[tilespmem:$0x1F590] =	vst v63;
	v63 =	vld [tilespmem:$0x10D0];
	_ =	sdelay $0x4  }
0x40e: {  	[tilespmem:$0x1F5D0] =	vst v63;
	v63 =	vld [tilespmem:$0x12D0];
	_ =	sdelay $0x4  }
0x40f: {  	[tilespmem:$0x1F610] =	vst v63;
	v63 =	vld [tilespmem:$0x14D0];
	_ =	sdelay $0x4  }
0x410: {  	[tilespmem:$0x1F650] =	vst v63;
	v63 =	vld [tilespmem:$0x16D0];
	_ =	sdelay $0x4  }
0x411: {  	[tilespmem:$0x1F690] =	vst v63;
	v63 =	vld [tilespmem:$0x18D0];
	_ =	sdelay $0x4  }
0x412: {  	[tilespmem:$0x1F6D0] =	vst v63;
	v63 =	vld [tilespmem:$0x1AD0];
	_ =	sdelay $0x4  }
0x413: {  	[tilespmem:$0x1F710] =	vst v63;
	v63 =	vld [tilespmem:$0x1CD0];
	_ =	sdelay $0x4  }
0x414: {  	[tilespmem:$0x1F750] =	vst v63;
	v63 =	vld [tilespmem:$0x1ED0];
	_ =	sdelay $0x4  }
0x415: {  	[tilespmem:$0x1F790] =	vst v63;
	v63 =	vld [tilespmem:$0x20D0];
	_ =	sdelay $0x4  }
0x416: {  	[tilespmem:$0x1F7D0] =	vst v63;
	v63 =	vld [tilespmem:$0x22D0];
	_ =	sdelay $0x4  }
0x417: {  	[tilespmem:$0x1F810] =	vst v63;
	v63 =	vld [tilespmem:$0x24D0];
	_ =	sdelay $0x4  }
0x418: {  	[tilespmem:$0x1F850] =	vst v63;
	v63 =	vld [tilespmem:$0x26D0];
	_ =	sdelay $0x4  }
0x419: {  	[tilespmem:$0x1F890] =	vst v63;
	v63 =	vld [tilespmem:$0x8E0];
	_ =	sdelay $0x4  }
0x41a: {  	[tilespmem:$0x1F520] =	vst v63;
	v63 =	vld [tilespmem:$0xAE0];
	_ =	sdelay $0x4  }
0x41b: {  	[tilespmem:$0x1F530] =	vst v63;
	v63 =	vld [tilespmem:$0xCE0];
	_ =	sdelay $0x4  }
0x41c: {  	[tilespmem:$0x1F580] =	vst v63;
	v63 =	vld [tilespmem:$0xEE0];
	_ =	sdelay $0x4  }
0x41d: {  	[tilespmem:$0x1F5C0] =	vst v63;
	v63 =	vld [tilespmem:$0x10E0];
	_ =	sdelay $0x4  }
0x41e: {  	[tilespmem:$0x1F600] =	vst v63;
	v63 =	vld [tilespmem:$0x12E0];
	_ =	sdelay $0x4  }
0x41f: {  	[tilespmem:$0x1F640] =	vst v63;
	v63 =	vld [tilespmem:$0x14E0];
	_ =	sdelay $0x4  }
0x420: {  	[tilespmem:$0x1F680] =	vst v63;
	v63 =	vld [tilespmem:$0x16E0];
	_ =	sdelay $0x4  }
0x421: {  	[tilespmem:$0x1F6C0] =	vst v63;
	v63 =	vld [tilespmem:$0x18E0];
	_ =	sdelay $0x4  }
0x422: {  	[tilespmem:$0x1F700] =	vst v63;
	v63 =	vld [tilespmem:$0x1AE0];
	_ =	sdelay $0x4  }
0x423: {  	[tilespmem:$0x1F740] =	vst v63;
	v63 =	vld [tilespmem:$0x1CE0];
	_ =	sdelay $0x4  }
0x424: {  	[tilespmem:$0x1F780] =	vst v63;
	v63 =	vld [tilespmem:$0x1EE0];
	_ =	sdelay $0x4  }
0x425: {  	[tilespmem:$0x1F7C0] =	vst v63;
	v63 =	vld [tilespmem:$0x20E0];
	_ =	sdelay $0x4  }
0x426: {  	[tilespmem:$0x1F800] =	vst v63;
	v63 =	vld [tilespmem:$0x22E0];
	_ =	sdelay $0x4  }
0x427: {  	[tilespmem:$0x1F840] =	vst v63;
	v63 =	vld [tilespmem:$0x24E0];
	_ =	sdelay $0x4  }
0x428: {  	[tilespmem:$0x1F880] =	vst v63;
	v63 =	vld [tilespmem:$0x26E0];
	_ =	sdelay $0x4  }
0x429: {  	[tilespmem:$0x1F8B0] =	vst v63;
	v63 =	vld [tilespmem:$0x8F0];
	_ =	sdelay $0x4  }
0x42a: {  	[tilespmem:$0x1F550] =	vst v63;
	v63 =	vld [tilespmem:$0xAF0];
	_ =	sdelay $0x4  }
0x42b: {  	[tilespmem:$0x1F560] =	vst v63;
	v63 =	vld [tilespmem:$0xCF0];
	_ =	sdelay $0x4  }
0x42c: {  	[tilespmem:$0x1F5A0] =	vst v63;
	v63 =	vld [tilespmem:$0xEF0];
	_ =	sdelay $0x4  }
0x42d: {  	[tilespmem:$0x1F5E0] =	vst v63;
	v63 =	vld [tilespmem:$0x10F0];
	_ =	sdelay $0x4  }
0x42e: {  	[tilespmem:$0x1F620] =	vst v63;
	v63 =	vld [tilespmem:$0x12F0];
	_ =	sdelay $0x4  }
0x42f: {  	[tilespmem:$0x1F660] =	vst v63;
	v63 =	vld [tilespmem:$0x14F0];
	_ =	sdelay $0x2  }
0x430: {  	v41 =	vld [tilespmem:$0x1450]  }
0x431: {  	v44 =	vld [tilespmem:$0x1650]  }
0x432: {  	[tilespmem:$0x1F6A0] =	vst v63;
	v63 =	vld [tilespmem:$0x16F0]  }
0x433: {  	v46 =	vld [tilespmem:$0x1850]  }
0x434: {  	v48 =	vld [tilespmem:$0x1A50]  }
0x435: {  	v51 =	vld [tilespmem:$0x1C50]  }
0x436: {  	v53 =	vld [tilespmem:$0x1E50]  }
0x437: {  	[tilespmem:$0x1F6E0] =	vst v63;
	v63 =	vld [tilespmem:$0x18F0]  }
0x438: {  	v54 =	vld [tilespmem:$0x2050]  }
0x439: {  	v57 =	vld [tilespmem:$0x2250]  }
0x43a: {  	v62 =	vld [tilespmem:$0x2450]  }
0x43b: {  	v14 =	vld [tilespmem:$0x860]  }
0x43c: {  	[tilespmem:$0x1F720] =	vst v63;
	v63 =	vld [tilespmem:$0x1AF0]  }
0x43d: {  	v13 =	vld [tilespmem:$0xA60]  }
0x43e: {  	v18 =	vld [tilespmem:$0xC60]  }
0x43f: {  	v21 =	vld [tilespmem:$0xE60]  }
0x440: {  	v32 =	vld [tilespmem:$0x1060]  }
0x441: {  	[tilespmem:$0x1F760] =	vst v63;
	v63 =	vld [tilespmem:$0x1CF0]  }
0x442: {  	v8 =	vld [tilespmem:$0x1860]  }
0x443: {  	v11 =	vld [tilespmem:$0x1A60]  }
0x444: {  	v16 =	vld [tilespmem:$0x1C60]  }
0x445: {  	v19 =	vld [tilespmem:$0x1E60]  }
0x446: {  	[tilespmem:$0x1F7A0] =	vst v63;
	v63 =	vld [tilespmem:$0x1EF0]  }
0x447: {  	v24 =	vld [tilespmem:$0x2060]  }
0x448: {  	v26 =	vld [tilespmem:$0x2260]  }
0x449: {  	v27 =	vld [tilespmem:$0x2460]  }
0x44a: {  	v35 =	vld [tilespmem:$0x2660]  }
0x44b: {  	[tilespmem:$0x1F7E0] =	vst v63;
	v63 =	vld [tilespmem:$0x20F0]  }
0x44c: {  	v6 =	vld [tilespmem:$0x870]  }
0x44d: {  	v38 =	vld [tilespmem:$0x1E70]  }
0x44e: {  	v23 =	vadd.f32 v23, v28;
	v28 =	vld [tilespmem:$0x1510]  }
0x44f: {  	[tilespmem:$0x1EF30] =	vst v41;
	v41 =	vld [tilespmem:$0x1260]  }
0x450: {  	[tilespmem:$0x1F820] =	vst v63;
	v63 =	vld [tilespmem:$0x22F0]  }
0x451: {  	[tilespmem:$0x1EFA0] =	vst v48;
	v48 =	vld [tilespmem:$0x1460]  }
0x452: {  	[tilespmem:$0x1F0C0] =	vst v62;
	v62 =	vld [tilespmem:$0x1660]  }
0x453: {  	[tilespmem:$0x1EF10] =	vst v4;
	v4 =	vld [tilespmem:$0xA70]  }
0x454: {  	[tilespmem:$0x1EF90] =	vst v8;
	v8 =	vld [tilespmem:$0xC70]  }
0x455: {  	[tilespmem:$0x1F860] =	vst v63;
	v63 =	vld [tilespmem:$0x24F0]  }
0x456: {  	[tilespmem:$0x1EFC0] =	vst v11;
	v11 =	vld [tilespmem:$0xE70]  }
0x457: {  	[tilespmem:$0x1EFF0] =	vst v16;
	v16 =	vld [tilespmem:$0x1070]  }
0x458: {  	[tilespmem:$0x1F030] =	vst v19;
	v19 =	vld [tilespmem:$0x1270]  }
0x459: {  	[tilespmem:$0x1F070] =	vst v24;
	v24 =	vld [tilespmem:$0x1470]  }
0x45a: {  	[tilespmem:$0x1F8A0] =	vst v63;
	v63 =	vld [tilespmem:$0x26F0]  }
0x45b: {  	[tilespmem:$0x1F120] =	vst v35;
	v35 =	vld [tilespmem:$0x1670]  }
0x45c: {  	[tilespmem:$0x1EF50] =	vst v44;
	v44 =	vld [tilespmem:$0x1870]  }
0x45d: {  	[tilespmem:$0x1F000] =	vst v53;
	v53 =	vld [tilespmem:$0x1A70]  }
0x45e: {  	[tilespmem:$0x1F0B0] =	vst v26;
	v26 =	vld [tilespmem:$0x1C70]  }
0x45f: {  	[tilespmem:$0x1F8E0] =	vst v63;
	v63 =	vld [tilespmem:$0x900]  }
0x460: {  	[tilespmem:$0x1EF70] =	vst v46;
	v46 =	vld [tilespmem:$0x2070]  }
0x461: {  	[tilespmem:$0x1EFD0] =	vst v51;
	v51 =	vld [tilespmem:$0x2270]  }
0x462: {  	[tilespmem:$0x1F040] =	vst v54;
	v54 =	vld [tilespmem:$0x2470]  }
0x463: {  	[tilespmem:$0x1F080] =	vst v57;
	v57 =	vld [tilespmem:$0x2670]  }
0x464: {  	v3 =	vadd.f32 v3, v5;
	[tilespmem:$0x1F8C0] =	vst v63;
	v63 =	vld [tilespmem:$0xB00]  }
0x465: {  	[tilespmem:$0x1F050] =	vst v38;
	v38 =	vld [tilespmem:$0xA80]  }
0x466: {  	[tilespmem:$0x1F0F0] =	vst v27;
	v27 =	vld [tilespmem:$0x8B0];
	v3 =	vadd.f32 v7, v3  }
0x467: {  	[tilespmem:$0x1F9D0] =	vst v28;
	v28 =	vld [tilespmem:$0x1710]  }
0x468: {  	v3 =	vadd.f32 v9, v3;
	v9 =	vld [tilespmem:$0x1EE90]  }
0x469: {  	[tilespmem:$0x1F8D0] =	vst v63;
	v63 =	vld [tilespmem:$0xD00]  }
0x46a: {  	[tilespmem:$0x1F090] =	vst v46;
	v46 =	vld [tilespmem:$0xC80]  }
0x46b: {  	[tilespmem:$0x1F0D0] =	vst v51;
	v51 =	vld [tilespmem:$0xE80]  }
0x46c: {  	[tilespmem:$0x1F110] =	vst v54;
	v54 =	vld [tilespmem:$0x1080]  }
0x46d: {  	[tilespmem:$0x1F150] =	vst v57;
	v57 =	vld [tilespmem:$0x1280]  }
0x46e: {  	[tilespmem:$0x1F910] =	vst v63;
	v63 =	vld [tilespmem:$0xF00]  }
0x46f: {  	[tilespmem:$0x1F140] =	vst v38;
	v38 =	vld [tilespmem:$0x1680]  }
0x470: {  	[tilespmem:$0x1F010] =	vst v26;
	v26 =	vld [tilespmem:$0xAB0]  }
0x471: {  	[tilespmem:$0x1FA00] =	vst v28;
	v28 =	vld [tilespmem:$0x2110]  }
0x472: {  	v3 =	vadd.f32 v10, v3;
	v10 =	vld [tilespmem:$0x1B20]  }
0x473: {  	[tilespmem:$0x1F950] =	vst v63;
	v63 =	vld [tilespmem:$0x1100]  }
0x474: {  	v6 =	vadd.f32 v4, v6;
	v4 =	vld [tilespmem:$0x1130]  }
0x475: {  	v3 =	vadd.f32 v12, v3;
	v12 =	vld [tilespmem:$0x1D20]  }
0x476: {  	v8 =	vadd.f32 v8, v6;
	v6 =	vld [tilespmem:$0x1530]  }
0x477: {  	v3 =	vadd.f32 v15, v3;
	v15 =	vld [tilespmem:$0x1EEA0]  }
0x478: {  	[tilespmem:$0x1F980] =	vst v63;
	v63 =	vld [tilespmem:$0x1300]  }
0x479: {  	[tilespmem:$0x1F180] =	vst v46;
	v46 =	vld [tilespmem:$0x1880]  }
0x47a: {  	[tilespmem:$0x1F1A0] =	vst v51;
	v51 =	vld [tilespmem:$0x1A80]  }
0x47b: {  	[tilespmem:$0x1F1D0] =	vst v54;
	v54 =	vld [tilespmem:$0x1C80]  }
0x47c: {  	[tilespmem:$0x1F200] =	vst v57;
	v57 =	vld [tilespmem:$0x1E80]  }
0x47d: {  	[tilespmem:$0x1F9A0] =	vst v63;
	v63 =	vld [tilespmem:$0x1500]  }
0x47e: {  	[tilespmem:$0x1F270] =	vst v38;
	v38 =	vld [tilespmem:$0x2280]  }
0x47f: {  	[tilespmem:$0x1FAE0] =	vst v28;
	v28 =	vadd.f32 v49, v55;
	v49 =	vld [tilespmem:$0x940]  }
0x480: {  	v55 =	vld [tilespmem:$0x1EF80]  }
0x481: {  	v8 =	vadd.f32 v11, v8;
	v3 =	vadd.f32 v17, v3;
	v17 =	vld [tilespmem:$0x1F20]  }
0x482: {  	[tilespmem:$0x1F9C0] =	vst v63;
	v63 =	vld [tilespmem:$0x1700]  }
0x483: {  	v8 =	vadd.f32 v16, v8;
	v16 =	vld [tilespmem:$0x2130]  }
0x484: {  	[tilespmem:$0x1FAA0] =	vst v12;
	v12 =	vld [tilespmem:$0x2120]  }
0x485: {  	v3 =	vadd.f32 v20, v3;
	v20 =	vld [tilespmem:$0x1EEB0]  }
0x486: {  	v8 =	vadd.f32 v19, v8;
	v19 =	vld [tilespmem:$0xD40]  }
0x487: {  	[tilespmem:$0x1F9E0] =	vst v63;
	v63 =	vld [tilespmem:$0x1900]  }
0x488: {  	[tilespmem:$0x1F2B0] =	vst v46;
	v46 =	vld [tilespmem:$0x2480]  }
0x489: {  	[tilespmem:$0x1F2F0] =	vst v51;
	v51 =	vld [tilespmem:$0x2680]  }
0x48a: {  	[tilespmem:$0x1F330] =	vst v54;
	v54 =	vld [tilespmem:$0x890]  }
0x48b: {  	[tilespmem:$0x1F370] =	vst v57;
	v57 =	vld [tilespmem:$0xA90]  }
0x48c: {  	[tilespmem:$0x1FA10] =	vst v63;
	v63 =	vld [tilespmem:$0x1B00]  }
0x48d: {  	[tilespmem:$0x1F3F0] =	vst v38;
	v38 =	vld [tilespmem:$0xE90]  }
0x48e: {  	v3 =	vadd.f32 v22, v3;
	v22 =	vld [tilespmem:$0x1EEC0]  }
0x48f: {  	v8 =	vadd.f32 v24, v8;
	v24 =	vld [tilespmem:$0x2730]  }
0x490: {  	[tilespmem:$0x1FB50] =	vst v49;
	v49 =	vld [tilespmem:$0x1F070]  }
0x491: {  	[tilespmem:$0x1FA30] =	vst v63;
	v63 =	vld [tilespmem:$0x1D00]  }
0x492: {  	[tilespmem:$0x1FAD0] =	vst v17;
	v17 =	vld [tilespmem:$0x2320]  }
0x493: {  	v3 =	vadd.f32 v30, v3;
	v30 =	vadd.f32 v13, v14;
	v14 =	vld [tilespmem:$0x1D30]  }
0x494: {  	v13 =	vld [tilespmem:$0x1EFA0]  }
0x495: {  	v8 =	vadd.f32 v35, v8;
	v35 =	vld [tilespmem:$0x1F010]  }
0x496: {  	[tilespmem:$0x1FA60] =	vst v63;
	v63 =	vld [tilespmem:$0x1F00]  }
0x497: {  	[tilespmem:$0x1FB90] =	vst v19;
	v19 =	vld [tilespmem:$0x1F0B0]  }
0x498: {  	v3 =	vadd.f32 v36, v3;
	v36 =	vld [tilespmem:$0x1B30]  }
0x499: {  	[tilespmem:$0x1FA70] =	vst v10;
	v10 =	vadd.f32 v18, v30;
	v18 =	vld [tilespmem:$0x2330]  }
0x49a: {  	v30 =	vld [tilespmem:$0x1EFE0]  }
0x49b: {  	[tilespmem:$0x1FA90] =	vst v63;
	v63 =	vld [tilespmem:$0x2100]  }
0x49c: {  	v8 =	vadd.f32 v44, v8;
	v44 =	vld [tilespmem:$0x1F040]  }
0x49d: {  	[tilespmem:$0x1F430] =	vst v46;
	v46 =	vld [tilespmem:$0x1090]  }
0x49e: {  	[tilespmem:$0x1F470] =	vst v51;
	v51 =	vld [tilespmem:$0x1290]  }
0x49f: {  	[tilespmem:$0x1F160] =	vst v54;
	v54 =	vld [tilespmem:$0x1490]  }
0x4a0: {  	[tilespmem:$0x1FAC0] =	vst v63;
	v63 =	vld [tilespmem:$0x2300]  }
0x4a1: {  	[tilespmem:$0x1F170] =	vst v57;
	v57 =	vld [tilespmem:$0x1690]  }
0x4a2: {  	[tilespmem:$0x1F1C0] =	vst v38;
	v38 =	vld [tilespmem:$0x1A90]  }
0x4a3: {  	v3 =	vadd.f32 v40, v3;
	v40 =	vld [tilespmem:$0x1EF20]  }
0x4a4: {  	v10 =	vadd.f32 v21, v10;
	v21 =	vld [tilespmem:$0x2530]  }
0x4a5: {  	[tilespmem:$0x1FAF0] =	vst v63;
	v63 =	vld [tilespmem:$0x2500]  }
0x4a6: {  	v8 =	vadd.f32 v53, v8;
	v53 =	vld [tilespmem:$0x1B40]  }
0x4a7: {  	v3 =	vadd.f32 v45, v3;
	v45 =	vld [tilespmem:$0x1EF50]  }
0x4a8: {  	v10 =	vadd.f32 v32, v10;
	v32 =	vld [tilespmem:$0x1340]  }
0x4a9: {  	v8 =	vadd.f32 v35, v8;
	v35 =	vld [tilespmem:$0x2540]  }
0x4aa: {  	[tilespmem:$0x1FB10] =	vst v63;
	v63 =	vld [tilespmem:$0x2700]  }
0x4ab: {  	[tilespmem:$0x1FA80] =	vst v36;
	v36 =	vld [tilespmem:$0x1540]  }
0x4ac: {  	[tilespmem:$0x1F1F0] =	vst v46;
	v46 =	vld [tilespmem:$0x1C90]  }
0x4ad: {  	[tilespmem:$0x1F220] =	vst v51;
	v51 =	vld [tilespmem:$0x1E90]  }
0x4ae: {  	[tilespmem:$0x1F250] =	vst v54;
	v54 =	vld [tilespmem:$0x2090]  }
0x4af: {  	[tilespmem:$0x1FB30] =	vst v63;
	v63 =	vld [tilespmem:$0x910]  }
0x4b0: {  	[tilespmem:$0x1F290] =	vst v57;
	v57 =	vld [tilespmem:$0x2290]  }
0x4b1: {  	[tilespmem:$0x1F310] =	vst v38;
	v38 =	vld [tilespmem:$0x2690];
	v10 =	vadd.f32 v41, v10  }
0x4b2: {  	v41 =	vld [tilespmem:$0x1EF30]  }
0x4b3: {  	v10 =	vadd.f32 v48, v10;
	v48 =	vld [tilespmem:$0x1EF70]  }
0x4b4: {  	[tilespmem:$0x1F8F0] =	vst v63;
	v63 =	vld [tilespmem:$0xB10]  }
0x4b5: {  	[tilespmem:$0x1FBE0] =	vst v32;
	v32 =	vld [tilespmem:$0x1F100]  }
0x4b6: {  	v10 =	vadd.f32 v62, v10;
	v62 =	vld [tilespmem:$0xB40]  }
0x4b7: {  	[tilespmem:$0x1F350] =	vst v46;
	v46 =	vld [tilespmem:$0xCA0]  }
0x4b8: {  	[tilespmem:$0x1F410] =	vst v57;
	v57 =	vld [tilespmem:$0xEA0]  }
0x4b9: {  	[tilespmem:$0x1F900] =	vst v63;
	v63 =	vld [tilespmem:$0xD10]  }
0x4ba: {  	[tilespmem:$0x1FC00] =	vst v36;
	v36 =	vld [tilespmem:$0x1F120]  }
0x4bb: {  	[tilespmem:$0x1F490] =	vst v38;
	v38 =	vld [tilespmem:$0x12A0]  }
0x4bc: {  	[tilespmem:$0x1F1B0] =	vst v46;
	v46 =	vld [tilespmem:$0x14A0]  }
0x4bd: {  	[tilespmem:$0x1F1E0] =	vst v57;
	v57 =	vld [tilespmem:$0x16A0]  }
0x4be: {  	[tilespmem:$0x1F940] =	vst v63;
	v63 =	vld [tilespmem:$0xF10]  }
0x4bf: {  	[tilespmem:$0x1F3D0] =	vst v54;
	v54 =	vld [tilespmem:$0x8A0]  }
0x4c0: {  	[tilespmem:$0x1F240] =	vst v38;
	v38 =	vld [tilespmem:$0x1AA0]  }
0x4c1: {  	[tilespmem:$0x1F280] =	vst v46;
	v46 =	vld [tilespmem:$0x1CA0]  }
0x4c2: {  	[tilespmem:$0x1F2C0] =	vst v57;
	v57 =	vld [tilespmem:$0x1EA0]  }
0x4c3: {  	[tilespmem:$0x1F970] =	vst v63;
	v63 =	vld [tilespmem:$0x1110]  }
0x4c4: {  	[tilespmem:$0x1F390] =	vst v51;
	v51 =	vld [tilespmem:$0xAA0]  }
0x4c5: {  	[tilespmem:$0x1F340] =	vst v38;
	v38 =	vld [tilespmem:$0x22A0]  }
0x4c6: {  	[tilespmem:$0x1F380] =	vst v46;
	v46 =	vld [tilespmem:$0x24A0]  }
0x4c7: {  	[tilespmem:$0x1F3C0] =	vst v57;
	v57 =	vld [tilespmem:$0x26A0]  }
0x4c8: {  	[tilespmem:$0x1F990] =	vst v63;
	v63 =	vld [tilespmem:$0x1310]  }
0x4c9: {  	[tilespmem:$0x1FB60] =	vst v62;
	v62 =	vld [tilespmem:$0x1D40]  }
0x4ca: {  	[tilespmem:$0x1F440] =	vst v38;
	v38 =	vld [tilespmem:$0xCB0]  }
0x4cb: {  	[tilespmem:$0x1F480] =	vst v46;
	v46 =	vld [tilespmem:$0xEB0]  }
0x4cc: {  	[tilespmem:$0x1F4B0] =	vst v57;
	v57 =	vld [tilespmem:$0x10B0]  }
0x4cd: {  	[tilespmem:$0x1F9B0] =	vst v63;
	v63 =	vadd.f32 v29, v23;
	v29 =	vld [tilespmem:$0x1910]  }
0x4ce: {  	v23 =	vld [tilespmem:$0x1F10]  }
0x4cf: {  	v5 =	vadd.f32 v33, v63;
	v63 =	vld [tilespmem:$0x1B10]  }
0x4d0: {  	v33 =	vld [tilespmem:$0x2510]  }
0x4d1: {  	v5 =	vadd.f32 v37, v5;
	v37 =	vld [tilespmem:$0x2710]  }
0x4d2: {  	[tilespmem:$0x1FA20] =	vst v29;
	v29 =	vld [tilespmem:$0x2310]  }
0x4d3: {  	[tilespmem:$0x1FAB0] =	vst v23;
	v23 =	vadd.f32 v52, v3;
	v52 =	vld [tilespmem:$0x930]  }
0x4d4: {  	v3 =	vld [tilespmem:$0x1EED0]  }
0x4d5: {  	v5 =	vadd.f32 v39, v5;
	v39 =	vld [tilespmem:$0x920]  }
0x4d6: {  	[tilespmem:$0x1FA40] =	vst v63;
	v63 =	vld [tilespmem:$0x1D10]  }
0x4d7: {  	[tilespmem:$0x1FB20] =	vst v33;
	v33 =	vld [tilespmem:$0x1120]  }
0x4d8: {  	v2 =	vadd.f32 v2, v23;
	v23 =	vld [tilespmem:$0x1EFC0]  }
0x4d9: {  	v5 =	vadd.f32 v42, v5;
	v42 =	vld [tilespmem:$0xB20]  }
0x4da: {  	[tilespmem:$0x1FB40] =	vst v37;
	v37 =	vld [tilespmem:$0x1320]  }
0x4db: {  	[tilespmem:$0x1FEF0] =	vst v2;
	v2 =	vld [tilespmem:$0x1EEE0]  }
0x4dc: {  	v5 =	vadd.f32 v47, v5;
	v47 =	vld [tilespmem:$0xD20]  }
0x4dd: {  	[tilespmem:$0x1FB00] =	vst v29;
	v29 =	vadd.f32 v25, v31;
	v31 =	vld [tilespmem:$0x1930]  }
0x4de: {  	v25 =	vld [tilespmem:$0xF40]  }
0x4df: {  	[tilespmem:$0x1F920] =	vst v39;
	v39 =	vld [tilespmem:$0x1EF10];
	v5 =	vadd.f32 v50, v5  }
0x4e0: {  	v50 =	vld [tilespmem:$0x1720]  }
0x4e1: {  	v7 =	vadd.f32 v34, v29;
	v34 =	vld [tilespmem:$0x1EF00];
	v5 =	vadd.f32 v58, v5  }
0x4e2: {  	v29 =	vld [tilespmem:$0x1140]  }
0x4e3: {  	[tilespmem:$0x1F930] =	vst v42;
	v42 =	vld [tilespmem:$0xF20];
	v5 =	vadd.f32 v61, v5  }
0x4e4: {  	v58 =	vld [tilespmem:$0x1520];
	v7 =	vadd.f32 v43, v7  }
0x4e5: {  	v43 =	vld [tilespmem:$0x1EF40];
	v5 =	vadd.f32 v9, v5;
	v9 =	vadd.f32 v60, v28  }
0x4e6: {  	[tilespmem:$0x1F960] =	vst v47;
	v47 =	vld [tilespmem:$0x1EF60]  }
0x4e7: {  	v9 =	vadd.f32 v2, v9;
	v2 =	vld [tilespmem:$0x1EEF0]  }
0x4e8: {  	[tilespmem:$0x1FA50] =	vst v31;
	v31 =	vld [tilespmem:$0x1EFF0]  }
0x4e9: {  	[tilespmem:$0x1FBA0] =	vst v25;
	v25 =	vld [tilespmem:$0x1F0D0]  }
0x4ea: {  	v61 =	vld [tilespmem:$0x2720]  }
0x4eb: {  	v7 =	vadd.f32 v56, v7;
	v56 =	vld [tilespmem:$0x1EF90]  }
0x4ec: {  	[tilespmem:$0x1FBC0] =	vst v29;
	v29 =	vld [tilespmem:$0x1F0E0];
	v9 =	vadd.f32 v2, v9  }
0x4ed: {  	v60 =	vld [tilespmem:$0x1330]  }
0x4ee: {  	v28 =	vld [tilespmem:$0x1EFD0];
	v9 =	vadd.f32 v34, v9  }
0x4ef: {  	v7 =	vadd.f32 v39, v7;
	v39 =	vld [tilespmem:$0x1F020];
	v5 =	vadd.f32 v15, v5  }
0x4f0: {  	[tilespmem:$0x1F9F0] =	vst v58;
	v58 =	vld [tilespmem:$0x1920];
	v9 =	vadd.f32 v40, v9  }
0x4f1: {  	v15 =	vld [tilespmem:$0xF30];
	v5 =	vadd.f32 v20, v5  }
0x4f2: {  	v7 =	vadd.f32 v41, v7;
	v41 =	vld [tilespmem:$0x1F030];
	v9 =	vadd.f32 v43, v9  }
0x4f3: {  	v10 =	vadd.f32 v56, v10;
	v5 =	vadd.f32 v22, v5;
	v22 =	vld [tilespmem:$0x1EFB0]  }
0x4f4: {  	v56 =	vld [tilespmem:$0x1F090];
	v7 =	vadd.f32 v45, v7;
	v9 =	vadd.f32 v47, v9  }
0x4f5: {  	v20 =	vld [tilespmem:$0x2520]  }
0x4f6: {  	v45 =	vld [tilespmem:$0x1F050];
	v7 =	vadd.f32 v48, v7;
	v9 =	vadd.f32 v55, v9  }
0x4f7: {  	v10 =	vadd.f32 v23, v10;
	v34 =	vld [tilespmem:$0x1F000]  }
0x4f8: {  	v23 =	vld [tilespmem:$0x1F0C0];
	v7 =	vadd.f32 v13, v7;
	v9 =	vadd.f32 v22, v9  }
0x4f9: {  	v48 =	vld [tilespmem:$0x1F060]  }
0x4fa: {  	v13 =	vld [tilespmem:$0x1F0A0];
	v7 =	vadd.f32 v28, v7;
	v9 =	vadd.f32 v30, v9  }
0x4fb: {  	v10 =	vadd.f32 v31, v10;
	v55 =	vld [tilespmem:$0x1F080]  }
0x4fc: {  	v31 =	vld [tilespmem:$0x2340];
	v7 =	vadd.f32 v34, v7;
	v9 =	vadd.f32 v39, v9  }
0x4fd: {  	[tilespmem:$0x1FC80] =	vst v53;
	v3 =	vadd.f32 v3, v5;
	v10 =	vadd.f32 v41, v10;
	v28 =	vld [tilespmem:$0x2140]  }
0x4fe: {  	[tilespmem:$0x1FD70] =	vst v35;
	v43 =	vld [tilespmem:$0x1740];
	v7 =	vadd.f32 v44, v7;
	v9 =	vadd.f32 v48, v9  }
0x4ff: {  	[tilespmem:$0x1FCB0] =	vst v62;
	v8 =	vadd.f32 v45, v8;
	v10 =	vadd.f32 v49, v10;
	v30 =	vld [tilespmem:$0x1F0F0]  }
0x500: {  	[tilespmem:$0x1FEE0] =	vst v3;
	v47 =	vld [tilespmem:$0x1940];
	v7 =	vadd.f32 v55, v7;
	v9 =	vadd.f32 v13, v9  }
0x501: {  	v8 =	vadd.f32 v56, v8;
	[tilespmem:$0x1FD40] =	vst v31;
	v10 =	vadd.f32 v19, v10;
	v34 =	vld [tilespmem:$0x1F110]  }
0x502: {  	[tilespmem:$0x1FD10] =	vst v28;
	v22 =	vld [tilespmem:$0x1F40];
	v7 =	vadd.f32 v23, v7;
	v9 =	vadd.f32 v29, v9  }
0x503: {  	v2 =	vld [tilespmem:$0x1730];
	v8 =	vadd.f32 v25, v8;
	[tilespmem:$0x1FC20] =	vst v43  }
0x504: {  	v5 =	vld [tilespmem:$0xD30];
	v7 =	vadd.f32 v32, v7;
	[tilespmem:$0x1FF00] =	vst v9;
	v9 =	vadd.f32 v30, v10  }
0x505: {  	v41 =	vld [tilespmem:$0x1F140];
	[tilespmem:$0x1FC50] =	vst v47  }
0x506: {  	v3 =	vld [tilespmem:$0xB30];
	[tilespmem:$0x1FF10] =	vst v7;
	v7 =	vadd.f32 v34, v8;
	v8 =	vadd.f32 v36, v9  }
0x507: {  	v40 =	vld [tilespmem:$0x1F30];
	[tilespmem:$0x1FCE0] =	vst v22  }
0x508: {  	v39 =	vld [tilespmem:$0x1F130];
	[tilespmem:$0x1FF20] =	vst v8  }
0x509: {  	v44 =	vld [tilespmem:$0x2740]  }
0x50a: {  	v43 =	vld [tilespmem:$0x1F150]  }
0x50b: {  	v45 =	vld [tilespmem:$0x1F160]  }
0x50c: {  	v47 =	vld [tilespmem:$0x1F170]  }
0x50d: {  	v48 =	vld [tilespmem:$0x950]  }
0x50e: {  	v49 =	vld [tilespmem:$0x1F180]  }
0x50f: {  	v53 =	vadd.f32 v51, v54;
	v54 =	vld [tilespmem:$0xB50]  }
0x510: {  	v55 =	vld [tilespmem:$0x1F190]  }
0x511: {  	v62 =	vld [tilespmem:$0x1F1A0]  }
0x512: {  	v13 =	vld [tilespmem:$0x1F1B0]  }
0x513: {  	v22 =	vld [tilespmem:$0x1F1C0]  }
0x514: {  	v23 =	vld [tilespmem:$0x1150]  }
0x515: {  	v25 =	vld [tilespmem:$0x1F1D0]  }
0x516: {  	v56 =	vadd.f32 v26, v27;
	v26 =	vld [tilespmem:$0x1F1E0]  }
0x517: {  	v28 =	vld [tilespmem:$0x1350]  }
0x518: {  	v29 =	vld [tilespmem:$0x1F1F0]  }
0x519: {  	v30 =	vld [tilespmem:$0x1550]  }
0x51a: {  	v31 =	vld [tilespmem:$0x1F200]  }
0x51b: {  	v32 =	vld [tilespmem:$0x1F210]  }
0x51c: {  	v34 =	vld [tilespmem:$0x1750]  }
0x51d: {  	v35 =	vld [tilespmem:$0x1F220]  }
0x51e: {  	v36 =	vld [tilespmem:$0x1950]  }
0x51f: {  	v10 =	vadd.f32 v38, v56;
	v38 =	vld [tilespmem:$0x1F230]  }
0x520: {  	v8 =	vadd.f32 v41, v39;
	v39 =	vld [tilespmem:$0x1F240]  }
0x521: {  	v10 =	vadd.f32 v46, v10;
	v46 =	vld [tilespmem:$0x1D50]  }
0x522: {  	v51 =	vld [tilespmem:$0x1F290]  }
0x523: {  	v56 =	vld [tilespmem:$0x1F2C0]  }
0x524: {  	v10 =	vadd.f32 v57, v10;
	v57 =	vld [tilespmem:$0x2350]  }
0x525: {  	v7 =	vadd.f32 v43, v7;
	v43 =	vld [tilespmem:$0x1F250]  }
0x526: {  	[tilespmem:$0x1FB70] =	vst v48;
	v48 =	vld [tilespmem:$0x1F280]  }
0x527: {  	v8 =	vadd.f32 v49, v8;
	v49 =	vld [tilespmem:$0x1F50]  }
0x528: {  	v9 =	vadd.f32 v13, v53;
	v53 =	vld [tilespmem:$0x1F2A0]  }
0x529: {  	[tilespmem:$0x1FB80] =	vst v54;
	v54 =	vld [tilespmem:$0x2150]  }
0x52a: {  	v13 =	vld [tilespmem:$0x1F2E0]  }
0x52b: {  	[tilespmem:$0x1FBD0] =	vst v23;
	v23 =	vld [tilespmem:$0x1F300]  }
0x52c: {  	[tilespmem:$0x1FBF0] =	vst v28;
	v28 =	vld [tilespmem:$0x1F320]  }
0x52d: {  	[tilespmem:$0x1FC10] =	vst v30;
	v30 =	vld [tilespmem:$0x1F340]  }
0x52e: {  	[tilespmem:$0x1FC40] =	vst v34;
	v34 =	vld [tilespmem:$0x1F370]  }
0x52f: {  	[tilespmem:$0x1FC70] =	vst v36;
	v36 =	vld [tilespmem:$0x1F390]  }
0x530: {  	[tilespmem:$0x1FCD0] =	vst v46;
	v46 =	vld [tilespmem:$0x1F3E0]  }
0x531: {  	[tilespmem:$0x1FD60] =	vst v57;
	v57 =	vld [tilespmem:$0x1F410]  }
0x532: {  	[tilespmem:$0x1FF30] =	vst v7;
	v7 =	vadd.f32 v47, v45;
	v45 =	vld [tilespmem:$0x1F260]  }
0x533: {  	v47 =	vld [tilespmem:$0x1F270]  }
0x534: {  	v8 =	vadd.f32 v62, v8;
	v62 =	vld [tilespmem:$0x1F2D0]  }
0x535: {  	v9 =	vadd.f32 v26, v9;
	v26 =	vld [tilespmem:$0x1F310]  }
0x536: {  	v7 =	vadd.f32 v55, v7;
	v55 =	vld [tilespmem:$0x1F2B0]  }
0x537: {  	v8 =	vadd.f32 v25, v8;
	v25 =	vld [tilespmem:$0x2750]  }
0x538: {  	v9 =	vadd.f32 v32, v9;
	v32 =	vld [tilespmem:$0x1F360]  }
0x539: {  	[tilespmem:$0x1FD00] =	vst v49;
	v49 =	vld [tilespmem:$0x1560]  }
0x53a: {  	[tilespmem:$0x1FD30] =	vst v54;
	v54 =	vld [tilespmem:$0x1760]  }
0x53b: {  	v7 =	vadd.f32 v22, v7;
	v22 =	vld [tilespmem:$0x1F2F0]  }
0x53c: {  	v8 =	vadd.f32 v31, v8;
	v31 =	vld [tilespmem:$0x1F350]  }
0x53d: {  	v9 =	vadd.f32 v39, v9;
	v39 =	vld [tilespmem:$0x1F3B0]  }
0x53e: {  	v10 =	vadd.f32 v45, v10;
	v45 =	vld [tilespmem:$0x1F3D0]  }
0x53f: {  	v7 =	vadd.f32 v29, v7;
	v29 =	vld [tilespmem:$0x1F330]  }
0x540: {  	v8 =	vadd.f32 v38, v8;
	v38 =	vld [tilespmem:$0x1F3A0]  }
0x541: {  	v10 =	vadd.f32 v53, v10;
	v53 =	vld [tilespmem:$0x1F400]  }
0x542: {  	[tilespmem:$0x1FDB0] =	vst v25;
	v25 =	vld [tilespmem:$0x1B60]  }
0x543: {  	v7 =	vadd.f32 v35, v7;
	v35 =	vld [tilespmem:$0x1F380]  }
0x544: {  	v9 =	vadd.f32 v48, v9;
	[tilespmem:$0x1FC30] =	vst v49;
	v49 =	vld [tilespmem:$0x1F4F0]  }
0x545: {  	[tilespmem:$0x1FC60] =	vst v54;
	v54 =	vld [tilespmem:$0x1F510]  }
0x546: {  	v9 =	vadd.f32 v56, v9;
	v10 =	vadd.f32 v13, v10;
	v13 =	vld [tilespmem:$0x1F420]  }
0x547: {  	v8 =	vadd.f32 v47, v8;
	v7 =	vadd.f32 v43, v7;
	v43 =	vld [tilespmem:$0x1F3C0]  }
0x548: {  	v9 =	vadd.f32 v23, v9;
	v23 =	vld [tilespmem:$0x1F440]  }
0x549: {  	v8 =	vadd.f32 v55, v8;
	v10 =	vadd.f32 v28, v10;
	v28 =	vld [tilespmem:$0x1F460]  }
0x54a: {  	v7 =	vadd.f32 v51, v7;
	v51 =	vld [tilespmem:$0x1F3F0]  }
0x54b: {  	v8 =	vadd.f32 v22, v8;
	v22 =	vld [tilespmem:$0x1F430]  }
0x54c: {  	v9 =	vadd.f32 v30, v9;
	v30 =	vld [tilespmem:$0x1F470]  }
0x54d: {  	[tilespmem:$0x1FCC0] =	vst v25;
	v25 =	vld [tilespmem:$0x1F560]  }
0x54e: {  	v10 =	vadd.f32 v32, v10;
	v32 =	vld [tilespmem:$0x1F60]  }
0x54f: {  	v8 =	vadd.f32 v29, v8;
	v29 =	vld [tilespmem:$0x1D60]  }
0x550: {  	v7 =	vadd.f32 v62, v7;
	v9 =	vadd.f32 v35, v9;
	v35 =	vld [tilespmem:$0x1F4A0]  }
0x551: {  	v10 =	vadd.f32 v38, v10;
	v38 =	vld [tilespmem:$0x1F4B0]  }
0x552: {  	v7 =	vadd.f32 v26, v7;
	v26 =	vld [tilespmem:$0x1F450]  }
0x553: {  	v8 =	vadd.f32 v34, v8;
	v34 =	vld [tilespmem:$0x1F490]  }
0x554: {  	v9 =	vadd.f32 v43, v9;
	v43 =	vld [tilespmem:$0x1F4D0]  }
0x555: {  	v10 =	vadd.f32 v46, v10;
	v46 =	vld [tilespmem:$0x1F4E0]  }
0x556: {  	v7 =	vadd.f32 v31, v7;
	v31 =	vld [tilespmem:$0x1F480]  }
0x557: {  	v8 =	vadd.f32 v39, v8;
	v39 =	vld [tilespmem:$0x1F4C0]  }
0x558: {  	v9 =	vadd.f32 v53, v9;
	v53 =	vld [tilespmem:$0x2560]  }
0x559: {  	[tilespmem:$0x1FD20] =	vst v32;
	v32 =	vld [tilespmem:$0x1F5C0]  }
0x55a: {  	v10 =	vadd.f32 v13, v10;
	v13 =	vld [tilespmem:$0x1F530]  }
0x55b: {  	[tilespmem:$0x1FCF0] =	vst v29;
	v29 =	vld [tilespmem:$0x1F590]  }
0x55c: {  	v7 =	vadd.f32 v36, v7;
	v36 =	vld [tilespmem:$0x2160]  }
0x55d: {  	v8 =	vadd.f32 v51, v8;
	v51 =	vld [tilespmem:$0x1F500]  }
0x55e: {  	v9 =	vadd.f32 v23, v9;
	v23 =	vld [tilespmem:$0x1F550]  }
0x55f: {  	v10 =	vadd.f32 v28, v10;
	v28 =	vld [tilespmem:$0x1F580]  }
0x560: {  	v7 =	vadd.f32 v45, v7;
	v45 =	vld [tilespmem:$0x2360]  }
0x561: {  	v8 =	vadd.f32 v22, v8;
	v22 =	vld [tilespmem:$0x1F540]  }
0x562: {  	[tilespmem:$0x1FDA0] =	vst v53;
	v53 =	vld [tilespmem:$0x1F660]  }
0x563: {  	v7 =	vadd.f32 v57, v7;
	v57 =	vld [tilespmem:$0x1F520]  }
0x564: {  	v8 =	vadd.f32 v30, v8;
	v30 =	vld [tilespmem:$0x1F5A0]  }
0x565: {  	[tilespmem:$0x1FD50] =	vst v36;
	v36 =	vld [tilespmem:$0x1F5F0]  }
0x566: {  	v7 =	vadd.f32 v26, v7;
	v26 =	vld [tilespmem:$0x1F570]  }
0x567: {  	[tilespmem:$0x1FF40] =	vst v8;
	v8 =	vadd.f32 v31, v9;
	v31 =	vld [tilespmem:$0x1F5B0]  }
0x568: {  	[tilespmem:$0x1FD80] =	vst v45;
	v45 =	vld [tilespmem:$0x1F620]  }
0x569: {  	v7 =	vadd.f32 v34, v7;
	v34 =	vld [tilespmem:$0x1F5D0]  }
0x56a: {  	v9 =	vadd.f32 v13, v57;
	v57 =	vld [tilespmem:$0x1F680]  }
0x56b: {  	v8 =	vadd.f32 v38, v8;
	v13 =	vld [tilespmem:$0x1F690]  }
0x56c: {  	[tilespmem:$0x1FF50] =	vst v7;
	v7 =	vadd.f32 v35, v10;
	v35 =	vld [tilespmem:$0x1F5E0]  }
0x56d: {  	[tilespmem:$0x1FF60] =	vst v8;
	v8 =	vadd.f32 v43, v39;
	v39 =	vld [tilespmem:$0x1F600]  }
0x56e: {  	v43 =	vld [tilespmem:$0x1F610]  }
0x56f: {  	v9 =	vadd.f32 v28, v9;
	v7 =	vadd.f32 v46, v7;
	v46 =	vld [tilespmem:$0x1F630]  }
0x570: {  	v10 =	vadd.f32 v25, v23;
	v8 =	vadd.f32 v54, v8;
	v54 =	vld [tilespmem:$0x1F670]  }
0x571: {  	v9 =	vadd.f32 v32, v9;
	v32 =	vld [tilespmem:$0x1F6C0]  }
0x572: {  	v10 =	vadd.f32 v30, v10;
	[tilespmem:$0x1FF70] =	vst v7;
	v7 =	vadd.f32 v51, v49;
	v49 =	vld [tilespmem:$0x1F640]  }
0x573: {  	v8 =	vadd.f32 v26, v8;
	v51 =	vld [tilespmem:$0x1F650]  }
0x574: {  	v26 =	vld [tilespmem:$0x1F6A0];
	v10 =	vadd.f32 v35, v10;
	v7 =	vadd.f32 v22, v7  }
0x575: {  	v9 =	vadd.f32 v39, v9;
	v35 =	vld [tilespmem:$0x1F6D0];
	v8 =	vadd.f32 v31, v8  }
0x576: {  	v31 =	vld [tilespmem:$0x1F6B0];
	v10 =	vadd.f32 v45, v10;
	v7 =	vadd.f32 v29, v7  }
0x577: {  	v8 =	vadd.f32 v36, v8;
	v9 =	vadd.f32 v49, v9;
	v49 =	vld [tilespmem:$0x1F700]  }
0x578: {  	v10 =	vadd.f32 v53, v10;
	v53 =	vld [tilespmem:$0x1F710]  }
0x579: {  	v7 =	vadd.f32 v34, v7;
	v8 =	vadd.f32 v46, v8;
	v46 =	vld [tilespmem:$0x1F6F0]  }
0x57a: {  	v10 =	vadd.f32 v26, v10;
	v26 =	vld [tilespmem:$0x1F730]  }
0x57b: {  	v9 =	vadd.f32 v57, v9;
	v7 =	vadd.f32 v43, v7;
	v43 =	vld [tilespmem:$0x1F6E0]  }
0x57c: {  	v8 =	vadd.f32 v54, v8;
	v54 =	vld [tilespmem:$0x1F720]  }
0x57d: {  	v9 =	vadd.f32 v32, v9;
	v32 =	vld [tilespmem:$0x2770]  }
0x57e: {  	v7 =	vadd.f32 v51, v7;
	v8 =	vadd.f32 v31, v8;
	v31 =	vld [tilespmem:$0x1F740]  }
0x57f: {  	v9 =	vadd.f32 v49, v9;
	v49 =	vld [tilespmem:$0x1F780]  }
0x580: {  	v7 =	vadd.f32 v13, v7;
	v13 =	vld [tilespmem:$0x2570]  }
0x581: {  	v8 =	vadd.f32 v46, v8;
	v46 =	vld [tilespmem:$0x1F770]  }
0x582: {  	v10 =	vadd.f32 v43, v10;
	v43 =	vld [tilespmem:$0x1F760]  }
0x583: {  	v7 =	vadd.f32 v35, v7;
	v35 =	vld [tilespmem:$0x1F750]  }
0x584: {  	v8 =	vadd.f32 v26, v8;
	v26 =	vld [tilespmem:$0xD80]  }
0x585: {  	[tilespmem:$0x1FDE0] =	vst v32;
	v32 =	vld [tilespmem:$0x1F7C0]  }
0x586: {  	v10 =	vadd.f32 v54, v10;
	v54 =	vld [tilespmem:$0x1F790]  }
0x587: {  	v9 =	vadd.f32 v31, v9;
	v31 =	vld [tilespmem:$0x1F7B0]  }
0x588: {  	[tilespmem:$0x1FDC0] =	vst v13;
	v13 =	vld [tilespmem:$0x1F7A0]  }
0x589: {  	v7 =	vadd.f32 v53, v7;
	v8 =	vadd.f32 v46, v8;
	v46 =	vld [tilespmem:$0x1F7E0]  }
0x58a: {  	v10 =	vadd.f32 v43, v10;
	v43 =	vld [tilespmem:$0x1F7D0]  }
0x58b: {  	v9 =	vadd.f32 v49, v9;
	v7 =	vadd.f32 v35, v7;
	v35 =	vld [tilespmem:$0xF80]  }
0x58c: {  	[tilespmem:$0x1FDF0] =	vst v26;
	v26 =	vld [tilespmem:$0x1F800]  }
0x58d: {  	v9 =	vadd.f32 v32, v9;
	v32 =	vld [tilespmem:$0x1F810]  }
0x58e: {  	v8 =	vadd.f32 v31, v8;
	v31 =	vld [tilespmem:$0x1380]  }
0x58f: {  	v7 =	vadd.f32 v54, v7;
	v54 =	vld [tilespmem:$0x1180]  }
0x590: {  	v10 =	vadd.f32 v13, v10;
	v13 =	vld [tilespmem:$0x1F7F0]  }
0x591: {  	v7 =	vadd.f32 v43, v7;
	v43 =	vld [tilespmem:$0x1580]  }
0x592: {  	[tilespmem:$0x1FE00] =	vst v35;
	v35 =	vld [tilespmem:$0x1F820]  }
0x593: {  	v10 =	vadd.f32 v46, v10;
	v46 =	vld [tilespmem:$0x1F830]  }
0x594: {  	v9 =	vadd.f32 v26, v9;
	v26 =	vld [tilespmem:$0x1F850]  }
0x595: {  	[tilespmem:$0x1FE20] =	vst v31;
	v31 =	vld [tilespmem:$0x1F860]  }
0x596: {  	v7 =	vadd.f32 v32, v7;
	v32 =	vld [tilespmem:$0x1980]  }
0x597: {  	[tilespmem:$0x1FE10] =	vst v54;
	v54 =	vld [tilespmem:$0x1F840]  }
0x598: {  	v8 =	vadd.f32 v13, v8;
	v13 =	vld [tilespmem:$0x1780]  }
0x599: {  	[tilespmem:$0x1FE30] =	vst v43;
	v43 =	vld [tilespmem:$0x1F880]  }
0x59a: {  	v10 =	vadd.f32 v35, v10;
	v35 =	vld [tilespmem:$0x1F870]  }
0x59b: {  	v8 =	vadd.f32 v46, v8;
	v46 =	vld [tilespmem:$0x1B80]  }
0x59c: {  	v7 =	vadd.f32 v26, v7;
	v26 =	vld [tilespmem:$0x1D80]  }
0x59d: {  	[tilespmem:$0x1FE50] =	vst v32;
	v32 =	vld [tilespmem:$0x1F8C0]  }
0x59e: {  	v9 =	vadd.f32 v54, v9;
	v54 =	vld [tilespmem:$0x1F890]  }
0x59f: {  	v10 =	vadd.f32 v31, v10;
	v31 =	vld [tilespmem:$0x1F8B0]  }
0x5a0: {  	[tilespmem:$0x1FE40] =	vst v13;
	v13 =	vld [tilespmem:$0x1F8A0]  }
0x5a1: {  	v8 =	vadd.f32 v35, v8;
	v35 =	vld [tilespmem:$0x1F8D0]  }
0x5a2: {  	[tilespmem:$0x1FE60] =	vst v46;
	v46 =	vld [tilespmem:$0x1F8E0]  }
0x5a3: {  	[tilespmem:$0x1FE70] =	vst v26;
	v26 =	vld [tilespmem:$0x2180]  }
0x5a4: {  	[tilespmem:$0x1FF80] =	vst v8;
	v8 =	vadd.f32 v43, v9;
	v7 =	vadd.f32 v54, v7;
	v43 =	vld [tilespmem:$0x1F80]  }
0x5a5: {  	v54 =	vld [tilespmem:$0x1F8F0]  }
0x5a6: {  	[tilespmem:$0x1FF90] =	vst v7;
	v7 =	vadd.f32 v13, v10;
	v13 =	vld [tilespmem:$0x1F900]  }
0x5a7: {  	v8 =	vadd.f32 v31, v8;
	v31 =	vld [tilespmem:$0x1F910]  }
0x5a8: {  	[tilespmem:$0x1FE90] =	vst v26;
	v26 =	vld [tilespmem:$0x1F960]  }
0x5a9: {  	[tilespmem:$0x1FFA0] =	vst v8;
	v8 =	vadd.f32 v35, v32;
	v32 =	vld [tilespmem:$0x1F920]  }
0x5aa: {  	v35 =	vld [tilespmem:$0x1F930]  }
0x5ab: {  	v7 =	vadd.f32 v46, v7;
	v46 =	vld [tilespmem:$0x1F940]  }
0x5ac: {  	[tilespmem:$0x1FE80] =	vst v43;
	v43 =	vld [tilespmem:$0x2380]  }
0x5ad: {  	[tilespmem:$0x1FFB0] =	vst v7;
	v7 =	vadd.f32 v13, v54;
	v54 =	vld [tilespmem:$0x2580]  }
0x5ae: {  	v3 =	vadd.f32 v3, v52;
	v13 =	vld [tilespmem:$0x1F950]  }
0x5af: {  	v9 =	vadd.f32 v35, v32;
	v32 =	vld [tilespmem:$0x1F970]  }
0x5b0: {  	v3 =	vadd.f32 v5, v3;
	v35 =	vld [tilespmem:$0x1F980]  }
0x5b1: {  	v8 =	vadd.f32 v31, v8;
	[tilespmem:$0x1FEA0] =	vst v43;
	v43 =	vld [tilespmem:$0x1F990];
	v9 =	vadd.f32 v26, v9  }
0x5b2: {  	v3 =	vadd.f32 v15, v3;
	v7 =	vadd.f32 v46, v7;
	v46 =	vld [tilespmem:$0x1F9A0]  }
0x5b3: {  	[tilespmem:$0x1FEB0] =	vst v54;
	v8 =	vadd.f32 v13, v8;
	v54 =	vld [tilespmem:$0x1F9B0];
	v42 =	vadd.f32 v42, v9  }
0x5b4: {  	v3 =	vadd.f32 v4, v3;
	v13 =	vld [tilespmem:$0x1F9C0];
	v7 =	vadd.f32 v32, v7  }
0x5b5: {  	v5 =	vadd.f32 v35, v8;
	v52 =	vadd.f32 v33, v42  }
0x5b6: {  	v3 =	vadd.f32 v60, v3;
	v19 =	vld [tilespmem:$0xF50];
	v7 =	vadd.f32 v43, v7  }
0x5b7: {  	v5 =	vadd.f32 v46, v5;
	v15 =	vadd.f32 v37, v52;
	v52 =	vld [tilespmem:$0x1F9E0]  }
0x5b8: {  	v7 =	vadd.f32 v54, v7;
	v54 =	vld [tilespmem:$0x1F9F0]  }
0x5b9: {  	v3 =	vadd.f32 v6, v3;
	v4 =	vadd.f32 v13, v5;
	v13 =	vld [tilespmem:$0x1FA10]  }
0x5ba: {  	v46 =	vld [tilespmem:$0x1F9D0]  }
0x5bb: {  	v3 =	vadd.f32 v2, v3;
	v2 =	vld [tilespmem:$0x1FA30]  }
0x5bc: {  	v60 =	vld [tilespmem:$0x1FA00];
	v4 =	vadd.f32 v52, v4;
	_ =	sdelay $0x1  }
0x5bd: {  	v5 =	vadd.f32 v54, v15;
	v15 =	vld [tilespmem:$0x1FA20];
	v4 =	vadd.f32 v13, v4  }
0x5be: {  	v41 =	vld [tilespmem:$0x1B50];
	v7 =	vadd.f32 v46, v7  }
0x5bf: {  	v4 =	vadd.f32 v2, v4;
	v2 =	vld [tilespmem:$0x1FA40]  }
0x5c0: {  	[tilespmem:$0x1FBB0] =	vst v19;
	v19 =	vld [tilespmem:$0x2550];
	v7 =	vadd.f32 v60, v7;
	_ =	sdelay $0x1  }
0x5c1: {  	v27 =	vld [tilespmem:$0xD50];
	v6 =	vadd.f32 v15, v7  }
0x5c2: {  	[tilespmem:$0x1FCA0] =	vst v41;
	v41 =	vld [tilespmem:$0xB60]  }
0x5c3: {  	v6 =	vadd.f32 v2, v6;
	v2 =	vld [tilespmem:$0x1FA50]  }
0x5c4: {  	[tilespmem:$0x1FD90] =	vst v19;
	v19 =	vld [tilespmem:$0x1960]  }
0x5c5: {  	v48 =	vld [tilespmem:$0x960]  }
0x5c6: {  	v47 =	vld [tilespmem:$0xD60]  }
0x5c7: {  	v56 =	vld [tilespmem:$0x1160]  }
0x5c8: {  	v3 =	vadd.f32 v2, v3;
	v2 =	vld [tilespmem:$0x1FA60]  }
0x5c9: {  	[tilespmem:$0x1FC90] =	vst v19;
	v19 =	vld [tilespmem:$0x2760]  }
0x5ca: {  	v62 =	vld [tilespmem:$0xF60]  }
0x5cb: {  	v55 =	vld [tilespmem:$0x1360];
	v41 =	vadd.f32 v41, v48  }
0x5cc: {  	v48 =	vld [tilespmem:$0x1FA0]  }
0x5cd: {  	v47 =	vadd.f32 v47, v41;
	v4 =	vadd.f32 v2, v4;
	v2 =	vld [tilespmem:$0x1FA70]  }
0x5ce: {  	[tilespmem:$0x1FDD0] =	vst v19;
	v19 =	vld [tilespmem:$0xB70];
	v5 =	vadd.f32 v50, v5  }
0x5cf: {  	v41 =	vld [tilespmem:$0x23A0];
	v62 =	vadd.f32 v62, v47  }
0x5d0: {  	v47 =	vld [tilespmem:$0x27A0];
	v5 =	vadd.f32 v58, v5  }
0x5d1: {  	v56 =	vadd.f32 v56, v62;
	v62 =	vld [tilespmem:$0xBB0]  }
0x5d2: {  	v5 =	vadd.f32 v2, v5;
	v2 =	vld [tilespmem:$0x1FA80]  }
0x5d3: {  	v55 =	vadd.f32 v55, v56;
	v56 =	vld [tilespmem:$0xFB0]  }
0x5d4: {  	v38 =	vld [tilespmem:$0xD70]  }
0x5d5: {  	v23 =	vld [tilespmem:$0xF70]  }
0x5d6: {  	v25 =	vld [tilespmem:$0x1170]  }
0x5d7: {  	v3 =	vadd.f32 v2, v3;
	v2 =	vld [tilespmem:$0x1FA90]  }
0x5d8: {  	v28 =	vld [tilespmem:$0x1370]  }
0x5d9: {  	v30 =	vld [tilespmem:$0x1770]  }
0x5da: {  	v39 =	vld [tilespmem:$0x1D70]  }
0x5db: {  	v22 =	vld [tilespmem:$0x970]  }
0x5dc: {  	v4 =	vadd.f32 v2, v4;
	v2 =	vld [tilespmem:$0x1FAA0]  }
0x5dd: {  	v45 =	vld [tilespmem:$0x1F70]  }
0x5de: {  	v29 =	vld [tilespmem:$0x1570]  }
0x5df: {  	v36 =	vld [tilespmem:$0x1B70]  }
0x5e0: {  	v34 =	vld [tilespmem:$0x1970]  }
0x5e1: {  	v5 =	vadd.f32 v2, v5;
	v2 =	vld [tilespmem:$0x2790]  }
0x5e2: {  	v57 =	vld [tilespmem:$0x2370]  }
0x5e3: {  	v19 =	vadd.f32 v19, v22;
	v53 =	vld [tilespmem:$0x980]  }
0x5e4: {  	v49 =	vld [tilespmem:$0xB80]  }
0x5e5: {  	v38 =	vadd.f32 v38, v19;
	v19 =	vld [tilespmem:$0x25A0]  }
0x5e6: {  	[tilespmem:$0x1FED0] =	vst v2;
	v2 =	vld [tilespmem:$0x1FAB0]  }
0x5e7: {  	v51 =	vld [tilespmem:$0x2170]  }
0x5e8: {  	v31 =	vld [tilespmem:$0x2780]  }
0x5e9: {  	v53 =	vadd.f32 v49, v53;
	v49 =	vld [tilespmem:$0x1FDE0];
	v6 =	vadd.f32 v63, v6  }
0x5ea: {  	v10 =	vld [tilespmem:$0xBA0]  }
0x5eb: {  	v6 =	vadd.f32 v2, v6;
	v2 =	vld [tilespmem:$0x1FAC0]  }
0x5ec: {  	v26 =	vld [tilespmem:$0xB90]  }
0x5ed: {  	[tilespmem:$0x1FEC0] =	vst v31;
	v31 =	vld [tilespmem:$0xD90]  }
0x5ee: {  	v32 =	vld [tilespmem:$0x990]  }
0x5ef: {  	v35 =	vld [tilespmem:$0x1190]  }
0x5f0: {  	v4 =	vadd.f32 v2, v4;
	v2 =	vld [tilespmem:$0x1FAD0]  }
0x5f1: {  	v33 =	vld [tilespmem:$0xF90]  }
0x5f2: {  	v42 =	vld [tilespmem:$0x1590]  }
0x5f3: {  	v43 =	vld [tilespmem:$0x1790]  }
0x5f4: {  	v37 =	vld [tilespmem:$0x1390]  }
0x5f5: {  	v5 =	vadd.f32 v2, v5;
	v2 =	vld [tilespmem:$0x1FAE0]  }
0x5f6: {  	v32 =	vadd.f32 v26, v32;
	v26 =	vld [tilespmem:$0x1FDF0]  }
0x5f7: {  	v46 =	vld [tilespmem:$0x1990]  }
0x5f8: {  	v31 =	vadd.f32 v31, v32;
	v32 =	vld [tilespmem:$0x1FC0]  }
0x5f9: {  	v52 =	vld [tilespmem:$0x1D90]  }
0x5fa: {  	v6 =	vadd.f32 v2, v6;
	v2 =	vld [tilespmem:$0x1FAF0]  }
0x5fb: {  	v54 =	vld [tilespmem:$0x1F90]  }
0x5fc: {  	v60 =	vld [tilespmem:$0x2390]  }
0x5fd: {  	v33 =	vadd.f32 v33, v31;
	v31 =	vld [tilespmem:$0x21C0]  }
0x5fe: {  	v13 =	vld [tilespmem:$0xDA0]  }
0x5ff: {  	v4 =	vadd.f32 v2, v4;
	v2 =	vld [tilespmem:$0x1FB00]  }
0x600: {  	v53 =	vadd.f32 v26, v53;
	v26 =	vld [tilespmem:$0x1BC0]  }
0x601: {  	v50 =	vld [tilespmem:$0x1B90]  }
0x602: {  	v58 =	vld [tilespmem:$0x2190]  }
0x603: {  	v15 =	vld [tilespmem:$0xFA0]  }
0x604: {  	v3 =	vadd.f32 v14, v3;
	v6 =	vadd.f32 v2, v6;
	v2 =	vld [tilespmem:$0x1FB10]  }
0x605: {  	v14 =	vld [tilespmem:$0x9A0]  }
0x606: {  	v7 =	vld [tilespmem:$0x23B0];
	v3 =	vadd.f32 v40, v3  }
0x607: {  	v63 =	vld [tilespmem:$0x2590]  }
0x608: {  	v40 =	vadd.f32 v16, v3;
	v16 =	vld [tilespmem:$0x11A0]  }
0x609: {  	v5 =	vadd.f32 v12, v5;
	v12 =	vadd.f32 v2, v4;
	v2 =	vld [tilespmem:$0x1FB20]  }
0x60a: {  	v10 =	vadd.f32 v10, v14;
	v14 =	vld [tilespmem:$0x1DC0]  }
0x60b: {  	v11 =	vadd.f32 v18, v40;
	v40 =	vld [tilespmem:$0x15A0]  }
0x60c: {  	v18 =	vld [tilespmem:$0x17A0]  }
0x60d: {  	v10 =	vadd.f32 v13, v10;
	v5 =	vadd.f32 v17, v5;
	v17 =	vld [tilespmem:$0x13A0]  }
0x60e: {  	v6 =	vadd.f32 v2, v6;
	v2 =	vld [tilespmem:$0x1FB30]  }
0x60f: {  	v13 =	vld [tilespmem:$0x23C0];
	v10 =	vadd.f32 v15, v10;
	v9 =	vadd.f32 v20, v5  }
0x610: {  	v20 =	vld [tilespmem:$0x19A0]  }
0x611: {  	v16 =	vadd.f32 v16, v10;
	v5 =	vld [tilespmem:$0x1DB0];
	v3 =	vadd.f32 v61, v9  }
0x612: {  	v61 =	vld [tilespmem:$0x1FB60]  }
0x613: {  	v16 =	vadd.f32 v17, v16;
	[tilespmem:$0x1FFE0] =	vst v3;
	v3 =	vld [tilespmem:$0x1FB50];
	v2 =	vadd.f32 v2, v12  }
0x614: {  	v17 =	vld [tilespmem:$0xBD0]  }
0x615: {  	v16 =	vadd.f32 v40, v16;
	[tilespmem:$0x1FFC0] =	vst v2;
	v2 =	vld [tilespmem:$0x1FB40]  }
0x616: {  	v40 =	vld [tilespmem:$0x25D0]  }
0x617: {  	v16 =	vadd.f32 v18, v16;
	v18 =	vld [tilespmem:$0x13D0]  }
0x618: {  	v8 =	vadd.f32 v61, v3;
	v3 =	vld [tilespmem:$0x1FB80]  }
0x619: {  	v16 =	vadd.f32 v20, v16;
	v20 =	vld [tilespmem:$0x17D0]  }
0x61a: {  	v4 =	vld [tilespmem:$0x1BB0];
	v2 =	vadd.f32 v2, v6  }
0x61b: {  	v6 =	vld [tilespmem:$0xBC0]  }
0x61c: {  	[tilespmem:$0x1FFD0] =	vst v2;
	v2 =	vadd.f32 v21, v11;
	v21 =	vld [tilespmem:$0x1BA0]  }
0x61d: {  	v11 =	vadd.f32 v23, v38;
	v38 =	vld [tilespmem:$0x9B0]  }
0x61e: {  	v23 =	vld [tilespmem:$0xDB0]  }
0x61f: {  	v2 =	vadd.f32 v24, v2;
	v24 =	vld [tilespmem:$0x1DA0]  }
0x620: {  	v22 =	vadd.f32 v25, v11;
	v25 =	vld [tilespmem:$0x11B0]  }
0x621: {  	v11 =	vld [tilespmem:$0x1FCB0]  }
0x622: {  	[tilespmem:$0x1FFF0] =	vst v2;
	v2 =	vld [tilespmem:$0x1FB70]  }
0x623: {  	v22 =	vadd.f32 v28, v22;
	v28 =	vld [tilespmem:$0x15B0]  }
0x624: {  	v38 =	vadd.f32 v62, v38;
	v62 =	vld [tilespmem:$0x1FE00]  }
0x625: {  	v16 =	vadd.f32 v21, v16;
	v21 =	vld [tilespmem:$0x1BD0]  }
0x626: {  	v22 =	vadd.f32 v29, v22;
	v29 =	vld [tilespmem:$0x1FC70]  }
0x627: {  	v23 =	vadd.f32 v23, v38;
	v38 =	vld [tilespmem:$0x1FE10]  }
0x628: {  	v16 =	vadd.f32 v24, v16;
	v24 =	vld [tilespmem:$0x1FD0]  }
0x629: {  	v22 =	vadd.f32 v30, v22;
	v30 =	vld [tilespmem:$0x1FC80]  }
0x62a: {  	v9 =	vadd.f32 v3, v2;
	v2 =	vld [tilespmem:$0x1FB90]  }
0x62b: {  	v3 =	vld [tilespmem:$0x1FC40]  }
0x62c: {  	v16 =	vadd.f32 v48, v16;
	v48 =	vld [tilespmem:$0x1FEC0]  }
0x62d: {  	v22 =	vadd.f32 v34, v22;
	v34 =	vld [tilespmem:$0x1FCD0]  }
0x62e: {  	v53 =	vadd.f32 v62, v53;
	v62 =	vadd.f32 v35, v33;
	v33 =	vld [tilespmem:$0x9D0]  }
0x62f: {  	v61 =	vadd.f32 v27, v9;
	v27 =	vld [tilespmem:$0x21A0]  }
0x630: {  	v9 =	vld [tilespmem:$0x1FCA0]  }
0x631: {  	v22 =	vadd.f32 v36, v22;
	v36 =	vld [tilespmem:$0x1FD00]  }
0x632: {  	v38 =	vadd.f32 v38, v53;
	v53 =	vadd.f32 v56, v23;
	v23 =	vld [tilespmem:$0x25C0]  }
0x633: {  	v56 =	vld [tilespmem:$0x1FE20]  }
0x634: {  	v15 =	vadd.f32 v37, v62;
	v62 =	vld [tilespmem:$0x1FE30]  }
0x635: {  	v37 =	vld [tilespmem:$0xFD0]  }
0x636: {  	v12 =	vadd.f32 v2, v8;
	v2 =	vld [tilespmem:$0x1FBA0]  }
0x637: {  	v8 =	vld [tilespmem:$0x1FC90]  }
0x638: {  	v22 =	vadd.f32 v39, v22;
	v39 =	vld [tilespmem:$0x1FD30]  }
0x639: {  	v15 =	vadd.f32 v42, v15;
	v42 =	vld [tilespmem:$0x1FE40]  }
0x63a: {  	v25 =	vadd.f32 v25, v53;
	v53 =	vld [tilespmem:$0x1FE80]  }
0x63b: {  	v22 =	vadd.f32 v45, v22;
	v45 =	vld [tilespmem:$0x1FD60]  }
0x63c: {  	v15 =	vadd.f32 v43, v15;
	v43 =	vld [tilespmem:$0x1FE50]  }
0x63d: {  	v16 =	vadd.f32 v27, v16;
	v27 =	vld [tilespmem:$0x27D0]  }
0x63e: {  	v35 =	vadd.f32 v56, v38;
	v38 =	vld [tilespmem:$0x23D0]  }
0x63f: {  	v12 =	vadd.f32 v2, v12;
	v2 =	vld [tilespmem:$0x1FBB0]  }
0x640: {  	v56 =	vld [tilespmem:$0x1FEA0]  }
0x641: {  	v22 =	vadd.f32 v51, v22;
	v51 =	vld [tilespmem:$0xDC0]  }
0x642: {  	v15 =	vadd.f32 v46, v15;
	v46 =	vld [tilespmem:$0x1FE60]  }
0x643: {  	v35 =	vadd.f32 v62, v35;
	v62 =	vld [tilespmem:$0xBE0]  }
0x644: {  	v16 =	vadd.f32 v41, v16;
	v61 =	vadd.f32 v2, v61;
	v2 =	vld [tilespmem:$0x1FBC0]  }
0x645: {  	v15 =	vadd.f32 v50, v15;
	v50 =	vld [tilespmem:$0x1FE70]  }
0x646: {  	v16 =	vadd.f32 v19, v16;
	v35 =	vadd.f32 v42, v35;
	v42 =	vld [tilespmem:$0x11F0]  }
0x647: {  	v15 =	vadd.f32 v52, v15;
	v52 =	vld [tilespmem:$0x1FED0]  }
0x648: {  	v16 =	vadd.f32 v47, v16;
	v47 =	vld [tilespmem:$0x1FF00]  }
0x649: {  	v12 =	vadd.f32 v2, v12;
	v2 =	vld [tilespmem:$0x1FBD0]  }
0x64a: {  	v35 =	vadd.f32 v43, v35;
	v43 =	vld [tilespmem:$0x1FEF0]  }
0x64b: {  	v15 =	vadd.f32 v54, v15;
	v54 =	vld [tilespmem:$0x1FE90]  }
0x64c: {  	v35 =	vadd.f32 v46, v35;
	v46 =	vld [tilespmem:$0x9F0]  }
0x64d: {  	v15 =	vadd.f32 v58, v15;
	v58 =	vld [tilespmem:$0x9E0]  }
0x64e: {  	v61 =	vadd.f32 v2, v61;
	v2 =	vld [tilespmem:$0x1FBE0]  }
0x64f: {  	v35 =	vadd.f32 v50, v35;
	v50 =	vld [tilespmem:$0xBF0]  }
0x650: {  	[tilespmem:$0x2840] =	vst v47;
	v47 =	vld [tilespmem:$0x1FFC0]  }
0x651: {  	v15 =	vadd.f32 v60, v15;
	v60 =	vld [tilespmem:$0x1FEB0]  }
0x652: {  	[tilespmem:$0x2830] =	vst v43;
	v43 =	vld [tilespmem:$0x1FFB0]  }
0x653: {  	v12 =	vadd.f32 v2, v12;
	v2 =	vld [tilespmem:$0x1FBF0]  }
0x654: {  	v35 =	vadd.f32 v53, v35;
	v53 =	vld [tilespmem:$0xDE0]  }
0x655: {  	v15 =	vadd.f32 v63, v15;
	v63 =	vld [tilespmem:$0x1FEE0]  }
0x656: {  	v35 =	vadd.f32 v54, v35;
	v54 =	vld [tilespmem:$0xDF0]  }
0x657: {  	v58 =	vadd.f32 v62, v58;
	v62 =	vld [tilespmem:$0x11E0]  }
0x658: {  	v61 =	vadd.f32 v2, v61;
	v2 =	vld [tilespmem:$0x1FC00]  }
0x659: {  	v15 =	vadd.f32 v52, v15;
	v52 =	vld [tilespmem:$0x15E0]  }
0x65a: {  	v35 =	vadd.f32 v56, v35;
	v56 =	vld [tilespmem:$0xFE0]  }
0x65b: {  	v41 =	vadd.f32 v53, v58;
	v53 =	vld [tilespmem:$0x1FF20]  }
0x65c: {  	v58 =	vld [tilespmem:$0x1FF40]  }
0x65d: {  	v12 =	vadd.f32 v2, v12;
	v2 =	vld [tilespmem:$0x1FC10]  }
0x65e: {  	v35 =	vadd.f32 v60, v35;
	v60 =	vld [tilespmem:$0xFF0]  }
0x65f: {  	[tilespmem:$0x2820] =	vst v63;
	v63 =	vld [tilespmem:$0x1FF60]  }
0x660: {  	v35 =	vadd.f32 v48, v35;
	v48 =	vadd.f32 v56, v41;
	v56 =	vld [tilespmem:$0x17E0]  }
0x661: {  	v41 =	vld [tilespmem:$0x1FFA0]  }
0x662: {  	v61 =	vadd.f32 v2, v61;
	v2 =	vld [tilespmem:$0x1FC20]  }
0x663: {  	[tilespmem:$0x2860] =	vst v53;
	v53 =	vld [tilespmem:$0x21F0]  }
0x664: {  	v61 =	vadd.f32 v3, v61;
	v3 =	vld [tilespmem:$0x1FC50]  }
0x665: {  	[tilespmem:$0x2880] =	vst v58;
	v58 =	vld [tilespmem:$0x25E0]  }
0x666: {  	v61 =	vadd.f32 v29, v61;
	v29 =	vld [tilespmem:$0x19B0]  }
0x667: {  	v12 =	vadd.f32 v2, v12;
	v2 =	vld [tilespmem:$0x1FC30]  }
0x668: {  	v61 =	vadd.f32 v9, v61;
	v9 =	vld [tilespmem:$0x1FCE0]  }
0x669: {  	v12 =	vadd.f32 v3, v12;
	v3 =	vld [tilespmem:$0x1FC60]  }
0x66a: {  	v61 =	vadd.f32 v34, v61;
	v34 =	vld [tilespmem:$0x21B0]  }
0x66b: {  	v12 =	vadd.f32 v30, v12;
	v30 =	vld [tilespmem:$0x1FCC0]  }
0x66c: {  	v55 =	vadd.f32 v2, v55;
	v2 =	vld [tilespmem:$0x13B0]  }
0x66d: {  	v61 =	vadd.f32 v36, v61;
	v36 =	vld [tilespmem:$0x25B0]  }
0x66e: {  	v12 =	vadd.f32 v11, v12;
	v11 =	vld [tilespmem:$0x1FCF0]  }
0x66f: {  	v55 =	vadd.f32 v3, v55;
	v3 =	vld [tilespmem:$0x17B0]  }
0x670: {  	v61 =	vadd.f32 v39, v61;
	v39 =	vld [tilespmem:$0x9C0]  }
0x671: {  	v12 =	vadd.f32 v9, v12;
	v9 =	vld [tilespmem:$0x1FD10]  }
0x672: {  	v55 =	vadd.f32 v8, v55;
	v8 =	vld [tilespmem:$0x27B0]  }
0x673: {  	v45 =	vadd.f32 v45, v61;
	v61 =	vld [tilespmem:$0x1FD70]  }
0x674: {  	v2 =	vadd.f32 v2, v25;
	v25 =	vld [tilespmem:$0xDD0]  }
0x675: {  	v30 =	vadd.f32 v30, v55;
	v55 =	vld [tilespmem:$0x1FB0]  }
0x676: {  	v2 =	vadd.f32 v28, v2;
	v28 =	vld [tilespmem:$0x11D0]  }
0x677: {  	v6 =	vadd.f32 v6, v39;
	v39 =	vld [tilespmem:$0x1DE0]  }
0x678: {  	v30 =	vadd.f32 v11, v30;
	v11 =	vld [tilespmem:$0x1FD20]  }
0x679: {  	v12 =	vadd.f32 v9, v12;
	v9 =	vld [tilespmem:$0x1FD40]  }
0x67a: {  	v2 =	vadd.f32 v3, v2;
	v3 =	vld [tilespmem:$0x15D0]  }
0x67b: {  	v6 =	vadd.f32 v51, v6;
	v51 =	vld [tilespmem:$0x1FF10]  }
0x67c: {  	v2 =	vadd.f32 v29, v2;
	v29 =	vld [tilespmem:$0x19D0]  }
0x67d: {  	v30 =	vadd.f32 v11, v30;
	v11 =	vld [tilespmem:$0x1FD50]  }
0x67e: {  	v12 =	vadd.f32 v9, v12;
	v9 =	vld [tilespmem:$0x1FD90]  }
0x67f: {  	v2 =	vadd.f32 v4, v2;
	v4 =	vld [tilespmem:$0x1DD0]  }
0x680: {  	[tilespmem:$0x2850] =	vst v51;
	v51 =	vld [tilespmem:$0x21E0]  }
0x681: {  	v12 =	vadd.f32 v61, v12;
	v61 =	vld [tilespmem:$0x1FD80]  }
0x682: {  	v2 =	vadd.f32 v5, v2;
	v5 =	vld [tilespmem:$0x21D0]  }
0x683: {  	v57 =	vadd.f32 v57, v22;
	v22 =	vadd.f32 v44, v12;
	v12 =	vld [tilespmem:$0x1FDA0]  }
0x684: {  	v44 =	vld [tilespmem:$0x1FDB0]  }
0x685: {  	v2 =	vadd.f32 v55, v2;
	v55 =	vadd.f32 v17, v33;
	v33 =	vld [tilespmem:$0x1BE0]  }
0x686: {  	v45 =	vadd.f32 v9, v45;
	v9 =	vld [tilespmem:$0x11C0]  }
0x687: {  	v30 =	vadd.f32 v11, v30;
	v11 =	vld [tilespmem:$0x13C0]  }
0x688: {  	v2 =	vadd.f32 v34, v2;
	v34 =	vld [tilespmem:$0x1FF80]  }
0x689: {  	v30 =	vadd.f32 v61, v30;
	v61 =	vld [tilespmem:$0xFC0]  }
0x68a: {  	v2 =	vadd.f32 v7, v2;
	v44 =	vadd.f32 v44, v45;
	v45 =	vld [tilespmem:$0x1FDC0]  }
0x68b: {  	v7 =	vadd.f32 v50, v46;
	v46 =	vld [tilespmem:$0x13E0]  }
0x68c: {  	v50 =	vld [tilespmem:$0x13F0];
	v2 =	vadd.f32 v36, v2  }
0x68d: {  	v30 =	vadd.f32 v12, v30;
	v12 =	vld [tilespmem:$0x15C0];
	v7 =	vadd.f32 v54, v7  }
0x68e: {  	v54 =	vld [tilespmem:$0x15F0];
	v2 =	vadd.f32 v8, v2;
	v8 =	vadd.f32 v25, v55  }
0x68f: {  	v6 =	vadd.f32 v61, v6;
	v57 =	vadd.f32 v45, v57;
	v45 =	vld [tilespmem:$0x1FDD0]  }
0x690: {  	v36 =	vld [tilespmem:$0x1BF0];
	v7 =	vadd.f32 v60, v7;
	v8 =	vadd.f32 v37, v8  }
0x691: {  	v55 =	vld [tilespmem:$0x1FF30];
	v6 =	vadd.f32 v9, v6;
	v9 =	vadd.f32 v62, v48  }
0x692: {  	v60 =	vld [tilespmem:$0x17F0];
	v7 =	vadd.f32 v42, v7;
	v8 =	vadd.f32 v28, v8  }
0x693: {  	v62 =	vld [tilespmem:$0x19E0];
	v57 =	vadd.f32 v49, v57;
	v9 =	vadd.f32 v46, v9  }
0x694: {  	v8 =	vadd.f32 v18, v8;
	v45 =	vadd.f32 v45, v30;
	v30 =	vld [tilespmem:$0x17C0]  }
0x695: {  	[tilespmem:$0x29A0] =	vst v16;
	v61 =	vld [tilespmem:$0x1FF50];
	v6 =	vadd.f32 v11, v6;
	v9 =	vadd.f32 v52, v9  }
0x696: {  	[tilespmem:$0x2900] =	vst v47;
	v49 =	vld [tilespmem:$0x19C0];
	v7 =	vadd.f32 v50, v7;
	v3 =	vadd.f32 v3, v8  }
0x697: {  	[tilespmem:$0x28F0] =	vst v43;
	v28 =	vld [tilespmem:$0x19F0];
	v6 =	vadd.f32 v12, v6;
	v9 =	vadd.f32 v56, v9  }
0x698: {  	[tilespmem:$0x2990] =	vst v15;
	v37 =	vld [tilespmem:$0x1FF90];
	v7 =	vadd.f32 v54, v7;
	v3 =	vadd.f32 v20, v3  }
0x699: {  	[tilespmem:$0x2980] =	vst v35;
	v42 =	vld [tilespmem:$0x1DF0];
	v8 =	vadd.f32 v62, v9;
	v6 =	vadd.f32 v30, v6  }
0x69a: {  	[tilespmem:$0x28A0] =	vst v63;
	v46 =	vld [tilespmem:$0x1FE0];
	v7 =	vadd.f32 v60, v7;
	v3 =	vadd.f32 v29, v3  }
0x69b: {  	[tilespmem:$0x28E0] =	vst v41;
	v48 =	vld [tilespmem:$0x1FF0];
	v8 =	vadd.f32 v33, v8;
	v6 =	vadd.f32 v49, v6  }
0x69c: {  	[tilespmem:$0x2870] =	vst v55;
	v55 =	vld [tilespmem:$0x23E0];
	v7 =	vadd.f32 v28, v7;
	v3 =	vadd.f32 v21, v3  }
0x69d: {  	[tilespmem:$0x2890] =	vst v61;
	v61 =	vld [tilespmem:$0x27E0];
	v8 =	vadd.f32 v39, v8;
	v6 =	vadd.f32 v26, v6  }
0x69e: {  	[tilespmem:$0x2940] =	vst v22;
	v52 =	vld [tilespmem:$0x1FFE0];
	v50 =	vadd.f32 v36, v7;
	v3 =	vadd.f32 v4, v3  }
0x69f: {  	[tilespmem:$0x28C0] =	vst v34;
	v54 =	vld [tilespmem:$0x1FFF0];
	v8 =	vadd.f32 v46, v8;
	v6 =	vadd.f32 v14, v6  }
0x6a0: {  	[tilespmem:$0x2950] =	vst v44;
	v56 =	vld [tilespmem:$0x23F0];
	v4 =	vadd.f32 v42, v50;
	v3 =	vadd.f32 v24, v3  }
0x6a1: {  	[tilespmem:$0x29B0] =	vst v2;
	v60 =	vld [tilespmem:$0x25F0];
	v7 =	vadd.f32 v51, v8;
	v6 =	vadd.f32 v32, v6  }
0x6a2: {  	[tilespmem:$0x2970] =	vst v57;
	v30 =	vld [tilespmem:$0x1FF70];
	v4 =	vadd.f32 v48, v4;
	v3 =	vadd.f32 v5, v3  }
0x6a3: {  	[tilespmem:$0x28D0] =	vst v37;
	v49 =	vld [tilespmem:$0x1FFD0];
	v7 =	vadd.f32 v55, v7;
	v6 =	vadd.f32 v31, v6  }
0x6a4: {  	v10 =	vld [tilespmem:$0x27C0];
	[tilespmem:$0x2960] =	vst v45;
	v4 =	vadd.f32 v53, v4;
	v3 =	vadd.f32 v38, v3  }
0x6a5: {  	v62 =	vld [tilespmem:$0x27F0];
	[tilespmem:$0x2920] =	vst v52;
	v5 =	vadd.f32 v58, v7;
	v6 =	vadd.f32 v13, v6  }
0x6a6: {  	[tilespmem:$0x2930] =	vst v54;
	v4 =	vadd.f32 v56, v4;
	v3 =	vadd.f32 v40, v3  }
0x6a7: {  	[tilespmem:$0x28B0] =	vst v30;
	v63 =	vadd.f32 v61, v5;
	v6 =	vadd.f32 v23, v6  }
0x6a8: {  	[tilespmem:$0x2910] =	vst v49;
	v2 =	vadd.f32 v27, v3;
	v3 =	vadd.f32 v60, v4  }
0x6a9: {  	[tilespmem:$0x29E0] =	vst v63;
	v6 =	vadd.f32 v10, v6  }
0x6aa: {  	[tilespmem:$0x29D0] =	vst v2;
	v2 =	vadd.f32 v62, v3  }
0x6ab: {  	p0 =	sne.s32 s5, $0x1;
	[tilespmem:$0x29C0] =	vst v6  }
.Ltmp0:
0x6ac: {  	[tilespmem:$0x29F0] =	vst v2;
	(pc) =	sbr.rel @p0 .LBB2_1-.Ltmp0, $4  }
0x6ad: {  	[hbm4b:s4+s8] =	stream.strided.scatter [tilespmem:s10], [sflag:$0x1], $0x200, s9, s8, $0x38;
	[tilespmem:$0x2A00] =	vst v63  }
0x6ae: {  	_ =	swait.ge [sflag:s6], $0x200  }
0x6af: {  	[sflag:s6] =	ssyncset.done $0x0  }
0x6b0: {  	s5 =	sadd.s32 $0xFFFFFFFF, s5;
	[sflag:s6] =	ssyncadd.s32 $0xFFFFFE00  }
0x6b1: {  	_ =	sfence.sel $0x180000  }
0x6b2: {  	[bflag:$0x0] =	sbarrier.arrive $0xFFFF  }
0x6b3: {  	p0 =	sne.s32 s1, $0x0;
	_ =	strace $0x90000047  }
0x6b4: {  	s0 =	sadd.s32 @!p0 $0x100000, s0;
	[bflag:$0x2] =	sbarrier.arrive $0xFFFF  }
0x6b5: {  	[sflag:s0] =	ssyncadd.tile.s32 @!p0 $0x1;
	_ =	shalt  }
.Lfunc_end2:
_tile_overlayer_lowered:
.L_overlay_start_2:
0x6b6: {  	(tag) =	ssettag $0x2  }
0x6b7: {  	s0 =	rddreg [dreg:$0x0];
	s2 =	stileid.u32  }
0x6b8: {  	s1 =	rddreg [dreg:$0x1];
	p0 =	sne.s32 s2, $0x0  }
0x6b9: {  	s3 =	rddreg [dreg:$0x2];
	[bflag:$0x3] =	sbarrier.arrive $0xFFFF;
	s2 =	simm.s32 @!p0 $0x1C01  }
0x6ba: {  	[timem:s3], [sflag:s2] =	dma.local @!p0 [hbm:s0], s1  }
0x6bb: {  	s0 =	simm.s32 @!p0 $0x1  }
0x6bc: {  	_ =	swait.ge @!p0 [sflag:s0], s1  }
0x6bd: {  	s1 =	ssub.s32 @!p0 $0x0, s1;
	[sflag:s0] =	ssyncset.done @!p0 $0x0  }
0x6be: {  	[sflag:s0] =	ssyncadd.s32 @!p0 s1  }
0x6bf: {  	[bflag:$0x3] =	sbarrier.arrive $0xFFFF  }
0x6c0: {  	_ =	shalt  }

</sc_bundles>
